<compile_context>
chip_gen: v7x
topology: tpu7x:2x2x1
jax: 0.10.2.dev20260603
libtpu: 0.0.44.dev20260713+nightly
codegen_flags: <defaults>
</compile_context>

<pallas_src>
import jax
import jax.numpy as jnp
from jax import lax
from jax.experimental import pallas as pl
from jax.experimental.pallas import tpu as pltpu
from jax.experimental.pallas import tpu_sc as plsc

LENS_A = [1500, 900, 2100, 1100]
LENS_B = [500, 1100, 300, 900]
D = 256
N_ORIG = sum(LENS_A) + sum(LENS_B)
N = 8448

_ORDERED_LENS = [LENS_A[0], LENS_B[0], LENS_A[1], LENS_B[1],
                 LENS_A[2], LENS_B[2], LENS_A[3], LENS_B[3]]
_OFFSETS = []
_off = 0
for _l in _ORDERED_LENS:
    _OFFSETS.append(_off)
    _off += _l

_SEG_STARTS = [0, 2000, 4000, 6400]
_NPAT = 5
_GROUP = 4
NWORKERS = 32
ROWS_PER_W = N // NWORKERS
GROUPS_PER_W = ROWS_PER_W // _GROUP


def _seed_kernel(out_ref):
    r = jax.lax.broadcasted_iota(jnp.int32, (_NPAT * _GROUP, 1), 0) // _GROUP
    k = jax.lax.broadcasted_iota(jnp.int32, (1, N), 1)
    sid_k = jnp.zeros(k.shape, jnp.int32)
    for b in _SEG_STARTS[1:]:
        sid_k = sid_k + (k >= b).astype(jnp.int32)
    out_ref[...] = (r == sid_k) & (r < 4) & (k < N_ORIG)


def _seg_of(r):
    p = jnp.int32(0)
    for b in _SEG_STARTS[1:] + [N_ORIG]:
        p = p + (r >= b).astype(jnp.int32)
    return p


def _sc_replicate_kernel(seed_hbm, out_hbm, pat_v, sem):
    wid = lax.axis_index("s") * 2 + lax.axis_index("c")
    base = wid * ROWS_PER_W
    p_lo = _seg_of(base)
    p_hi = _seg_of(base + ROWS_PER_W - 1)
    pltpu.sync_copy(seed_hbm.at[pl.ds(p_lo * _GROUP, _GROUP), :], pat_v.at[0])
    pltpu.sync_copy(seed_hbm.at[pl.ds(p_hi * _GROUP, _GROUP), :], pat_v.at[1])
    copies = []
    for g in range(GROUPS_PER_W):
        r = base + g * _GROUP
        sel = (_seg_of(r) > p_lo).astype(jnp.int32)
        c = pltpu.make_async_copy(
            pat_v.at[sel],
            out_hbm.at[pl.ds(r, _GROUP), :],
            sem,
        )
        c.start()
        copies.append(c)
    for c in copies:
        c.wait()


def _pack_kernel(a0, a1, a2, a3, b0, b1, b2, b3, out_ref):
    ins = [a0, b0, a1, b1, a2, b2, a3, b3]
    for ref, off, l in zip(ins, _OFFSETS, _ORDERED_LENS):
        out_ref[0, off:off + l, :] = ref[0]
    out_ref[0, N_ORIG:N, :] = jnp.zeros((N - N_ORIG, D), jnp.float32)


def kernel(a0, a1, a2, a3, b0, b1, b2, b3):
    seed = pl.pallas_call(
        _seed_kernel,
        out_shape=jax.ShapeDtypeStruct((_NPAT * _GROUP, N), jnp.bool_),
    )()

    sc_mesh = plsc.VectorSubcoreMesh(core_axis_name="c", subcore_axis_name="s")
    mask = pl.kernel(
        _sc_replicate_kernel,
        out_type=jax.ShapeDtypeStruct((N, N), jnp.bool_),
        mesh=sc_mesh,
        scratch_types=[
            pltpu.VMEM((2, _GROUP, N), jnp.bool_),
            pltpu.SemaphoreType.DMA,
        ],
    )(seed)

    packed = pl.pallas_call(
        _pack_kernel,
        out_shape=jax.ShapeDtypeStruct((1, N, D), jnp.float32),
    )(a0, a1, a2, a3, b0, b1, b2, b3)
    return packed, mask

# --- scband reference (transcript-rebuilt; emitter-appended) ---
"""Pipeline reference for scband-nested-dropout-sequence-packer-11725260718437 (READ-ONLY COPY).

The authoritative reference and input builder live on the scoring server;
editing this copy changes nothing except your own understanding.
"""

import jax, jax.numpy as jnp
import numpy as np

LENS_A = [1500, 900, 2100, 1100]
LENS_B = [500, 1100, 300, 900]
D = 256
PAD_MULT = 128


def setup_inputs(seed: int = 0) -> dict:
    key = jax.random.key(seed)
    inp = {}
    for i, L in enumerate(LENS_A):
        key, k = jax.random.split(key)
        inp[f"a{i}"] = jax.random.normal(k, (1, L, D), dtype=jnp.float32)
    for i, L in enumerate(LENS_B):
        key, k = jax.random.split(key)
        inp[f"b{i}"] = jax.random.normal(k, (1, L, D), dtype=jnp.float32)
    return inp


def reference(a0, a1, a2, a3, b0, b1, b2, b3):
    # data_dict = {'a': [a0..a3], 'b': [b0..b3]}; no keep_k key present,
    # so the mask_mode='full' packed-seq path is taken.
    a = [a0, a1, a2, a3]
    b = [b0, b1, b2, b3]
    n_samples = len(a)
    # Inner packing: for each sample (strict_zip across read keys), einops.pack
    # 'b * d' == concat along the sequence (middle) axis.
    sample_packed = [jnp.concatenate([a[i], b[i]], axis=1) for i in range(n_samples)]
    # Outer packing: concat all sample-packed sequences along the seq axis.
    tensors_packed = jnp.concatenate(sample_packed, axis=1)
    B, N_orig, Dd = tensors_packed.shape
    # pad_to_multiple: next highest multiple of 128
    N = int(-(-N_orig // PAD_MULT) * PAD_MULT)
    num_padding_tokens = N - N_orig
    if num_padding_tokens > 0:
        tensors_packed = jnp.pad(
            tensors_packed, ((0, 0), (0, num_padding_tokens), (0, 0))
        )
    # generate_packed_seq_mask: each outer-pack segment (one per sample) gets a
    # seq id; padding tokens get id -1 and are excluded. Materialized mask
    # (return_materialized_mask=True): [N, N] bool, True where q and k belong to
    # the same packed subsequence.
    seg_lens = [sp.shape[1] for sp in sample_packed]
    id_parts = [jnp.full((l,), i, dtype=jnp.int32) for i, l in enumerate(seg_lens)]
    if num_padding_tokens > 0:
        id_parts.append(jnp.full((num_padding_tokens,), -1, dtype=jnp.int32))
    seq_ids = jnp.concatenate(id_parts)
    mask = (
        (seq_ids[:, None] == seq_ids[None, :])
        & (seq_ids[:, None] >= 0)
        & (seq_ids[None, :] >= 0)
    )
    return tensors_packed, mask

if __name__ == "__main__":
    import jax
    _d = setup_inputs()
    print(jax.jit(kernel)(*tuple(_d.values())))

</pallas_src>

<mosaic_0001>
#map = affine_map<(d0, d1) -> (0, 0)>
module attributes {stable_mosaic.version = 14 : i64} {
  func.func @_sc_replicate_kernel(%arg0: i32, %arg1: i32, %arg2: memref<20x8448xi32, #tpu.memory_space<hbm>>, %arg3: memref<8448x8448xi32, #tpu.memory_space<hbm>>, %arg4: memref<2x4x8448xi32, #tpu.memory_space<vmem>>, %arg5: memref<!tpu.dma_semaphore, #tpu.memory_space<semaphore_mem>>) attributes {dimension_semantics = [#tpu.dimension_semantics<core_parallel>, #tpu.dimension_semantics<subcore_parallel>], iteration_bounds = array<i64: 2, 16>, scalar_prefetch = 0 : i64, scratch_operands = 2 : i64, tpu.core_type = #tpu.core_type<sc_vector_subcore>, window_params = [{transform_indices = #map}, {transform_indices = #map}]} {
    %mul3A = arith.constant 2 : i32
    %mul3A_0 = arith.muli %arg1, %mul3A : i32
    %add3A = arith.addi %mul3A_0, %arg0 : i32
    %mul3A_1 = arith.constant 264 : i32
    %mul3A_2 = arith.muli %add3A, %mul3A_1 : i32
    %ge3A = arith.constant 2000 : i32
    %ge3A_3 = arith.cmpi sge, %mul3A_2, %ge3A : i32
    %convert_element_type3A = arith.extui %ge3A_3 : i1 to i32
    %add3A_4 = arith.constant 0 : i32
    %add3A_5 = arith.addi %add3A_4, %convert_element_type3A : i32
    %ge3A_6 = arith.constant 4000 : i32
    %ge3A_7 = arith.cmpi sge, %mul3A_2, %ge3A_6 : i32
    %convert_element_type3A_8 = arith.extui %ge3A_7 : i1 to i32
    %add3A_9 = arith.addi %add3A_5, %convert_element_type3A_8 : i32
    %ge3A_10 = arith.constant 6400 : i32
    %ge3A_11 = arith.cmpi sge, %mul3A_2, %ge3A_10 : i32
    %convert_element_type3A_12 = arith.extui %ge3A_11 : i1 to i32
    %add3A_13 = arith.addi %add3A_9, %convert_element_type3A_12 : i32
    %ge3A_14 = arith.constant 8400 : i32
    %ge3A_15 = arith.cmpi sge, %mul3A_2, %ge3A_14 : i32
    %convert_element_type3A_16 = arith.extui %ge3A_15 : i1 to i32
    %add3A_17 = arith.addi %add3A_13, %convert_element_type3A_16 : i32
    %add3A_18 = arith.constant 264 : i32
    %add3A_19 = arith.addi %mul3A_2, %add3A_18 : i32
    %sub3A = arith.constant 1 : i32
    %sub3A_20 = arith.subi %add3A_19, %sub3A : i32
    %ge3A_21 = arith.constant 2000 : i32
    %ge3A_22 = arith.cmpi sge, %sub3A_20, %ge3A_21 : i32
    %convert_element_type3A_23 = arith.extui %ge3A_22 : i1 to i32
    %add3A_24 = arith.constant 0 : i32
    %add3A_25 = arith.addi %add3A_24, %convert_element_type3A_23 : i32
    %ge3A_26 = arith.constant 4000 : i32
    %ge3A_27 = arith.cmpi sge, %sub3A_20, %ge3A_26 : i32
    %convert_element_type3A_28 = arith.extui %ge3A_27 : i1 to i32
    %add3A_29 = arith.addi %add3A_25, %convert_element_type3A_28 : i32
    %ge3A_30 = arith.constant 6400 : i32
    %ge3A_31 = arith.cmpi sge, %sub3A_20, %ge3A_30 : i32
    %convert_element_type3A_32 = arith.extui %ge3A_31 : i1 to i32
    %add3A_33 = arith.addi %add3A_29, %convert_element_type3A_32 : i32
    %ge3A_34 = arith.constant 8400 : i32
    %ge3A_35 = arith.cmpi sge, %sub3A_20, %ge3A_34 : i32
    %convert_element_type3A_36 = arith.extui %ge3A_35 : i1 to i32
    %add3A_37 = arith.addi %add3A_33, %convert_element_type3A_36 : i32
    %mul3A_38 = arith.constant 4 : i32
    %mul3A_39 = arith.muli %add3A_17, %mul3A_38 : i32
    %run_scoped3A = arith.constant 0 : i32
    "tpu.region"() ({
      %run_scoped3A_3010 = tpu.sem_alloc : memref<!tpu.dma_semaphore, #tpu.memory_space<semaphore_mem>>
      %dma_start3A_3011 = arith.constant 0 : i32
      %dma_start3A_3012 = arith.constant 0 : i32
      %dma_start3A_3013 = tpu.memref_slice %arg4[%run_scoped3A, %dma_start3A_3011, %dma_start3A_3012] : memref<2x4x8448xi32, #tpu.memory_space<vmem>> -> memref<1x4x8448xi32, #tpu.memory_space<vmem>>
      %dma_start3A_3014 = tpu.memref_squeeze %dma_start3A_3013 : memref<1x4x8448xi32, #tpu.memory_space<vmem>> -> memref<4x8448xi32, #tpu.memory_space<vmem>>
      %dma_start3A_3015 = arith.constant 0 : i32
      %dma_start3A_3016 = tpu.memref_slice %arg2[%mul3A_39, %dma_start3A_3015] : memref<20x8448xi32, #tpu.memory_space<hbm>> -> memref<4x8448xi32, #tpu.memory_space<hbm>>
      %dma_start3A_3017 = arith.constant 0 : i32
      %dma_start3A_3018 = arith.constant 0 : i32
      %dma_start3A_3019 = tpu.memref_slice %arg4[%run_scoped3A, %dma_start3A_3017, %dma_start3A_3018] : memref<2x4x8448xi32, #tpu.memory_space<vmem>> -> memref<1x4x8448xi32, #tpu.memory_space<vmem>>
      %dma_start3A_3020 = tpu.memref_squeeze %dma_start3A_3019 : memref<1x4x8448xi32, #tpu.memory_space<vmem>> -> memref<4x8448xi32, #tpu.memory_space<vmem>>
      %dma_start3A_3021 = arith.constant 0 : i32
      %dma_start3A_3022 = tpu.memref_slice %arg2[%mul3A_39, %dma_start3A_3021] : memref<20x8448xi32, #tpu.memory_space<hbm>> -> memref<4x8448xi32, #tpu.memory_space<hbm>>
      tpu.enqueue_dma source(%dma_start3A_3022 : memref<4x8448xi32, #tpu.memory_space<hbm>>) target(%dma_start3A_3020 : memref<4x8448xi32, #tpu.memory_space<vmem>>) target_semaphore(%run_scoped3A_3010 : memref<!tpu.dma_semaphore, #tpu.memory_space<semaphore_mem>>)
      %dma_wait3A_3023 = arith.constant 0 : i32
      %dma_wait3A_3024 = arith.constant 0 : i32
      %dma_wait3A_3025 = tpu.memref_slice %arg4[%run_scoped3A, %dma_wait3A_3023, %dma_wait3A_3024] : memref<2x4x8448xi32, #tpu.memory_space<vmem>> -> memref<1x4x8448xi32, #tpu.memory_space<vmem>>
      %dma_wait3A_3026 = tpu.memref_squeeze %dma_wait3A_3025 : memref<1x4x8448xi32, #tpu.memory_space<vmem>> -> memref<4x8448xi32, #tpu.memory_space<vmem>>
      %dma_wait3A_3027 = arith.constant 0 : i32
      %dma_wait3A_3028 = tpu.memref_slice %arg2[%mul3A_39, %dma_wait3A_3027] : memref<20x8448xi32, #tpu.memory_space<hbm>> -> memref<4x8448xi32, #tpu.memory_space<hbm>>
      %dma_wait3A_3029 = arith.constant 0 : i32
      %dma_wait3A_3030 = arith.constant 0 : i32
      %dma_wait3A_3031 = tpu.memref_slice %arg4[%run_scoped3A, %dma_wait3A_3029, %dma_wait3A_3030] : memref<2x4x8448xi32, #tpu.memory_space<vmem>> -> memref<1x4x8448xi32, #tpu.memory_space<vmem>>
      %dma_wait3A_3032 = tpu.memref_squeeze %dma_wait3A_3031 : memref<1x4x8448xi32, #tpu.memory_space<vmem>> -> memref<4x8448xi32, #tpu.memory_space<vmem>>
      %dma_wait3A_3033 = arith.constant 0 : i32
      %dma_wait3A_3034 = tpu.memref_slice %arg2[%mul3A_39, %dma_wait3A_3033] : memref<20x8448xi32, #tpu.memory_space<hbm>> -> memref<4x8448xi32, #tpu.memory_space<hbm>>
      tpu.wait_dma2 semaphore(%run_scoped3A_3010 : memref<!tpu.dma_semaphore, #tpu.memory_space<semaphore_mem>>) src(%dma_wait3A_3034 : memref<4x8448xi32, #tpu.memory_space<hbm>>) dst(%dma_wait3A_3032 : memref<4x8448xi32, #tpu.memory_space<vmem>>)
      tpu.yield
    }) : () -> ()
    %mul3A_40 = arith.constant 4 : i32
    %mul3A_41 = arith.muli %add3A_37, %mul3A_40 : i32
    %run_scoped3A_42 = arith.constant 1 : i32
    "tpu.region"() ({
      %run_scoped3A_3010 = tpu.sem_alloc : memref<!tpu.dma_semaphore, #tpu.memory_space<semaphore_mem>>
      %dma_start3A_3011 = arith.constant 0 : i32
      %dma_start3A_3012 = arith.constant 0 : i32
      %dma_start3A_3013 = tpu.memref_slice %arg4[%run_scoped3A_42, %dma_start3A_3011, %dma_start3A_3012] : memref<2x4x8448xi32, #tpu.memory_space<vmem>> -> memref<1x4x8448xi32, #tpu.memory_space<vmem>>
      %dma_start3A_3014 = tpu.memref_squeeze %dma_start3A_3013 : memref<1x4x8448xi32, #tpu.memory_space<vmem>> -> memref<4x8448xi32, #tpu.memory_space<vmem>>
      %dma_start3A_3015 = arith.constant 0 : i32
      %dma_start3A_3016 = tpu.memref_slice %arg2[%mul3A_41, %dma_start3A_3015] : memref<20x8448xi32, #tpu.memory_space<hbm>> -> memref<4x8448xi32, #tpu.memory_space<hbm>>
      %dma_start3A_3017 = arith.constant 0 : i32
      %dma_start3A_3018 = arith.constant 0 : i32
      %dma_start3A_3019 = tpu.memref_slice %arg4[%run_scoped3A_42, %dma_start3A_3017, %dma_start3A_3018] : memref<2x4x8448xi32, #tpu.memory_space<vmem>> -> memref<1x4x8448xi32, #tpu.memory_space<vmem>>
      %dma_start3A_3020 = tpu.memref_squeeze %dma_start3A_3019 : memref<1x4x8448xi32, #tpu.memory_space<vmem>> -> memref<4x8448xi32, #tpu.memory_space<vmem>>
      %dma_start3A_3021 = arith.constant 0 : i32
      %dma_start3A_3022 = tpu.memref_slice %arg2[%mul3A_41, %dma_start3A_3021] : memref<20x8448xi32, #tpu.memory_space<hbm>> -> memref<4x8448xi32, #tpu.memory_space<hbm>>
      tpu.enqueue_dma source(%dma_start3A_3022 : memref<4x8448xi32, #tpu.memory_space<hbm>>) target(%dma_start3A_3020 : memref<4x8448xi32, #tpu.memory_space<vmem>>) target_semaphore(%run_scoped3A_3010 : memref<!tpu.dma_semaphore, #tpu.memory_space<semaphore_mem>>)
      %dma_wait3A_3023 = arith.constant 0 : i32
      %dma_wait3A_3024 = arith.constant 0 : i32
      %dma_wait3A_3025 = tpu.memref_slice %arg4[%run_scoped3A_42, %dma_wait3A_3023, %dma_wait3A_3024] : memref<2x4x8448xi32, #tpu.memory_space<vmem>> -> memref<1x4x8448xi32, #tpu.memory_space<vmem>>
      %dma_wait3A_3026 = tpu.memref_squeeze %dma_wait3A_3025 : memref<1x4x8448xi32, #tpu.memory_space<vmem>> -> memref<4x8448xi32, #tpu.memory_space<vmem>>
      %dma_wait3A_3027 = arith.constant 0 : i32
      %dma_wait3A_3028 = tpu.memref_slice %arg2[%mul3A_41, %dma_wait3A_3027] : memref<20x8448xi32, #tpu.memory_space<hbm>> -> memref<4x8448xi32, #tpu.memory_space<hbm>>
      %dma_wait3A_3029 = arith.constant 0 : i32
      %dma_wait3A_3030 = arith.constant 0 : i32
      %dma_wait3A_3031 = tpu.memref_slice %arg4[%run_scoped3A_42, %dma_wait3A_3029, %dma_wait3A_3030] : memref<2x4x8448xi32, #tpu.memory_space<vmem>> -> memref<1x4x8448xi32, #tpu.memory_space<vmem>>
      %dma_wait3A_3032 = tpu.memref_squeeze %dma_wait3A_3031 : memref<1x4x8448xi32, #tpu.memory_space<vmem>> -> memref<4x8448xi32, #tpu.memory_space<vmem>>
      %dma_wait3A_3033 = arith.constant 0 : i32
      %dma_wait3A_3034 = tpu.memref_slice %arg2[%mul3A_41, %dma_wait3A_3033] : memref<20x8448xi32, #tpu.memory_space<hbm>> -> memref<4x8448xi32, #tpu.memory_space<hbm>>
      tpu.wait_dma2 semaphore(%run_scoped3A_3010 : memref<!tpu.dma_semaphore, #tpu.memory_space<semaphore_mem>>) src(%dma_wait3A_3034 : memref<4x8448xi32, #tpu.memory_space<hbm>>) dst(%dma_wait3A_3032 : memref<4x8448xi32, #tpu.memory_space<vmem>>)
      tpu.yield
    }) : () -> ()
    %add3A_43 = arith.constant 0 : i32
    %add3A_44 = arith.addi %mul3A_2, %add3A_43 : i32
    %ge3A_45 = arith.constant 2000 : i32
    %ge3A_46 = arith.cmpi sge, %add3A_44, %ge3A_45 : i32
    %convert_element_type3A_47 = arith.extui %ge3A_46 : i1 to i32
    %add3A_48 = arith.constant 0 : i32
    %add3A_49 = arith.addi %add3A_48, %convert_element_type3A_47 : i32
    %ge3A_50 = arith.constant 4000 : i32
    %ge3A_51 = arith.cmpi sge, %add3A_44, %ge3A_50 : i32
    %convert_element_type3A_52 = arith.extui %ge3A_51 : i1 to i32
    %add3A_53 = arith.addi %add3A_49, %convert_element_type3A_52 : i32
    %ge3A_54 = arith.constant 6400 : i32
    %ge3A_55 = arith.cmpi sge, %add3A_44, %ge3A_54 : i32
    %convert_element_type3A_56 = arith.extui %ge3A_55 : i1 to i32
    %add3A_57 = arith.addi %add3A_53, %convert_element_type3A_56 : i32
    %ge3A_58 = arith.constant 8400 : i32
    %ge3A_59 = arith.cmpi sge, %add3A_44, %ge3A_58 : i32
    %convert_element_type3A_60 = arith.extui %ge3A_59 : i1 to i32
    %add3A_61 = arith.addi %add3A_57, %convert_element_type3A_60 : i32
    %gt3A = arith.cmpi sgt, %add3A_61, %add3A_17 : i32
    %convert_element_type3A_62 = arith.extui %gt3A : i1 to i32
    %dma_start3A = arith.constant 0 : i32
    %dma_start3A_63 = arith.constant 0 : i32
    %dma_start3A_64 = tpu.memref_slice %arg4[%convert_element_type3A_62, %dma_start3A, %dma_start3A_63] : memref<2x4x8448xi32, #tpu.memory_space<vmem>> -> memref<1x4x8448xi32, #tpu.memory_space<vmem>>
    %dma_start3A_65 = tpu.memref_squeeze %dma_start3A_64 : memref<1x4x8448xi32, #tpu.memory_space<vmem>> -> memref<4x8448xi32, #tpu.memory_space<vmem>>
    %dma_start3A_66 = arith.constant 0 : i32
    %dma_start3A_67 = tpu.memref_slice %arg3[%add3A_44, %dma_start3A_66] : memref<8448x8448xi32, #tpu.memory_space<hbm>> -> memref<4x8448xi32, #tpu.memory_space<hbm>>
    %dma_start3A_68 = arith.constant 0 : i32
    %dma_start3A_69 = tpu.memref_slice %arg3[%add3A_44, %dma_start3A_68] : memref<8448x8448xi32, #tpu.memory_space<hbm>> -> memref<4x8448xi32, #tpu.memory_space<hbm>>
    %dma_start3A_70 = arith.constant 0 : i32
    %dma_start3A_71 = arith.constant 0 : i32
    %dma_start3A_72 = tpu.memref_slice %arg4[%convert_element_type3A_62, %dma_start3A_70, %dma_start3A_71] : memref<2x4x8448xi32, #tpu.memory_space<vmem>> -> memref<1x4x8448xi32, #tpu.memory_space<vmem>>
    %dma_start3A_73 = tpu.memref_squeeze %dma_start3A_72 : memref<1x4x8448xi32, #tpu.memory_space<vmem>> -> memref<4x8448xi32, #tpu.memory_space<vmem>>
    tpu.enqueue_dma source(%dma_start3A_73 : memref<4x8448xi32, #tpu.memory_space<vmem>>) target(%dma_start3A_69 : memref<4x8448xi32, #tpu.memory_space<hbm>>) target_semaphore(%arg5 : memref<!tpu.dma_semaphore, #tpu.memory_space<semaphore_mem>>)
    %add3A_74 = arith.constant 4 : i32
    %add3A_75 = arith.addi %mul3A_2, %add3A_74 : i32
    %ge3A_76 = arith.constant 2000 : i32
    %ge3A_77 = arith.cmpi sge, %add3A_75, %ge3A_76 : i32
    %convert_element_type3A_78 = arith.extui %ge3A_77 : i1 to i32
    %add3A_79 = arith.constant 0 : i32
    %add3A_80 = arith.addi %add3A_79, %convert_element_type3A_78 : i32
    %ge3A_81 = arith.constant 4000 : i32
    %ge3A_82 = arith.cmpi sge, %add3A_75, %ge3A_81 : i32
    %convert_element_type3A_83 = arith.extui %ge3A_82 : i1 to i32
    %add3A_84 = arith.addi %add3A_80, %convert_element_type3A_83 : i32
    %ge3A_85 = arith.constant 6400 : i32
    %ge3A_86 = arith.cmpi sge, %add3A_75, %ge3A_85 : i32
    %convert_element_type3A_87 = arith.extui %ge3A_86 : i1 to i32
    %add3A_88 = arith.addi %add3A_84, %convert_element_type3A_87 : i32
    %ge3A_89 = arith.constant 8400 : i32
    %ge3A_90 = arith.cmpi sge, %add3A_75, %ge3A_89 : i32
    %convert_element_type3A_91 = arith.extui %ge3A_90 : i1 to i32
    %add3A_92 = arith.addi %add3A_88, %convert_element_type3A_91 : i32
    %gt3A_93 = arith.cmpi sgt, %add3A_92, %add3A_17 : i32
    %convert_element_type3A_94 = arith.extui %gt3A_93 : i1 to i32
    %dma_start3A_95 = arith.constant 0 : i32
    %dma_start3A_96 = arith.constant 0 : i32
    %dma_start3A_97 = tpu.memref_slice %arg4[%convert_element_type3A_94, %dma_start3A_95, %dma_start3A_96] : memref<2x4x8448xi32, #tpu.memory_space<vmem>> -> memref<1x4x8448xi32, #tpu.memory_space<vmem>>
    %dma_start3A_98 = tpu.memref_squeeze %dma_start3A_97 : memref<1x4x8448xi32, #tpu.memory_space<vmem>> -> memref<4x8448xi32, #tpu.memory_space<vmem>>
    %dma_start3A_99 = arith.constant 0 : i32
    %dma_start3A_100 = tpu.memref_slice %arg3[%add3A_75, %dma_start3A_99] : memref<8448x8448xi32, #tpu.memory_space<hbm>> -> memref<4x8448xi32, #tpu.memory_space<hbm>>
    %dma_start3A_101 = arith.constant 0 : i32
    %dma_start3A_102 = tpu.memref_slice %arg3[%add3A_75, %dma_start3A_101] : memref<8448x8448xi32, #tpu.memory_space<hbm>> -> memref<4x8448xi32, #tpu.memory_space<hbm>>
    %dma_start3A_103 = arith.constant 0 : i32
    %dma_start3A_104 = arith.constant 0 : i32
    %dma_start3A_105 = tpu.memref_slice %arg4[%convert_element_type3A_94, %dma_start3A_103, %dma_start3A_104] : memref<2x4x8448xi32, #tpu.memory_space<vmem>> -> memref<1x4x8448xi32, #tpu.memory_space<vmem>>
    %dma_start3A_106 = tpu.memref_squeeze %dma_start3A_105 : memref<1x4x8448xi32, #tpu.memory_space<vmem>> -> memref<4x8448xi32, #tpu.memory_space<vmem>>
    tpu.enqueue_dma source(%dma_start3A_106 : memref<4x8448xi32, #tpu.memory_space<vmem>>) target(%dma_start3A_102 : memref<4x8448xi32, #tpu.memory_space<hbm>>) target_semaphore(%arg5 : memref<!tpu.dma_semaphore, #tpu.memory_space<semaphore_mem>>)
    %add3A_107 = arith.constant 8 : i32
    %add3A_108 = arith.addi %mul3A_2, %add3A_107 : i32
    %ge3A_109 = arith.constant 2000 : i32
    %ge3A_110 = arith.cmpi sge, %add3A_108, %ge3A_109 : i32
    %convert_element_type3A_111 = arith.extui %ge3A_110 : i1 to i32
    %add3A_112 = arith.constant 0 : i32
    %add3A_113 = arith.addi %add3A_112, %convert_element_type3A_111 : i32
    %ge3A_114 = arith.constant 4000 : i32
    %ge3A_115 = arith.cmpi sge, %add3A_108, %ge3A_114 : i32
    %convert_element_type3A_116 = arith.extui %ge3A_115 : i1 to i32
    %add3A_117 = arith.addi %add3A_113, %convert_element_type3A_116 : i32
    %ge3A_118 = arith.constant 6400 : i32
    %ge3A_119 = arith.cmpi sge, %add3A_108, %ge3A_118 : i32
    %convert_element_type3A_120 = arith.extui %ge3A_119 : i1 to i32
    %add3A_121 = arith.addi %add3A_117, %convert_element_type3A_120 : i32
    %ge3A_122 = arith.constant 8400 : i32
    %ge3A_123 = arith.cmpi sge, %add3A_108, %ge3A_122 : i32
    %convert_element_type3A_124 = arith.extui %ge3A_123 : i1 to i32
    %add3A_125 = arith.addi %add3A_121, %convert_element_type3A_124 : i32
    %gt3A_126 = arith.cmpi sgt, %add3A_125, %add3A_17 : i32
    %convert_element_type3A_127 = arith.extui %gt3A_126 : i1 to i32
    %dma_start3A_128 = arith.constant 0 : i32
    %dma_start3A_129 = arith.constant 0 : i32
    %dma_start3A_130 = tpu.memref_slice %arg4[%convert_element_type3A_127, %dma_start3A_128, %dma_start3A_129] : memref<2x4x8448xi32, #tpu.memory_space<vmem>> -> memref<1x4x8448xi32, #tpu.memory_space<vmem>>
    %dma_start3A_131 = tpu.memref_squeeze %dma_start3A_130 : memref<1x4x8448xi32, #tpu.memory_space<vmem>> -> memref<4x8448xi32, #tpu.memory_space<vmem>>
    %dma_start3A_132 = arith.constant 0 : i32
    %dma_start3A_133 = tpu.memref_slice %arg3[%add3A_108, %dma_start3A_132] : memref<8448x8448xi32, #tpu.memory_space<hbm>> -> memref<4x8448xi32, #tpu.memory_space<hbm>>
    %dma_start3A_134 = arith.constant 0 : i32
    %dma_start3A_135 = tpu.memref_slice %arg3[%add3A_108, %dma_start3A_134] : memref<8448x8448xi32, #tpu.memory_space<hbm>> -> memref<4x8448xi32, #tpu.memory_space<hbm>>
    %dma_start3A_136 = arith.constant 0 : i32
    %dma_start3A_137 = arith.constant 0 : i32
    %dma_start3A_138 = tpu.memref_slice %arg4[%convert_element_type3A_127, %dma_start3A_136, %dma_start3A_137] : memref<2x4x8448xi32, #tpu.memory_space<vmem>> -> memref<1x4x8448xi32, #tpu.memory_space<vmem>>
    %dma_start3A_139 = tpu.memref_squeeze %dma_start3A_138 : memref<1x4x8448xi32, #tpu.memory_space<vmem>> -> memref<4x8448xi32, #tpu.memory_space<vmem>>
    tpu.enqueue_dma source(%dma_start3A_139 : memref<4x8448xi32, #tpu.memory_space<vmem>>) target(%dma_start3A_135 : memref<4x8448xi32, #tpu.memory_space<hbm>>) target_semaphore(%arg5 : memref<!tpu.dma_semaphore, #tpu.memory_space<semaphore_mem>>)
    %add3A_140 = arith.constant 12 : i32
    %add3A_141 = arith.addi %mul3A_2, %add3A_140 : i32
    %ge3A_142 = arith.constant 2000 : i32
    %ge3A_143 = arith.cmpi sge, %add3A_141, %ge3A_142 : i32
    %convert_element_type3A_144 = arith.extui %ge3A_143 : i1 to i32
    %add3A_145 = arith.constant 0 : i32
    %add3A_146 = arith.addi %add3A_145, %convert_element_type3A_144 : i32
    %ge3A_147 = arith.constant 4000 : i32
    %ge3A_148 = arith.cmpi sge, %add3A_141, %ge3A_147 : i32
    %convert_element_type3A_149 = arith.extui %ge3A_148 : i1 to i32
    %add3A_150 = arith.addi %add3A_146, %convert_element_type3A_149 : i32
    %ge3A_151 = arith.constant 6400 : i32
    %ge3A_152 = arith.cmpi sge, %add3A_141, %ge3A_151 : i32
    %convert_element_type3A_153 = arith.extui %ge3A_152 : i1 to i32
    %add3A_154 = arith.addi %add3A_150, %convert_element_type3A_153 : i32
    %ge3A_155 = arith.constant 8400 : i32
    %ge3A_156 = arith.cmpi sge, %add3A_141, %ge3A_155 : i32
    %convert_element_type3A_157 = arith.extui %ge3A_156 : i1 to i32
    %add3A_158 = arith.addi %add3A_154, %convert_element_type3A_157 : i32
    %gt3A_159 = arith.cmpi sgt, %add3A_158, %add3A_17 : i32
    %convert_element_type3A_160 = arith.extui %gt3A_159 : i1 to i32
    %dma_start3A_161 = arith.constant 0 : i32
    %dma_start3A_162 = arith.constant 0 : i32
    %dma_start3A_163 = tpu.memref_slice %arg4[%convert_element_type3A_160, %dma_start3A_161, %dma_start3A_162] : memref<2x4x8448xi32, #tpu.memory_space<vmem>> -> memref<1x4x8448xi32, #tpu.memory_space<vmem>>
    %dma_start3A_164 = tpu.memref_squeeze %dma_start3A_163 : memref<1x4x8448xi32, #tpu.memory_space<vmem>> -> memref<4x8448xi32, #tpu.memory_space<vmem>>
    %dma_start3A_165 = arith.constant 0 : i32
    %dma_start3A_166 = tpu.memref_slice %arg3[%add3A_141, %dma_start3A_165] : memref<8448x8448xi32, #tpu.memory_space<hbm>> -> memref<4x8448xi32, #tpu.memory_space<hbm>>
    %dma_start3A_167 = arith.constant 0 : i32
    %dma_start3A_168 = tpu.memref_slice %arg3[%add3A_141, %dma_start3A_167] : memref<8448x8448xi32, #tpu.memory_space<hbm>> -> memref<4x8448xi32, #tpu.memory_space<hbm>>
    %dma_start3A_169 = arith.constant 0 : i32
    %dma_start3A_170 = arith.constant 0 : i32
    %dma_start3A_171 = tpu.memref_slice %arg4[%convert_element_type3A_160, %dma_start3A_169, %dma_start3A_170] : memref<2x4x8448xi32, #tpu.memory_space<vmem>> -> memref<1x4x8448xi32, #tpu.memory_space<vmem>>
    %dma_start3A_172 = tpu.memref_squeeze %dma_start3A_171 : memref<1x4x8448xi32, #tpu.memory_space<vmem>> -> memref<4x8448xi32, #tpu.memory_space<vmem>>
    tpu.enqueue_dma source(%dma_start3A_172 : memref<4x8448xi32, #tpu.memory_space<vmem>>) target(%dma_start3A_168 : memref<4x8448xi32, #tpu.memory_space<hbm>>) target_semaphore(%arg5 : memref<!tpu.dma_semaphore, #tpu.memory_space<semaphore_mem>>)
    %add3A_173 = arith.constant 16 : i32
    %add3A_174 = arith.addi %mul3A_2, %add3A_173 : i32
    %ge3A_175 = arith.constant 2000 : i32
    %ge3A_176 = arith.cmpi sge, %add3A_174, %ge3A_175 : i32
    %convert_element_type3A_177 = arith.extui %ge3A_176 : i1 to i32
    %add3A_178 = arith.constant 0 : i32
    %add3A_179 = arith.addi %add3A_178, %convert_element_type3A_177 : i32
    %ge3A_180 = arith.constant 4000 : i32
    %ge3A_181 = arith.cmpi sge, %add3A_174, %ge3A_180 : i32
    %convert_element_type3A_182 = arith.extui %ge3A_181 : i1 to i32
    %add3A_183 = arith.addi %add3A_179, %convert_element_type3A_182 : i32
    %ge3A_184 = arith.constant 6400 : i32
    %ge3A_185 = arith.cmpi sge, %add3A_174, %ge3A_184 : i32
    %convert_element_type3A_186 = arith.extui %ge3A_185 : i1 to i32
    %add3A_187 = arith.addi %add3A_183, %convert_element_type3A_186 : i32
    %ge3A_188 = arith.constant 8400 : i32
    %ge3A_189 = arith.cmpi sge, %add3A_174, %ge3A_188 : i32
    %convert_element_type3A_190 = arith.extui %ge3A_189 : i1 to i32
    %add3A_191 = arith.addi %add3A_187, %convert_element_type3A_190 : i32
    %gt3A_192 = arith.cmpi sgt, %add3A_191, %add3A_17 : i32
    %convert_element_type3A_193 = arith.extui %gt3A_192 : i1 to i32
    %dma_start3A_194 = arith.constant 0 : i32
    %dma_start3A_195 = arith.constant 0 : i32
    %dma_start3A_196 = tpu.memref_slice %arg4[%convert_element_type3A_193, %dma_start3A_194, %dma_start3A_195] : memref<2x4x8448xi32, #tpu.memory_space<vmem>> -> memref<1x4x8448xi32, #tpu.memory_space<vmem>>
    %dma_start3A_197 = tpu.memref_squeeze %dma_start3A_196 : memref<1x4x8448xi32, #tpu.memory_space<vmem>> -> memref<4x8448xi32, #tpu.memory_space<vmem>>
    %dma_start3A_198 = arith.constant 0 : i32
    %dma_start3A_199 = tpu.memref_slice %arg3[%add3A_174, %dma_start3A_198] : memref<8448x8448xi32, #tpu.memory_space<hbm>> -> memref<4x8448xi32, #tpu.memory_space<hbm>>
    %dma_start3A_200 = arith.constant 0 : i32
    %dma_start3A_201 = tpu.memref_slice %arg3[%add3A_174, %dma_start3A_200] : memref<8448x8448xi32, #tpu.memory_space<hbm>> -> memref<4x8448xi32, #tpu.memory_space<hbm>>
    %dma_start3A_202 = arith.constant 0 : i32
    %dma_start3A_203 = arith.constant 0 : i32
    %dma_start3A_204 = tpu.memref_slice %arg4[%convert_element_type3A_193, %dma_start3A_202, %dma_start3A_203] : memref<2x4x8448xi32, #tpu.memory_space<vmem>> -> memref<1x4x8448xi32, #tpu.memory_space<vmem>>
    %dma_start3A_205 = tpu.memref_squeeze %dma_start3A_204 : memref<1x4x8448xi32, #tpu.memory_space<vmem>> -> memref<4x8448xi32, #tpu.memory_space<vmem>>
    tpu.enqueue_dma source(%dma_start3A_205 : memref<4x8448xi32, #tpu.memory_space<vmem>>) target(%dma_start3A_201 : memref<4x8448xi32, #tpu.memory_space<hbm>>) target_semaphore(%arg5 : memref<!tpu.dma_semaphore, #tpu.memory_space<semaphore_mem>>)
    %add3A_206 = arith.constant 20 : i32
    %add3A_207 = arith.addi %mul3A_2, %add3A_206 : i32
    %ge3A_208 = arith.constant 2000 : i32
    %ge3A_209 = arith.cmpi sge, %add3A_207, %ge3A_208 : i32
    %convert_element_type3A_210 = arith.extui %ge3A_209 : i1 to i32
    %add3A_211 = arith.constant 0 : i32
    %add3A_212 = arith.addi %add3A_211, %convert_element_type3A_210 : i32
    %ge3A_213 = arith.constant 4000 : i32
    %ge3A_214 = arith.cmpi sge, %add3A_207, %ge3A_213 : i32
    %convert_element_type3A_215 = arith.extui %ge3A_214 : i1 to i32
    %add3A_216 = arith.addi %add3A_212, %convert_element_type3A_215 : i32
    %ge3A_217 = arith.constant 6400 : i32
    %ge3A_218 = arith.cmpi sge, %add3A_207, %ge3A_217 : i32
    %convert_element_type3A_219 = arith.extui %ge3A_218 : i1 to i32
    %add3A_220 = arith.addi %add3A_216, %convert_element_type3A_219 : i32
    %ge3A_221 = arith.constant 8400 : i32
    %ge3A_222 = arith.cmpi sge, %add3A_207, %ge3A_221 : i32
    %convert_element_type3A_223 = arith.extui %ge3A_222 : i1 to i32
    %add3A_224 = arith.addi %add3A_220, %convert_element_type3A_223 : i32
    %gt3A_225 = arith.cmpi sgt, %add3A_224, %add3A_17 : i32
    %convert_element_type3A_226 = arith.extui %gt3A_225 : i1 to i32
    %dma_start3A_227 = arith.constant 0 : i32
    %dma_start3A_228 = arith.constant 0 : i32
    %dma_start3A_229 = tpu.memref_slice %arg4[%convert_element_type3A_226, %dma_start3A_227, %dma_start3A_228] : memref<2x4x8448xi32, #tpu.memory_space<vmem>> -> memref<1x4x8448xi32, #tpu.memory_space<vmem>>
    %dma_start3A_230 = tpu.memref_squeeze %dma_start3A_229 : memref<1x4x8448xi32, #tpu.memory_space<vmem>> -> memref<4x8448xi32, #tpu.memory_space<vmem>>
    %dma_start3A_231 = arith.constant 0 : i32
    %dma_start3A_232 = tpu.memref_slice %arg3[%add3A_207, %dma_start3A_231] : memref<8448x8448xi32, #tpu.memory_space<hbm>> -> memref<4x8448xi32, #tpu.memory_space<hbm>>
    %dma_start3A_233 = arith.constant 0 : i32
    %dma_start3A_234 = tpu.memref_slice %arg3[%add3A_207, %dma_start3A_233] : memref<8448x8448xi32, #tpu.memory_space<hbm>> -> memref<4x8448xi32, #tpu.memory_space<hbm>>
    %dma_start3A_235 = arith.constant 0 : i32
    %dma_start3A_236 = arith.constant 0 : i32
    %dma_start3A_237 = tpu.memref_slice %arg4[%convert_element_type3A_226, %dma_start3A_235, %dma_start3A_236] : memref<2x4x8448xi32, #tpu.memory_space<vmem>> -> memref<1x4x8448xi32, #tpu.memory_space<vmem>>
    %dma_start3A_238 = tpu.memref_squeeze %dma_start3A_237 : memref<1x4x8448xi32, #tpu.memory_space<vmem>> -> memref<4x8448xi32, #tpu.memory_space<vmem>>
    tpu.enqueue_dma source(%dma_start3A_238 : memref<4x8448xi32, #tpu.memory_space<vmem>>) target(%dma_start3A_234 : memref<4x8448xi32, #tpu.memory_space<hbm>>) target_semaphore(%arg5 : memref<!tpu.dma_semaphore, #tpu.memory_space<semaphore_mem>>)
    %add3A_239 = arith.constant 24 : i32
    %add3A_240 = arith.addi %mul3A_2, %add3A_239 : i32
    %ge3A_241 = arith.constant 2000 : i32
    %ge3A_242 = arith.cmpi sge, %add3A_240, %ge3A_241 : i32
    %convert_element_type3A_243 = arith.extui %ge3A_242 : i1 to i32
    %add3A_244 = arith.constant 0 : i32
    %add3A_245 = arith.addi %add3A_244, %convert_element_type3A_243 : i32
    %ge3A_246 = arith.constant 4000 : i32
    %ge3A_247 = arith.cmpi sge, %add3A_240, %ge3A_246 : i32
    %convert_element_type3A_248 = arith.extui %ge3A_247 : i1 to i32
    %add3A_249 = arith.addi %add3A_245, %convert_element_type3A_248 : i32
    %ge3A_250 = arith.constant 6400 : i32
    %ge3A_251 = arith.cmpi sge, %add3A_240, %ge3A_250 : i32
    %convert_element_type3A_252 = arith.extui %ge3A_251 : i1 to i32
    %add3A_253 = arith.addi %add3A_249, %convert_element_type3A_252 : i32
    %ge3A_254 = arith.constant 8400 : i32
    %ge3A_255 = arith.cmpi sge, %add3A_240, %ge3A_254 : i32
    %convert_element_type3A_256 = arith.extui %ge3A_255 : i1 to i32
    %add3A_257 = arith.addi %add3A_253, %convert_element_type3A_256 : i32
    %gt3A_258 = arith.cmpi sgt, %add3A_257, %add3A_17 : i32
    %convert_element_type3A_259 = arith.extui %gt3A_258 : i1 to i32
    %dma_start3A_260 = arith.constant 0 : i32
    %dma_start3A_261 = arith.constant 0 : i32
    %dma_start3A_262 = tpu.memref_slice %arg4[%convert_element_type3A_259, %dma_start3A_260, %dma_start3A_261] : memref<2x4x8448xi32, #tpu.memory_space<vmem>> -> memref<1x4x8448xi32, #tpu.memory_space<vmem>>
    %dma_start3A_263 = tpu.memref_squeeze %dma_start3A_262 : memref<1x4x8448xi32, #tpu.memory_space<vmem>> -> memref<4x8448xi32, #tpu.memory_space<vmem>>
    %dma_start3A_264 = arith.constant 0 : i32
    %dma_start3A_265 = tpu.memref_slice %arg3[%add3A_240, %dma_start3A_264] : memref<8448x8448xi32, #tpu.memory_space<hbm>> -> memref<4x8448xi32, #tpu.memory_space<hbm>>
    %dma_start3A_266 = arith.constant 0 : i32
    %dma_start3A_267 = tpu.memref_slice %arg3[%add3A_240, %dma_start3A_266] : memref<8448x8448xi32, #tpu.memory_space<hbm>> -> memref<4x8448xi32, #tpu.memory_space<hbm>>
    %dma_start3A_268 = arith.constant 0 : i32
    %dma_start3A_269 = arith.constant 0 : i32
    %dma_start3A_270 = tpu.memref_slice %arg4[%convert_element_type3A_259, %dma_start3A_268, %dma_start3A_269] : memref<2x4x8448xi32, #tpu.memory_space<vmem>> -> memref<1x4x8448xi32, #tpu.memory_space<vmem>>
    %dma_start3A_271 = tpu.memref_squeeze %dma_start3A_270 : memref<1x4x8448xi32, #tpu.memory_space<vmem>> -> memref<4x8448xi32, #tpu.memory_space<vmem>>
    tpu.enqueue_dma source(%dma_start3A_271 : memref<4x8448xi32, #tpu.memory_space<vmem>>) target(%dma_start3A_267 : memref<4x8448xi32, #tpu.memory_space<hbm>>) target_semaphore(%arg5 : memref<!tpu.dma_semaphore, #tpu.memory_space<semaphore_mem>>)
    %add3A_272 = arith.constant 28 : i32
    %add3A_273 = arith.addi %mul3A_2, %add3A_272 : i32
    %ge3A_274 = arith.constant 2000 : i32
    %ge3A_275 = arith.cmpi sge, %add3A_273, %ge3A_274 : i32
    %convert_element_type3A_276 = arith.extui %ge3A_275 : i1 to i32
    %add3A_277 = arith.constant 0 : i32
    %add3A_278 = arith.addi %add3A_277, %convert_element_type3A_276 : i32
    %ge3A_279 = arith.constant 4000 : i32
    %ge3A_280 = arith.cmpi sge, %add3A_273, %ge3A_279 : i32
    %convert_element_type3A_281 = arith.extui %ge3A_280 : i1 to i32
    %add3A_282 = arith.addi %add3A_278, %convert_element_type3A_281 : i32
    %ge3A_283 = arith.constant 6400 : i32
    %ge3A_284 = arith.cmpi sge, %add3A_273, %ge3A_283 : i32
    %convert_element_type3A_285 = arith.extui %ge3A_284 : i1 to i32
    %add3A_286 = arith.addi %add3A_282, %convert_element_type3A_285 : i32
    %ge3A_287 = arith.constant 8400 : i32
    %ge3A_288 = arith.cmpi sge, %add3A_273, %ge3A_287 : i32
    %convert_element_type3A_289 = arith.extui %ge3A_288 : i1 to i32
    %add3A_290 = arith.addi %add3A_286, %convert_element_type3A_289 : i32
    %gt3A_291 = arith.cmpi sgt, %add3A_290, %add3A_17 : i32
    %convert_element_type3A_292 = arith.extui %gt3A_291 : i1 to i32
    %dma_start3A_293 = arith.constant 0 : i32
    %dma_start3A_294 = arith.constant 0 : i32
    %dma_start3A_295 = tpu.memref_slice %arg4[%convert_element_type3A_292, %dma_start3A_293, %dma_start3A_294] : memref<2x4x8448xi32, #tpu.memory_space<vmem>> -> memref<1x4x8448xi32, #tpu.memory_space<vmem>>
    %dma_start3A_296 = tpu.memref_squeeze %dma_start3A_295 : memref<1x4x8448xi32, #tpu.memory_space<vmem>> -> memref<4x8448xi32, #tpu.memory_space<vmem>>
    %dma_start3A_297 = arith.constant 0 : i32
    %dma_start3A_298 = tpu.memref_slice %arg3[%add3A_273, %dma_start3A_297] : memref<8448x8448xi32, #tpu.memory_space<hbm>> -> memref<4x8448xi32, #tpu.memory_space<hbm>>
    %dma_start3A_299 = arith.constant 0 : i32
    %dma_start3A_300 = tpu.memref_slice %arg3[%add3A_273, %dma_start3A_299] : memref<8448x8448xi32, #tpu.memory_space<hbm>> -> memref<4x8448xi32, #tpu.memory_space<hbm>>
    %dma_start3A_301 = arith.constant 0 : i32
    %dma_start3A_302 = arith.constant 0 : i32
    %dma_start3A_303 = tpu.memref_slice %arg4[%convert_element_type3A_292, %dma_start3A_301, %dma_start3A_302] : memref<2x4x8448xi32, #tpu.memory_space<vmem>> -> memref<1x4x8448xi32, #tpu.memory_space<vmem>>
    %dma_start3A_304 = tpu.memref_squeeze %dma_start3A_303 : memref<1x4x8448xi32, #tpu.memory_space<vmem>> -> memref<4x8448xi32, #tpu.memory_space<vmem>>
    tpu.enqueue_dma source(%dma_start3A_304 : memref<4x8448xi32, #tpu.memory_space<vmem>>) target(%dma_start3A_300 : memref<4x8448xi32, #tpu.memory_space<hbm>>) target_semaphore(%arg5 : memref<!tpu.dma_semaphore, #tpu.memory_space<semaphore_mem>>)
    %add3A_305 = arith.constant 32 : i32
    %add3A_306 = arith.addi %mul3A_2, %add3A_305 : i32
    %ge3A_307 = arith.constant 2000 : i32
    %ge3A_308 = arith.cmpi sge, %add3A_306, %ge3A_307 : i32
    %convert_element_type3A_309 = arith.extui %ge3A_308 : i1 to i32
    %add3A_310 = arith.constant 0 : i32
    %add3A_311 = arith.addi %add3A_310, %convert_element_type3A_309 : i32
    %ge3A_312 = arith.constant 4000 : i32
    %ge3A_313 = arith.cmpi sge, %add3A_306, %ge3A_312 : i32
    %convert_element_type3A_314 = arith.extui %ge3A_313 : i1 to i32
    %add3A_315 = arith.addi %add3A_311, %convert_element_type3A_314 : i32
    %ge3A_316 = arith.constant 6400 : i32
    %ge3A_317 = arith.cmpi sge, %add3A_306, %ge3A_316 : i32
    %convert_element_type3A_318 = arith.extui %ge3A_317 : i1 to i32
    %add3A_319 = arith.addi %add3A_315, %convert_element_type3A_318 : i32
    %ge3A_320 = arith.constant 8400 : i32
    %ge3A_321 = arith.cmpi sge, %add3A_306, %ge3A_320 : i32
    %convert_element_type3A_322 = arith.extui %ge3A_321 : i1 to i32
    %add3A_323 = arith.addi %add3A_319, %convert_element_type3A_322 : i32
    %gt3A_324 = arith.cmpi sgt, %add3A_323, %add3A_17 : i32
    %convert_element_type3A_325 = arith.extui %gt3A_324 : i1 to i32
    %dma_start3A_326 = arith.constant 0 : i32
    %dma_start3A_327 = arith.constant 0 : i32
    %dma_start3A_328 = tpu.memref_slice %arg4[%convert_element_type3A_325, %dma_start3A_326, %dma_start3A_327] : memref<2x4x8448xi32, #tpu.memory_space<vmem>> -> memref<1x4x8448xi32, #tpu.memory_space<vmem>>
    %dma_start3A_329 = tpu.memref_squeeze %dma_start3A_328 : memref<1x4x8448xi32, #tpu.memory_space<vmem>> -> memref<4x8448xi32, #tpu.memory_space<vmem>>
    %dma_start3A_330 = arith.constant 0 : i32
    %dma_start3A_331 = tpu.memref_slice %arg3[%add3A_306, %dma_start3A_330] : memref<8448x8448xi32, #tpu.memory_space<hbm>> -> memref<4x8448xi32, #tpu.memory_space<hbm>>
    %dma_start3A_332 = arith.constant 0 : i32
    %dma_start3A_333 = tpu.memref_slice %arg3[%add3A_306, %dma_start3A_332] : memref<8448x8448xi32, #tpu.memory_space<hbm>> -> memref<4x8448xi32, #tpu.memory_space<hbm>>
    %dma_start3A_334 = arith.constant 0 : i32
    %dma_start3A_335 = arith.constant 0 : i32
    %dma_start3A_336 = tpu.memref_slice %arg4[%convert_element_type3A_325, %dma_start3A_334, %dma_start3A_335] : memref<2x4x8448xi32, #tpu.memory_space<vmem>> -> memref<1x4x8448xi32, #tpu.memory_space<vmem>>
    %dma_start3A_337 = tpu.memref_squeeze %dma_start3A_336 : memref<1x4x8448xi32, #tpu.memory_space<vmem>> -> memref<4x8448xi32, #tpu.memory_space<vmem>>
    tpu.enqueue_dma source(%dma_start3A_337 : memref<4x8448xi32, #tpu.memory_space<vmem>>) target(%dma_start3A_333 : memref<4x8448xi32, #tpu.memory_space<hbm>>) target_semaphore(%arg5 : memref<!tpu.dma_semaphore, #tpu.memory_space<semaphore_mem>>)
    %add3A_338 = arith.constant 36 : i32
    %add3A_339 = arith.addi %mul3A_2, %add3A_338 : i32
    %ge3A_340 = arith.constant 2000 : i32
    %ge3A_341 = arith.cmpi sge, %add3A_339, %ge3A_340 : i32
    %convert_element_type3A_342 = arith.extui %ge3A_341 : i1 to i32
    %add3A_343 = arith.constant 0 : i32
    %add3A_344 = arith.addi %add3A_343, %convert_element_type3A_342 : i32
    %ge3A_345 = arith.constant 4000 : i32
    %ge3A_346 = arith.cmpi sge, %add3A_339, %ge3A_345 : i32
    %convert_element_type3A_347 = arith.extui %ge3A_346 : i1 to i32
    %add3A_348 = arith.addi %add3A_344, %convert_element_type3A_347 : i32
    %ge3A_349 = arith.constant 6400 : i32
    %ge3A_350 = arith.cmpi sge, %add3A_339, %ge3A_349 : i32
    %convert_element_type3A_351 = arith.extui %ge3A_350 : i1 to i32
    %add3A_352 = arith.addi %add3A_348, %convert_element_type3A_351 : i32
    %ge3A_353 = arith.constant 8400 : i32
    %ge3A_354 = arith.cmpi sge, %add3A_339, %ge3A_353 : i32
    %convert_element_type3A_355 = arith.extui %ge3A_354 : i1 to i32
    %add3A_356 = arith.addi %add3A_352, %convert_element_type3A_355 : i32
    %gt3A_357 = arith.cmpi sgt, %add3A_356, %add3A_17 : i32
    %convert_element_type3A_358 = arith.extui %gt3A_357 : i1 to i32
    %dma_start3A_359 = arith.constant 0 : i32
    %dma_start3A_360 = arith.constant 0 : i32
    %dma_start3A_361 = tpu.memref_slice %arg4[%convert_element_type3A_358, %dma_start3A_359, %dma_start3A_360] : memref<2x4x8448xi32, #tpu.memory_space<vmem>> -> memref<1x4x8448xi32, #tpu.memory_space<vmem>>
    %dma_start3A_362 = tpu.memref_squeeze %dma_start3A_361 : memref<1x4x8448xi32, #tpu.memory_space<vmem>> -> memref<4x8448xi32, #tpu.memory_space<vmem>>
    %dma_start3A_363 = arith.constant 0 : i32
    %dma_start3A_364 = tpu.memref_slice %arg3[%add3A_339, %dma_start3A_363] : memref<8448x8448xi32, #tpu.memory_space<hbm>> -> memref<4x8448xi32, #tpu.memory_space<hbm>>
    %dma_start3A_365 = arith.constant 0 : i32
    %dma_start3A_366 = tpu.memref_slice %arg3[%add3A_339, %dma_start3A_365] : memref<8448x8448xi32, #tpu.memory_space<hbm>> -> memref<4x8448xi32, #tpu.memory_space<hbm>>
    %dma_start3A_367 = arith.constant 0 : i32
    %dma_start3A_368 = arith.constant 0 : i32
    %dma_start3A_369 = tpu.memref_slice %arg4[%convert_element_type3A_358, %dma_start3A_367, %dma_start3A_368] : memref<2x4x8448xi32, #tpu.memory_space<vmem>> -> memref<1x4x8448xi32, #tpu.memory_space<vmem>>
    %dma_start3A_370 = tpu.memref_squeeze %dma_start3A_369 : memref<1x4x8448xi32, #tpu.memory_space<vmem>> -> memref<4x8448xi32, #tpu.memory_space<vmem>>
    tpu.enqueue_dma source(%dma_start3A_370 : memref<4x8448xi32, #tpu.memory_space<vmem>>) target(%dma_start3A_366 : memref<4x8448xi32, #tpu.memory_space<hbm>>) target_semaphore(%arg5 : memref<!tpu.dma_semaphore, #tpu.memory_space<semaphore_mem>>)
    %add3A_371 = arith.constant 40 : i32
    %add3A_372 = arith.addi %mul3A_2, %add3A_371 : i32
    %ge3A_373 = arith.constant 2000 : i32
    %ge3A_374 = arith.cmpi sge, %add3A_372, %ge3A_373 : i32
    %convert_element_type3A_375 = arith.extui %ge3A_374 : i1 to i32
    %add3A_376 = arith.constant 0 : i32
    %add3A_377 = arith.addi %add3A_376, %convert_element_type3A_375 : i32
    %ge3A_378 = arith.constant 4000 : i32
    %ge3A_379 = arith.cmpi sge, %add3A_372, %ge3A_378 : i32
    %convert_element_type3A_380 = arith.extui %ge3A_379 : i1 to i32
    %add3A_381 = arith.addi %add3A_377, %convert_element_type3A_380 : i32
    %ge3A_382 = arith.constant 6400 : i32
    %ge3A_383 = arith.cmpi sge, %add3A_372, %ge3A_382 : i32
    %convert_element_type3A_384 = arith.extui %ge3A_383 : i1 to i32
    %add3A_385 = arith.addi %add3A_381, %convert_element_type3A_384 : i32
    %ge3A_386 = arith.constant 8400 : i32
    %ge3A_387 = arith.cmpi sge, %add3A_372, %ge3A_386 : i32
    %convert_element_type3A_388 = arith.extui %ge3A_387 : i1 to i32
    %add3A_389 = arith.addi %add3A_385, %convert_element_type3A_388 : i32
    %gt3A_390 = arith.cmpi sgt, %add3A_389, %add3A_17 : i32
    %convert_element_type3A_391 = arith.extui %gt3A_390 : i1 to i32
    %dma_start3A_392 = arith.constant 0 : i32
    %dma_start3A_393 = arith.constant 0 : i32
    %dma_start3A_394 = tpu.memref_slice %arg4[%convert_element_type3A_391, %dma_start3A_392, %dma_start3A_393] : memref<2x4x8448xi32, #tpu.memory_space<vmem>> -> memref<1x4x8448xi32, #tpu.memory_space<vmem>>
    %dma_start3A_395 = tpu.memref_squeeze %dma_start3A_394 : memref<1x4x8448xi32, #tpu.memory_space<vmem>> -> memref<4x8448xi32, #tpu.memory_space<vmem>>
    %dma_start3A_396 = arith.constant 0 : i32
    %dma_start3A_397 = tpu.memref_slice %arg3[%add3A_372, %dma_start3A_396] : memref<8448x8448xi32, #tpu.memory_space<hbm>> -> memref<4x8448xi32, #tpu.memory_space<hbm>>
    %dma_start3A_398 = arith.constant 0 : i32
    %dma_start3A_399 = tpu.memref_slice %arg3[%add3A_372, %dma_start3A_398] : memref<8448x8448xi32, #tpu.memory_space<hbm>> -> memref<4x8448xi32, #tpu.memory_space<hbm>>
    %dma_start3A_400 = arith.constant 0 : i32
    %dma_start3A_401 = arith.constant 0 : i32
    %dma_start3A_402 = tpu.memref_slice %arg4[%convert_element_type3A_391, %dma_start3A_400, %dma_start3A_401] : memref<2x4x8448xi32, #tpu.memory_space<vmem>> -> memref<1x4x8448xi32, #tpu.memory_space<vmem>>
    %dma_start3A_403 = tpu.memref_squeeze %dma_start3A_402 : memref<1x4x8448xi32, #tpu.memory_space<vmem>> -> memref<4x8448xi32, #tpu.memory_space<vmem>>
    tpu.enqueue_dma source(%dma_start3A_403 : memref<4x8448xi32, #tpu.memory_space<vmem>>) target(%dma_start3A_399 : memref<4x8448xi32, #tpu.memory_space<hbm>>) target_semaphore(%arg5 : memref<!tpu.dma_semaphore, #tpu.memory_space<semaphore_mem>>)
    %add3A_404 = arith.constant 44 : i32
    %add3A_405 = arith.addi %mul3A_2, %add3A_404 : i32
    %ge3A_406 = arith.constant 2000 : i32
    %ge3A_407 = arith.cmpi sge, %add3A_405, %ge3A_406 : i32
    %convert_element_type3A_408 = arith.extui %ge3A_407 : i1 to i32
    %add3A_409 = arith.constant 0 : i32
    %add3A_410 = arith.addi %add3A_409, %convert_element_type3A_408 : i32
    %ge3A_411 = arith.constant 4000 : i32
    %ge3A_412 = arith.cmpi sge, %add3A_405, %ge3A_411 : i32
    %convert_element_type3A_413 = arith.extui %ge3A_412 : i1 to i32
    %add3A_414 = arith.addi %add3A_410, %convert_element_type3A_413 : i32
    %ge3A_415 = arith.constant 6400 : i32
    %ge3A_416 = arith.cmpi sge, %add3A_405, %ge3A_415 : i32
    %convert_element_type3A_417 = arith.extui %ge3A_416 : i1 to i32
    %add3A_418 = arith.addi %add3A_414, %convert_element_type3A_417 : i32
    %ge3A_419 = arith.constant 8400 : i32
    %ge3A_420 = arith.cmpi sge, %add3A_405, %ge3A_419 : i32
    %convert_element_type3A_421 = arith.extui %ge3A_420 : i1 to i32
    %add3A_422 = arith.addi %add3A_418, %convert_element_type3A_421 : i32
    %gt3A_423 = arith.cmpi sgt, %add3A_422, %add3A_17 : i32
    %convert_element_type3A_424 = arith.extui %gt3A_423 : i1 to i32
    %dma_start3A_425 = arith.constant 0 : i32
    %dma_start3A_426 = arith.constant 0 : i32
    %dma_start3A_427 = tpu.memref_slice %arg4[%convert_element_type3A_424, %dma_start3A_425, %dma_start3A_426] : memref<2x4x8448xi32, #tpu.memory_space<vmem>> -> memref<1x4x8448xi32, #tpu.memory_space<vmem>>
    %dma_start3A_428 = tpu.memref_squeeze %dma_start3A_427 : memref<1x4x8448xi32, #tpu.memory_space<vmem>> -> memref<4x8448xi32, #tpu.memory_space<vmem>>
    %dma_start3A_429 = arith.constant 0 : i32
    %dma_start3A_430 = tpu.memref_slice %arg3[%add3A_405, %dma_start3A_429] : memref<8448x8448xi32, #tpu.memory_space<hbm>> -> memref<4x8448xi32, #tpu.memory_space<hbm>>
    %dma_start3A_431 = arith.constant 0 : i32
    %dma_start3A_432 = tpu.memref_slice %arg3[%add3A_405, %dma_start3A_431] : memref<8448x8448xi32, #tpu.memory_space<hbm>> -> memref<4x8448xi32, #tpu.memory_space<hbm>>
    %dma_start3A_433 = arith.constant 0 : i32
    %dma_start3A_434 = arith.constant 0 : i32
    %dma_start3A_435 = tpu.memref_slice %arg4[%convert_element_type3A_424, %dma_start3A_433, %dma_start3A_434] : memref<2x4x8448xi32, #tpu.memory_space<vmem>> -> memref<1x4x8448xi32, #tpu.memory_space<vmem>>
    %dma_start3A_436 = tpu.memref_squeeze %dma_start3A_435 : memref<1x4x8448xi32, #tpu.memory_space<vmem>> -> memref<4x8448xi32, #tpu.memory_space<vmem>>
    tpu.enqueue_dma source(%dma_start3A_436 : memref<4x8448xi32, #tpu.memory_space<vmem>>) target(%dma_start3A_432 : memref<4x8448xi32, #tpu.memory_space<hbm>>) target_semaphore(%arg5 : memref<!tpu.dma_semaphore, #tpu.memory_space<semaphore_mem>>)
    %add3A_437 = arith.constant 48 : i32
    %add3A_438 = arith.addi %mul3A_2, %add3A_437 : i32
    %ge3A_439 = arith.constant 2000 : i32
    %ge3A_440 = arith.cmpi sge, %add3A_438, %ge3A_439 : i32
    %convert_element_type3A_441 = arith.extui %ge3A_440 : i1 to i32
    %add3A_442 = arith.constant 0 : i32
    %add3A_443 = arith.addi %add3A_442, %convert_element_type3A_441 : i32
    %ge3A_444 = arith.constant 4000 : i32
    %ge3A_445 = arith.cmpi sge, %add3A_438, %ge3A_444 : i32
    %convert_element_type3A_446 = arith.extui %ge3A_445 : i1 to i32
    %add3A_447 = arith.addi %add3A_443, %convert_element_type3A_446 : i32
    %ge3A_448 = arith.constant 6400 : i32
    %ge3A_449 = arith.cmpi sge, %add3A_438, %ge3A_448 : i32
    %convert_element_type3A_450 = arith.extui %ge3A_449 : i1 to i32
    %add3A_451 = arith.addi %add3A_447, %convert_element_type3A_450 : i32
    %ge3A_452 = arith.constant 8400 : i32
    %ge3A_453 = arith.cmpi sge, %add3A_438, %ge3A_452 : i32
    %convert_element_type3A_454 = arith.extui %ge3A_453 : i1 to i32
    %add3A_455 = arith.addi %add3A_451, %convert_element_type3A_454 : i32
    %gt3A_456 = arith.cmpi sgt, %add3A_455, %add3A_17 : i32
    %convert_element_type3A_457 = arith.extui %gt3A_456 : i1 to i32
    %dma_start3A_458 = arith.constant 0 : i32
    %dma_start3A_459 = arith.constant 0 : i32
    %dma_start3A_460 = tpu.memref_slice %arg4[%convert_element_type3A_457, %dma_start3A_458, %dma_start3A_459] : memref<2x4x8448xi32, #tpu.memory_space<vmem>> -> memref<1x4x8448xi32, #tpu.memory_space<vmem>>
    %dma_start3A_461 = tpu.memref_squeeze %dma_start3A_460 : memref<1x4x8448xi32, #tpu.memory_space<vmem>> -> memref<4x8448xi32, #tpu.memory_space<vmem>>
    %dma_start3A_462 = arith.constant 0 : i32
    %dma_start3A_463 = tpu.memref_slice %arg3[%add3A_438, %dma_start3A_462] : memref<8448x8448xi32, #tpu.memory_space<hbm>> -> memref<4x8448xi32, #tpu.memory_space<hbm>>
    %dma_start3A_464 = arith.constant 0 : i32
    %dma_start3A_465 = tpu.memref_slice %arg3[%add3A_438, %dma_start3A_464] : memref<8448x8448xi32, #tpu.memory_space<hbm>> -> memref<4x8448xi32, #tpu.memory_space<hbm>>
    %dma_start3A_466 = arith.constant 0 : i32
    %dma_start3A_467 = arith.constant 0 : i32
    %dma_start3A_468 = tpu.memref_slice %arg4[%convert_element_type3A_457, %dma_start3A_466, %dma_start3A_467] : memref<2x4x8448xi32, #tpu.memory_space<vmem>> -> memref<1x4x8448xi32, #tpu.memory_space<vmem>>
    %dma_start3A_469 = tpu.memref_squeeze %dma_start3A_468 : memref<1x4x8448xi32, #tpu.memory_space<vmem>> -> memref<4x8448xi32, #tpu.memory_space<vmem>>
    tpu.enqueue_dma source(%dma_start3A_469 : memref<4x8448xi32, #tpu.memory_space<vmem>>) target(%dma_start3A_465 : memref<4x8448xi32, #tpu.memory_space<hbm>>) target_semaphore(%arg5 : memref<!tpu.dma_semaphore, #tpu.memory_space<semaphore_mem>>)
    %add3A_470 = arith.constant 52 : i32
    %add3A_471 = arith.addi %mul3A_2, %add3A_470 : i32
    %ge3A_472 = arith.constant 2000 : i32
    %ge3A_473 = arith.cmpi sge, %add3A_471, %ge3A_472 : i32
    %convert_element_type3A_474 = arith.extui %ge3A_473 : i1 to i32
    %add3A_475 = arith.constant 0 : i32
    %add3A_476 = arith.addi %add3A_475, %convert_element_type3A_474 : i32
    %ge3A_477 = arith.constant 4000 : i32
    %ge3A_478 = arith.cmpi sge, %add3A_471, %ge3A_477 : i32
    %convert_element_type3A_479 = arith.extui %ge3A_478 : i1 to i32
    %add3A_480 = arith.addi %add3A_476, %convert_element_type3A_479 : i32
    %ge3A_481 = arith.constant 6400 : i32
    %ge3A_482 = arith.cmpi sge, %add3A_471, %ge3A_481 : i32
    %convert_element_type3A_483 = arith.extui %ge3A_482 : i1 to i32
    %add3A_484 = arith.addi %add3A_480, %convert_element_type3A_483 : i32
    %ge3A_485 = arith.constant 8400 : i32
    %ge3A_486 = arith.cmpi sge, %add3A_471, %ge3A_485 : i32
    %convert_element_type3A_487 = arith.extui %ge3A_486 : i1 to i32
    %add3A_488 = arith.addi %add3A_484, %convert_element_type3A_487 : i32
    %gt3A_489 = arith.cmpi sgt, %add3A_488, %add3A_17 : i32
    %convert_element_type3A_490 = arith.extui %gt3A_489 : i1 to i32
    %dma_start3A_491 = arith.constant 0 : i32
    %dma_start3A_492 = arith.constant 0 : i32
    %dma_start3A_493 = tpu.memref_slice %arg4[%convert_element_type3A_490, %dma_start3A_491, %dma_start3A_492] : memref<2x4x8448xi32, #tpu.memory_space<vmem>> -> memref<1x4x8448xi32, #tpu.memory_space<vmem>>
    %dma_start3A_494 = tpu.memref_squeeze %dma_start3A_493 : memref<1x4x8448xi32, #tpu.memory_space<vmem>> -> memref<4x8448xi32, #tpu.memory_space<vmem>>
    %dma_start3A_495 = arith.constant 0 : i32
    %dma_start3A_496 = tpu.memref_slice %arg3[%add3A_471, %dma_start3A_495] : memref<8448x8448xi32, #tpu.memory_space<hbm>> -> memref<4x8448xi32, #tpu.memory_space<hbm>>
    %dma_start3A_497 = arith.constant 0 : i32
    %dma_start3A_498 = tpu.memref_slice %arg3[%add3A_471, %dma_start3A_497] : memref<8448x8448xi32, #tpu.memory_space<hbm>> -> memref<4x8448xi32, #tpu.memory_space<hbm>>
    %dma_start3A_499 = arith.constant 0 : i32
    %dma_start3A_500 = arith.constant 0 : i32
    %dma_start3A_501 = tpu.memref_slice %arg4[%convert_element_type3A_490, %dma_start3A_499, %dma_start3A_500] : memref<2x4x8448xi32, #tpu.memory_space<vmem>> -> memref<1x4x8448xi32, #tpu.memory_space<vmem>>
    %dma_start3A_502 = tpu.memref_squeeze %dma_start3A_501 : memref<1x4x8448xi32, #tpu.memory_space<vmem>> -> memref<4x8448xi32, #tpu.memory_space<vmem>>
    tpu.enqueue_dma source(%dma_start3A_502 : memref<4x8448xi32, #tpu.memory_space<vmem>>) target(%dma_start3A_498 : memref<4x8448xi32, #tpu.memory_space<hbm>>) target_semaphore(%arg5 : memref<!tpu.dma_semaphore, #tpu.memory_space<semaphore_mem>>)
    %add3A_503 = arith.constant 56 : i32
    %add3A_504 = arith.addi %mul3A_2, %add3A_503 : i32
    %ge3A_505 = arith.constant 2000 : i32
    %ge3A_506 = arith.cmpi sge, %add3A_504, %ge3A_505 : i32
    %convert_element_type3A_507 = arith.extui %ge3A_506 : i1 to i32
    %add3A_508 = arith.constant 0 : i32
    %add3A_509 = arith.addi %add3A_508, %convert_element_type3A_507 : i32
    %ge3A_510 = arith.constant 4000 : i32
    %ge3A_511 = arith.cmpi sge, %add3A_504, %ge3A_510 : i32
    %convert_element_type3A_512 = arith.extui %ge3A_511 : i1 to i32
    %add3A_513 = arith.addi %add3A_509, %convert_element_type3A_512 : i32
    %ge3A_514 = arith.constant 6400 : i32
    %ge3A_515 = arith.cmpi sge, %add3A_504, %ge3A_514 : i32
    %convert_element_type3A_516 = arith.extui %ge3A_515 : i1 to i32
    %add3A_517 = arith.addi %add3A_513, %convert_element_type3A_516 : i32
    %ge3A_518 = arith.constant 8400 : i32
    %ge3A_519 = arith.cmpi sge, %add3A_504, %ge3A_518 : i32
    %convert_element_type3A_520 = arith.extui %ge3A_519 : i1 to i32
    %add3A_521 = arith.addi %add3A_517, %convert_element_type3A_520 : i32
    %gt3A_522 = arith.cmpi sgt, %add3A_521, %add3A_17 : i32
    %convert_element_type3A_523 = arith.extui %gt3A_522 : i1 to i32
    %dma_start3A_524 = arith.constant 0 : i32
    %dma_start3A_525 = arith.constant 0 : i32
    %dma_start3A_526 = tpu.memref_slice %arg4[%convert_element_type3A_523, %dma_start3A_524, %dma_start3A_525] : memref<2x4x8448xi32, #tpu.memory_space<vmem>> -> memref<1x4x8448xi32, #tpu.memory_space<vmem>>
    %dma_start3A_527 = tpu.memref_squeeze %dma_start3A_526 : memref<1x4x8448xi32, #tpu.memory_space<vmem>> -> memref<4x8448xi32, #tpu.memory_space<vmem>>
    %dma_start3A_528 = arith.constant 0 : i32
    %dma_start3A_529 = tpu.memref_slice %arg3[%add3A_504, %dma_start3A_528] : memref<8448x8448xi32, #tpu.memory_space<hbm>> -> memref<4x8448xi32, #tpu.memory_space<hbm>>
    %dma_start3A_530 = arith.constant 0 : i32
    %dma_start3A_531 = tpu.memref_slice %arg3[%add3A_504, %dma_start3A_530] : memref<8448x8448xi32, #tpu.memory_space<hbm>> -> memref<4x8448xi32, #tpu.memory_space<hbm>>
    %dma_start3A_532 = arith.constant 0 : i32
    %dma_start3A_533 = arith.constant 0 : i32
    %dma_start3A_534 = tpu.memref_slice %arg4[%convert_element_type3A_523, %dma_start3A_532, %dma_start3A_533] : memref<2x4x8448xi32, #tpu.memory_space<vmem>> -> memref<1x4x8448xi32, #tpu.memory_space<vmem>>
    %dma_start3A_535 = tpu.memref_squeeze %dma_start3A_534 : memref<1x4x8448xi32, #tpu.memory_space<vmem>> -> memref<4x8448xi32, #tpu.memory_space<vmem>>
    tpu.enqueue_dma source(%dma_start3A_535 : memref<4x8448xi32, #tpu.memory_space<vmem>>) target(%dma_start3A_531 : memref<4x8448xi32, #tpu.memory_space<hbm>>) target_semaphore(%arg5 : memref<!tpu.dma_semaphore, #tpu.memory_space<semaphore_mem>>)
    %add3A_536 = arith.constant 60 : i32
    %add3A_537 = arith.addi %mul3A_2, %add3A_536 : i32
    %ge3A_538 = arith.constant 2000 : i32
    %ge3A_539 = arith.cmpi sge, %add3A_537, %ge3A_538 : i32
    %convert_element_type3A_540 = arith.extui %ge3A_539 : i1 to i32
    %add3A_541 = arith.constant 0 : i32
    %add3A_542 = arith.addi %add3A_541, %convert_element_type3A_540 : i32
    %ge3A_543 = arith.constant 4000 : i32
    %ge3A_544 = arith.cmpi sge, %add3A_537, %ge3A_543 : i32
    %convert_element_type3A_545 = arith.extui %ge3A_544 : i1 to i32
    %add3A_546 = arith.addi %add3A_542, %convert_element_type3A_545 : i32
    %ge3A_547 = arith.constant 6400 : i32
    %ge3A_548 = arith.cmpi sge, %add3A_537, %ge3A_547 : i32
    %convert_element_type3A_549 = arith.extui %ge3A_548 : i1 to i32
    %add3A_550 = arith.addi %add3A_546, %convert_element_type3A_549 : i32
    %ge3A_551 = arith.constant 8400 : i32
    %ge3A_552 = arith.cmpi sge, %add3A_537, %ge3A_551 : i32
    %convert_element_type3A_553 = arith.extui %ge3A_552 : i1 to i32
    %add3A_554 = arith.addi %add3A_550, %convert_element_type3A_553 : i32
    %gt3A_555 = arith.cmpi sgt, %add3A_554, %add3A_17 : i32
    %convert_element_type3A_556 = arith.extui %gt3A_555 : i1 to i32
    %dma_start3A_557 = arith.constant 0 : i32
    %dma_start3A_558 = arith.constant 0 : i32
    %dma_start3A_559 = tpu.memref_slice %arg4[%convert_element_type3A_556, %dma_start3A_557, %dma_start3A_558] : memref<2x4x8448xi32, #tpu.memory_space<vmem>> -> memref<1x4x8448xi32, #tpu.memory_space<vmem>>
    %dma_start3A_560 = tpu.memref_squeeze %dma_start3A_559 : memref<1x4x8448xi32, #tpu.memory_space<vmem>> -> memref<4x8448xi32, #tpu.memory_space<vmem>>
    %dma_start3A_561 = arith.constant 0 : i32
    %dma_start3A_562 = tpu.memref_slice %arg3[%add3A_537, %dma_start3A_561] : memref<8448x8448xi32, #tpu.memory_space<hbm>> -> memref<4x8448xi32, #tpu.memory_space<hbm>>
    %dma_start3A_563 = arith.constant 0 : i32
    %dma_start3A_564 = tpu.memref_slice %arg3[%add3A_537, %dma_start3A_563] : memref<8448x8448xi32, #tpu.memory_space<hbm>> -> memref<4x8448xi32, #tpu.memory_space<hbm>>
    %dma_start3A_565 = arith.constant 0 : i32
    %dma_start3A_566 = arith.constant 0 : i32
    %dma_start3A_567 = tpu.memref_slice %arg4[%convert_element_type3A_556, %dma_start3A_565, %dma_start3A_566] : memref<2x4x8448xi32, #tpu.memory_space<vmem>> -> memref<1x4x8448xi32, #tpu.memory_space<vmem>>
    %dma_start3A_568 = tpu.memref_squeeze %dma_start3A_567 : memref<1x4x8448xi32, #tpu.memory_space<vmem>> -> memref<4x8448xi32, #tpu.memory_space<vmem>>
    tpu.enqueue_dma source(%dma_start3A_568 : memref<4x8448xi32, #tpu.memory_space<vmem>>) target(%dma_start3A_564 : memref<4x8448xi32, #tpu.memory_space<hbm>>) target_semaphore(%arg5 : memref<!tpu.dma_semaphore, #tpu.memory_space<semaphore_mem>>)
    %add3A_569 = arith.constant 64 : i32
    %add3A_570 = arith.addi %mul3A_2, %add3A_569 : i32
    %ge3A_571 = arith.constant 2000 : i32
    %ge3A_572 = arith.cmpi sge, %add3A_570, %ge3A_571 : i32
    %convert_element_type3A_573 = arith.extui %ge3A_572 : i1 to i32
    %add3A_574 = arith.constant 0 : i32
    %add3A_575 = arith.addi %add3A_574, %convert_element_type3A_573 : i32
    %ge3A_576 = arith.constant 4000 : i32
    %ge3A_577 = arith.cmpi sge, %add3A_570, %ge3A_576 : i32
    %convert_element_type3A_578 = arith.extui %ge3A_577 : i1 to i32
    %add3A_579 = arith.addi %add3A_575, %convert_element_type3A_578 : i32
    %ge3A_580 = arith.constant 6400 : i32
    %ge3A_581 = arith.cmpi sge, %add3A_570, %ge3A_580 : i32
    %convert_element_type3A_582 = arith.extui %ge3A_581 : i1 to i32
    %add3A_583 = arith.addi %add3A_579, %convert_element_type3A_582 : i32
    %ge3A_584 = arith.constant 8400 : i32
    %ge3A_585 = arith.cmpi sge, %add3A_570, %ge3A_584 : i32
    %convert_element_type3A_586 = arith.extui %ge3A_585 : i1 to i32
    %add3A_587 = arith.addi %add3A_583, %convert_element_type3A_586 : i32
    %gt3A_588 = arith.cmpi sgt, %add3A_587, %add3A_17 : i32
    %convert_element_type3A_589 = arith.extui %gt3A_588 : i1 to i32
    %dma_start3A_590 = arith.constant 0 : i32
    %dma_start3A_591 = arith.constant 0 : i32
    %dma_start3A_592 = tpu.memref_slice %arg4[%convert_element_type3A_589, %dma_start3A_590, %dma_start3A_591] : memref<2x4x8448xi32, #tpu.memory_space<vmem>> -> memref<1x4x8448xi32, #tpu.memory_space<vmem>>
    %dma_start3A_593 = tpu.memref_squeeze %dma_start3A_592 : memref<1x4x8448xi32, #tpu.memory_space<vmem>> -> memref<4x8448xi32, #tpu.memory_space<vmem>>
    %dma_start3A_594 = arith.constant 0 : i32
    %dma_start3A_595 = tpu.memref_slice %arg3[%add3A_570, %dma_start3A_594] : memref<8448x8448xi32, #tpu.memory_space<hbm>> -> memref<4x8448xi32, #tpu.memory_space<hbm>>
    %dma_start3A_596 = arith.constant 0 : i32
    %dma_start3A_597 = tpu.memref_slice %arg3[%add3A_570, %dma_start3A_596] : memref<8448x8448xi32, #tpu.memory_space<hbm>> -> memref<4x8448xi32, #tpu.memory_space<hbm>>
    %dma_start3A_598 = arith.constant 0 : i32
    %dma_start3A_599 = arith.constant 0 : i32
    %dma_start3A_600 = tpu.memref_slice %arg4[%convert_element_type3A_589, %dma_start3A_598, %dma_start3A_599] : memref<2x4x8448xi32, #tpu.memory_space<vmem>> -> memref<1x4x8448xi32, #tpu.memory_space<vmem>>
    %dma_start3A_601 = tpu.memref_squeeze %dma_start3A_600 : memref<1x4x8448xi32, #tpu.memory_space<vmem>> -> memref<4x8448xi32, #tpu.memory_space<vmem>>
    tpu.enqueue_dma source(%dma_start3A_601 : memref<4x8448xi32, #tpu.memory_space<vmem>>) target(%dma_start3A_597 : memref<4x8448xi32, #tpu.memory_space<hbm>>) target_semaphore(%arg5 : memref<!tpu.dma_semaphore, #tpu.memory_space<semaphore_mem>>)
    %add3A_602 = arith.constant 68 : i32
    %add3A_603 = arith.addi %mul3A_2, %add3A_602 : i32
    %ge3A_604 = arith.constant 2000 : i32
    %ge3A_605 = arith.cmpi sge, %add3A_603, %ge3A_604 : i32
    %convert_element_type3A_606 = arith.extui %ge3A_605 : i1 to i32
    %add3A_607 = arith.constant 0 : i32
    %add3A_608 = arith.addi %add3A_607, %convert_element_type3A_606 : i32
    %ge3A_609 = arith.constant 4000 : i32
    %ge3A_610 = arith.cmpi sge, %add3A_603, %ge3A_609 : i32
    %convert_element_type3A_611 = arith.extui %ge3A_610 : i1 to i32
    %add3A_612 = arith.addi %add3A_608, %convert_element_type3A_611 : i32
    %ge3A_613 = arith.constant 6400 : i32
    %ge3A_614 = arith.cmpi sge, %add3A_603, %ge3A_613 : i32
    %convert_element_type3A_615 = arith.extui %ge3A_614 : i1 to i32
    %add3A_616 = arith.addi %add3A_612, %convert_element_type3A_615 : i32
    %ge3A_617 = arith.constant 8400 : i32
    %ge3A_618 = arith.cmpi sge, %add3A_603, %ge3A_617 : i32
    %convert_element_type3A_619 = arith.extui %ge3A_618 : i1 to i32
    %add3A_620 = arith.addi %add3A_616, %convert_element_type3A_619 : i32
    %gt3A_621 = arith.cmpi sgt, %add3A_620, %add3A_17 : i32
    %convert_element_type3A_622 = arith.extui %gt3A_621 : i1 to i32
    %dma_start3A_623 = arith.constant 0 : i32
    %dma_start3A_624 = arith.constant 0 : i32
    %dma_start3A_625 = tpu.memref_slice %arg4[%convert_element_type3A_622, %dma_start3A_623, %dma_start3A_624] : memref<2x4x8448xi32, #tpu.memory_space<vmem>> -> memref<1x4x8448xi32, #tpu.memory_space<vmem>>
    %dma_start3A_626 = tpu.memref_squeeze %dma_start3A_625 : memref<1x4x8448xi32, #tpu.memory_space<vmem>> -> memref<4x8448xi32, #tpu.memory_space<vmem>>
    %dma_start3A_627 = arith.constant 0 : i32
    %dma_start3A_628 = tpu.memref_slice %arg3[%add3A_603, %dma_start3A_627] : memref<8448x8448xi32, #tpu.memory_space<hbm>> -> memref<4x8448xi32, #tpu.memory_space<hbm>>
    %dma_start3A_629 = arith.constant 0 : i32
    %dma_start3A_630 = tpu.memref_slice %arg3[%add3A_603, %dma_start3A_629] : memref<8448x8448xi32, #tpu.memory_space<hbm>> -> memref<4x8448xi32, #tpu.memory_space<hbm>>
    %dma_start3A_631 = arith.constant 0 : i32
    %dma_start3A_632 = arith.constant 0 : i32
    %dma_start3A_633 = tpu.memref_slice %arg4[%convert_element_type3A_622, %dma_start3A_631, %dma_start3A_632] : memref<2x4x8448xi32, #tpu.memory_space<vmem>> -> memref<1x4x8448xi32, #tpu.memory_space<vmem>>
    %dma_start3A_634 = tpu.memref_squeeze %dma_start3A_633 : memref<1x4x8448xi32, #tpu.memory_space<vmem>> -> memref<4x8448xi32, #tpu.memory_space<vmem>>
    tpu.enqueue_dma source(%dma_start3A_634 : memref<4x8448xi32, #tpu.memory_space<vmem>>) target(%dma_start3A_630 : memref<4x8448xi32, #tpu.memory_space<hbm>>) target_semaphore(%arg5 : memref<!tpu.dma_semaphore, #tpu.memory_space<semaphore_mem>>)
    %add3A_635 = arith.constant 72 : i32
    %add3A_636 = arith.addi %mul3A_2, %add3A_635 : i32
    %ge3A_637 = arith.constant 2000 : i32
    %ge3A_638 = arith.cmpi sge, %add3A_636, %ge3A_637 : i32
    %convert_element_type3A_639 = arith.extui %ge3A_638 : i1 to i32
    %add3A_640 = arith.constant 0 : i32
    %add3A_641 = arith.addi %add3A_640, %convert_element_type3A_639 : i32
    %ge3A_642 = arith.constant 4000 : i32
    %ge3A_643 = arith.cmpi sge, %add3A_636, %ge3A_642 : i32
    %convert_element_type3A_644 = arith.extui %ge3A_643 : i1 to i32
    %add3A_645 = arith.addi %add3A_641, %convert_element_type3A_644 : i32
    %ge3A_646 = arith.constant 6400 : i32
    %ge3A_647 = arith.cmpi sge, %add3A_636, %ge3A_646 : i32
    %convert_element_type3A_648 = arith.extui %ge3A_647 : i1 to i32
    %add3A_649 = arith.addi %add3A_645, %convert_element_type3A_648 : i32
    %ge3A_650 = arith.constant 8400 : i32
    %ge3A_651 = arith.cmpi sge, %add3A_636, %ge3A_650 : i32
    %convert_element_type3A_652 = arith.extui %ge3A_651 : i1 to i32
    %add3A_653 = arith.addi %add3A_649, %convert_element_type3A_652 : i32
    %gt3A_654 = arith.cmpi sgt, %add3A_653, %add3A_17 : i32
    %convert_element_type3A_655 = arith.extui %gt3A_654 : i1 to i32
    %dma_start3A_656 = arith.constant 0 : i32
    %dma_start3A_657 = arith.constant 0 : i32
    %dma_start3A_658 = tpu.memref_slice %arg4[%convert_element_type3A_655, %dma_start3A_656, %dma_start3A_657] : memref<2x4x8448xi32, #tpu.memory_space<vmem>> -> memref<1x4x8448xi32, #tpu.memory_space<vmem>>
    %dma_start3A_659 = tpu.memref_squeeze %dma_start3A_658 : memref<1x4x8448xi32, #tpu.memory_space<vmem>> -> memref<4x8448xi32, #tpu.memory_space<vmem>>
    %dma_start3A_660 = arith.constant 0 : i32
    %dma_start3A_661 = tpu.memref_slice %arg3[%add3A_636, %dma_start3A_660] : memref<8448x8448xi32, #tpu.memory_space<hbm>> -> memref<4x8448xi32, #tpu.memory_space<hbm>>
    %dma_start3A_662 = arith.constant 0 : i32
    %dma_start3A_663 = tpu.memref_slice %arg3[%add3A_636, %dma_start3A_662] : memref<8448x8448xi32, #tpu.memory_space<hbm>> -> memref<4x8448xi32, #tpu.memory_space<hbm>>
    %dma_start3A_664 = arith.constant 0 : i32
    %dma_start3A_665 = arith.constant 0 : i32
    %dma_start3A_666 = tpu.memref_slice %arg4[%convert_element_type3A_655, %dma_start3A_664, %dma_start3A_665] : memref<2x4x8448xi32, #tpu.memory_space<vmem>> -> memref<1x4x8448xi32, #tpu.memory_space<vmem>>
    %dma_start3A_667 = tpu.memref_squeeze %dma_start3A_666 : memref<1x4x8448xi32, #tpu.memory_space<vmem>> -> memref<4x8448xi32, #tpu.memory_space<vmem>>
    tpu.enqueue_dma source(%dma_start3A_667 : memref<4x8448xi32, #tpu.memory_space<vmem>>) target(%dma_start3A_663 : memref<4x8448xi32, #tpu.memory_space<hbm>>) target_semaphore(%arg5 : memref<!tpu.dma_semaphore, #tpu.memory_space<semaphore_mem>>)
    %add3A_668 = arith.constant 76 : i32
    %add3A_669 = arith.addi %mul3A_2, %add3A_668 : i32
    %ge3A_670 = arith.constant 2000 : i32
    %ge3A_671 = arith.cmpi sge, %add3A_669, %ge3A_670 : i32
    %convert_element_type3A_672 = arith.extui %ge3A_671 : i1 to i32
    %add3A_673 = arith.constant 0 : i32
    %add3A_674 = arith.addi %add3A_673, %convert_element_type3A_672 : i32
    %ge3A_675 = arith.constant 4000 : i32
    %ge3A_676 = arith.cmpi sge, %add3A_669, %ge3A_675 : i32
    %convert_element_type3A_677 = arith.extui %ge3A_676 : i1 to i32
    %add3A_678 = arith.addi %add3A_674, %convert_element_type3A_677 : i32
    %ge3A_679 = arith.constant 6400 : i32
    %ge3A_680 = arith.cmpi sge, %add3A_669, %ge3A_679 : i32
    %convert_element_type3A_681 = arith.extui %ge3A_680 : i1 to i32
    %add3A_682 = arith.addi %add3A_678, %convert_element_type3A_681 : i32
    %ge3A_683 = arith.constant 8400 : i32
    %ge3A_684 = arith.cmpi sge, %add3A_669, %ge3A_683 : i32
    %convert_element_type3A_685 = arith.extui %ge3A_684 : i1 to i32
    %add3A_686 = arith.addi %add3A_682, %convert_element_type3A_685 : i32
    %gt3A_687 = arith.cmpi sgt, %add3A_686, %add3A_17 : i32
    %convert_element_type3A_688 = arith.extui %gt3A_687 : i1 to i32
    %dma_start3A_689 = arith.constant 0 : i32
    %dma_start3A_690 = arith.constant 0 : i32
    %dma_start3A_691 = tpu.memref_slice %arg4[%convert_element_type3A_688, %dma_start3A_689, %dma_start3A_690] : memref<2x4x8448xi32, #tpu.memory_space<vmem>> -> memref<1x4x8448xi32, #tpu.memory_space<vmem>>
    %dma_start3A_692 = tpu.memref_squeeze %dma_start3A_691 : memref<1x4x8448xi32, #tpu.memory_space<vmem>> -> memref<4x8448xi32, #tpu.memory_space<vmem>>
    %dma_start3A_693 = arith.constant 0 : i32
    %dma_start3A_694 = tpu.memref_slice %arg3[%add3A_669, %dma_start3A_693] : memref<8448x8448xi32, #tpu.memory_space<hbm>> -> memref<4x8448xi32, #tpu.memory_space<hbm>>
    %dma_start3A_695 = arith.constant 0 : i32
    %dma_start3A_696 = tpu.memref_slice %arg3[%add3A_669, %dma_start3A_695] : memref<8448x8448xi32, #tpu.memory_space<hbm>> -> memref<4x8448xi32, #tpu.memory_space<hbm>>
    %dma_start3A_697 = arith.constant 0 : i32
    %dma_start3A_698 = arith.constant 0 : i32
    %dma_start3A_699 = tpu.memref_slice %arg4[%convert_element_type3A_688, %dma_start3A_697, %dma_start3A_698] : memref<2x4x8448xi32, #tpu.memory_space<vmem>> -> memref<1x4x8448xi32, #tpu.memory_space<vmem>>
    %dma_start3A_700 = tpu.memref_squeeze %dma_start3A_699 : memref<1x4x8448xi32, #tpu.memory_space<vmem>> -> memref<4x8448xi32, #tpu.memory_space<vmem>>
    tpu.enqueue_dma source(%dma_start3A_700 : memref<4x8448xi32, #tpu.memory_space<vmem>>) target(%dma_start3A_696 : memref<4x8448xi32, #tpu.memory_space<hbm>>) target_semaphore(%arg5 : memref<!tpu.dma_semaphore, #tpu.memory_space<semaphore_mem>>)
    %add3A_701 = arith.constant 80 : i32
    %add3A_702 = arith.addi %mul3A_2, %add3A_701 : i32
    %ge3A_703 = arith.constant 2000 : i32
    %ge3A_704 = arith.cmpi sge, %add3A_702, %ge3A_703 : i32
    %convert_element_type3A_705 = arith.extui %ge3A_704 : i1 to i32
    %add3A_706 = arith.constant 0 : i32
    %add3A_707 = arith.addi %add3A_706, %convert_element_type3A_705 : i32
    %ge3A_708 = arith.constant 4000 : i32
    %ge3A_709 = arith.cmpi sge, %add3A_702, %ge3A_708 : i32
    %convert_element_type3A_710 = arith.extui %ge3A_709 : i1 to i32
    %add3A_711 = arith.addi %add3A_707, %convert_element_type3A_710 : i32
    %ge3A_712 = arith.constant 6400 : i32
    %ge3A_713 = arith.cmpi sge, %add3A_702, %ge3A_712 : i32
    %convert_element_type3A_714 = arith.extui %ge3A_713 : i1 to i32
    %add3A_715 = arith.addi %add3A_711, %convert_element_type3A_714 : i32
    %ge3A_716 = arith.constant 8400 : i32
    %ge3A_717 = arith.cmpi sge, %add3A_702, %ge3A_716 : i32
    %convert_element_type3A_718 = arith.extui %ge3A_717 : i1 to i32
    %add3A_719 = arith.addi %add3A_715, %convert_element_type3A_718 : i32
    %gt3A_720 = arith.cmpi sgt, %add3A_719, %add3A_17 : i32
    %convert_element_type3A_721 = arith.extui %gt3A_720 : i1 to i32
    %dma_start3A_722 = arith.constant 0 : i32
    %dma_start3A_723 = arith.constant 0 : i32
    %dma_start3A_724 = tpu.memref_slice %arg4[%convert_element_type3A_721, %dma_start3A_722, %dma_start3A_723] : memref<2x4x8448xi32, #tpu.memory_space<vmem>> -> memref<1x4x8448xi32, #tpu.memory_space<vmem>>
    %dma_start3A_725 = tpu.memref_squeeze %dma_start3A_724 : memref<1x4x8448xi32, #tpu.memory_space<vmem>> -> memref<4x8448xi32, #tpu.memory_space<vmem>>
    %dma_start3A_726 = arith.constant 0 : i32
    %dma_start3A_727 = tpu.memref_slice %arg3[%add3A_702, %dma_start3A_726] : memref<8448x8448xi32, #tpu.memory_space<hbm>> -> memref<4x8448xi32, #tpu.memory_space<hbm>>
    %dma_start3A_728 = arith.constant 0 : i32
    %dma_start3A_729 = tpu.memref_slice %arg3[%add3A_702, %dma_start3A_728] : memref<8448x8448xi32, #tpu.memory_space<hbm>> -> memref<4x8448xi32, #tpu.memory_space<hbm>>
    %dma_start3A_730 = arith.constant 0 : i32
    %dma_start3A_731 = arith.constant 0 : i32
    %dma_start3A_732 = tpu.memref_slice %arg4[%convert_element_type3A_721, %dma_start3A_730, %dma_start3A_731] : memref<2x4x8448xi32, #tpu.memory_space<vmem>> -> memref<1x4x8448xi32, #tpu.memory_space<vmem>>
    %dma_start3A_733 = tpu.memref_squeeze %dma_start3A_732 : memref<1x4x8448xi32, #tpu.memory_space<vmem>> -> memref<4x8448xi32, #tpu.memory_space<vmem>>
    tpu.enqueue_dma source(%dma_start3A_733 : memref<4x8448xi32, #tpu.memory_space<vmem>>) target(%dma_start3A_729 : memref<4x8448xi32, #tpu.memory_space<hbm>>) target_semaphore(%arg5 : memref<!tpu.dma_semaphore, #tpu.memory_space<semaphore_mem>>)
    %add3A_734 = arith.constant 84 : i32
    %add3A_735 = arith.addi %mul3A_2, %add3A_734 : i32
    %ge3A_736 = arith.constant 2000 : i32
    %ge3A_737 = arith.cmpi sge, %add3A_735, %ge3A_736 : i32
    %convert_element_type3A_738 = arith.extui %ge3A_737 : i1 to i32
    %add3A_739 = arith.constant 0 : i32
    %add3A_740 = arith.addi %add3A_739, %convert_element_type3A_738 : i32
    %ge3A_741 = arith.constant 4000 : i32
    %ge3A_742 = arith.cmpi sge, %add3A_735, %ge3A_741 : i32
    %convert_element_type3A_743 = arith.extui %ge3A_742 : i1 to i32
    %add3A_744 = arith.addi %add3A_740, %convert_element_type3A_743 : i32
    %ge3A_745 = arith.constant 6400 : i32
    %ge3A_746 = arith.cmpi sge, %add3A_735, %ge3A_745 : i32
    %convert_element_type3A_747 = arith.extui %ge3A_746 : i1 to i32
    %add3A_748 = arith.addi %add3A_744, %convert_element_type3A_747 : i32
    %ge3A_749 = arith.constant 8400 : i32
    %ge3A_750 = arith.cmpi sge, %add3A_735, %ge3A_749 : i32
    %convert_element_type3A_751 = arith.extui %ge3A_750 : i1 to i32
    %add3A_752 = arith.addi %add3A_748, %convert_element_type3A_751 : i32
    %gt3A_753 = arith.cmpi sgt, %add3A_752, %add3A_17 : i32
    %convert_element_type3A_754 = arith.extui %gt3A_753 : i1 to i32
    %dma_start3A_755 = arith.constant 0 : i32
    %dma_start3A_756 = arith.constant 0 : i32
    %dma_start3A_757 = tpu.memref_slice %arg4[%convert_element_type3A_754, %dma_start3A_755, %dma_start3A_756] : memref<2x4x8448xi32, #tpu.memory_space<vmem>> -> memref<1x4x8448xi32, #tpu.memory_space<vmem>>
    %dma_start3A_758 = tpu.memref_squeeze %dma_start3A_757 : memref<1x4x8448xi32, #tpu.memory_space<vmem>> -> memref<4x8448xi32, #tpu.memory_space<vmem>>
    %dma_start3A_759 = arith.constant 0 : i32
    %dma_start3A_760 = tpu.memref_slice %arg3[%add3A_735, %dma_start3A_759] : memref<8448x8448xi32, #tpu.memory_space<hbm>> -> memref<4x8448xi32, #tpu.memory_space<hbm>>
    %dma_start3A_761 = arith.constant 0 : i32
    %dma_start3A_762 = tpu.memref_slice %arg3[%add3A_735, %dma_start3A_761] : memref<8448x8448xi32, #tpu.memory_space<hbm>> -> memref<4x8448xi32, #tpu.memory_space<hbm>>
    %dma_start3A_763 = arith.constant 0 : i32
    %dma_start3A_764 = arith.constant 0 : i32
    %dma_start3A_765 = tpu.memref_slice %arg4[%convert_element_type3A_754, %dma_start3A_763, %dma_start3A_764] : memref<2x4x8448xi32, #tpu.memory_space<vmem>> -> memref<1x4x8448xi32, #tpu.memory_space<vmem>>
    %dma_start3A_766 = tpu.memref_squeeze %dma_start3A_765 : memref<1x4x8448xi32, #tpu.memory_space<vmem>> -> memref<4x8448xi32, #tpu.memory_space<vmem>>
    tpu.enqueue_dma source(%dma_start3A_766 : memref<4x8448xi32, #tpu.memory_space<vmem>>) target(%dma_start3A_762 : memref<4x8448xi32, #tpu.memory_space<hbm>>) target_semaphore(%arg5 : memref<!tpu.dma_semaphore, #tpu.memory_space<semaphore_mem>>)
    %add3A_767 = arith.constant 88 : i32
    %add3A_768 = arith.addi %mul3A_2, %add3A_767 : i32
    %ge3A_769 = arith.constant 2000 : i32
    %ge3A_770 = arith.cmpi sge, %add3A_768, %ge3A_769 : i32
    %convert_element_type3A_771 = arith.extui %ge3A_770 : i1 to i32
    %add3A_772 = arith.constant 0 : i32
    %add3A_773 = arith.addi %add3A_772, %convert_element_type3A_771 : i32
    %ge3A_774 = arith.constant 4000 : i32
    %ge3A_775 = arith.cmpi sge, %add3A_768, %ge3A_774 : i32
    %convert_element_type3A_776 = arith.extui %ge3A_775 : i1 to i32
    %add3A_777 = arith.addi %add3A_773, %convert_element_type3A_776 : i32
    %ge3A_778 = arith.constant 6400 : i32
    %ge3A_779 = arith.cmpi sge, %add3A_768, %ge3A_778 : i32
    %convert_element_type3A_780 = arith.extui %ge3A_779 : i1 to i32
    %add3A_781 = arith.addi %add3A_777, %convert_element_type3A_780 : i32
    %ge3A_782 = arith.constant 8400 : i32
    %ge3A_783 = arith.cmpi sge, %add3A_768, %ge3A_782 : i32
    %convert_element_type3A_784 = arith.extui %ge3A_783 : i1 to i32
    %add3A_785 = arith.addi %add3A_781, %convert_element_type3A_784 : i32
    %gt3A_786 = arith.cmpi sgt, %add3A_785, %add3A_17 : i32
    %convert_element_type3A_787 = arith.extui %gt3A_786 : i1 to i32
    %dma_start3A_788 = arith.constant 0 : i32
    %dma_start3A_789 = arith.constant 0 : i32
    %dma_start3A_790 = tpu.memref_slice %arg4[%convert_element_type3A_787, %dma_start3A_788, %dma_start3A_789] : memref<2x4x8448xi32, #tpu.memory_space<vmem>> -> memref<1x4x8448xi32, #tpu.memory_space<vmem>>
    %dma_start3A_791 = tpu.memref_squeeze %dma_start3A_790 : memref<1x4x8448xi32, #tpu.memory_space<vmem>> -> memref<4x8448xi32, #tpu.memory_space<vmem>>
    %dma_start3A_792 = arith.constant 0 : i32
    %dma_start3A_793 = tpu.memref_slice %arg3[%add3A_768, %dma_start3A_792] : memref<8448x8448xi32, #tpu.memory_space<hbm>> -> memref<4x8448xi32, #tpu.memory_space<hbm>>
    %dma_start3A_794 = arith.constant 0 : i32
    %dma_start3A_795 = tpu.memref_slice %arg3[%add3A_768, %dma_start3A_794] : memref<8448x8448xi32, #tpu.memory_space<hbm>> -> memref<4x8448xi32, #tpu.memory_space<hbm>>
    %dma_start3A_796 = arith.constant 0 : i32
    %dma_start3A_797 = arith.constant 0 : i32
    %dma_start3A_798 = tpu.memref_slice %arg4[%convert_element_type3A_787, %dma_start3A_796, %dma_start3A_797] : memref<2x4x8448xi32, #tpu.memory_space<vmem>> -> memref<1x4x8448xi32, #tpu.memory_space<vmem>>
    %dma_start3A_799 = tpu.memref_squeeze %dma_start3A_798 : memref<1x4x8448xi32, #tpu.memory_space<vmem>> -> memref<4x8448xi32, #tpu.memory_space<vmem>>
    tpu.enqueue_dma source(%dma_start3A_799 : memref<4x8448xi32, #tpu.memory_space<vmem>>) target(%dma_start3A_795 : memref<4x8448xi32, #tpu.memory_space<hbm>>) target_semaphore(%arg5 : memref<!tpu.dma_semaphore, #tpu.memory_space<semaphore_mem>>)
    %add3A_800 = arith.constant 92 : i32
    %add3A_801 = arith.addi %mul3A_2, %add3A_800 : i32
    %ge3A_802 = arith.constant 2000 : i32
    %ge3A_803 = arith.cmpi sge, %add3A_801, %ge3A_802 : i32
    %convert_element_type3A_804 = arith.extui %ge3A_803 : i1 to i32
    %add3A_805 = arith.constant 0 : i32
    %add3A_806 = arith.addi %add3A_805, %convert_element_type3A_804 : i32
    %ge3A_807 = arith.constant 4000 : i32
    %ge3A_808 = arith.cmpi sge, %add3A_801, %ge3A_807 : i32
    %convert_element_type3A_809 = arith.extui %ge3A_808 : i1 to i32
    %add3A_810 = arith.addi %add3A_806, %convert_element_type3A_809 : i32
    %ge3A_811 = arith.constant 6400 : i32
    %ge3A_812 = arith.cmpi sge, %add3A_801, %ge3A_811 : i32
    %convert_element_type3A_813 = arith.extui %ge3A_812 : i1 to i32
    %add3A_814 = arith.addi %add3A_810, %convert_element_type3A_813 : i32
    %ge3A_815 = arith.constant 8400 : i32
    %ge3A_816 = arith.cmpi sge, %add3A_801, %ge3A_815 : i32
    %convert_element_type3A_817 = arith.extui %ge3A_816 : i1 to i32
    %add3A_818 = arith.addi %add3A_814, %convert_element_type3A_817 : i32
    %gt3A_819 = arith.cmpi sgt, %add3A_818, %add3A_17 : i32
    %convert_element_type3A_820 = arith.extui %gt3A_819 : i1 to i32
    %dma_start3A_821 = arith.constant 0 : i32
    %dma_start3A_822 = arith.constant 0 : i32
    %dma_start3A_823 = tpu.memref_slice %arg4[%convert_element_type3A_820, %dma_start3A_821, %dma_start3A_822] : memref<2x4x8448xi32, #tpu.memory_space<vmem>> -> memref<1x4x8448xi32, #tpu.memory_space<vmem>>
    %dma_start3A_824 = tpu.memref_squeeze %dma_start3A_823 : memref<1x4x8448xi32, #tpu.memory_space<vmem>> -> memref<4x8448xi32, #tpu.memory_space<vmem>>
    %dma_start3A_825 = arith.constant 0 : i32
    %dma_start3A_826 = tpu.memref_slice %arg3[%add3A_801, %dma_start3A_825] : memref<8448x8448xi32, #tpu.memory_space<hbm>> -> memref<4x8448xi32, #tpu.memory_space<hbm>>
    %dma_start3A_827 = arith.constant 0 : i32
    %dma_start3A_828 = tpu.memref_slice %arg3[%add3A_801, %dma_start3A_827] : memref<8448x8448xi32, #tpu.memory_space<hbm>> -> memref<4x8448xi32, #tpu.memory_space<hbm>>
    %dma_start3A_829 = arith.constant 0 : i32
    %dma_start3A_830 = arith.constant 0 : i32
    %dma_start3A_831 = tpu.memref_slice %arg4[%convert_element_type3A_820, %dma_start3A_829, %dma_start3A_830] : memref<2x4x8448xi32, #tpu.memory_space<vmem>> -> memref<1x4x8448xi32, #tpu.memory_space<vmem>>
    %dma_start3A_832 = tpu.memref_squeeze %dma_start3A_831 : memref<1x4x8448xi32, #tpu.memory_space<vmem>> -> memref<4x8448xi32, #tpu.memory_space<vmem>>
    tpu.enqueue_dma source(%dma_start3A_832 : memref<4x8448xi32, #tpu.memory_space<vmem>>) target(%dma_start3A_828 : memref<4x8448xi32, #tpu.memory_space<hbm>>) target_semaphore(%arg5 : memref<!tpu.dma_semaphore, #tpu.memory_space<semaphore_mem>>)
    %add3A_833 = arith.constant 96 : i32
    %add3A_834 = arith.addi %mul3A_2, %add3A_833 : i32
    %ge3A_835 = arith.constant 2000 : i32
    %ge3A_836 = arith.cmpi sge, %add3A_834, %ge3A_835 : i32
    %convert_element_type3A_837 = arith.extui %ge3A_836 : i1 to i32
    %add3A_838 = arith.constant 0 : i32
    %add3A_839 = arith.addi %add3A_838, %convert_element_type3A_837 : i32
    %ge3A_840 = arith.constant 4000 : i32
    %ge3A_841 = arith.cmpi sge, %add3A_834, %ge3A_840 : i32
    %convert_element_type3A_842 = arith.extui %ge3A_841 : i1 to i32
    %add3A_843 = arith.addi %add3A_839, %convert_element_type3A_842 : i32
    %ge3A_844 = arith.constant 6400 : i32
    %ge3A_845 = arith.cmpi sge, %add3A_834, %ge3A_844 : i32
    %convert_element_type3A_846 = arith.extui %ge3A_845 : i1 to i32
    %add3A_847 = arith.addi %add3A_843, %convert_element_type3A_846 : i32
    %ge3A_848 = arith.constant 8400 : i32
    %ge3A_849 = arith.cmpi sge, %add3A_834, %ge3A_848 : i32
    %convert_element_type3A_850 = arith.extui %ge3A_849 : i1 to i32
    %add3A_851 = arith.addi %add3A_847, %convert_element_type3A_850 : i32
    %gt3A_852 = arith.cmpi sgt, %add3A_851, %add3A_17 : i32
    %convert_element_type3A_853 = arith.extui %gt3A_852 : i1 to i32
    %dma_start3A_854 = arith.constant 0 : i32
    %dma_start3A_855 = arith.constant 0 : i32
    %dma_start3A_856 = tpu.memref_slice %arg4[%convert_element_type3A_853, %dma_start3A_854, %dma_start3A_855] : memref<2x4x8448xi32, #tpu.memory_space<vmem>> -> memref<1x4x8448xi32, #tpu.memory_space<vmem>>
    %dma_start3A_857 = tpu.memref_squeeze %dma_start3A_856 : memref<1x4x8448xi32, #tpu.memory_space<vmem>> -> memref<4x8448xi32, #tpu.memory_space<vmem>>
    %dma_start3A_858 = arith.constant 0 : i32
    %dma_start3A_859 = tpu.memref_slice %arg3[%add3A_834, %dma_start3A_858] : memref<8448x8448xi32, #tpu.memory_space<hbm>> -> memref<4x8448xi32, #tpu.memory_space<hbm>>
    %dma_start3A_860 = arith.constant 0 : i32
    %dma_start3A_861 = tpu.memref_slice %arg3[%add3A_834, %dma_start3A_860] : memref<8448x8448xi32, #tpu.memory_space<hbm>> -> memref<4x8448xi32, #tpu.memory_space<hbm>>
    %dma_start3A_862 = arith.constant 0 : i32
    %dma_start3A_863 = arith.constant 0 : i32
    %dma_start3A_864 = tpu.memref_slice %arg4[%convert_element_type3A_853, %dma_start3A_862, %dma_start3A_863] : memref<2x4x8448xi32, #tpu.memory_space<vmem>> -> memref<1x4x8448xi32, #tpu.memory_space<vmem>>
    %dma_start3A_865 = tpu.memref_squeeze %dma_start3A_864 : memref<1x4x8448xi32, #tpu.memory_space<vmem>> -> memref<4x8448xi32, #tpu.memory_space<vmem>>
    tpu.enqueue_dma source(%dma_start3A_865 : memref<4x8448xi32, #tpu.memory_space<vmem>>) target(%dma_start3A_861 : memref<4x8448xi32, #tpu.memory_space<hbm>>) target_semaphore(%arg5 : memref<!tpu.dma_semaphore, #tpu.memory_space<semaphore_mem>>)
    %add3A_866 = arith.constant 100 : i32
    %add3A_867 = arith.addi %mul3A_2, %add3A_866 : i32
    %ge3A_868 = arith.constant 2000 : i32
    %ge3A_869 = arith.cmpi sge, %add3A_867, %ge3A_868 : i32
    %convert_element_type3A_870 = arith.extui %ge3A_869 : i1 to i32
    %add3A_871 = arith.constant 0 : i32
    %add3A_872 = arith.addi %add3A_871, %convert_element_type3A_870 : i32
    %ge3A_873 = arith.constant 4000 : i32
    %ge3A_874 = arith.cmpi sge, %add3A_867, %ge3A_873 : i32
    %convert_element_type3A_875 = arith.extui %ge3A_874 : i1 to i32
    %add3A_876 = arith.addi %add3A_872, %convert_element_type3A_875 : i32
    %ge3A_877 = arith.constant 6400 : i32
    %ge3A_878 = arith.cmpi sge, %add3A_867, %ge3A_877 : i32
    %convert_element_type3A_879 = arith.extui %ge3A_878 : i1 to i32
    %add3A_880 = arith.addi %add3A_876, %convert_element_type3A_879 : i32
    %ge3A_881 = arith.constant 8400 : i32
    %ge3A_882 = arith.cmpi sge, %add3A_867, %ge3A_881 : i32
    %convert_element_type3A_883 = arith.extui %ge3A_882 : i1 to i32
    %add3A_884 = arith.addi %add3A_880, %convert_element_type3A_883 : i32
    %gt3A_885 = arith.cmpi sgt, %add3A_884, %add3A_17 : i32
    %convert_element_type3A_886 = arith.extui %gt3A_885 : i1 to i32
    %dma_start3A_887 = arith.constant 0 : i32
    %dma_start3A_888 = arith.constant 0 : i32
    %dma_start3A_889 = tpu.memref_slice %arg4[%convert_element_type3A_886, %dma_start3A_887, %dma_start3A_888] : memref<2x4x8448xi32, #tpu.memory_space<vmem>> -> memref<1x4x8448xi32, #tpu.memory_space<vmem>>
    %dma_start3A_890 = tpu.memref_squeeze %dma_start3A_889 : memref<1x4x8448xi32, #tpu.memory_space<vmem>> -> memref<4x8448xi32, #tpu.memory_space<vmem>>
    %dma_start3A_891 = arith.constant 0 : i32
    %dma_start3A_892 = tpu.memref_slice %arg3[%add3A_867, %dma_start3A_891] : memref<8448x8448xi32, #tpu.memory_space<hbm>> -> memref<4x8448xi32, #tpu.memory_space<hbm>>
    %dma_start3A_893 = arith.constant 0 : i32
    %dma_start3A_894 = tpu.memref_slice %arg3[%add3A_867, %dma_start3A_893] : memref<8448x8448xi32, #tpu.memory_space<hbm>> -> memref<4x8448xi32, #tpu.memory_space<hbm>>
    %dma_start3A_895 = arith.constant 0 : i32
    %dma_start3A_896 = arith.constant 0 : i32
    %dma_start3A_897 = tpu.memref_slice %arg4[%convert_element_type3A_886, %dma_start3A_895, %dma_start3A_896] : memref<2x4x8448xi32, #tpu.memory_space<vmem>> -> memref<1x4x8448xi32, #tpu.memory_space<vmem>>
    %dma_start3A_898 = tpu.memref_squeeze %dma_start3A_897 : memref<1x4x8448xi32, #tpu.memory_space<vmem>> -> memref<4x8448xi32, #tpu.memory_space<vmem>>
    tpu.enqueue_dma source(%dma_start3A_898 : memref<4x8448xi32, #tpu.memory_space<vmem>>) target(%dma_start3A_894 : memref<4x8448xi32, #tpu.memory_space<hbm>>) target_semaphore(%arg5 : memref<!tpu.dma_semaphore, #tpu.memory_space<semaphore_mem>>)
    %add3A_899 = arith.constant 104 : i32
    %add3A_900 = arith.addi %mul3A_2, %add3A_899 : i32
    %ge3A_901 = arith.constant 2000 : i32
    %ge3A_902 = arith.cmpi sge, %add3A_900, %ge3A_901 : i32
    %convert_element_type3A_903 = arith.extui %ge3A_902 : i1 to i32
    %add3A_904 = arith.constant 0 : i32
    %add3A_905 = arith.addi %add3A_904, %convert_element_type3A_903 : i32
    %ge3A_906 = arith.constant 4000 : i32
    %ge3A_907 = arith.cmpi sge, %add3A_900, %ge3A_906 : i32
    %convert_element_type3A_908 = arith.extui %ge3A_907 : i1 to i32
    %add3A_909 = arith.addi %add3A_905, %convert_element_type3A_908 : i32
    %ge3A_910 = arith.constant 6400 : i32
    %ge3A_911 = arith.cmpi sge, %add3A_900, %ge3A_910 : i32
    %convert_element_type3A_912 = arith.extui %ge3A_911 : i1 to i32
    %add3A_913 = arith.addi %add3A_909, %convert_element_type3A_912 : i32
    %ge3A_914 = arith.constant 8400 : i32
    %ge3A_915 = arith.cmpi sge, %add3A_900, %ge3A_914 : i32
    %convert_element_type3A_916 = arith.extui %ge3A_915 : i1 to i32
    %add3A_917 = arith.addi %add3A_913, %convert_element_type3A_916 : i32
    %gt3A_918 = arith.cmpi sgt, %add3A_917, %add3A_17 : i32
    %convert_element_type3A_919 = arith.extui %gt3A_918 : i1 to i32
    %dma_start3A_920 = arith.constant 0 : i32
    %dma_start3A_921 = arith.constant 0 : i32
    %dma_start3A_922 = tpu.memref_slice %arg4[%convert_element_type3A_919, %dma_start3A_920, %dma_start3A_921] : memref<2x4x8448xi32, #tpu.memory_space<vmem>> -> memref<1x4x8448xi32, #tpu.memory_space<vmem>>
    %dma_start3A_923 = tpu.memref_squeeze %dma_start3A_922 : memref<1x4x8448xi32, #tpu.memory_space<vmem>> -> memref<4x8448xi32, #tpu.memory_space<vmem>>
    %dma_start3A_924 = arith.constant 0 : i32
    %dma_start3A_925 = tpu.memref_slice %arg3[%add3A_900, %dma_start3A_924] : memref<8448x8448xi32, #tpu.memory_space<hbm>> -> memref<4x8448xi32, #tpu.memory_space<hbm>>
    %dma_start3A_926 = arith.constant 0 : i32
    %dma_start3A_927 = tpu.memref_slice %arg3[%add3A_900, %dma_start3A_926] : memref<8448x8448xi32, #tpu.memory_space<hbm>> -> memref<4x8448xi32, #tpu.memory_space<hbm>>
    %dma_start3A_928 = arith.constant 0 : i32
    %dma_start3A_929 = arith.constant 0 : i32
    %dma_start3A_930 = tpu.memref_slice %arg4[%convert_element_type3A_919, %dma_start3A_928, %dma_start3A_929] : memref<2x4x8448xi32, #tpu.memory_space<vmem>> -> memref<1x4x8448xi32, #tpu.memory_space<vmem>>
    %dma_start3A_931 = tpu.memref_squeeze %dma_start3A_930 : memref<1x4x8448xi32, #tpu.memory_space<vmem>> -> memref<4x8448xi32, #tpu.memory_space<vmem>>
    tpu.enqueue_dma source(%dma_start3A_931 : memref<4x8448xi32, #tpu.memory_space<vmem>>) target(%dma_start3A_927 : memref<4x8448xi32, #tpu.memory_space<hbm>>) target_semaphore(%arg5 : memref<!tpu.dma_semaphore, #tpu.memory_space<semaphore_mem>>)
    %add3A_932 = arith.constant 108 : i32
    %add3A_933 = arith.addi %mul3A_2, %add3A_932 : i32
    %ge3A_934 = arith.constant 2000 : i32
    %ge3A_935 = arith.cmpi sge, %add3A_933, %ge3A_934 : i32
    %convert_element_type3A_936 = arith.extui %ge3A_935 : i1 to i32
    %add3A_937 = arith.constant 0 : i32
    %add3A_938 = arith.addi %add3A_937, %convert_element_type3A_936 : i32
    %ge3A_939 = arith.constant 4000 : i32
    %ge3A_940 = arith.cmpi sge, %add3A_933, %ge3A_939 : i32
    %convert_element_type3A_941 = arith.extui %ge3A_940 : i1 to i32
    %add3A_942 = arith.addi %add3A_938, %convert_element_type3A_941 : i32
    %ge3A_943 = arith.constant 6400 : i32
    %ge3A_944 = arith.cmpi sge, %add3A_933, %ge3A_943 : i32
    %convert_element_type3A_945 = arith.extui %ge3A_944 : i1 to i32
    %add3A_946 = arith.addi %add3A_942, %convert_element_type3A_945 : i32
    %ge3A_947 = arith.constant 8400 : i32
    %ge3A_948 = arith.cmpi sge, %add3A_933, %ge3A_947 : i32
    %convert_element_type3A_949 = arith.extui %ge3A_948 : i1 to i32
    %add3A_950 = arith.addi %add3A_946, %convert_element_type3A_949 : i32
    %gt3A_951 = arith.cmpi sgt, %add3A_950, %add3A_17 : i32
    %convert_element_type3A_952 = arith.extui %gt3A_951 : i1 to i32
    %dma_start3A_953 = arith.constant 0 : i32
    %dma_start3A_954 = arith.constant 0 : i32
    %dma_start3A_955 = tpu.memref_slice %arg4[%convert_element_type3A_952, %dma_start3A_953, %dma_start3A_954] : memref<2x4x8448xi32, #tpu.memory_space<vmem>> -> memref<1x4x8448xi32, #tpu.memory_space<vmem>>
    %dma_start3A_956 = tpu.memref_squeeze %dma_start3A_955 : memref<1x4x8448xi32, #tpu.memory_space<vmem>> -> memref<4x8448xi32, #tpu.memory_space<vmem>>
    %dma_start3A_957 = arith.constant 0 : i32
    %dma_start3A_958 = tpu.memref_slice %arg3[%add3A_933, %dma_start3A_957] : memref<8448x8448xi32, #tpu.memory_space<hbm>> -> memref<4x8448xi32, #tpu.memory_space<hbm>>
    %dma_start3A_959 = arith.constant 0 : i32
    %dma_start3A_960 = tpu.memref_slice %arg3[%add3A_933, %dma_start3A_959] : memref<8448x8448xi32, #tpu.memory_space<hbm>> -> memref<4x8448xi32, #tpu.memory_space<hbm>>
    %dma_start3A_961 = arith.constant 0 : i32
    %dma_start3A_962 = arith.constant 0 : i32
    %dma_start3A_963 = tpu.memref_slice %arg4[%convert_element_type3A_952, %dma_start3A_961, %dma_start3A_962] : memref<2x4x8448xi32, #tpu.memory_space<vmem>> -> memref<1x4x8448xi32, #tpu.memory_space<vmem>>
    %dma_start3A_964 = tpu.memref_squeeze %dma_start3A_963 : memref<1x4x8448xi32, #tpu.memory_space<vmem>> -> memref<4x8448xi32, #tpu.memory_space<vmem>>
    tpu.enqueue_dma source(%dma_start3A_964 : memref<4x8448xi32, #tpu.memory_space<vmem>>) target(%dma_start3A_960 : memref<4x8448xi32, #tpu.memory_space<hbm>>) target_semaphore(%arg5 : memref<!tpu.dma_semaphore, #tpu.memory_space<semaphore_mem>>)
    %add3A_965 = arith.constant 112 : i32
    %add3A_966 = arith.addi %mul3A_2, %add3A_965 : i32
    %ge3A_967 = arith.constant 2000 : i32
    %ge3A_968 = arith.cmpi sge, %add3A_966, %ge3A_967 : i32
    %convert_element_type3A_969 = arith.extui %ge3A_968 : i1 to i32
    %add3A_970 = arith.constant 0 : i32
    %add3A_971 = arith.addi %add3A_970, %convert_element_type3A_969 : i32
    %ge3A_972 = arith.constant 4000 : i32
    %ge3A_973 = arith.cmpi sge, %add3A_966, %ge3A_972 : i32
    %convert_element_type3A_974 = arith.extui %ge3A_973 : i1 to i32
    %add3A_975 = arith.addi %add3A_971, %convert_element_type3A_974 : i32
    %ge3A_976 = arith.constant 6400 : i32
    %ge3A_977 = arith.cmpi sge, %add3A_966, %ge3A_976 : i32
    %convert_element_type3A_978 = arith.extui %ge3A_977 : i1 to i32
    %add3A_979 = arith.addi %add3A_975, %convert_element_type3A_978 : i32
    %ge3A_980 = arith.constant 8400 : i32
    %ge3A_981 = arith.cmpi sge, %add3A_966, %ge3A_980 : i32
    %convert_element_type3A_982 = arith.extui %ge3A_981 : i1 to i32
    %add3A_983 = arith.addi %add3A_979, %convert_element_type3A_982 : i32
    %gt3A_984 = arith.cmpi sgt, %add3A_983, %add3A_17 : i32
    %convert_element_type3A_985 = arith.extui %gt3A_984 : i1 to i32
    %dma_start3A_986 = arith.constant 0 : i32
    %dma_start3A_987 = arith.constant 0 : i32
    %dma_start3A_988 = tpu.memref_slice %arg4[%convert_element_type3A_985, %dma_start3A_986, %dma_start3A_987] : memref<2x4x8448xi32, #tpu.memory_space<vmem>> -> memref<1x4x8448xi32, #tpu.memory_space<vmem>>
    %dma_start3A_989 = tpu.memref_squeeze %dma_start3A_988 : memref<1x4x8448xi32, #tpu.memory_space<vmem>> -> memref<4x8448xi32, #tpu.memory_space<vmem>>
    %dma_start3A_990 = arith.constant 0 : i32
    %dma_start3A_991 = tpu.memref_slice %arg3[%add3A_966, %dma_start3A_990] : memref<8448x8448xi32, #tpu.memory_space<hbm>> -> memref<4x8448xi32, #tpu.memory_space<hbm>>
    %dma_start3A_992 = arith.constant 0 : i32
    %dma_start3A_993 = tpu.memref_slice %arg3[%add3A_966, %dma_start3A_992] : memref<8448x8448xi32, #tpu.memory_space<hbm>> -> memref<4x8448xi32, #tpu.memory_space<hbm>>
    %dma_start3A_994 = arith.constant 0 : i32
    %dma_start3A_995 = arith.constant 0 : i32
    %dma_start3A_996 = tpu.memref_slice %arg4[%convert_element_type3A_985, %dma_start3A_994, %dma_start3A_995] : memref<2x4x8448xi32, #tpu.memory_space<vmem>> -> memref<1x4x8448xi32, #tpu.memory_space<vmem>>
    %dma_start3A_997 = tpu.memref_squeeze %dma_start3A_996 : memref<1x4x8448xi32, #tpu.memory_space<vmem>> -> memref<4x8448xi32, #tpu.memory_space<vmem>>
    tpu.enqueue_dma source(%dma_start3A_997 : memref<4x8448xi32, #tpu.memory_space<vmem>>) target(%dma_start3A_993 : memref<4x8448xi32, #tpu.memory_space<hbm>>) target_semaphore(%arg5 : memref<!tpu.dma_semaphore, #tpu.memory_space<semaphore_mem>>)
    %add3A_998 = arith.constant 116 : i32
    %add3A_999 = arith.addi %mul3A_2, %add3A_998 : i32
    %ge3A_1000 = arith.constant 2000 : i32
    %ge3A_1001 = arith.cmpi sge, %add3A_999, %ge3A_1000 : i32
    %convert_element_type3A_1002 = arith.extui %ge3A_1001 : i1 to i32
    %add3A_1003 = arith.constant 0 : i32
    %add3A_1004 = arith.addi %add3A_1003, %convert_element_type3A_1002 : i32
    %ge3A_1005 = arith.constant 4000 : i32
    %ge3A_1006 = arith.cmpi sge, %add3A_999, %ge3A_1005 : i32
    %convert_element_type3A_1007 = arith.extui %ge3A_1006 : i1 to i32
    %add3A_1008 = arith.addi %add3A_1004, %convert_element_type3A_1007 : i32
    %ge3A_1009 = arith.constant 6400 : i32
    %ge3A_1010 = arith.cmpi sge, %add3A_999, %ge3A_1009 : i32
    %convert_element_type3A_1011 = arith.extui %ge3A_1010 : i1 to i32
    %add3A_1012 = arith.addi %add3A_1008, %convert_element_type3A_1011 : i32
    %ge3A_1013 = arith.constant 8400 : i32
    %ge3A_1014 = arith.cmpi sge, %add3A_999, %ge3A_1013 : i32
    %convert_element_type3A_1015 = arith.extui %ge3A_1014 : i1 to i32
    %add3A_1016 = arith.addi %add3A_1012, %convert_element_type3A_1015 : i32
    %gt3A_1017 = arith.cmpi sgt, %add3A_1016, %add3A_17 : i32
    %convert_element_type3A_1018 = arith.extui %gt3A_1017 : i1 to i32
    %dma_start3A_1019 = arith.constant 0 : i32
    %dma_start3A_1020 = arith.constant 0 : i32
    %dma_start3A_1021 = tpu.memref_slice %arg4[%convert_element_type3A_1018, %dma_start3A_1019, %dma_start3A_1020] : memref<2x4x8448xi32, #tpu.memory_space<vmem>> -> memref<1x4x8448xi32, #tpu.memory_space<vmem>>
    %dma_start3A_1022 = tpu.memref_squeeze %dma_start3A_1021 : memref<1x4x8448xi32, #tpu.memory_space<vmem>> -> memref<4x8448xi32, #tpu.memory_space<vmem>>
    %dma_start3A_1023 = arith.constant 0 : i32
    %dma_start3A_1024 = tpu.memref_slice %arg3[%add3A_999, %dma_start3A_1023] : memref<8448x8448xi32, #tpu.memory_space<hbm>> -> memref<4x8448xi32, #tpu.memory_space<hbm>>
    %dma_start3A_1025 = arith.constant 0 : i32
    %dma_start3A_1026 = tpu.memref_slice %arg3[%add3A_999, %dma_start3A_1025] : memref<8448x8448xi32, #tpu.memory_space<hbm>> -> memref<4x8448xi32, #tpu.memory_space<hbm>>
    %dma_start3A_1027 = arith.constant 0 : i32
    %dma_start3A_1028 = arith.constant 0 : i32
    %dma_start3A_1029 = tpu.memref_slice %arg4[%convert_element_type3A_1018, %dma_start3A_1027, %dma_start3A_1028] : memref<2x4x8448xi32, #tpu.memory_space<vmem>> -> memref<1x4x8448xi32, #tpu.memory_space<vmem>>
    %dma_start3A_1030 = tpu.memref_squeeze %dma_start3A_1029 : memref<1x4x8448xi32, #tpu.memory_space<vmem>> -> memref<4x8448xi32, #tpu.memory_space<vmem>>
    tpu.enqueue_dma source(%dma_start3A_1030 : memref<4x8448xi32, #tpu.memory_space<vmem>>) target(%dma_start3A_1026 : memref<4x8448xi32, #tpu.memory_space<hbm>>) target_semaphore(%arg5 : memref<!tpu.dma_semaphore, #tpu.memory_space<semaphore_mem>>)
    %add3A_1031 = arith.constant 120 : i32
    %add3A_1032 = arith.addi %mul3A_2, %add3A_1031 : i32
    %ge3A_1033 = arith.constant 2000 : i32
    %ge3A_1034 = arith.cmpi sge, %add3A_1032, %ge3A_1033 : i32
    %convert_element_type3A_1035 = arith.extui %ge3A_1034 : i1 to i32
    %add3A_1036 = arith.constant 0 : i32
    %add3A_1037 = arith.addi %add3A_1036, %convert_element_type3A_1035 : i32
    %ge3A_1038 = arith.constant 4000 : i32
    %ge3A_1039 = arith.cmpi sge, %add3A_1032, %ge3A_1038 : i32
    %convert_element_type3A_1040 = arith.extui %ge3A_1039 : i1 to i32
    %add3A_1041 = arith.addi %add3A_1037, %convert_element_type3A_1040 : i32
    %ge3A_1042 = arith.constant 6400 : i32
    %ge3A_1043 = arith.cmpi sge, %add3A_1032, %ge3A_1042 : i32
    %convert_element_type3A_1044 = arith.extui %ge3A_1043 : i1 to i32
    %add3A_1045 = arith.addi %add3A_1041, %convert_element_type3A_1044 : i32
    %ge3A_1046 = arith.constant 8400 : i32
    %ge3A_1047 = arith.cmpi sge, %add3A_1032, %ge3A_1046 : i32
    %convert_element_type3A_1048 = arith.extui %ge3A_1047 : i1 to i32
    %add3A_1049 = arith.addi %add3A_1045, %convert_element_type3A_1048 : i32
    %gt3A_1050 = arith.cmpi sgt, %add3A_1049, %add3A_17 : i32
    %convert_element_type3A_1051 = arith.extui %gt3A_1050 : i1 to i32
    %dma_start3A_1052 = arith.constant 0 : i32
    %dma_start3A_1053 = arith.constant 0 : i32
    %dma_start3A_1054 = tpu.memref_slice %arg4[%convert_element_type3A_1051, %dma_start3A_1052, %dma_start3A_1053] : memref<2x4x8448xi32, #tpu.memory_space<vmem>> -> memref<1x4x8448xi32, #tpu.memory_space<vmem>>
    %dma_start3A_1055 = tpu.memref_squeeze %dma_start3A_1054 : memref<1x4x8448xi32, #tpu.memory_space<vmem>> -> memref<4x8448xi32, #tpu.memory_space<vmem>>
    %dma_start3A_1056 = arith.constant 0 : i32
    %dma_start3A_1057 = tpu.memref_slice %arg3[%add3A_1032, %dma_start3A_1056] : memref<8448x8448xi32, #tpu.memory_space<hbm>> -> memref<4x8448xi32, #tpu.memory_space<hbm>>
    %dma_start3A_1058 = arith.constant 0 : i32
    %dma_start3A_1059 = tpu.memref_slice %arg3[%add3A_1032, %dma_start3A_1058] : memref<8448x8448xi32, #tpu.memory_space<hbm>> -> memref<4x8448xi32, #tpu.memory_space<hbm>>
    %dma_start3A_1060 = arith.constant 0 : i32
    %dma_start3A_1061 = arith.constant 0 : i32
    %dma_start3A_1062 = tpu.memref_slice %arg4[%convert_element_type3A_1051, %dma_start3A_1060, %dma_start3A_1061] : memref<2x4x8448xi32, #tpu.memory_space<vmem>> -> memref<1x4x8448xi32, #tpu.memory_space<vmem>>
    %dma_start3A_1063 = tpu.memref_squeeze %dma_start3A_1062 : memref<1x4x8448xi32, #tpu.memory_space<vmem>> -> memref<4x8448xi32, #tpu.memory_space<vmem>>
    tpu.enqueue_dma source(%dma_start3A_1063 : memref<4x8448xi32, #tpu.memory_space<vmem>>) target(%dma_start3A_1059 : memref<4x8448xi32, #tpu.memory_space<hbm>>) target_semaphore(%arg5 : memref<!tpu.dma_semaphore, #tpu.memory_space<semaphore_mem>>)
    %add3A_1064 = arith.constant 124 : i32
    %add3A_1065 = arith.addi %mul3A_2, %add3A_1064 : i32
    %ge3A_1066 = arith.constant 2000 : i32
    %ge3A_1067 = arith.cmpi sge, %add3A_1065, %ge3A_1066 : i32
    %convert_element_type3A_1068 = arith.extui %ge3A_1067 : i1 to i32
    %add3A_1069 = arith.constant 0 : i32
    %add3A_1070 = arith.addi %add3A_1069, %convert_element_type3A_1068 : i32
    %ge3A_1071 = arith.constant 4000 : i32
    %ge3A_1072 = arith.cmpi sge, %add3A_1065, %ge3A_1071 : i32
    %convert_element_type3A_1073 = arith.extui %ge3A_1072 : i1 to i32
    %add3A_1074 = arith.addi %add3A_1070, %convert_element_type3A_1073 : i32
    %ge3A_1075 = arith.constant 6400 : i32
    %ge3A_1076 = arith.cmpi sge, %add3A_1065, %ge3A_1075 : i32
    %convert_element_type3A_1077 = arith.extui %ge3A_1076 : i1 to i32
    %add3A_1078 = arith.addi %add3A_1074, %convert_element_type3A_1077 : i32
    %ge3A_1079 = arith.constant 8400 : i32
    %ge3A_1080 = arith.cmpi sge, %add3A_1065, %ge3A_1079 : i32
    %convert_element_type3A_1081 = arith.extui %ge3A_1080 : i1 to i32
    %add3A_1082 = arith.addi %add3A_1078, %convert_element_type3A_1081 : i32
    %gt3A_1083 = arith.cmpi sgt, %add3A_1082, %add3A_17 : i32
    %convert_element_type3A_1084 = arith.extui %gt3A_1083 : i1 to i32
    %dma_start3A_1085 = arith.constant 0 : i32
    %dma_start3A_1086 = arith.constant 0 : i32
    %dma_start3A_1087 = tpu.memref_slice %arg4[%convert_element_type3A_1084, %dma_start3A_1085, %dma_start3A_1086] : memref<2x4x8448xi32, #tpu.memory_space<vmem>> -> memref<1x4x8448xi32, #tpu.memory_space<vmem>>
    %dma_start3A_1088 = tpu.memref_squeeze %dma_start3A_1087 : memref<1x4x8448xi32, #tpu.memory_space<vmem>> -> memref<4x8448xi32, #tpu.memory_space<vmem>>
    %dma_start3A_1089 = arith.constant 0 : i32
    %dma_start3A_1090 = tpu.memref_slice %arg3[%add3A_1065, %dma_start3A_1089] : memref<8448x8448xi32, #tpu.memory_space<hbm>> -> memref<4x8448xi32, #tpu.memory_space<hbm>>
    %dma_start3A_1091 = arith.constant 0 : i32
    %dma_start3A_1092 = tpu.memref_slice %arg3[%add3A_1065, %dma_start3A_1091] : memref<8448x8448xi32, #tpu.memory_space<hbm>> -> memref<4x8448xi32, #tpu.memory_space<hbm>>
    %dma_start3A_1093 = arith.constant 0 : i32
    %dma_start3A_1094 = arith.constant 0 : i32
    %dma_start3A_1095 = tpu.memref_slice %arg4[%convert_element_type3A_1084, %dma_start3A_1093, %dma_start3A_1094] : memref<2x4x8448xi32, #tpu.memory_space<vmem>> -> memref<1x4x8448xi32, #tpu.memory_space<vmem>>
    %dma_start3A_1096 = tpu.memref_squeeze %dma_start3A_1095 : memref<1x4x8448xi32, #tpu.memory_space<vmem>> -> memref<4x8448xi32, #tpu.memory_space<vmem>>
    tpu.enqueue_dma source(%dma_start3A_1096 : memref<4x8448xi32, #tpu.memory_space<vmem>>) target(%dma_start3A_1092 : memref<4x8448xi32, #tpu.memory_space<hbm>>) target_semaphore(%arg5 : memref<!tpu.dma_semaphore, #tpu.memory_space<semaphore_mem>>)
    %add3A_1097 = arith.constant 128 : i32
    %add3A_1098 = arith.addi %mul3A_2, %add3A_1097 : i32
    %ge3A_1099 = arith.constant 2000 : i32
    %ge3A_1100 = arith.cmpi sge, %add3A_1098, %ge3A_1099 : i32
    %convert_element_type3A_1101 = arith.extui %ge3A_1100 : i1 to i32
    %add3A_1102 = arith.constant 0 : i32
    %add3A_1103 = arith.addi %add3A_1102, %convert_element_type3A_1101 : i32
    %ge3A_1104 = arith.constant 4000 : i32
    %ge3A_1105 = arith.cmpi sge, %add3A_1098, %ge3A_1104 : i32
    %convert_element_type3A_1106 = arith.extui %ge3A_1105 : i1 to i32
    %add3A_1107 = arith.addi %add3A_1103, %convert_element_type3A_1106 : i32
    %ge3A_1108 = arith.constant 6400 : i32
    %ge3A_1109 = arith.cmpi sge, %add3A_1098, %ge3A_1108 : i32
    %convert_element_type3A_1110 = arith.extui %ge3A_1109 : i1 to i32
    %add3A_1111 = arith.addi %add3A_1107, %convert_element_type3A_1110 : i32
    %ge3A_1112 = arith.constant 8400 : i32
    %ge3A_1113 = arith.cmpi sge, %add3A_1098, %ge3A_1112 : i32
    %convert_element_type3A_1114 = arith.extui %ge3A_1113 : i1 to i32
    %add3A_1115 = arith.addi %add3A_1111, %convert_element_type3A_1114 : i32
    %gt3A_1116 = arith.cmpi sgt, %add3A_1115, %add3A_17 : i32
    %convert_element_type3A_1117 = arith.extui %gt3A_1116 : i1 to i32
    %dma_start3A_1118 = arith.constant 0 : i32
    %dma_start3A_1119 = arith.constant 0 : i32
    %dma_start3A_1120 = tpu.memref_slice %arg4[%convert_element_type3A_1117, %dma_start3A_1118, %dma_start3A_1119] : memref<2x4x8448xi32, #tpu.memory_space<vmem>> -> memref<1x4x8448xi32, #tpu.memory_space<vmem>>
    %dma_start3A_1121 = tpu.memref_squeeze %dma_start3A_1120 : memref<1x4x8448xi32, #tpu.memory_space<vmem>> -> memref<4x8448xi32, #tpu.memory_space<vmem>>
    %dma_start3A_1122 = arith.constant 0 : i32
    %dma_start3A_1123 = tpu.memref_slice %arg3[%add3A_1098, %dma_start3A_1122] : memref<8448x8448xi32, #tpu.memory_space<hbm>> -> memref<4x8448xi32, #tpu.memory_space<hbm>>
    %dma_start3A_1124 = arith.constant 0 : i32
    %dma_start3A_1125 = tpu.memref_slice %arg3[%add3A_1098, %dma_start3A_1124] : memref<8448x8448xi32, #tpu.memory_space<hbm>> -> memref<4x8448xi32, #tpu.memory_space<hbm>>
    %dma_start3A_1126 = arith.constant 0 : i32
    %dma_start3A_1127 = arith.constant 0 : i32
    %dma_start3A_1128 = tpu.memref_slice %arg4[%convert_element_type3A_1117, %dma_start3A_1126, %dma_start3A_1127] : memref<2x4x8448xi32, #tpu.memory_space<vmem>> -> memref<1x4x8448xi32, #tpu.memory_space<vmem>>
    %dma_start3A_1129 = tpu.memref_squeeze %dma_start3A_1128 : memref<1x4x8448xi32, #tpu.memory_space<vmem>> -> memref<4x8448xi32, #tpu.memory_space<vmem>>
    tpu.enqueue_dma source(%dma_start3A_1129 : memref<4x8448xi32, #tpu.memory_space<vmem>>) target(%dma_start3A_1125 : memref<4x8448xi32, #tpu.memory_space<hbm>>) target_semaphore(%arg5 : memref<!tpu.dma_semaphore, #tpu.memory_space<semaphore_mem>>)
    %add3A_1130 = arith.constant 132 : i32
    %add3A_1131 = arith.addi %mul3A_2, %add3A_1130 : i32
    %ge3A_1132 = arith.constant 2000 : i32
    %ge3A_1133 = arith.cmpi sge, %add3A_1131, %ge3A_1132 : i32
    %convert_element_type3A_1134 = arith.extui %ge3A_1133 : i1 to i32
    %add3A_1135 = arith.constant 0 : i32
    %add3A_1136 = arith.addi %add3A_1135, %convert_element_type3A_1134 : i32
    %ge3A_1137 = arith.constant 4000 : i32
    %ge3A_1138 = arith.cmpi sge, %add3A_1131, %ge3A_1137 : i32
    %convert_element_type3A_1139 = arith.extui %ge3A_1138 : i1 to i32
    %add3A_1140 = arith.addi %add3A_1136, %convert_element_type3A_1139 : i32
    %ge3A_1141 = arith.constant 6400 : i32
    %ge3A_1142 = arith.cmpi sge, %add3A_1131, %ge3A_1141 : i32
    %convert_element_type3A_1143 = arith.extui %ge3A_1142 : i1 to i32
    %add3A_1144 = arith.addi %add3A_1140, %convert_element_type3A_1143 : i32
    %ge3A_1145 = arith.constant 8400 : i32
    %ge3A_1146 = arith.cmpi sge, %add3A_1131, %ge3A_1145 : i32
    %convert_element_type3A_1147 = arith.extui %ge3A_1146 : i1 to i32
    %add3A_1148 = arith.addi %add3A_1144, %convert_element_type3A_1147 : i32
    %gt3A_1149 = arith.cmpi sgt, %add3A_1148, %add3A_17 : i32
    %convert_element_type3A_1150 = arith.extui %gt3A_1149 : i1 to i32
    %dma_start3A_1151 = arith.constant 0 : i32
    %dma_start3A_1152 = arith.constant 0 : i32
    %dma_start3A_1153 = tpu.memref_slice %arg4[%convert_element_type3A_1150, %dma_start3A_1151, %dma_start3A_1152] : memref<2x4x8448xi32, #tpu.memory_space<vmem>> -> memref<1x4x8448xi32, #tpu.memory_space<vmem>>
    %dma_start3A_1154 = tpu.memref_squeeze %dma_start3A_1153 : memref<1x4x8448xi32, #tpu.memory_space<vmem>> -> memref<4x8448xi32, #tpu.memory_space<vmem>>
    %dma_start3A_1155 = arith.constant 0 : i32
    %dma_start3A_1156 = tpu.memref_slice %arg3[%add3A_1131, %dma_start3A_1155] : memref<8448x8448xi32, #tpu.memory_space<hbm>> -> memref<4x8448xi32, #tpu.memory_space<hbm>>
    %dma_start3A_1157 = arith.constant 0 : i32
    %dma_start3A_1158 = tpu.memref_slice %arg3[%add3A_1131, %dma_start3A_1157] : memref<8448x8448xi32, #tpu.memory_space<hbm>> -> memref<4x8448xi32, #tpu.memory_space<hbm>>
    %dma_start3A_1159 = arith.constant 0 : i32
    %dma_start3A_1160 = arith.constant 0 : i32
    %dma_start3A_1161 = tpu.memref_slice %arg4[%convert_element_type3A_1150, %dma_start3A_1159, %dma_start3A_1160] : memref<2x4x8448xi32, #tpu.memory_space<vmem>> -> memref<1x4x8448xi32, #tpu.memory_space<vmem>>
    %dma_start3A_1162 = tpu.memref_squeeze %dma_start3A_1161 : memref<1x4x8448xi32, #tpu.memory_space<vmem>> -> memref<4x8448xi32, #tpu.memory_space<vmem>>
    tpu.enqueue_dma source(%dma_start3A_1162 : memref<4x8448xi32, #tpu.memory_space<vmem>>) target(%dma_start3A_1158 : memref<4x8448xi32, #tpu.memory_space<hbm>>) target_semaphore(%arg5 : memref<!tpu.dma_semaphore, #tpu.memory_space<semaphore_mem>>)
    %add3A_1163 = arith.constant 136 : i32
    %add3A_1164 = arith.addi %mul3A_2, %add3A_1163 : i32
    %ge3A_1165 = arith.constant 2000 : i32
    %ge3A_1166 = arith.cmpi sge, %add3A_1164, %ge3A_1165 : i32
    %convert_element_type3A_1167 = arith.extui %ge3A_1166 : i1 to i32
    %add3A_1168 = arith.constant 0 : i32
    %add3A_1169 = arith.addi %add3A_1168, %convert_element_type3A_1167 : i32
    %ge3A_1170 = arith.constant 4000 : i32
    %ge3A_1171 = arith.cmpi sge, %add3A_1164, %ge3A_1170 : i32
    %convert_element_type3A_1172 = arith.extui %ge3A_1171 : i1 to i32
    %add3A_1173 = arith.addi %add3A_1169, %convert_element_type3A_1172 : i32
    %ge3A_1174 = arith.constant 6400 : i32
    %ge3A_1175 = arith.cmpi sge, %add3A_1164, %ge3A_1174 : i32
    %convert_element_type3A_1176 = arith.extui %ge3A_1175 : i1 to i32
    %add3A_1177 = arith.addi %add3A_1173, %convert_element_type3A_1176 : i32
    %ge3A_1178 = arith.constant 8400 : i32
    %ge3A_1179 = arith.cmpi sge, %add3A_1164, %ge3A_1178 : i32
    %convert_element_type3A_1180 = arith.extui %ge3A_1179 : i1 to i32
    %add3A_1181 = arith.addi %add3A_1177, %convert_element_type3A_1180 : i32
    %gt3A_1182 = arith.cmpi sgt, %add3A_1181, %add3A_17 : i32
    %convert_element_type3A_1183 = arith.extui %gt3A_1182 : i1 to i32
    %dma_start3A_1184 = arith.constant 0 : i32
    %dma_start3A_1185 = arith.constant 0 : i32
    %dma_start3A_1186 = tpu.memref_slice %arg4[%convert_element_type3A_1183, %dma_start3A_1184, %dma_start3A_1185] : memref<2x4x8448xi32, #tpu.memory_space<vmem>> -> memref<1x4x8448xi32, #tpu.memory_space<vmem>>
    %dma_start3A_1187 = tpu.memref_squeeze %dma_start3A_1186 : memref<1x4x8448xi32, #tpu.memory_space<vmem>> -> memref<4x8448xi32, #tpu.memory_space<vmem>>
    %dma_start3A_1188 = arith.constant 0 : i32
    %dma_start3A_1189 = tpu.memref_slice %arg3[%add3A_1164, %dma_start3A_1188] : memref<8448x8448xi32, #tpu.memory_space<hbm>> -> memref<4x8448xi32, #tpu.memory_space<hbm>>
    %dma_start3A_1190 = arith.constant 0 : i32
    %dma_start3A_1191 = tpu.memref_slice %arg3[%add3A_1164, %dma_start3A_1190] : memref<8448x8448xi32, #tpu.memory_space<hbm>> -> memref<4x8448xi32, #tpu.memory_space<hbm>>
    %dma_start3A_1192 = arith.constant 0 : i32
    %dma_start3A_1193 = arith.constant 0 : i32
    %dma_start3A_1194 = tpu.memref_slice %arg4[%convert_element_type3A_1183, %dma_start3A_1192, %dma_start3A_1193] : memref<2x4x8448xi32, #tpu.memory_space<vmem>> -> memref<1x4x8448xi32, #tpu.memory_space<vmem>>
    %dma_start3A_1195 = tpu.memref_squeeze %dma_start3A_1194 : memref<1x4x8448xi32, #tpu.memory_space<vmem>> -> memref<4x8448xi32, #tpu.memory_space<vmem>>
    tpu.enqueue_dma source(%dma_start3A_1195 : memref<4x8448xi32, #tpu.memory_space<vmem>>) target(%dma_start3A_1191 : memref<4x8448xi32, #tpu.memory_space<hbm>>) target_semaphore(%arg5 : memref<!tpu.dma_semaphore, #tpu.memory_space<semaphore_mem>>)
    %add3A_1196 = arith.constant 140 : i32
    %add3A_1197 = arith.addi %mul3A_2, %add3A_1196 : i32
    %ge3A_1198 = arith.constant 2000 : i32
    %ge3A_1199 = arith.cmpi sge, %add3A_1197, %ge3A_1198 : i32
    %convert_element_type3A_1200 = arith.extui %ge3A_1199 : i1 to i32
    %add3A_1201 = arith.constant 0 : i32
    %add3A_1202 = arith.addi %add3A_1201, %convert_element_type3A_1200 : i32
    %ge3A_1203 = arith.constant 4000 : i32
    %ge3A_1204 = arith.cmpi sge, %add3A_1197, %ge3A_1203 : i32
    %convert_element_type3A_1205 = arith.extui %ge3A_1204 : i1 to i32
    %add3A_1206 = arith.addi %add3A_1202, %convert_element_type3A_1205 : i32
    %ge3A_1207 = arith.constant 6400 : i32
    %ge3A_1208 = arith.cmpi sge, %add3A_1197, %ge3A_1207 : i32
    %convert_element_type3A_1209 = arith.extui %ge3A_1208 : i1 to i32
    %add3A_1210 = arith.addi %add3A_1206, %convert_element_type3A_1209 : i32
    %ge3A_1211 = arith.constant 8400 : i32
    %ge3A_1212 = arith.cmpi sge, %add3A_1197, %ge3A_1211 : i32
    %convert_element_type3A_1213 = arith.extui %ge3A_1212 : i1 to i32
    %add3A_1214 = arith.addi %add3A_1210, %convert_element_type3A_1213 : i32
    %gt3A_1215 = arith.cmpi sgt, %add3A_1214, %add3A_17 : i32
    %convert_element_type3A_1216 = arith.extui %gt3A_1215 : i1 to i32
    %dma_start3A_1217 = arith.constant 0 : i32
    %dma_start3A_1218 = arith.constant 0 : i32
    %dma_start3A_1219 = tpu.memref_slice %arg4[%convert_element_type3A_1216, %dma_start3A_1217, %dma_start3A_1218] : memref<2x4x8448xi32, #tpu.memory_space<vmem>> -> memref<1x4x8448xi32, #tpu.memory_space<vmem>>
    %dma_start3A_1220 = tpu.memref_squeeze %dma_start3A_1219 : memref<1x4x8448xi32, #tpu.memory_space<vmem>> -> memref<4x8448xi32, #tpu.memory_space<vmem>>
    %dma_start3A_1221 = arith.constant 0 : i32
    %dma_start3A_1222 = tpu.memref_slice %arg3[%add3A_1197, %dma_start3A_1221] : memref<8448x8448xi32, #tpu.memory_space<hbm>> -> memref<4x8448xi32, #tpu.memory_space<hbm>>
    %dma_start3A_1223 = arith.constant 0 : i32
    %dma_start3A_1224 = tpu.memref_slice %arg3[%add3A_1197, %dma_start3A_1223] : memref<8448x8448xi32, #tpu.memory_space<hbm>> -> memref<4x8448xi32, #tpu.memory_space<hbm>>
    %dma_start3A_1225 = arith.constant 0 : i32
    %dma_start3A_1226 = arith.constant 0 : i32
    %dma_start3A_1227 = tpu.memref_slice %arg4[%convert_element_type3A_1216, %dma_start3A_1225, %dma_start3A_1226] : memref<2x4x8448xi32, #tpu.memory_space<vmem>> -> memref<1x4x8448xi32, #tpu.memory_space<vmem>>
    %dma_start3A_1228 = tpu.memref_squeeze %dma_start3A_1227 : memref<1x4x8448xi32, #tpu.memory_space<vmem>> -> memref<4x8448xi32, #tpu.memory_space<vmem>>
    tpu.enqueue_dma source(%dma_start3A_1228 : memref<4x8448xi32, #tpu.memory_space<vmem>>) target(%dma_start3A_1224 : memref<4x8448xi32, #tpu.memory_space<hbm>>) target_semaphore(%arg5 : memref<!tpu.dma_semaphore, #tpu.memory_space<semaphore_mem>>)
    %add3A_1229 = arith.constant 144 : i32
    %add3A_1230 = arith.addi %mul3A_2, %add3A_1229 : i32
    %ge3A_1231 = arith.constant 2000 : i32
    %ge3A_1232 = arith.cmpi sge, %add3A_1230, %ge3A_1231 : i32
    %convert_element_type3A_1233 = arith.extui %ge3A_1232 : i1 to i32
    %add3A_1234 = arith.constant 0 : i32
    %add3A_1235 = arith.addi %add3A_1234, %convert_element_type3A_1233 : i32
    %ge3A_1236 = arith.constant 4000 : i32
    %ge3A_1237 = arith.cmpi sge, %add3A_1230, %ge3A_1236 : i32
    %convert_element_type3A_1238 = arith.extui %ge3A_1237 : i1 to i32
    %add3A_1239 = arith.addi %add3A_1235, %convert_element_type3A_1238 : i32
    %ge3A_1240 = arith.constant 6400 : i32
    %ge3A_1241 = arith.cmpi sge, %add3A_1230, %ge3A_1240 : i32
    %convert_element_type3A_1242 = arith.extui %ge3A_1241 : i1 to i32
    %add3A_1243 = arith.addi %add3A_1239, %convert_element_type3A_1242 : i32
    %ge3A_1244 = arith.constant 8400 : i32
    %ge3A_1245 = arith.cmpi sge, %add3A_1230, %ge3A_1244 : i32
    %convert_element_type3A_1246 = arith.extui %ge3A_1245 : i1 to i32
    %add3A_1247 = arith.addi %add3A_1243, %convert_element_type3A_1246 : i32
    %gt3A_1248 = arith.cmpi sgt, %add3A_1247, %add3A_17 : i32
    %convert_element_type3A_1249 = arith.extui %gt3A_1248 : i1 to i32
    %dma_start3A_1250 = arith.constant 0 : i32
    %dma_start3A_1251 = arith.constant 0 : i32
    %dma_start3A_1252 = tpu.memref_slice %arg4[%convert_element_type3A_1249, %dma_start3A_1250, %dma_start3A_1251] : memref<2x4x8448xi32, #tpu.memory_space<vmem>> -> memref<1x4x8448xi32, #tpu.memory_space<vmem>>
    %dma_start3A_1253 = tpu.memref_squeeze %dma_start3A_1252 : memref<1x4x8448xi32, #tpu.memory_space<vmem>> -> memref<4x8448xi32, #tpu.memory_space<vmem>>
    %dma_start3A_1254 = arith.constant 0 : i32
    %dma_start3A_1255 = tpu.memref_slice %arg3[%add3A_1230, %dma_start3A_1254] : memref<8448x8448xi32, #tpu.memory_space<hbm>> -> memref<4x8448xi32, #tpu.memory_space<hbm>>
    %dma_start3A_1256 = arith.constant 0 : i32
    %dma_start3A_1257 = tpu.memref_slice %arg3[%add3A_1230, %dma_start3A_1256] : memref<8448x8448xi32, #tpu.memory_space<hbm>> -> memref<4x8448xi32, #tpu.memory_space<hbm>>
    %dma_start3A_1258 = arith.constant 0 : i32
    %dma_start3A_1259 = arith.constant 0 : i32
    %dma_start3A_1260 = tpu.memref_slice %arg4[%convert_element_type3A_1249, %dma_start3A_1258, %dma_start3A_1259] : memref<2x4x8448xi32, #tpu.memory_space<vmem>> -> memref<1x4x8448xi32, #tpu.memory_space<vmem>>
    %dma_start3A_1261 = tpu.memref_squeeze %dma_start3A_1260 : memref<1x4x8448xi32, #tpu.memory_space<vmem>> -> memref<4x8448xi32, #tpu.memory_space<vmem>>
    tpu.enqueue_dma source(%dma_start3A_1261 : memref<4x8448xi32, #tpu.memory_space<vmem>>) target(%dma_start3A_1257 : memref<4x8448xi32, #tpu.memory_space<hbm>>) target_semaphore(%arg5 : memref<!tpu.dma_semaphore, #tpu.memory_space<semaphore_mem>>)
    %add3A_1262 = arith.constant 148 : i32
    %add3A_1263 = arith.addi %mul3A_2, %add3A_1262 : i32
    %ge3A_1264 = arith.constant 2000 : i32
    %ge3A_1265 = arith.cmpi sge, %add3A_1263, %ge3A_1264 : i32
    %convert_element_type3A_1266 = arith.extui %ge3A_1265 : i1 to i32
    %add3A_1267 = arith.constant 0 : i32
    %add3A_1268 = arith.addi %add3A_1267, %convert_element_type3A_1266 : i32
    %ge3A_1269 = arith.constant 4000 : i32
    %ge3A_1270 = arith.cmpi sge, %add3A_1263, %ge3A_1269 : i32
    %convert_element_type3A_1271 = arith.extui %ge3A_1270 : i1 to i32
    %add3A_1272 = arith.addi %add3A_1268, %convert_element_type3A_1271 : i32
    %ge3A_1273 = arith.constant 6400 : i32
    %ge3A_1274 = arith.cmpi sge, %add3A_1263, %ge3A_1273 : i32
    %convert_element_type3A_1275 = arith.extui %ge3A_1274 : i1 to i32
    %add3A_1276 = arith.addi %add3A_1272, %convert_element_type3A_1275 : i32
    %ge3A_1277 = arith.constant 8400 : i32
    %ge3A_1278 = arith.cmpi sge, %add3A_1263, %ge3A_1277 : i32
    %convert_element_type3A_1279 = arith.extui %ge3A_1278 : i1 to i32
    %add3A_1280 = arith.addi %add3A_1276, %convert_element_type3A_1279 : i32
    %gt3A_1281 = arith.cmpi sgt, %add3A_1280, %add3A_17 : i32
    %convert_element_type3A_1282 = arith.extui %gt3A_1281 : i1 to i32
    %dma_start3A_1283 = arith.constant 0 : i32
    %dma_start3A_1284 = arith.constant 0 : i32
    %dma_start3A_1285 = tpu.memref_slice %arg4[%convert_element_type3A_1282, %dma_start3A_1283, %dma_start3A_1284] : memref<2x4x8448xi32, #tpu.memory_space<vmem>> -> memref<1x4x8448xi32, #tpu.memory_space<vmem>>
    %dma_start3A_1286 = tpu.memref_squeeze %dma_start3A_1285 : memref<1x4x8448xi32, #tpu.memory_space<vmem>> -> memref<4x8448xi32, #tpu.memory_space<vmem>>
    %dma_start3A_1287 = arith.constant 0 : i32
    %dma_start3A_1288 = tpu.memref_slice %arg3[%add3A_1263, %dma_start3A_1287] : memref<8448x8448xi32, #tpu.memory_space<hbm>> -> memref<4x8448xi32, #tpu.memory_space<hbm>>
    %dma_start3A_1289 = arith.constant 0 : i32
    %dma_start3A_1290 = tpu.memref_slice %arg3[%add3A_1263, %dma_start3A_1289] : memref<8448x8448xi32, #tpu.memory_space<hbm>> -> memref<4x8448xi32, #tpu.memory_space<hbm>>
    %dma_start3A_1291 = arith.constant 0 : i32
    %dma_start3A_1292 = arith.constant 0 : i32
    %dma_start3A_1293 = tpu.memref_slice %arg4[%convert_element_type3A_1282, %dma_start3A_1291, %dma_start3A_1292] : memref<2x4x8448xi32, #tpu.memory_space<vmem>> -> memref<1x4x8448xi32, #tpu.memory_space<vmem>>
    %dma_start3A_1294 = tpu.memref_squeeze %dma_start3A_1293 : memref<1x4x8448xi32, #tpu.memory_space<vmem>> -> memref<4x8448xi32, #tpu.memory_space<vmem>>
    tpu.enqueue_dma source(%dma_start3A_1294 : memref<4x8448xi32, #tpu.memory_space<vmem>>) target(%dma_start3A_1290 : memref<4x8448xi32, #tpu.memory_space<hbm>>) target_semaphore(%arg5 : memref<!tpu.dma_semaphore, #tpu.memory_space<semaphore_mem>>)
    %add3A_1295 = arith.constant 152 : i32
    %add3A_1296 = arith.addi %mul3A_2, %add3A_1295 : i32
    %ge3A_1297 = arith.constant 2000 : i32
    %ge3A_1298 = arith.cmpi sge, %add3A_1296, %ge3A_1297 : i32
    %convert_element_type3A_1299 = arith.extui %ge3A_1298 : i1 to i32
    %add3A_1300 = arith.constant 0 : i32
    %add3A_1301 = arith.addi %add3A_1300, %convert_element_type3A_1299 : i32
    %ge3A_1302 = arith.constant 4000 : i32
    %ge3A_1303 = arith.cmpi sge, %add3A_1296, %ge3A_1302 : i32
    %convert_element_type3A_1304 = arith.extui %ge3A_1303 : i1 to i32
    %add3A_1305 = arith.addi %add3A_1301, %convert_element_type3A_1304 : i32
    %ge3A_1306 = arith.constant 6400 : i32
    %ge3A_1307 = arith.cmpi sge, %add3A_1296, %ge3A_1306 : i32
    %convert_element_type3A_1308 = arith.extui %ge3A_1307 : i1 to i32
    %add3A_1309 = arith.addi %add3A_1305, %convert_element_type3A_1308 : i32
    %ge3A_1310 = arith.constant 8400 : i32
    %ge3A_1311 = arith.cmpi sge, %add3A_1296, %ge3A_1310 : i32
    %convert_element_type3A_1312 = arith.extui %ge3A_1311 : i1 to i32
    %add3A_1313 = arith.addi %add3A_1309, %convert_element_type3A_1312 : i32
    %gt3A_1314 = arith.cmpi sgt, %add3A_1313, %add3A_17 : i32
    %convert_element_type3A_1315 = arith.extui %gt3A_1314 : i1 to i32
    %dma_start3A_1316 = arith.constant 0 : i32
    %dma_start3A_1317 = arith.constant 0 : i32
    %dma_start3A_1318 = tpu.memref_slice %arg4[%convert_element_type3A_1315, %dma_start3A_1316, %dma_start3A_1317] : memref<2x4x8448xi32, #tpu.memory_space<vmem>> -> memref<1x4x8448xi32, #tpu.memory_space<vmem>>
    %dma_start3A_1319 = tpu.memref_squeeze %dma_start3A_1318 : memref<1x4x8448xi32, #tpu.memory_space<vmem>> -> memref<4x8448xi32, #tpu.memory_space<vmem>>
    %dma_start3A_1320 = arith.constant 0 : i32
    %dma_start3A_1321 = tpu.memref_slice %arg3[%add3A_1296, %dma_start3A_1320] : memref<8448x8448xi32, #tpu.memory_space<hbm>> -> memref<4x8448xi32, #tpu.memory_space<hbm>>
    %dma_start3A_1322 = arith.constant 0 : i32
    %dma_start3A_1323 = tpu.memref_slice %arg3[%add3A_1296, %dma_start3A_1322] : memref<8448x8448xi32, #tpu.memory_space<hbm>> -> memref<4x8448xi32, #tpu.memory_space<hbm>>
    %dma_start3A_1324 = arith.constant 0 : i32
    %dma_start3A_1325 = arith.constant 0 : i32
    %dma_start3A_1326 = tpu.memref_slice %arg4[%convert_element_type3A_1315, %dma_start3A_1324, %dma_start3A_1325] : memref<2x4x8448xi32, #tpu.memory_space<vmem>> -> memref<1x4x8448xi32, #tpu.memory_space<vmem>>
    %dma_start3A_1327 = tpu.memref_squeeze %dma_start3A_1326 : memref<1x4x8448xi32, #tpu.memory_space<vmem>> -> memref<4x8448xi32, #tpu.memory_space<vmem>>
    tpu.enqueue_dma source(%dma_start3A_1327 : memref<4x8448xi32, #tpu.memory_space<vmem>>) target(%dma_start3A_1323 : memref<4x8448xi32, #tpu.memory_space<hbm>>) target_semaphore(%arg5 : memref<!tpu.dma_semaphore, #tpu.memory_space<semaphore_mem>>)
    %add3A_1328 = arith.constant 156 : i32
    %add3A_1329 = arith.addi %mul3A_2, %add3A_1328 : i32
    %ge3A_1330 = arith.constant 2000 : i32
    %ge3A_1331 = arith.cmpi sge, %add3A_1329, %ge3A_1330 : i32
    %convert_element_type3A_1332 = arith.extui %ge3A_1331 : i1 to i32
    %add3A_1333 = arith.constant 0 : i32
    %add3A_1334 = arith.addi %add3A_1333, %convert_element_type3A_1332 : i32
    %ge3A_1335 = arith.constant 4000 : i32
    %ge3A_1336 = arith.cmpi sge, %add3A_1329, %ge3A_1335 : i32
    %convert_element_type3A_1337 = arith.extui %ge3A_1336 : i1 to i32
    %add3A_1338 = arith.addi %add3A_1334, %convert_element_type3A_1337 : i32
    %ge3A_1339 = arith.constant 6400 : i32
    %ge3A_1340 = arith.cmpi sge, %add3A_1329, %ge3A_1339 : i32
    %convert_element_type3A_1341 = arith.extui %ge3A_1340 : i1 to i32
    %add3A_1342 = arith.addi %add3A_1338, %convert_element_type3A_1341 : i32
    %ge3A_1343 = arith.constant 8400 : i32
    %ge3A_1344 = arith.cmpi sge, %add3A_1329, %ge3A_1343 : i32
    %convert_element_type3A_1345 = arith.extui %ge3A_1344 : i1 to i32
    %add3A_1346 = arith.addi %add3A_1342, %convert_element_type3A_1345 : i32
    %gt3A_1347 = arith.cmpi sgt, %add3A_1346, %add3A_17 : i32
    %convert_element_type3A_1348 = arith.extui %gt3A_1347 : i1 to i32
    %dma_start3A_1349 = arith.constant 0 : i32
    %dma_start3A_1350 = arith.constant 0 : i32
    %dma_start3A_1351 = tpu.memref_slice %arg4[%convert_element_type3A_1348, %dma_start3A_1349, %dma_start3A_1350] : memref<2x4x8448xi32, #tpu.memory_space<vmem>> -> memref<1x4x8448xi32, #tpu.memory_space<vmem>>
    %dma_start3A_1352 = tpu.memref_squeeze %dma_start3A_1351 : memref<1x4x8448xi32, #tpu.memory_space<vmem>> -> memref<4x8448xi32, #tpu.memory_space<vmem>>
    %dma_start3A_1353 = arith.constant 0 : i32
    %dma_start3A_1354 = tpu.memref_slice %arg3[%add3A_1329, %dma_start3A_1353] : memref<8448x8448xi32, #tpu.memory_space<hbm>> -> memref<4x8448xi32, #tpu.memory_space<hbm>>
    %dma_start3A_1355 = arith.constant 0 : i32
    %dma_start3A_1356 = tpu.memref_slice %arg3[%add3A_1329, %dma_start3A_1355] : memref<8448x8448xi32, #tpu.memory_space<hbm>> -> memref<4x8448xi32, #tpu.memory_space<hbm>>
    %dma_start3A_1357 = arith.constant 0 : i32
    %dma_start3A_1358 = arith.constant 0 : i32
    %dma_start3A_1359 = tpu.memref_slice %arg4[%convert_element_type3A_1348, %dma_start3A_1357, %dma_start3A_1358] : memref<2x4x8448xi32, #tpu.memory_space<vmem>> -> memref<1x4x8448xi32, #tpu.memory_space<vmem>>
    %dma_start3A_1360 = tpu.memref_squeeze %dma_start3A_1359 : memref<1x4x8448xi32, #tpu.memory_space<vmem>> -> memref<4x8448xi32, #tpu.memory_space<vmem>>
    tpu.enqueue_dma source(%dma_start3A_1360 : memref<4x8448xi32, #tpu.memory_space<vmem>>) target(%dma_start3A_1356 : memref<4x8448xi32, #tpu.memory_space<hbm>>) target_semaphore(%arg5 : memref<!tpu.dma_semaphore, #tpu.memory_space<semaphore_mem>>)
    %add3A_1361 = arith.constant 160 : i32
    %add3A_1362 = arith.addi %mul3A_2, %add3A_1361 : i32
    %ge3A_1363 = arith.constant 2000 : i32
    %ge3A_1364 = arith.cmpi sge, %add3A_1362, %ge3A_1363 : i32
    %convert_element_type3A_1365 = arith.extui %ge3A_1364 : i1 to i32
    %add3A_1366 = arith.constant 0 : i32
    %add3A_1367 = arith.addi %add3A_1366, %convert_element_type3A_1365 : i32
    %ge3A_1368 = arith.constant 4000 : i32
    %ge3A_1369 = arith.cmpi sge, %add3A_1362, %ge3A_1368 : i32
    %convert_element_type3A_1370 = arith.extui %ge3A_1369 : i1 to i32
    %add3A_1371 = arith.addi %add3A_1367, %convert_element_type3A_1370 : i32
    %ge3A_1372 = arith.constant 6400 : i32
    %ge3A_1373 = arith.cmpi sge, %add3A_1362, %ge3A_1372 : i32
    %convert_element_type3A_1374 = arith.extui %ge3A_1373 : i1 to i32
    %add3A_1375 = arith.addi %add3A_1371, %convert_element_type3A_1374 : i32
    %ge3A_1376 = arith.constant 8400 : i32
    %ge3A_1377 = arith.cmpi sge, %add3A_1362, %ge3A_1376 : i32
    %convert_element_type3A_1378 = arith.extui %ge3A_1377 : i1 to i32
    %add3A_1379 = arith.addi %add3A_1375, %convert_element_type3A_1378 : i32
    %gt3A_1380 = arith.cmpi sgt, %add3A_1379, %add3A_17 : i32
    %convert_element_type3A_1381 = arith.extui %gt3A_1380 : i1 to i32
    %dma_start3A_1382 = arith.constant 0 : i32
    %dma_start3A_1383 = arith.constant 0 : i32
    %dma_start3A_1384 = tpu.memref_slice %arg4[%convert_element_type3A_1381, %dma_start3A_1382, %dma_start3A_1383] : memref<2x4x8448xi32, #tpu.memory_space<vmem>> -> memref<1x4x8448xi32, #tpu.memory_space<vmem>>
    %dma_start3A_1385 = tpu.memref_squeeze %dma_start3A_1384 : memref<1x4x8448xi32, #tpu.memory_space<vmem>> -> memref<4x8448xi32, #tpu.memory_space<vmem>>
    %dma_start3A_1386 = arith.constant 0 : i32
    %dma_start3A_1387 = tpu.memref_slice %arg3[%add3A_1362, %dma_start3A_1386] : memref<8448x8448xi32, #tpu.memory_space<hbm>> -> memref<4x8448xi32, #tpu.memory_space<hbm>>
    %dma_start3A_1388 = arith.constant 0 : i32
    %dma_start3A_1389 = tpu.memref_slice %arg3[%add3A_1362, %dma_start3A_1388] : memref<8448x8448xi32, #tpu.memory_space<hbm>> -> memref<4x8448xi32, #tpu.memory_space<hbm>>
    %dma_start3A_1390 = arith.constant 0 : i32
    %dma_start3A_1391 = arith.constant 0 : i32
    %dma_start3A_1392 = tpu.memref_slice %arg4[%convert_element_type3A_1381, %dma_start3A_1390, %dma_start3A_1391] : memref<2x4x8448xi32, #tpu.memory_space<vmem>> -> memref<1x4x8448xi32, #tpu.memory_space<vmem>>
    %dma_start3A_1393 = tpu.memref_squeeze %dma_start3A_1392 : memref<1x4x8448xi32, #tpu.memory_space<vmem>> -> memref<4x8448xi32, #tpu.memory_space<vmem>>
    tpu.enqueue_dma source(%dma_start3A_1393 : memref<4x8448xi32, #tpu.memory_space<vmem>>) target(%dma_start3A_1389 : memref<4x8448xi32, #tpu.memory_space<hbm>>) target_semaphore(%arg5 : memref<!tpu.dma_semaphore, #tpu.memory_space<semaphore_mem>>)
    %add3A_1394 = arith.constant 164 : i32
    %add3A_1395 = arith.addi %mul3A_2, %add3A_1394 : i32
    %ge3A_1396 = arith.constant 2000 : i32
    %ge3A_1397 = arith.cmpi sge, %add3A_1395, %ge3A_1396 : i32
    %convert_element_type3A_1398 = arith.extui %ge3A_1397 : i1 to i32
    %add3A_1399 = arith.constant 0 : i32
    %add3A_1400 = arith.addi %add3A_1399, %convert_element_type3A_1398 : i32
    %ge3A_1401 = arith.constant 4000 : i32
    %ge3A_1402 = arith.cmpi sge, %add3A_1395, %ge3A_1401 : i32
    %convert_element_type3A_1403 = arith.extui %ge3A_1402 : i1 to i32
    %add3A_1404 = arith.addi %add3A_1400, %convert_element_type3A_1403 : i32
    %ge3A_1405 = arith.constant 6400 : i32
    %ge3A_1406 = arith.cmpi sge, %add3A_1395, %ge3A_1405 : i32
    %convert_element_type3A_1407 = arith.extui %ge3A_1406 : i1 to i32
    %add3A_1408 = arith.addi %add3A_1404, %convert_element_type3A_1407 : i32
    %ge3A_1409 = arith.constant 8400 : i32
    %ge3A_1410 = arith.cmpi sge, %add3A_1395, %ge3A_1409 : i32
    %convert_element_type3A_1411 = arith.extui %ge3A_1410 : i1 to i32
    %add3A_1412 = arith.addi %add3A_1408, %convert_element_type3A_1411 : i32
    %gt3A_1413 = arith.cmpi sgt, %add3A_1412, %add3A_17 : i32
    %convert_element_type3A_1414 = arith.extui %gt3A_1413 : i1 to i32
    %dma_start3A_1415 = arith.constant 0 : i32
    %dma_start3A_1416 = arith.constant 0 : i32
    %dma_start3A_1417 = tpu.memref_slice %arg4[%convert_element_type3A_1414, %dma_start3A_1415, %dma_start3A_1416] : memref<2x4x8448xi32, #tpu.memory_space<vmem>> -> memref<1x4x8448xi32, #tpu.memory_space<vmem>>
    %dma_start3A_1418 = tpu.memref_squeeze %dma_start3A_1417 : memref<1x4x8448xi32, #tpu.memory_space<vmem>> -> memref<4x8448xi32, #tpu.memory_space<vmem>>
    %dma_start3A_1419 = arith.constant 0 : i32
    %dma_start3A_1420 = tpu.memref_slice %arg3[%add3A_1395, %dma_start3A_1419] : memref<8448x8448xi32, #tpu.memory_space<hbm>> -> memref<4x8448xi32, #tpu.memory_space<hbm>>
    %dma_start3A_1421 = arith.constant 0 : i32
    %dma_start3A_1422 = tpu.memref_slice %arg3[%add3A_1395, %dma_start3A_1421] : memref<8448x8448xi32, #tpu.memory_space<hbm>> -> memref<4x8448xi32, #tpu.memory_space<hbm>>
    %dma_start3A_1423 = arith.constant 0 : i32
    %dma_start3A_1424 = arith.constant 0 : i32
    %dma_start3A_1425 = tpu.memref_slice %arg4[%convert_element_type3A_1414, %dma_start3A_1423, %dma_start3A_1424] : memref<2x4x8448xi32, #tpu.memory_space<vmem>> -> memref<1x4x8448xi32, #tpu.memory_space<vmem>>
    %dma_start3A_1426 = tpu.memref_squeeze %dma_start3A_1425 : memref<1x4x8448xi32, #tpu.memory_space<vmem>> -> memref<4x8448xi32, #tpu.memory_space<vmem>>
    tpu.enqueue_dma source(%dma_start3A_1426 : memref<4x8448xi32, #tpu.memory_space<vmem>>) target(%dma_start3A_1422 : memref<4x8448xi32, #tpu.memory_space<hbm>>) target_semaphore(%arg5 : memref<!tpu.dma_semaphore, #tpu.memory_space<semaphore_mem>>)
    %add3A_1427 = arith.constant 168 : i32
    %add3A_1428 = arith.addi %mul3A_2, %add3A_1427 : i32
    %ge3A_1429 = arith.constant 2000 : i32
    %ge3A_1430 = arith.cmpi sge, %add3A_1428, %ge3A_1429 : i32
    %convert_element_type3A_1431 = arith.extui %ge3A_1430 : i1 to i32
    %add3A_1432 = arith.constant 0 : i32
    %add3A_1433 = arith.addi %add3A_1432, %convert_element_type3A_1431 : i32
    %ge3A_1434 = arith.constant 4000 : i32
    %ge3A_1435 = arith.cmpi sge, %add3A_1428, %ge3A_1434 : i32
    %convert_element_type3A_1436 = arith.extui %ge3A_1435 : i1 to i32
    %add3A_1437 = arith.addi %add3A_1433, %convert_element_type3A_1436 : i32
    %ge3A_1438 = arith.constant 6400 : i32
    %ge3A_1439 = arith.cmpi sge, %add3A_1428, %ge3A_1438 : i32
    %convert_element_type3A_1440 = arith.extui %ge3A_1439 : i1 to i32
    %add3A_1441 = arith.addi %add3A_1437, %convert_element_type3A_1440 : i32
    %ge3A_1442 = arith.constant 8400 : i32
    %ge3A_1443 = arith.cmpi sge, %add3A_1428, %ge3A_1442 : i32
    %convert_element_type3A_1444 = arith.extui %ge3A_1443 : i1 to i32
    %add3A_1445 = arith.addi %add3A_1441, %convert_element_type3A_1444 : i32
    %gt3A_1446 = arith.cmpi sgt, %add3A_1445, %add3A_17 : i32
    %convert_element_type3A_1447 = arith.extui %gt3A_1446 : i1 to i32
    %dma_start3A_1448 = arith.constant 0 : i32
    %dma_start3A_1449 = arith.constant 0 : i32
    %dma_start3A_1450 = tpu.memref_slice %arg4[%convert_element_type3A_1447, %dma_start3A_1448, %dma_start3A_1449] : memref<2x4x8448xi32, #tpu.memory_space<vmem>> -> memref<1x4x8448xi32, #tpu.memory_space<vmem>>
    %dma_start3A_1451 = tpu.memref_squeeze %dma_start3A_1450 : memref<1x4x8448xi32, #tpu.memory_space<vmem>> -> memref<4x8448xi32, #tpu.memory_space<vmem>>
    %dma_start3A_1452 = arith.constant 0 : i32
    %dma_start3A_1453 = tpu.memref_slice %arg3[%add3A_1428, %dma_start3A_1452] : memref<8448x8448xi32, #tpu.memory_space<hbm>> -> memref<4x8448xi32, #tpu.memory_space<hbm>>
    %dma_start3A_1454 = arith.constant 0 : i32
    %dma_start3A_1455 = tpu.memref_slice %arg3[%add3A_1428, %dma_start3A_1454] : memref<8448x8448xi32, #tpu.memory_space<hbm>> -> memref<4x8448xi32, #tpu.memory_space<hbm>>
    %dma_start3A_1456 = arith.constant 0 : i32
    %dma_start3A_1457 = arith.constant 0 : i32
    %dma_start3A_1458 = tpu.memref_slice %arg4[%convert_element_type3A_1447, %dma_start3A_1456, %dma_start3A_1457] : memref<2x4x8448xi32, #tpu.memory_space<vmem>> -> memref<1x4x8448xi32, #tpu.memory_space<vmem>>
    %dma_start3A_1459 = tpu.memref_squeeze %dma_start3A_1458 : memref<1x4x8448xi32, #tpu.memory_space<vmem>> -> memref<4x8448xi32, #tpu.memory_space<vmem>>
    tpu.enqueue_dma source(%dma_start3A_1459 : memref<4x8448xi32, #tpu.memory_space<vmem>>) target(%dma_start3A_1455 : memref<4x8448xi32, #tpu.memory_space<hbm>>) target_semaphore(%arg5 : memref<!tpu.dma_semaphore, #tpu.memory_space<semaphore_mem>>)
    %add3A_1460 = arith.constant 172 : i32
    %add3A_1461 = arith.addi %mul3A_2, %add3A_1460 : i32
    %ge3A_1462 = arith.constant 2000 : i32
    %ge3A_1463 = arith.cmpi sge, %add3A_1461, %ge3A_1462 : i32
    %convert_element_type3A_1464 = arith.extui %ge3A_1463 : i1 to i32
    %add3A_1465 = arith.constant 0 : i32
    %add3A_1466 = arith.addi %add3A_1465, %convert_element_type3A_1464 : i32
    %ge3A_1467 = arith.constant 4000 : i32
    %ge3A_1468 = arith.cmpi sge, %add3A_1461, %ge3A_1467 : i32
    %convert_element_type3A_1469 = arith.extui %ge3A_1468 : i1 to i32
    %add3A_1470 = arith.addi %add3A_1466, %convert_element_type3A_1469 : i32
    %ge3A_1471 = arith.constant 6400 : i32
    %ge3A_1472 = arith.cmpi sge, %add3A_1461, %ge3A_1471 : i32
    %convert_element_type3A_1473 = arith.extui %ge3A_1472 : i1 to i32
    %add3A_1474 = arith.addi %add3A_1470, %convert_element_type3A_1473 : i32
    %ge3A_1475 = arith.constant 8400 : i32
    %ge3A_1476 = arith.cmpi sge, %add3A_1461, %ge3A_1475 : i32
    %convert_element_type3A_1477 = arith.extui %ge3A_1476 : i1 to i32
    %add3A_1478 = arith.addi %add3A_1474, %convert_element_type3A_1477 : i32
    %gt3A_1479 = arith.cmpi sgt, %add3A_1478, %add3A_17 : i32
    %convert_element_type3A_1480 = arith.extui %gt3A_1479 : i1 to i32
    %dma_start3A_1481 = arith.constant 0 : i32
    %dma_start3A_1482 = arith.constant 0 : i32
    %dma_start3A_1483 = tpu.memref_slice %arg4[%convert_element_type3A_1480, %dma_start3A_1481, %dma_start3A_1482] : memref<2x4x8448xi32, #tpu.memory_space<vmem>> -> memref<1x4x8448xi32, #tpu.memory_space<vmem>>
    %dma_start3A_1484 = tpu.memref_squeeze %dma_start3A_1483 : memref<1x4x8448xi32, #tpu.memory_space<vmem>> -> memref<4x8448xi32, #tpu.memory_space<vmem>>
    %dma_start3A_1485 = arith.constant 0 : i32
    %dma_start3A_1486 = tpu.memref_slice %arg3[%add3A_1461, %dma_start3A_1485] : memref<8448x8448xi32, #tpu.memory_space<hbm>> -> memref<4x8448xi32, #tpu.memory_space<hbm>>
    %dma_start3A_1487 = arith.constant 0 : i32
    %dma_start3A_1488 = tpu.memref_slice %arg3[%add3A_1461, %dma_start3A_1487] : memref<8448x8448xi32, #tpu.memory_space<hbm>> -> memref<4x8448xi32, #tpu.memory_space<hbm>>
    %dma_start3A_1489 = arith.constant 0 : i32
    %dma_start3A_1490 = arith.constant 0 : i32
    %dma_start3A_1491 = tpu.memref_slice %arg4[%convert_element_type3A_1480, %dma_start3A_1489, %dma_start3A_1490] : memref<2x4x8448xi32, #tpu.memory_space<vmem>> -> memref<1x4x8448xi32, #tpu.memory_space<vmem>>
    %dma_start3A_1492 = tpu.memref_squeeze %dma_start3A_1491 : memref<1x4x8448xi32, #tpu.memory_space<vmem>> -> memref<4x8448xi32, #tpu.memory_space<vmem>>
    tpu.enqueue_dma source(%dma_start3A_1492 : memref<4x8448xi32, #tpu.memory_space<vmem>>) target(%dma_start3A_1488 : memref<4x8448xi32, #tpu.memory_space<hbm>>) target_semaphore(%arg5 : memref<!tpu.dma_semaphore, #tpu.memory_space<semaphore_mem>>)
    %add3A_1493 = arith.constant 176 : i32
    %add3A_1494 = arith.addi %mul3A_2, %add3A_1493 : i32
    %ge3A_1495 = arith.constant 2000 : i32
    %ge3A_1496 = arith.cmpi sge, %add3A_1494, %ge3A_1495 : i32
    %convert_element_type3A_1497 = arith.extui %ge3A_1496 : i1 to i32
    %add3A_1498 = arith.constant 0 : i32
    %add3A_1499 = arith.addi %add3A_1498, %convert_element_type3A_1497 : i32
    %ge3A_1500 = arith.constant 4000 : i32
    %ge3A_1501 = arith.cmpi sge, %add3A_1494, %ge3A_1500 : i32
    %convert_element_type3A_1502 = arith.extui %ge3A_1501 : i1 to i32
    %add3A_1503 = arith.addi %add3A_1499, %convert_element_type3A_1502 : i32
    %ge3A_1504 = arith.constant 6400 : i32
    %ge3A_1505 = arith.cmpi sge, %add3A_1494, %ge3A_1504 : i32
    %convert_element_type3A_1506 = arith.extui %ge3A_1505 : i1 to i32
    %add3A_1507 = arith.addi %add3A_1503, %convert_element_type3A_1506 : i32
    %ge3A_1508 = arith.constant 8400 : i32
    %ge3A_1509 = arith.cmpi sge, %add3A_1494, %ge3A_1508 : i32
    %convert_element_type3A_1510 = arith.extui %ge3A_1509 : i1 to i32
    %add3A_1511 = arith.addi %add3A_1507, %convert_element_type3A_1510 : i32
    %gt3A_1512 = arith.cmpi sgt, %add3A_1511, %add3A_17 : i32
    %convert_element_type3A_1513 = arith.extui %gt3A_1512 : i1 to i32
    %dma_start3A_1514 = arith.constant 0 : i32
    %dma_start3A_1515 = arith.constant 0 : i32
    %dma_start3A_1516 = tpu.memref_slice %arg4[%convert_element_type3A_1513, %dma_start3A_1514, %dma_start3A_1515] : memref<2x4x8448xi32, #tpu.memory_space<vmem>> -> memref<1x4x8448xi32, #tpu.memory_space<vmem>>
    %dma_start3A_1517 = tpu.memref_squeeze %dma_start3A_1516 : memref<1x4x8448xi32, #tpu.memory_space<vmem>> -> memref<4x8448xi32, #tpu.memory_space<vmem>>
    %dma_start3A_1518 = arith.constant 0 : i32
    %dma_start3A_1519 = tpu.memref_slice %arg3[%add3A_1494, %dma_start3A_1518] : memref<8448x8448xi32, #tpu.memory_space<hbm>> -> memref<4x8448xi32, #tpu.memory_space<hbm>>
    %dma_start3A_1520 = arith.constant 0 : i32
    %dma_start3A_1521 = tpu.memref_slice %arg3[%add3A_1494, %dma_start3A_1520] : memref<8448x8448xi32, #tpu.memory_space<hbm>> -> memref<4x8448xi32, #tpu.memory_space<hbm>>
    %dma_start3A_1522 = arith.constant 0 : i32
    %dma_start3A_1523 = arith.constant 0 : i32
    %dma_start3A_1524 = tpu.memref_slice %arg4[%convert_element_type3A_1513, %dma_start3A_1522, %dma_start3A_1523] : memref<2x4x8448xi32, #tpu.memory_space<vmem>> -> memref<1x4x8448xi32, #tpu.memory_space<vmem>>
    %dma_start3A_1525 = tpu.memref_squeeze %dma_start3A_1524 : memref<1x4x8448xi32, #tpu.memory_space<vmem>> -> memref<4x8448xi32, #tpu.memory_space<vmem>>
    tpu.enqueue_dma source(%dma_start3A_1525 : memref<4x8448xi32, #tpu.memory_space<vmem>>) target(%dma_start3A_1521 : memref<4x8448xi32, #tpu.memory_space<hbm>>) target_semaphore(%arg5 : memref<!tpu.dma_semaphore, #tpu.memory_space<semaphore_mem>>)
    %add3A_1526 = arith.constant 180 : i32
    %add3A_1527 = arith.addi %mul3A_2, %add3A_1526 : i32
    %ge3A_1528 = arith.constant 2000 : i32
    %ge3A_1529 = arith.cmpi sge, %add3A_1527, %ge3A_1528 : i32
    %convert_element_type3A_1530 = arith.extui %ge3A_1529 : i1 to i32
    %add3A_1531 = arith.constant 0 : i32
    %add3A_1532 = arith.addi %add3A_1531, %convert_element_type3A_1530 : i32
    %ge3A_1533 = arith.constant 4000 : i32
    %ge3A_1534 = arith.cmpi sge, %add3A_1527, %ge3A_1533 : i32
    %convert_element_type3A_1535 = arith.extui %ge3A_1534 : i1 to i32
    %add3A_1536 = arith.addi %add3A_1532, %convert_element_type3A_1535 : i32
    %ge3A_1537 = arith.constant 6400 : i32
    %ge3A_1538 = arith.cmpi sge, %add3A_1527, %ge3A_1537 : i32
    %convert_element_type3A_1539 = arith.extui %ge3A_1538 : i1 to i32
    %add3A_1540 = arith.addi %add3A_1536, %convert_element_type3A_1539 : i32
    %ge3A_1541 = arith.constant 8400 : i32
    %ge3A_1542 = arith.cmpi sge, %add3A_1527, %ge3A_1541 : i32
    %convert_element_type3A_1543 = arith.extui %ge3A_1542 : i1 to i32
    %add3A_1544 = arith.addi %add3A_1540, %convert_element_type3A_1543 : i32
    %gt3A_1545 = arith.cmpi sgt, %add3A_1544, %add3A_17 : i32
    %convert_element_type3A_1546 = arith.extui %gt3A_1545 : i1 to i32
    %dma_start3A_1547 = arith.constant 0 : i32
    %dma_start3A_1548 = arith.constant 0 : i32
    %dma_start3A_1549 = tpu.memref_slice %arg4[%convert_element_type3A_1546, %dma_start3A_1547, %dma_start3A_1548] : memref<2x4x8448xi32, #tpu.memory_space<vmem>> -> memref<1x4x8448xi32, #tpu.memory_space<vmem>>
    %dma_start3A_1550 = tpu.memref_squeeze %dma_start3A_1549 : memref<1x4x8448xi32, #tpu.memory_space<vmem>> -> memref<4x8448xi32, #tpu.memory_space<vmem>>
    %dma_start3A_1551 = arith.constant 0 : i32
    %dma_start3A_1552 = tpu.memref_slice %arg3[%add3A_1527, %dma_start3A_1551] : memref<8448x8448xi32, #tpu.memory_space<hbm>> -> memref<4x8448xi32, #tpu.memory_space<hbm>>
    %dma_start3A_1553 = arith.constant 0 : i32
    %dma_start3A_1554 = tpu.memref_slice %arg3[%add3A_1527, %dma_start3A_1553] : memref<8448x8448xi32, #tpu.memory_space<hbm>> -> memref<4x8448xi32, #tpu.memory_space<hbm>>
    %dma_start3A_1555 = arith.constant 0 : i32
    %dma_start3A_1556 = arith.constant 0 : i32
    %dma_start3A_1557 = tpu.memref_slice %arg4[%convert_element_type3A_1546, %dma_start3A_1555, %dma_start3A_1556] : memref<2x4x8448xi32, #tpu.memory_space<vmem>> -> memref<1x4x8448xi32, #tpu.memory_space<vmem>>
    %dma_start3A_1558 = tpu.memref_squeeze %dma_start3A_1557 : memref<1x4x8448xi32, #tpu.memory_space<vmem>> -> memref<4x8448xi32, #tpu.memory_space<vmem>>
    tpu.enqueue_dma source(%dma_start3A_1558 : memref<4x8448xi32, #tpu.memory_space<vmem>>) target(%dma_start3A_1554 : memref<4x8448xi32, #tpu.memory_space<hbm>>) target_semaphore(%arg5 : memref<!tpu.dma_semaphore, #tpu.memory_space<semaphore_mem>>)
    %add3A_1559 = arith.constant 184 : i32
    %add3A_1560 = arith.addi %mul3A_2, %add3A_1559 : i32
    %ge3A_1561 = arith.constant 2000 : i32
    %ge3A_1562 = arith.cmpi sge, %add3A_1560, %ge3A_1561 : i32
    %convert_element_type3A_1563 = arith.extui %ge3A_1562 : i1 to i32
    %add3A_1564 = arith.constant 0 : i32
    %add3A_1565 = arith.addi %add3A_1564, %convert_element_type3A_1563 : i32
    %ge3A_1566 = arith.constant 4000 : i32
    %ge3A_1567 = arith.cmpi sge, %add3A_1560, %ge3A_1566 : i32
    %convert_element_type3A_1568 = arith.extui %ge3A_1567 : i1 to i32
    %add3A_1569 = arith.addi %add3A_1565, %convert_element_type3A_1568 : i32
    %ge3A_1570 = arith.constant 6400 : i32
    %ge3A_1571 = arith.cmpi sge, %add3A_1560, %ge3A_1570 : i32
    %convert_element_type3A_1572 = arith.extui %ge3A_1571 : i1 to i32
    %add3A_1573 = arith.addi %add3A_1569, %convert_element_type3A_1572 : i32
    %ge3A_1574 = arith.constant 8400 : i32
    %ge3A_1575 = arith.cmpi sge, %add3A_1560, %ge3A_1574 : i32
    %convert_element_type3A_1576 = arith.extui %ge3A_1575 : i1 to i32
    %add3A_1577 = arith.addi %add3A_1573, %convert_element_type3A_1576 : i32
    %gt3A_1578 = arith.cmpi sgt, %add3A_1577, %add3A_17 : i32
    %convert_element_type3A_1579 = arith.extui %gt3A_1578 : i1 to i32
    %dma_start3A_1580 = arith.constant 0 : i32
    %dma_start3A_1581 = arith.constant 0 : i32
    %dma_start3A_1582 = tpu.memref_slice %arg4[%convert_element_type3A_1579, %dma_start3A_1580, %dma_start3A_1581] : memref<2x4x8448xi32, #tpu.memory_space<vmem>> -> memref<1x4x8448xi32, #tpu.memory_space<vmem>>
    %dma_start3A_1583 = tpu.memref_squeeze %dma_start3A_1582 : memref<1x4x8448xi32, #tpu.memory_space<vmem>> -> memref<4x8448xi32, #tpu.memory_space<vmem>>
    %dma_start3A_1584 = arith.constant 0 : i32
    %dma_start3A_1585 = tpu.memref_slice %arg3[%add3A_1560, %dma_start3A_1584] : memref<8448x8448xi32, #tpu.memory_space<hbm>> -> memref<4x8448xi32, #tpu.memory_space<hbm>>
    %dma_start3A_1586 = arith.constant 0 : i32
    %dma_start3A_1587 = tpu.memref_slice %arg3[%add3A_1560, %dma_start3A_1586] : memref<8448x8448xi32, #tpu.memory_space<hbm>> -> memref<4x8448xi32, #tpu.memory_space<hbm>>
    %dma_start3A_1588 = arith.constant 0 : i32
    %dma_start3A_1589 = arith.constant 0 : i32
    %dma_start3A_1590 = tpu.memref_slice %arg4[%convert_element_type3A_1579, %dma_start3A_1588, %dma_start3A_1589] : memref<2x4x8448xi32, #tpu.memory_space<vmem>> -> memref<1x4x8448xi32, #tpu.memory_space<vmem>>
    %dma_start3A_1591 = tpu.memref_squeeze %dma_start3A_1590 : memref<1x4x8448xi32, #tpu.memory_space<vmem>> -> memref<4x8448xi32, #tpu.memory_space<vmem>>
    tpu.enqueue_dma source(%dma_start3A_1591 : memref<4x8448xi32, #tpu.memory_space<vmem>>) target(%dma_start3A_1587 : memref<4x8448xi32, #tpu.memory_space<hbm>>) target_semaphore(%arg5 : memref<!tpu.dma_semaphore, #tpu.memory_space<semaphore_mem>>)
    %add3A_1592 = arith.constant 188 : i32
    %add3A_1593 = arith.addi %mul3A_2, %add3A_1592 : i32
    %ge3A_1594 = arith.constant 2000 : i32
    %ge3A_1595 = arith.cmpi sge, %add3A_1593, %ge3A_1594 : i32
    %convert_element_type3A_1596 = arith.extui %ge3A_1595 : i1 to i32
    %add3A_1597 = arith.constant 0 : i32
    %add3A_1598 = arith.addi %add3A_1597, %convert_element_type3A_1596 : i32
    %ge3A_1599 = arith.constant 4000 : i32
    %ge3A_1600 = arith.cmpi sge, %add3A_1593, %ge3A_1599 : i32
    %convert_element_type3A_1601 = arith.extui %ge3A_1600 : i1 to i32
    %add3A_1602 = arith.addi %add3A_1598, %convert_element_type3A_1601 : i32
    %ge3A_1603 = arith.constant 6400 : i32
    %ge3A_1604 = arith.cmpi sge, %add3A_1593, %ge3A_1603 : i32
    %convert_element_type3A_1605 = arith.extui %ge3A_1604 : i1 to i32
    %add3A_1606 = arith.addi %add3A_1602, %convert_element_type3A_1605 : i32
    %ge3A_1607 = arith.constant 8400 : i32
    %ge3A_1608 = arith.cmpi sge, %add3A_1593, %ge3A_1607 : i32
    %convert_element_type3A_1609 = arith.extui %ge3A_1608 : i1 to i32
    %add3A_1610 = arith.addi %add3A_1606, %convert_element_type3A_1609 : i32
    %gt3A_1611 = arith.cmpi sgt, %add3A_1610, %add3A_17 : i32
    %convert_element_type3A_1612 = arith.extui %gt3A_1611 : i1 to i32
    %dma_start3A_1613 = arith.constant 0 : i32
    %dma_start3A_1614 = arith.constant 0 : i32
    %dma_start3A_1615 = tpu.memref_slice %arg4[%convert_element_type3A_1612, %dma_start3A_1613, %dma_start3A_1614] : memref<2x4x8448xi32, #tpu.memory_space<vmem>> -> memref<1x4x8448xi32, #tpu.memory_space<vmem>>
    %dma_start3A_1616 = tpu.memref_squeeze %dma_start3A_1615 : memref<1x4x8448xi32, #tpu.memory_space<vmem>> -> memref<4x8448xi32, #tpu.memory_space<vmem>>
    %dma_start3A_1617 = arith.constant 0 : i32
    %dma_start3A_1618 = tpu.memref_slice %arg3[%add3A_1593, %dma_start3A_1617] : memref<8448x8448xi32, #tpu.memory_space<hbm>> -> memref<4x8448xi32, #tpu.memory_space<hbm>>
    %dma_start3A_1619 = arith.constant 0 : i32
    %dma_start3A_1620 = tpu.memref_slice %arg3[%add3A_1593, %dma_start3A_1619] : memref<8448x8448xi32, #tpu.memory_space<hbm>> -> memref<4x8448xi32, #tpu.memory_space<hbm>>
    %dma_start3A_1621 = arith.constant 0 : i32
    %dma_start3A_1622 = arith.constant 0 : i32
    %dma_start3A_1623 = tpu.memref_slice %arg4[%convert_element_type3A_1612, %dma_start3A_1621, %dma_start3A_1622] : memref<2x4x8448xi32, #tpu.memory_space<vmem>> -> memref<1x4x8448xi32, #tpu.memory_space<vmem>>
    %dma_start3A_1624 = tpu.memref_squeeze %dma_start3A_1623 : memref<1x4x8448xi32, #tpu.memory_space<vmem>> -> memref<4x8448xi32, #tpu.memory_space<vmem>>
    tpu.enqueue_dma source(%dma_start3A_1624 : memref<4x8448xi32, #tpu.memory_space<vmem>>) target(%dma_start3A_1620 : memref<4x8448xi32, #tpu.memory_space<hbm>>) target_semaphore(%arg5 : memref<!tpu.dma_semaphore, #tpu.memory_space<semaphore_mem>>)
    %add3A_1625 = arith.constant 192 : i32
    %add3A_1626 = arith.addi %mul3A_2, %add3A_1625 : i32
    %ge3A_1627 = arith.constant 2000 : i32
    %ge3A_1628 = arith.cmpi sge, %add3A_1626, %ge3A_1627 : i32
    %convert_element_type3A_1629 = arith.extui %ge3A_1628 : i1 to i32
    %add3A_1630 = arith.constant 0 : i32
    %add3A_1631 = arith.addi %add3A_1630, %convert_element_type3A_1629 : i32
    %ge3A_1632 = arith.constant 4000 : i32
    %ge3A_1633 = arith.cmpi sge, %add3A_1626, %ge3A_1632 : i32
    %convert_element_type3A_1634 = arith.extui %ge3A_1633 : i1 to i32
    %add3A_1635 = arith.addi %add3A_1631, %convert_element_type3A_1634 : i32
    %ge3A_1636 = arith.constant 6400 : i32
    %ge3A_1637 = arith.cmpi sge, %add3A_1626, %ge3A_1636 : i32
    %convert_element_type3A_1638 = arith.extui %ge3A_1637 : i1 to i32
    %add3A_1639 = arith.addi %add3A_1635, %convert_element_type3A_1638 : i32
    %ge3A_1640 = arith.constant 8400 : i32
    %ge3A_1641 = arith.cmpi sge, %add3A_1626, %ge3A_1640 : i32
    %convert_element_type3A_1642 = arith.extui %ge3A_1641 : i1 to i32
    %add3A_1643 = arith.addi %add3A_1639, %convert_element_type3A_1642 : i32
    %gt3A_1644 = arith.cmpi sgt, %add3A_1643, %add3A_17 : i32
    %convert_element_type3A_1645 = arith.extui %gt3A_1644 : i1 to i32
    %dma_start3A_1646 = arith.constant 0 : i32
    %dma_start3A_1647 = arith.constant 0 : i32
    %dma_start3A_1648 = tpu.memref_slice %arg4[%convert_element_type3A_1645, %dma_start3A_1646, %dma_start3A_1647] : memref<2x4x8448xi32, #tpu.memory_space<vmem>> -> memref<1x4x8448xi32, #tpu.memory_space<vmem>>
    %dma_start3A_1649 = tpu.memref_squeeze %dma_start3A_1648 : memref<1x4x8448xi32, #tpu.memory_space<vmem>> -> memref<4x8448xi32, #tpu.memory_space<vmem>>
    %dma_start3A_1650 = arith.constant 0 : i32
    %dma_start3A_1651 = tpu.memref_slice %arg3[%add3A_1626, %dma_start3A_1650] : memref<8448x8448xi32, #tpu.memory_space<hbm>> -> memref<4x8448xi32, #tpu.memory_space<hbm>>
    %dma_start3A_1652 = arith.constant 0 : i32
    %dma_start3A_1653 = tpu.memref_slice %arg3[%add3A_1626, %dma_start3A_1652] : memref<8448x8448xi32, #tpu.memory_space<hbm>> -> memref<4x8448xi32, #tpu.memory_space<hbm>>
    %dma_start3A_1654 = arith.constant 0 : i32
    %dma_start3A_1655 = arith.constant 0 : i32
    %dma_start3A_1656 = tpu.memref_slice %arg4[%convert_element_type3A_1645, %dma_start3A_1654, %dma_start3A_1655] : memref<2x4x8448xi32, #tpu.memory_space<vmem>> -> memref<1x4x8448xi32, #tpu.memory_space<vmem>>
    %dma_start3A_1657 = tpu.memref_squeeze %dma_start3A_1656 : memref<1x4x8448xi32, #tpu.memory_space<vmem>> -> memref<4x8448xi32, #tpu.memory_space<vmem>>
    tpu.enqueue_dma source(%dma_start3A_1657 : memref<4x8448xi32, #tpu.memory_space<vmem>>) target(%dma_start3A_1653 : memref<4x8448xi32, #tpu.memory_space<hbm>>) target_semaphore(%arg5 : memref<!tpu.dma_semaphore, #tpu.memory_space<semaphore_mem>>)
    %add3A_1658 = arith.constant 196 : i32
    %add3A_1659 = arith.addi %mul3A_2, %add3A_1658 : i32
    %ge3A_1660 = arith.constant 2000 : i32
    %ge3A_1661 = arith.cmpi sge, %add3A_1659, %ge3A_1660 : i32
    %convert_element_type3A_1662 = arith.extui %ge3A_1661 : i1 to i32
    %add3A_1663 = arith.constant 0 : i32
    %add3A_1664 = arith.addi %add3A_1663, %convert_element_type3A_1662 : i32
    %ge3A_1665 = arith.constant 4000 : i32
    %ge3A_1666 = arith.cmpi sge, %add3A_1659, %ge3A_1665 : i32
    %convert_element_type3A_1667 = arith.extui %ge3A_1666 : i1 to i32
    %add3A_1668 = arith.addi %add3A_1664, %convert_element_type3A_1667 : i32
    %ge3A_1669 = arith.constant 6400 : i32
    %ge3A_1670 = arith.cmpi sge, %add3A_1659, %ge3A_1669 : i32
    %convert_element_type3A_1671 = arith.extui %ge3A_1670 : i1 to i32
    %add3A_1672 = arith.addi %add3A_1668, %convert_element_type3A_1671 : i32
    %ge3A_1673 = arith.constant 8400 : i32
    %ge3A_1674 = arith.cmpi sge, %add3A_1659, %ge3A_1673 : i32
    %convert_element_type3A_1675 = arith.extui %ge3A_1674 : i1 to i32
    %add3A_1676 = arith.addi %add3A_1672, %convert_element_type3A_1675 : i32
    %gt3A_1677 = arith.cmpi sgt, %add3A_1676, %add3A_17 : i32
    %convert_element_type3A_1678 = arith.extui %gt3A_1677 : i1 to i32
    %dma_start3A_1679 = arith.constant 0 : i32
    %dma_start3A_1680 = arith.constant 0 : i32
    %dma_start3A_1681 = tpu.memref_slice %arg4[%convert_element_type3A_1678, %dma_start3A_1679, %dma_start3A_1680] : memref<2x4x8448xi32, #tpu.memory_space<vmem>> -> memref<1x4x8448xi32, #tpu.memory_space<vmem>>
    %dma_start3A_1682 = tpu.memref_squeeze %dma_start3A_1681 : memref<1x4x8448xi32, #tpu.memory_space<vmem>> -> memref<4x8448xi32, #tpu.memory_space<vmem>>
    %dma_start3A_1683 = arith.constant 0 : i32
    %dma_start3A_1684 = tpu.memref_slice %arg3[%add3A_1659, %dma_start3A_1683] : memref<8448x8448xi32, #tpu.memory_space<hbm>> -> memref<4x8448xi32, #tpu.memory_space<hbm>>
    %dma_start3A_1685 = arith.constant 0 : i32
    %dma_start3A_1686 = tpu.memref_slice %arg3[%add3A_1659, %dma_start3A_1685] : memref<8448x8448xi32, #tpu.memory_space<hbm>> -> memref<4x8448xi32, #tpu.memory_space<hbm>>
    %dma_start3A_1687 = arith.constant 0 : i32
    %dma_start3A_1688 = arith.constant 0 : i32
    %dma_start3A_1689 = tpu.memref_slice %arg4[%convert_element_type3A_1678, %dma_start3A_1687, %dma_start3A_1688] : memref<2x4x8448xi32, #tpu.memory_space<vmem>> -> memref<1x4x8448xi32, #tpu.memory_space<vmem>>
    %dma_start3A_1690 = tpu.memref_squeeze %dma_start3A_1689 : memref<1x4x8448xi32, #tpu.memory_space<vmem>> -> memref<4x8448xi32, #tpu.memory_space<vmem>>
    tpu.enqueue_dma source(%dma_start3A_1690 : memref<4x8448xi32, #tpu.memory_space<vmem>>) target(%dma_start3A_1686 : memref<4x8448xi32, #tpu.memory_space<hbm>>) target_semaphore(%arg5 : memref<!tpu.dma_semaphore, #tpu.memory_space<semaphore_mem>>)
    %add3A_1691 = arith.constant 200 : i32
    %add3A_1692 = arith.addi %mul3A_2, %add3A_1691 : i32
    %ge3A_1693 = arith.constant 2000 : i32
    %ge3A_1694 = arith.cmpi sge, %add3A_1692, %ge3A_1693 : i32
    %convert_element_type3A_1695 = arith.extui %ge3A_1694 : i1 to i32
    %add3A_1696 = arith.constant 0 : i32
    %add3A_1697 = arith.addi %add3A_1696, %convert_element_type3A_1695 : i32
    %ge3A_1698 = arith.constant 4000 : i32
    %ge3A_1699 = arith.cmpi sge, %add3A_1692, %ge3A_1698 : i32
    %convert_element_type3A_1700 = arith.extui %ge3A_1699 : i1 to i32
    %add3A_1701 = arith.addi %add3A_1697, %convert_element_type3A_1700 : i32
    %ge3A_1702 = arith.constant 6400 : i32
    %ge3A_1703 = arith.cmpi sge, %add3A_1692, %ge3A_1702 : i32
    %convert_element_type3A_1704 = arith.extui %ge3A_1703 : i1 to i32
    %add3A_1705 = arith.addi %add3A_1701, %convert_element_type3A_1704 : i32
    %ge3A_1706 = arith.constant 8400 : i32
    %ge3A_1707 = arith.cmpi sge, %add3A_1692, %ge3A_1706 : i32
    %convert_element_type3A_1708 = arith.extui %ge3A_1707 : i1 to i32
    %add3A_1709 = arith.addi %add3A_1705, %convert_element_type3A_1708 : i32
    %gt3A_1710 = arith.cmpi sgt, %add3A_1709, %add3A_17 : i32
    %convert_element_type3A_1711 = arith.extui %gt3A_1710 : i1 to i32
    %dma_start3A_1712 = arith.constant 0 : i32
    %dma_start3A_1713 = arith.constant 0 : i32
    %dma_start3A_1714 = tpu.memref_slice %arg4[%convert_element_type3A_1711, %dma_start3A_1712, %dma_start3A_1713] : memref<2x4x8448xi32, #tpu.memory_space<vmem>> -> memref<1x4x8448xi32, #tpu.memory_space<vmem>>
    %dma_start3A_1715 = tpu.memref_squeeze %dma_start3A_1714 : memref<1x4x8448xi32, #tpu.memory_space<vmem>> -> memref<4x8448xi32, #tpu.memory_space<vmem>>
    %dma_start3A_1716 = arith.constant 0 : i32
    %dma_start3A_1717 = tpu.memref_slice %arg3[%add3A_1692, %dma_start3A_1716] : memref<8448x8448xi32, #tpu.memory_space<hbm>> -> memref<4x8448xi32, #tpu.memory_space<hbm>>
    %dma_start3A_1718 = arith.constant 0 : i32
    %dma_start3A_1719 = tpu.memref_slice %arg3[%add3A_1692, %dma_start3A_1718] : memref<8448x8448xi32, #tpu.memory_space<hbm>> -> memref<4x8448xi32, #tpu.memory_space<hbm>>
    %dma_start3A_1720 = arith.constant 0 : i32
    %dma_start3A_1721 = arith.constant 0 : i32
    %dma_start3A_1722 = tpu.memref_slice %arg4[%convert_element_type3A_1711, %dma_start3A_1720, %dma_start3A_1721] : memref<2x4x8448xi32, #tpu.memory_space<vmem>> -> memref<1x4x8448xi32, #tpu.memory_space<vmem>>
    %dma_start3A_1723 = tpu.memref_squeeze %dma_start3A_1722 : memref<1x4x8448xi32, #tpu.memory_space<vmem>> -> memref<4x8448xi32, #tpu.memory_space<vmem>>
    tpu.enqueue_dma source(%dma_start3A_1723 : memref<4x8448xi32, #tpu.memory_space<vmem>>) target(%dma_start3A_1719 : memref<4x8448xi32, #tpu.memory_space<hbm>>) target_semaphore(%arg5 : memref<!tpu.dma_semaphore, #tpu.memory_space<semaphore_mem>>)
    %add3A_1724 = arith.constant 204 : i32
    %add3A_1725 = arith.addi %mul3A_2, %add3A_1724 : i32
    %ge3A_1726 = arith.constant 2000 : i32
    %ge3A_1727 = arith.cmpi sge, %add3A_1725, %ge3A_1726 : i32
    %convert_element_type3A_1728 = arith.extui %ge3A_1727 : i1 to i32
    %add3A_1729 = arith.constant 0 : i32
    %add3A_1730 = arith.addi %add3A_1729, %convert_element_type3A_1728 : i32
    %ge3A_1731 = arith.constant 4000 : i32
    %ge3A_1732 = arith.cmpi sge, %add3A_1725, %ge3A_1731 : i32
    %convert_element_type3A_1733 = arith.extui %ge3A_1732 : i1 to i32
    %add3A_1734 = arith.addi %add3A_1730, %convert_element_type3A_1733 : i32
    %ge3A_1735 = arith.constant 6400 : i32
    %ge3A_1736 = arith.cmpi sge, %add3A_1725, %ge3A_1735 : i32
    %convert_element_type3A_1737 = arith.extui %ge3A_1736 : i1 to i32
    %add3A_1738 = arith.addi %add3A_1734, %convert_element_type3A_1737 : i32
    %ge3A_1739 = arith.constant 8400 : i32
    %ge3A_1740 = arith.cmpi sge, %add3A_1725, %ge3A_1739 : i32
    %convert_element_type3A_1741 = arith.extui %ge3A_1740 : i1 to i32
    %add3A_1742 = arith.addi %add3A_1738, %convert_element_type3A_1741 : i32
    %gt3A_1743 = arith.cmpi sgt, %add3A_1742, %add3A_17 : i32
    %convert_element_type3A_1744 = arith.extui %gt3A_1743 : i1 to i32
    %dma_start3A_1745 = arith.constant 0 : i32
    %dma_start3A_1746 = arith.constant 0 : i32
    %dma_start3A_1747 = tpu.memref_slice %arg4[%convert_element_type3A_1744, %dma_start3A_1745, %dma_start3A_1746] : memref<2x4x8448xi32, #tpu.memory_space<vmem>> -> memref<1x4x8448xi32, #tpu.memory_space<vmem>>
    %dma_start3A_1748 = tpu.memref_squeeze %dma_start3A_1747 : memref<1x4x8448xi32, #tpu.memory_space<vmem>> -> memref<4x8448xi32, #tpu.memory_space<vmem>>
    %dma_start3A_1749 = arith.constant 0 : i32
    %dma_start3A_1750 = tpu.memref_slice %arg3[%add3A_1725, %dma_start3A_1749] : memref<8448x8448xi32, #tpu.memory_space<hbm>> -> memref<4x8448xi32, #tpu.memory_space<hbm>>
    %dma_start3A_1751 = arith.constant 0 : i32
    %dma_start3A_1752 = tpu.memref_slice %arg3[%add3A_1725, %dma_start3A_1751] : memref<8448x8448xi32, #tpu.memory_space<hbm>> -> memref<4x8448xi32, #tpu.memory_space<hbm>>
    %dma_start3A_1753 = arith.constant 0 : i32
    %dma_start3A_1754 = arith.constant 0 : i32
    %dma_start3A_1755 = tpu.memref_slice %arg4[%convert_element_type3A_1744, %dma_start3A_1753, %dma_start3A_1754] : memref<2x4x8448xi32, #tpu.memory_space<vmem>> -> memref<1x4x8448xi32, #tpu.memory_space<vmem>>
    %dma_start3A_1756 = tpu.memref_squeeze %dma_start3A_1755 : memref<1x4x8448xi32, #tpu.memory_space<vmem>> -> memref<4x8448xi32, #tpu.memory_space<vmem>>
    tpu.enqueue_dma source(%dma_start3A_1756 : memref<4x8448xi32, #tpu.memory_space<vmem>>) target(%dma_start3A_1752 : memref<4x8448xi32, #tpu.memory_space<hbm>>) target_semaphore(%arg5 : memref<!tpu.dma_semaphore, #tpu.memory_space<semaphore_mem>>)
    %add3A_1757 = arith.constant 208 : i32
    %add3A_1758 = arith.addi %mul3A_2, %add3A_1757 : i32
    %ge3A_1759 = arith.constant 2000 : i32
    %ge3A_1760 = arith.cmpi sge, %add3A_1758, %ge3A_1759 : i32
    %convert_element_type3A_1761 = arith.extui %ge3A_1760 : i1 to i32
    %add3A_1762 = arith.constant 0 : i32
    %add3A_1763 = arith.addi %add3A_1762, %convert_element_type3A_1761 : i32
    %ge3A_1764 = arith.constant 4000 : i32
    %ge3A_1765 = arith.cmpi sge, %add3A_1758, %ge3A_1764 : i32
    %convert_element_type3A_1766 = arith.extui %ge3A_1765 : i1 to i32
    %add3A_1767 = arith.addi %add3A_1763, %convert_element_type3A_1766 : i32
    %ge3A_1768 = arith.constant 6400 : i32
    %ge3A_1769 = arith.cmpi sge, %add3A_1758, %ge3A_1768 : i32
    %convert_element_type3A_1770 = arith.extui %ge3A_1769 : i1 to i32
    %add3A_1771 = arith.addi %add3A_1767, %convert_element_type3A_1770 : i32
    %ge3A_1772 = arith.constant 8400 : i32
    %ge3A_1773 = arith.cmpi sge, %add3A_1758, %ge3A_1772 : i32
    %convert_element_type3A_1774 = arith.extui %ge3A_1773 : i1 to i32
    %add3A_1775 = arith.addi %add3A_1771, %convert_element_type3A_1774 : i32
    %gt3A_1776 = arith.cmpi sgt, %add3A_1775, %add3A_17 : i32
    %convert_element_type3A_1777 = arith.extui %gt3A_1776 : i1 to i32
    %dma_start3A_1778 = arith.constant 0 : i32
    %dma_start3A_1779 = arith.constant 0 : i32
    %dma_start3A_1780 = tpu.memref_slice %arg4[%convert_element_type3A_1777, %dma_start3A_1778, %dma_start3A_1779] : memref<2x4x8448xi32, #tpu.memory_space<vmem>> -> memref<1x4x8448xi32, #tpu.memory_space<vmem>>
    %dma_start3A_1781 = tpu.memref_squeeze %dma_start3A_1780 : memref<1x4x8448xi32, #tpu.memory_space<vmem>> -> memref<4x8448xi32, #tpu.memory_space<vmem>>
    %dma_start3A_1782 = arith.constant 0 : i32
    %dma_start3A_1783 = tpu.memref_slice %arg3[%add3A_1758, %dma_start3A_1782] : memref<8448x8448xi32, #tpu.memory_space<hbm>> -> memref<4x8448xi32, #tpu.memory_space<hbm>>
    %dma_start3A_1784 = arith.constant 0 : i32
    %dma_start3A_1785 = tpu.memref_slice %arg3[%add3A_1758, %dma_start3A_1784] : memref<8448x8448xi32, #tpu.memory_space<hbm>> -> memref<4x8448xi32, #tpu.memory_space<hbm>>
    %dma_start3A_1786 = arith.constant 0 : i32
    %dma_start3A_1787 = arith.constant 0 : i32
    %dma_start3A_1788 = tpu.memref_slice %arg4[%convert_element_type3A_1777, %dma_start3A_1786, %dma_start3A_1787] : memref<2x4x8448xi32, #tpu.memory_space<vmem>> -> memref<1x4x8448xi32, #tpu.memory_space<vmem>>
    %dma_start3A_1789 = tpu.memref_squeeze %dma_start3A_1788 : memref<1x4x8448xi32, #tpu.memory_space<vmem>> -> memref<4x8448xi32, #tpu.memory_space<vmem>>
    tpu.enqueue_dma source(%dma_start3A_1789 : memref<4x8448xi32, #tpu.memory_space<vmem>>) target(%dma_start3A_1785 : memref<4x8448xi32, #tpu.memory_space<hbm>>) target_semaphore(%arg5 : memref<!tpu.dma_semaphore, #tpu.memory_space<semaphore_mem>>)
    %add3A_1790 = arith.constant 212 : i32
    %add3A_1791 = arith.addi %mul3A_2, %add3A_1790 : i32
    %ge3A_1792 = arith.constant 2000 : i32
    %ge3A_1793 = arith.cmpi sge, %add3A_1791, %ge3A_1792 : i32
    %convert_element_type3A_1794 = arith.extui %ge3A_1793 : i1 to i32
    %add3A_1795 = arith.constant 0 : i32
    %add3A_1796 = arith.addi %add3A_1795, %convert_element_type3A_1794 : i32
    %ge3A_1797 = arith.constant 4000 : i32
    %ge3A_1798 = arith.cmpi sge, %add3A_1791, %ge3A_1797 : i32
    %convert_element_type3A_1799 = arith.extui %ge3A_1798 : i1 to i32
    %add3A_1800 = arith.addi %add3A_1796, %convert_element_type3A_1799 : i32
    %ge3A_1801 = arith.constant 6400 : i32
    %ge3A_1802 = arith.cmpi sge, %add3A_1791, %ge3A_1801 : i32
    %convert_element_type3A_1803 = arith.extui %ge3A_1802 : i1 to i32
    %add3A_1804 = arith.addi %add3A_1800, %convert_element_type3A_1803 : i32
    %ge3A_1805 = arith.constant 8400 : i32
    %ge3A_1806 = arith.cmpi sge, %add3A_1791, %ge3A_1805 : i32
    %convert_element_type3A_1807 = arith.extui %ge3A_1806 : i1 to i32
    %add3A_1808 = arith.addi %add3A_1804, %convert_element_type3A_1807 : i32
    %gt3A_1809 = arith.cmpi sgt, %add3A_1808, %add3A_17 : i32
    %convert_element_type3A_1810 = arith.extui %gt3A_1809 : i1 to i32
    %dma_start3A_1811 = arith.constant 0 : i32
    %dma_start3A_1812 = arith.constant 0 : i32
    %dma_start3A_1813 = tpu.memref_slice %arg4[%convert_element_type3A_1810, %dma_start3A_1811, %dma_start3A_1812] : memref<2x4x8448xi32, #tpu.memory_space<vmem>> -> memref<1x4x8448xi32, #tpu.memory_space<vmem>>
    %dma_start3A_1814 = tpu.memref_squeeze %dma_start3A_1813 : memref<1x4x8448xi32, #tpu.memory_space<vmem>> -> memref<4x8448xi32, #tpu.memory_space<vmem>>
    %dma_start3A_1815 = arith.constant 0 : i32
    %dma_start3A_1816 = tpu.memref_slice %arg3[%add3A_1791, %dma_start3A_1815] : memref<8448x8448xi32, #tpu.memory_space<hbm>> -> memref<4x8448xi32, #tpu.memory_space<hbm>>
    %dma_start3A_1817 = arith.constant 0 : i32
    %dma_start3A_1818 = tpu.memref_slice %arg3[%add3A_1791, %dma_start3A_1817] : memref<8448x8448xi32, #tpu.memory_space<hbm>> -> memref<4x8448xi32, #tpu.memory_space<hbm>>
    %dma_start3A_1819 = arith.constant 0 : i32
    %dma_start3A_1820 = arith.constant 0 : i32
    %dma_start3A_1821 = tpu.memref_slice %arg4[%convert_element_type3A_1810, %dma_start3A_1819, %dma_start3A_1820] : memref<2x4x8448xi32, #tpu.memory_space<vmem>> -> memref<1x4x8448xi32, #tpu.memory_space<vmem>>
    %dma_start3A_1822 = tpu.memref_squeeze %dma_start3A_1821 : memref<1x4x8448xi32, #tpu.memory_space<vmem>> -> memref<4x8448xi32, #tpu.memory_space<vmem>>
    tpu.enqueue_dma source(%dma_start3A_1822 : memref<4x8448xi32, #tpu.memory_space<vmem>>) target(%dma_start3A_1818 : memref<4x8448xi32, #tpu.memory_space<hbm>>) target_semaphore(%arg5 : memref<!tpu.dma_semaphore, #tpu.memory_space<semaphore_mem>>)
    %add3A_1823 = arith.constant 216 : i32
    %add3A_1824 = arith.addi %mul3A_2, %add3A_1823 : i32
    %ge3A_1825 = arith.constant 2000 : i32
    %ge3A_1826 = arith.cmpi sge, %add3A_1824, %ge3A_1825 : i32
    %convert_element_type3A_1827 = arith.extui %ge3A_1826 : i1 to i32
    %add3A_1828 = arith.constant 0 : i32
    %add3A_1829 = arith.addi %add3A_1828, %convert_element_type3A_1827 : i32
    %ge3A_1830 = arith.constant 4000 : i32
    %ge3A_1831 = arith.cmpi sge, %add3A_1824, %ge3A_1830 : i32
    %convert_element_type3A_1832 = arith.extui %ge3A_1831 : i1 to i32
    %add3A_1833 = arith.addi %add3A_1829, %convert_element_type3A_1832 : i32
    %ge3A_1834 = arith.constant 6400 : i32
    %ge3A_1835 = arith.cmpi sge, %add3A_1824, %ge3A_1834 : i32
    %convert_element_type3A_1836 = arith.extui %ge3A_1835 : i1 to i32
    %add3A_1837 = arith.addi %add3A_1833, %convert_element_type3A_1836 : i32
    %ge3A_1838 = arith.constant 8400 : i32
    %ge3A_1839 = arith.cmpi sge, %add3A_1824, %ge3A_1838 : i32
    %convert_element_type3A_1840 = arith.extui %ge3A_1839 : i1 to i32
    %add3A_1841 = arith.addi %add3A_1837, %convert_element_type3A_1840 : i32
    %gt3A_1842 = arith.cmpi sgt, %add3A_1841, %add3A_17 : i32
    %convert_element_type3A_1843 = arith.extui %gt3A_1842 : i1 to i32
    %dma_start3A_1844 = arith.constant 0 : i32
    %dma_start3A_1845 = arith.constant 0 : i32
    %dma_start3A_1846 = tpu.memref_slice %arg4[%convert_element_type3A_1843, %dma_start3A_1844, %dma_start3A_1845] : memref<2x4x8448xi32, #tpu.memory_space<vmem>> -> memref<1x4x8448xi32, #tpu.memory_space<vmem>>
    %dma_start3A_1847 = tpu.memref_squeeze %dma_start3A_1846 : memref<1x4x8448xi32, #tpu.memory_space<vmem>> -> memref<4x8448xi32, #tpu.memory_space<vmem>>
    %dma_start3A_1848 = arith.constant 0 : i32
    %dma_start3A_1849 = tpu.memref_slice %arg3[%add3A_1824, %dma_start3A_1848] : memref<8448x8448xi32, #tpu.memory_space<hbm>> -> memref<4x8448xi32, #tpu.memory_space<hbm>>
    %dma_start3A_1850 = arith.constant 0 : i32
    %dma_start3A_1851 = tpu.memref_slice %arg3[%add3A_1824, %dma_start3A_1850] : memref<8448x8448xi32, #tpu.memory_space<hbm>> -> memref<4x8448xi32, #tpu.memory_space<hbm>>
    %dma_start3A_1852 = arith.constant 0 : i32
    %dma_start3A_1853 = arith.constant 0 : i32
    %dma_start3A_1854 = tpu.memref_slice %arg4[%convert_element_type3A_1843, %dma_start3A_1852, %dma_start3A_1853] : memref<2x4x8448xi32, #tpu.memory_space<vmem>> -> memref<1x4x8448xi32, #tpu.memory_space<vmem>>
    %dma_start3A_1855 = tpu.memref_squeeze %dma_start3A_1854 : memref<1x4x8448xi32, #tpu.memory_space<vmem>> -> memref<4x8448xi32, #tpu.memory_space<vmem>>
    tpu.enqueue_dma source(%dma_start3A_1855 : memref<4x8448xi32, #tpu.memory_space<vmem>>) target(%dma_start3A_1851 : memref<4x8448xi32, #tpu.memory_space<hbm>>) target_semaphore(%arg5 : memref<!tpu.dma_semaphore, #tpu.memory_space<semaphore_mem>>)
    %add3A_1856 = arith.constant 220 : i32
    %add3A_1857 = arith.addi %mul3A_2, %add3A_1856 : i32
    %ge3A_1858 = arith.constant 2000 : i32
    %ge3A_1859 = arith.cmpi sge, %add3A_1857, %ge3A_1858 : i32
    %convert_element_type3A_1860 = arith.extui %ge3A_1859 : i1 to i32
    %add3A_1861 = arith.constant 0 : i32
    %add3A_1862 = arith.addi %add3A_1861, %convert_element_type3A_1860 : i32
    %ge3A_1863 = arith.constant 4000 : i32
    %ge3A_1864 = arith.cmpi sge, %add3A_1857, %ge3A_1863 : i32
    %convert_element_type3A_1865 = arith.extui %ge3A_1864 : i1 to i32
    %add3A_1866 = arith.addi %add3A_1862, %convert_element_type3A_1865 : i32
    %ge3A_1867 = arith.constant 6400 : i32
    %ge3A_1868 = arith.cmpi sge, %add3A_1857, %ge3A_1867 : i32
    %convert_element_type3A_1869 = arith.extui %ge3A_1868 : i1 to i32
    %add3A_1870 = arith.addi %add3A_1866, %convert_element_type3A_1869 : i32
    %ge3A_1871 = arith.constant 8400 : i32
    %ge3A_1872 = arith.cmpi sge, %add3A_1857, %ge3A_1871 : i32
    %convert_element_type3A_1873 = arith.extui %ge3A_1872 : i1 to i32
    %add3A_1874 = arith.addi %add3A_1870, %convert_element_type3A_1873 : i32
    %gt3A_1875 = arith.cmpi sgt, %add3A_1874, %add3A_17 : i32
    %convert_element_type3A_1876 = arith.extui %gt3A_1875 : i1 to i32
    %dma_start3A_1877 = arith.constant 0 : i32
    %dma_start3A_1878 = arith.constant 0 : i32
    %dma_start3A_1879 = tpu.memref_slice %arg4[%convert_element_type3A_1876, %dma_start3A_1877, %dma_start3A_1878] : memref<2x4x8448xi32, #tpu.memory_space<vmem>> -> memref<1x4x8448xi32, #tpu.memory_space<vmem>>
    %dma_start3A_1880 = tpu.memref_squeeze %dma_start3A_1879 : memref<1x4x8448xi32, #tpu.memory_space<vmem>> -> memref<4x8448xi32, #tpu.memory_space<vmem>>
    %dma_start3A_1881 = arith.constant 0 : i32
    %dma_start3A_1882 = tpu.memref_slice %arg3[%add3A_1857, %dma_start3A_1881] : memref<8448x8448xi32, #tpu.memory_space<hbm>> -> memref<4x8448xi32, #tpu.memory_space<hbm>>
    %dma_start3A_1883 = arith.constant 0 : i32
    %dma_start3A_1884 = tpu.memref_slice %arg3[%add3A_1857, %dma_start3A_1883] : memref<8448x8448xi32, #tpu.memory_space<hbm>> -> memref<4x8448xi32, #tpu.memory_space<hbm>>
    %dma_start3A_1885 = arith.constant 0 : i32
    %dma_start3A_1886 = arith.constant 0 : i32
    %dma_start3A_1887 = tpu.memref_slice %arg4[%convert_element_type3A_1876, %dma_start3A_1885, %dma_start3A_1886] : memref<2x4x8448xi32, #tpu.memory_space<vmem>> -> memref<1x4x8448xi32, #tpu.memory_space<vmem>>
    %dma_start3A_1888 = tpu.memref_squeeze %dma_start3A_1887 : memref<1x4x8448xi32, #tpu.memory_space<vmem>> -> memref<4x8448xi32, #tpu.memory_space<vmem>>
    tpu.enqueue_dma source(%dma_start3A_1888 : memref<4x8448xi32, #tpu.memory_space<vmem>>) target(%dma_start3A_1884 : memref<4x8448xi32, #tpu.memory_space<hbm>>) target_semaphore(%arg5 : memref<!tpu.dma_semaphore, #tpu.memory_space<semaphore_mem>>)
    %add3A_1889 = arith.constant 224 : i32
    %add3A_1890 = arith.addi %mul3A_2, %add3A_1889 : i32
    %ge3A_1891 = arith.constant 2000 : i32
    %ge3A_1892 = arith.cmpi sge, %add3A_1890, %ge3A_1891 : i32
    %convert_element_type3A_1893 = arith.extui %ge3A_1892 : i1 to i32
    %add3A_1894 = arith.constant 0 : i32
    %add3A_1895 = arith.addi %add3A_1894, %convert_element_type3A_1893 : i32
    %ge3A_1896 = arith.constant 4000 : i32
    %ge3A_1897 = arith.cmpi sge, %add3A_1890, %ge3A_1896 : i32
    %convert_element_type3A_1898 = arith.extui %ge3A_1897 : i1 to i32
    %add3A_1899 = arith.addi %add3A_1895, %convert_element_type3A_1898 : i32
    %ge3A_1900 = arith.constant 6400 : i32
    %ge3A_1901 = arith.cmpi sge, %add3A_1890, %ge3A_1900 : i32
    %convert_element_type3A_1902 = arith.extui %ge3A_1901 : i1 to i32
    %add3A_1903 = arith.addi %add3A_1899, %convert_element_type3A_1902 : i32
    %ge3A_1904 = arith.constant 8400 : i32
    %ge3A_1905 = arith.cmpi sge, %add3A_1890, %ge3A_1904 : i32
    %convert_element_type3A_1906 = arith.extui %ge3A_1905 : i1 to i32
    %add3A_1907 = arith.addi %add3A_1903, %convert_element_type3A_1906 : i32
    %gt3A_1908 = arith.cmpi sgt, %add3A_1907, %add3A_17 : i32
    %convert_element_type3A_1909 = arith.extui %gt3A_1908 : i1 to i32
    %dma_start3A_1910 = arith.constant 0 : i32
    %dma_start3A_1911 = arith.constant 0 : i32
    %dma_start3A_1912 = tpu.memref_slice %arg4[%convert_element_type3A_1909, %dma_start3A_1910, %dma_start3A_1911] : memref<2x4x8448xi32, #tpu.memory_space<vmem>> -> memref<1x4x8448xi32, #tpu.memory_space<vmem>>
    %dma_start3A_1913 = tpu.memref_squeeze %dma_start3A_1912 : memref<1x4x8448xi32, #tpu.memory_space<vmem>> -> memref<4x8448xi32, #tpu.memory_space<vmem>>
    %dma_start3A_1914 = arith.constant 0 : i32
    %dma_start3A_1915 = tpu.memref_slice %arg3[%add3A_1890, %dma_start3A_1914] : memref<8448x8448xi32, #tpu.memory_space<hbm>> -> memref<4x8448xi32, #tpu.memory_space<hbm>>
    %dma_start3A_1916 = arith.constant 0 : i32
    %dma_start3A_1917 = tpu.memref_slice %arg3[%add3A_1890, %dma_start3A_1916] : memref<8448x8448xi32, #tpu.memory_space<hbm>> -> memref<4x8448xi32, #tpu.memory_space<hbm>>
    %dma_start3A_1918 = arith.constant 0 : i32
    %dma_start3A_1919 = arith.constant 0 : i32
    %dma_start3A_1920 = tpu.memref_slice %arg4[%convert_element_type3A_1909, %dma_start3A_1918, %dma_start3A_1919] : memref<2x4x8448xi32, #tpu.memory_space<vmem>> -> memref<1x4x8448xi32, #tpu.memory_space<vmem>>
    %dma_start3A_1921 = tpu.memref_squeeze %dma_start3A_1920 : memref<1x4x8448xi32, #tpu.memory_space<vmem>> -> memref<4x8448xi32, #tpu.memory_space<vmem>>
    tpu.enqueue_dma source(%dma_start3A_1921 : memref<4x8448xi32, #tpu.memory_space<vmem>>) target(%dma_start3A_1917 : memref<4x8448xi32, #tpu.memory_space<hbm>>) target_semaphore(%arg5 : memref<!tpu.dma_semaphore, #tpu.memory_space<semaphore_mem>>)
    %add3A_1922 = arith.constant 228 : i32
    %add3A_1923 = arith.addi %mul3A_2, %add3A_1922 : i32
    %ge3A_1924 = arith.constant 2000 : i32
    %ge3A_1925 = arith.cmpi sge, %add3A_1923, %ge3A_1924 : i32
    %convert_element_type3A_1926 = arith.extui %ge3A_1925 : i1 to i32
    %add3A_1927 = arith.constant 0 : i32
    %add3A_1928 = arith.addi %add3A_1927, %convert_element_type3A_1926 : i32
    %ge3A_1929 = arith.constant 4000 : i32
    %ge3A_1930 = arith.cmpi sge, %add3A_1923, %ge3A_1929 : i32
    %convert_element_type3A_1931 = arith.extui %ge3A_1930 : i1 to i32
    %add3A_1932 = arith.addi %add3A_1928, %convert_element_type3A_1931 : i32
    %ge3A_1933 = arith.constant 6400 : i32
    %ge3A_1934 = arith.cmpi sge, %add3A_1923, %ge3A_1933 : i32
    %convert_element_type3A_1935 = arith.extui %ge3A_1934 : i1 to i32
    %add3A_1936 = arith.addi %add3A_1932, %convert_element_type3A_1935 : i32
    %ge3A_1937 = arith.constant 8400 : i32
    %ge3A_1938 = arith.cmpi sge, %add3A_1923, %ge3A_1937 : i32
    %convert_element_type3A_1939 = arith.extui %ge3A_1938 : i1 to i32
    %add3A_1940 = arith.addi %add3A_1936, %convert_element_type3A_1939 : i32
    %gt3A_1941 = arith.cmpi sgt, %add3A_1940, %add3A_17 : i32
    %convert_element_type3A_1942 = arith.extui %gt3A_1941 : i1 to i32
    %dma_start3A_1943 = arith.constant 0 : i32
    %dma_start3A_1944 = arith.constant 0 : i32
    %dma_start3A_1945 = tpu.memref_slice %arg4[%convert_element_type3A_1942, %dma_start3A_1943, %dma_start3A_1944] : memref<2x4x8448xi32, #tpu.memory_space<vmem>> -> memref<1x4x8448xi32, #tpu.memory_space<vmem>>
    %dma_start3A_1946 = tpu.memref_squeeze %dma_start3A_1945 : memref<1x4x8448xi32, #tpu.memory_space<vmem>> -> memref<4x8448xi32, #tpu.memory_space<vmem>>
    %dma_start3A_1947 = arith.constant 0 : i32
    %dma_start3A_1948 = tpu.memref_slice %arg3[%add3A_1923, %dma_start3A_1947] : memref<8448x8448xi32, #tpu.memory_space<hbm>> -> memref<4x8448xi32, #tpu.memory_space<hbm>>
    %dma_start3A_1949 = arith.constant 0 : i32
    %dma_start3A_1950 = tpu.memref_slice %arg3[%add3A_1923, %dma_start3A_1949] : memref<8448x8448xi32, #tpu.memory_space<hbm>> -> memref<4x8448xi32, #tpu.memory_space<hbm>>
    %dma_start3A_1951 = arith.constant 0 : i32
    %dma_start3A_1952 = arith.constant 0 : i32
    %dma_start3A_1953 = tpu.memref_slice %arg4[%convert_element_type3A_1942, %dma_start3A_1951, %dma_start3A_1952] : memref<2x4x8448xi32, #tpu.memory_space<vmem>> -> memref<1x4x8448xi32, #tpu.memory_space<vmem>>
    %dma_start3A_1954 = tpu.memref_squeeze %dma_start3A_1953 : memref<1x4x8448xi32, #tpu.memory_space<vmem>> -> memref<4x8448xi32, #tpu.memory_space<vmem>>
    tpu.enqueue_dma source(%dma_start3A_1954 : memref<4x8448xi32, #tpu.memory_space<vmem>>) target(%dma_start3A_1950 : memref<4x8448xi32, #tpu.memory_space<hbm>>) target_semaphore(%arg5 : memref<!tpu.dma_semaphore, #tpu.memory_space<semaphore_mem>>)
    %add3A_1955 = arith.constant 232 : i32
    %add3A_1956 = arith.addi %mul3A_2, %add3A_1955 : i32
    %ge3A_1957 = arith.constant 2000 : i32
    %ge3A_1958 = arith.cmpi sge, %add3A_1956, %ge3A_1957 : i32
    %convert_element_type3A_1959 = arith.extui %ge3A_1958 : i1 to i32
    %add3A_1960 = arith.constant 0 : i32
    %add3A_1961 = arith.addi %add3A_1960, %convert_element_type3A_1959 : i32
    %ge3A_1962 = arith.constant 4000 : i32
    %ge3A_1963 = arith.cmpi sge, %add3A_1956, %ge3A_1962 : i32
    %convert_element_type3A_1964 = arith.extui %ge3A_1963 : i1 to i32
    %add3A_1965 = arith.addi %add3A_1961, %convert_element_type3A_1964 : i32
    %ge3A_1966 = arith.constant 6400 : i32
    %ge3A_1967 = arith.cmpi sge, %add3A_1956, %ge3A_1966 : i32
    %convert_element_type3A_1968 = arith.extui %ge3A_1967 : i1 to i32
    %add3A_1969 = arith.addi %add3A_1965, %convert_element_type3A_1968 : i32
    %ge3A_1970 = arith.constant 8400 : i32
    %ge3A_1971 = arith.cmpi sge, %add3A_1956, %ge3A_1970 : i32
    %convert_element_type3A_1972 = arith.extui %ge3A_1971 : i1 to i32
    %add3A_1973 = arith.addi %add3A_1969, %convert_element_type3A_1972 : i32
    %gt3A_1974 = arith.cmpi sgt, %add3A_1973, %add3A_17 : i32
    %convert_element_type3A_1975 = arith.extui %gt3A_1974 : i1 to i32
    %dma_start3A_1976 = arith.constant 0 : i32
    %dma_start3A_1977 = arith.constant 0 : i32
    %dma_start3A_1978 = tpu.memref_slice %arg4[%convert_element_type3A_1975, %dma_start3A_1976, %dma_start3A_1977] : memref<2x4x8448xi32, #tpu.memory_space<vmem>> -> memref<1x4x8448xi32, #tpu.memory_space<vmem>>
    %dma_start3A_1979 = tpu.memref_squeeze %dma_start3A_1978 : memref<1x4x8448xi32, #tpu.memory_space<vmem>> -> memref<4x8448xi32, #tpu.memory_space<vmem>>
    %dma_start3A_1980 = arith.constant 0 : i32
    %dma_start3A_1981 = tpu.memref_slice %arg3[%add3A_1956, %dma_start3A_1980] : memref<8448x8448xi32, #tpu.memory_space<hbm>> -> memref<4x8448xi32, #tpu.memory_space<hbm>>
    %dma_start3A_1982 = arith.constant 0 : i32
    %dma_start3A_1983 = tpu.memref_slice %arg3[%add3A_1956, %dma_start3A_1982] : memref<8448x8448xi32, #tpu.memory_space<hbm>> -> memref<4x8448xi32, #tpu.memory_space<hbm>>
    %dma_start3A_1984 = arith.constant 0 : i32
    %dma_start3A_1985 = arith.constant 0 : i32
    %dma_start3A_1986 = tpu.memref_slice %arg4[%convert_element_type3A_1975, %dma_start3A_1984, %dma_start3A_1985] : memref<2x4x8448xi32, #tpu.memory_space<vmem>> -> memref<1x4x8448xi32, #tpu.memory_space<vmem>>
    %dma_start3A_1987 = tpu.memref_squeeze %dma_start3A_1986 : memref<1x4x8448xi32, #tpu.memory_space<vmem>> -> memref<4x8448xi32, #tpu.memory_space<vmem>>
    tpu.enqueue_dma source(%dma_start3A_1987 : memref<4x8448xi32, #tpu.memory_space<vmem>>) target(%dma_start3A_1983 : memref<4x8448xi32, #tpu.memory_space<hbm>>) target_semaphore(%arg5 : memref<!tpu.dma_semaphore, #tpu.memory_space<semaphore_mem>>)
    %add3A_1988 = arith.constant 236 : i32
    %add3A_1989 = arith.addi %mul3A_2, %add3A_1988 : i32
    %ge3A_1990 = arith.constant 2000 : i32
    %ge3A_1991 = arith.cmpi sge, %add3A_1989, %ge3A_1990 : i32
    %convert_element_type3A_1992 = arith.extui %ge3A_1991 : i1 to i32
    %add3A_1993 = arith.constant 0 : i32
    %add3A_1994 = arith.addi %add3A_1993, %convert_element_type3A_1992 : i32
    %ge3A_1995 = arith.constant 4000 : i32
    %ge3A_1996 = arith.cmpi sge, %add3A_1989, %ge3A_1995 : i32
    %convert_element_type3A_1997 = arith.extui %ge3A_1996 : i1 to i32
    %add3A_1998 = arith.addi %add3A_1994, %convert_element_type3A_1997 : i32
    %ge3A_1999 = arith.constant 6400 : i32
    %ge3A_2000 = arith.cmpi sge, %add3A_1989, %ge3A_1999 : i32
    %convert_element_type3A_2001 = arith.extui %ge3A_2000 : i1 to i32
    %add3A_2002 = arith.addi %add3A_1998, %convert_element_type3A_2001 : i32
    %ge3A_2003 = arith.constant 8400 : i32
    %ge3A_2004 = arith.cmpi sge, %add3A_1989, %ge3A_2003 : i32
    %convert_element_type3A_2005 = arith.extui %ge3A_2004 : i1 to i32
    %add3A_2006 = arith.addi %add3A_2002, %convert_element_type3A_2005 : i32
    %gt3A_2007 = arith.cmpi sgt, %add3A_2006, %add3A_17 : i32
    %convert_element_type3A_2008 = arith.extui %gt3A_2007 : i1 to i32
    %dma_start3A_2009 = arith.constant 0 : i32
    %dma_start3A_2010 = arith.constant 0 : i32
    %dma_start3A_2011 = tpu.memref_slice %arg4[%convert_element_type3A_2008, %dma_start3A_2009, %dma_start3A_2010] : memref<2x4x8448xi32, #tpu.memory_space<vmem>> -> memref<1x4x8448xi32, #tpu.memory_space<vmem>>
    %dma_start3A_2012 = tpu.memref_squeeze %dma_start3A_2011 : memref<1x4x8448xi32, #tpu.memory_space<vmem>> -> memref<4x8448xi32, #tpu.memory_space<vmem>>
    %dma_start3A_2013 = arith.constant 0 : i32
    %dma_start3A_2014 = tpu.memref_slice %arg3[%add3A_1989, %dma_start3A_2013] : memref<8448x8448xi32, #tpu.memory_space<hbm>> -> memref<4x8448xi32, #tpu.memory_space<hbm>>
    %dma_start3A_2015 = arith.constant 0 : i32
    %dma_start3A_2016 = tpu.memref_slice %arg3[%add3A_1989, %dma_start3A_2015] : memref<8448x8448xi32, #tpu.memory_space<hbm>> -> memref<4x8448xi32, #tpu.memory_space<hbm>>
    %dma_start3A_2017 = arith.constant 0 : i32
    %dma_start3A_2018 = arith.constant 0 : i32
    %dma_start3A_2019 = tpu.memref_slice %arg4[%convert_element_type3A_2008, %dma_start3A_2017, %dma_start3A_2018] : memref<2x4x8448xi32, #tpu.memory_space<vmem>> -> memref<1x4x8448xi32, #tpu.memory_space<vmem>>
    %dma_start3A_2020 = tpu.memref_squeeze %dma_start3A_2019 : memref<1x4x8448xi32, #tpu.memory_space<vmem>> -> memref<4x8448xi32, #tpu.memory_space<vmem>>
    tpu.enqueue_dma source(%dma_start3A_2020 : memref<4x8448xi32, #tpu.memory_space<vmem>>) target(%dma_start3A_2016 : memref<4x8448xi32, #tpu.memory_space<hbm>>) target_semaphore(%arg5 : memref<!tpu.dma_semaphore, #tpu.memory_space<semaphore_mem>>)
    %add3A_2021 = arith.constant 240 : i32
    %add3A_2022 = arith.addi %mul3A_2, %add3A_2021 : i32
    %ge3A_2023 = arith.constant 2000 : i32
    %ge3A_2024 = arith.cmpi sge, %add3A_2022, %ge3A_2023 : i32
    %convert_element_type3A_2025 = arith.extui %ge3A_2024 : i1 to i32
    %add3A_2026 = arith.constant 0 : i32
    %add3A_2027 = arith.addi %add3A_2026, %convert_element_type3A_2025 : i32
    %ge3A_2028 = arith.constant 4000 : i32
    %ge3A_2029 = arith.cmpi sge, %add3A_2022, %ge3A_2028 : i32
    %convert_element_type3A_2030 = arith.extui %ge3A_2029 : i1 to i32
    %add3A_2031 = arith.addi %add3A_2027, %convert_element_type3A_2030 : i32
    %ge3A_2032 = arith.constant 6400 : i32
    %ge3A_2033 = arith.cmpi sge, %add3A_2022, %ge3A_2032 : i32
    %convert_element_type3A_2034 = arith.extui %ge3A_2033 : i1 to i32
    %add3A_2035 = arith.addi %add3A_2031, %convert_element_type3A_2034 : i32
    %ge3A_2036 = arith.constant 8400 : i32
    %ge3A_2037 = arith.cmpi sge, %add3A_2022, %ge3A_2036 : i32
    %convert_element_type3A_2038 = arith.extui %ge3A_2037 : i1 to i32
    %add3A_2039 = arith.addi %add3A_2035, %convert_element_type3A_2038 : i32
    %gt3A_2040 = arith.cmpi sgt, %add3A_2039, %add3A_17 : i32
    %convert_element_type3A_2041 = arith.extui %gt3A_2040 : i1 to i32
    %dma_start3A_2042 = arith.constant 0 : i32
    %dma_start3A_2043 = arith.constant 0 : i32
    %dma_start3A_2044 = tpu.memref_slice %arg4[%convert_element_type3A_2041, %dma_start3A_2042, %dma_start3A_2043] : memref<2x4x8448xi32, #tpu.memory_space<vmem>> -> memref<1x4x8448xi32, #tpu.memory_space<vmem>>
    %dma_start3A_2045 = tpu.memref_squeeze %dma_start3A_2044 : memref<1x4x8448xi32, #tpu.memory_space<vmem>> -> memref<4x8448xi32, #tpu.memory_space<vmem>>
    %dma_start3A_2046 = arith.constant 0 : i32
    %dma_start3A_2047 = tpu.memref_slice %arg3[%add3A_2022, %dma_start3A_2046] : memref<8448x8448xi32, #tpu.memory_space<hbm>> -> memref<4x8448xi32, #tpu.memory_space<hbm>>
    %dma_start3A_2048 = arith.constant 0 : i32
    %dma_start3A_2049 = tpu.memref_slice %arg3[%add3A_2022, %dma_start3A_2048] : memref<8448x8448xi32, #tpu.memory_space<hbm>> -> memref<4x8448xi32, #tpu.memory_space<hbm>>
    %dma_start3A_2050 = arith.constant 0 : i32
    %dma_start3A_2051 = arith.constant 0 : i32
    %dma_start3A_2052 = tpu.memref_slice %arg4[%convert_element_type3A_2041, %dma_start3A_2050, %dma_start3A_2051] : memref<2x4x8448xi32, #tpu.memory_space<vmem>> -> memref<1x4x8448xi32, #tpu.memory_space<vmem>>
    %dma_start3A_2053 = tpu.memref_squeeze %dma_start3A_2052 : memref<1x4x8448xi32, #tpu.memory_space<vmem>> -> memref<4x8448xi32, #tpu.memory_space<vmem>>
    tpu.enqueue_dma source(%dma_start3A_2053 : memref<4x8448xi32, #tpu.memory_space<vmem>>) target(%dma_start3A_2049 : memref<4x8448xi32, #tpu.memory_space<hbm>>) target_semaphore(%arg5 : memref<!tpu.dma_semaphore, #tpu.memory_space<semaphore_mem>>)
    %add3A_2054 = arith.constant 244 : i32
    %add3A_2055 = arith.addi %mul3A_2, %add3A_2054 : i32
    %ge3A_2056 = arith.constant 2000 : i32
    %ge3A_2057 = arith.cmpi sge, %add3A_2055, %ge3A_2056 : i32
    %convert_element_type3A_2058 = arith.extui %ge3A_2057 : i1 to i32
    %add3A_2059 = arith.constant 0 : i32
    %add3A_2060 = arith.addi %add3A_2059, %convert_element_type3A_2058 : i32
    %ge3A_2061 = arith.constant 4000 : i32
    %ge3A_2062 = arith.cmpi sge, %add3A_2055, %ge3A_2061 : i32
    %convert_element_type3A_2063 = arith.extui %ge3A_2062 : i1 to i32
    %add3A_2064 = arith.addi %add3A_2060, %convert_element_type3A_2063 : i32
    %ge3A_2065 = arith.constant 6400 : i32
    %ge3A_2066 = arith.cmpi sge, %add3A_2055, %ge3A_2065 : i32
    %convert_element_type3A_2067 = arith.extui %ge3A_2066 : i1 to i32
    %add3A_2068 = arith.addi %add3A_2064, %convert_element_type3A_2067 : i32
    %ge3A_2069 = arith.constant 8400 : i32
    %ge3A_2070 = arith.cmpi sge, %add3A_2055, %ge3A_2069 : i32
    %convert_element_type3A_2071 = arith.extui %ge3A_2070 : i1 to i32
    %add3A_2072 = arith.addi %add3A_2068, %convert_element_type3A_2071 : i32
    %gt3A_2073 = arith.cmpi sgt, %add3A_2072, %add3A_17 : i32
    %convert_element_type3A_2074 = arith.extui %gt3A_2073 : i1 to i32
    %dma_start3A_2075 = arith.constant 0 : i32
    %dma_start3A_2076 = arith.constant 0 : i32
    %dma_start3A_2077 = tpu.memref_slice %arg4[%convert_element_type3A_2074, %dma_start3A_2075, %dma_start3A_2076] : memref<2x4x8448xi32, #tpu.memory_space<vmem>> -> memref<1x4x8448xi32, #tpu.memory_space<vmem>>
    %dma_start3A_2078 = tpu.memref_squeeze %dma_start3A_2077 : memref<1x4x8448xi32, #tpu.memory_space<vmem>> -> memref<4x8448xi32, #tpu.memory_space<vmem>>
    %dma_start3A_2079 = arith.constant 0 : i32
    %dma_start3A_2080 = tpu.memref_slice %arg3[%add3A_2055, %dma_start3A_2079] : memref<8448x8448xi32, #tpu.memory_space<hbm>> -> memref<4x8448xi32, #tpu.memory_space<hbm>>
    %dma_start3A_2081 = arith.constant 0 : i32
    %dma_start3A_2082 = tpu.memref_slice %arg3[%add3A_2055, %dma_start3A_2081] : memref<8448x8448xi32, #tpu.memory_space<hbm>> -> memref<4x8448xi32, #tpu.memory_space<hbm>>
    %dma_start3A_2083 = arith.constant 0 : i32
    %dma_start3A_2084 = arith.constant 0 : i32
    %dma_start3A_2085 = tpu.memref_slice %arg4[%convert_element_type3A_2074, %dma_start3A_2083, %dma_start3A_2084] : memref<2x4x8448xi32, #tpu.memory_space<vmem>> -> memref<1x4x8448xi32, #tpu.memory_space<vmem>>
    %dma_start3A_2086 = tpu.memref_squeeze %dma_start3A_2085 : memref<1x4x8448xi32, #tpu.memory_space<vmem>> -> memref<4x8448xi32, #tpu.memory_space<vmem>>
    tpu.enqueue_dma source(%dma_start3A_2086 : memref<4x8448xi32, #tpu.memory_space<vmem>>) target(%dma_start3A_2082 : memref<4x8448xi32, #tpu.memory_space<hbm>>) target_semaphore(%arg5 : memref<!tpu.dma_semaphore, #tpu.memory_space<semaphore_mem>>)
    %add3A_2087 = arith.constant 248 : i32
    %add3A_2088 = arith.addi %mul3A_2, %add3A_2087 : i32
    %ge3A_2089 = arith.constant 2000 : i32
    %ge3A_2090 = arith.cmpi sge, %add3A_2088, %ge3A_2089 : i32
    %convert_element_type3A_2091 = arith.extui %ge3A_2090 : i1 to i32
    %add3A_2092 = arith.constant 0 : i32
    %add3A_2093 = arith.addi %add3A_2092, %convert_element_type3A_2091 : i32
    %ge3A_2094 = arith.constant 4000 : i32
    %ge3A_2095 = arith.cmpi sge, %add3A_2088, %ge3A_2094 : i32
    %convert_element_type3A_2096 = arith.extui %ge3A_2095 : i1 to i32
    %add3A_2097 = arith.addi %add3A_2093, %convert_element_type3A_2096 : i32
    %ge3A_2098 = arith.constant 6400 : i32
    %ge3A_2099 = arith.cmpi sge, %add3A_2088, %ge3A_2098 : i32
    %convert_element_type3A_2100 = arith.extui %ge3A_2099 : i1 to i32
    %add3A_2101 = arith.addi %add3A_2097, %convert_element_type3A_2100 : i32
    %ge3A_2102 = arith.constant 8400 : i32
    %ge3A_2103 = arith.cmpi sge, %add3A_2088, %ge3A_2102 : i32
    %convert_element_type3A_2104 = arith.extui %ge3A_2103 : i1 to i32
    %add3A_2105 = arith.addi %add3A_2101, %convert_element_type3A_2104 : i32
    %gt3A_2106 = arith.cmpi sgt, %add3A_2105, %add3A_17 : i32
    %convert_element_type3A_2107 = arith.extui %gt3A_2106 : i1 to i32
    %dma_start3A_2108 = arith.constant 0 : i32
    %dma_start3A_2109 = arith.constant 0 : i32
    %dma_start3A_2110 = tpu.memref_slice %arg4[%convert_element_type3A_2107, %dma_start3A_2108, %dma_start3A_2109] : memref<2x4x8448xi32, #tpu.memory_space<vmem>> -> memref<1x4x8448xi32, #tpu.memory_space<vmem>>
    %dma_start3A_2111 = tpu.memref_squeeze %dma_start3A_2110 : memref<1x4x8448xi32, #tpu.memory_space<vmem>> -> memref<4x8448xi32, #tpu.memory_space<vmem>>
    %dma_start3A_2112 = arith.constant 0 : i32
    %dma_start3A_2113 = tpu.memref_slice %arg3[%add3A_2088, %dma_start3A_2112] : memref<8448x8448xi32, #tpu.memory_space<hbm>> -> memref<4x8448xi32, #tpu.memory_space<hbm>>
    %dma_start3A_2114 = arith.constant 0 : i32
    %dma_start3A_2115 = tpu.memref_slice %arg3[%add3A_2088, %dma_start3A_2114] : memref<8448x8448xi32, #tpu.memory_space<hbm>> -> memref<4x8448xi32, #tpu.memory_space<hbm>>
    %dma_start3A_2116 = arith.constant 0 : i32
    %dma_start3A_2117 = arith.constant 0 : i32
    %dma_start3A_2118 = tpu.memref_slice %arg4[%convert_element_type3A_2107, %dma_start3A_2116, %dma_start3A_2117] : memref<2x4x8448xi32, #tpu.memory_space<vmem>> -> memref<1x4x8448xi32, #tpu.memory_space<vmem>>
    %dma_start3A_2119 = tpu.memref_squeeze %dma_start3A_2118 : memref<1x4x8448xi32, #tpu.memory_space<vmem>> -> memref<4x8448xi32, #tpu.memory_space<vmem>>
    tpu.enqueue_dma source(%dma_start3A_2119 : memref<4x8448xi32, #tpu.memory_space<vmem>>) target(%dma_start3A_2115 : memref<4x8448xi32, #tpu.memory_space<hbm>>) target_semaphore(%arg5 : memref<!tpu.dma_semaphore, #tpu.memory_space<semaphore_mem>>)
    %add3A_2120 = arith.constant 252 : i32
    %add3A_2121 = arith.addi %mul3A_2, %add3A_2120 : i32
    %ge3A_2122 = arith.constant 2000 : i32
    %ge3A_2123 = arith.cmpi sge, %add3A_2121, %ge3A_2122 : i32
    %convert_element_type3A_2124 = arith.extui %ge3A_2123 : i1 to i32
    %add3A_2125 = arith.constant 0 : i32
    %add3A_2126 = arith.addi %add3A_2125, %convert_element_type3A_2124 : i32
    %ge3A_2127 = arith.constant 4000 : i32
    %ge3A_2128 = arith.cmpi sge, %add3A_2121, %ge3A_2127 : i32
    %convert_element_type3A_2129 = arith.extui %ge3A_2128 : i1 to i32
    %add3A_2130 = arith.addi %add3A_2126, %convert_element_type3A_2129 : i32
    %ge3A_2131 = arith.constant 6400 : i32
    %ge3A_2132 = arith.cmpi sge, %add3A_2121, %ge3A_2131 : i32
    %convert_element_type3A_2133 = arith.extui %ge3A_2132 : i1 to i32
    %add3A_2134 = arith.addi %add3A_2130, %convert_element_type3A_2133 : i32
    %ge3A_2135 = arith.constant 8400 : i32
    %ge3A_2136 = arith.cmpi sge, %add3A_2121, %ge3A_2135 : i32
    %convert_element_type3A_2137 = arith.extui %ge3A_2136 : i1 to i32
    %add3A_2138 = arith.addi %add3A_2134, %convert_element_type3A_2137 : i32
    %gt3A_2139 = arith.cmpi sgt, %add3A_2138, %add3A_17 : i32
    %convert_element_type3A_2140 = arith.extui %gt3A_2139 : i1 to i32
    %dma_start3A_2141 = arith.constant 0 : i32
    %dma_start3A_2142 = arith.constant 0 : i32
    %dma_start3A_2143 = tpu.memref_slice %arg4[%convert_element_type3A_2140, %dma_start3A_2141, %dma_start3A_2142] : memref<2x4x8448xi32, #tpu.memory_space<vmem>> -> memref<1x4x8448xi32, #tpu.memory_space<vmem>>
    %dma_start3A_2144 = tpu.memref_squeeze %dma_start3A_2143 : memref<1x4x8448xi32, #tpu.memory_space<vmem>> -> memref<4x8448xi32, #tpu.memory_space<vmem>>
    %dma_start3A_2145 = arith.constant 0 : i32
    %dma_start3A_2146 = tpu.memref_slice %arg3[%add3A_2121, %dma_start3A_2145] : memref<8448x8448xi32, #tpu.memory_space<hbm>> -> memref<4x8448xi32, #tpu.memory_space<hbm>>
    %dma_start3A_2147 = arith.constant 0 : i32
    %dma_start3A_2148 = tpu.memref_slice %arg3[%add3A_2121, %dma_start3A_2147] : memref<8448x8448xi32, #tpu.memory_space<hbm>> -> memref<4x8448xi32, #tpu.memory_space<hbm>>
    %dma_start3A_2149 = arith.constant 0 : i32
    %dma_start3A_2150 = arith.constant 0 : i32
    %dma_start3A_2151 = tpu.memref_slice %arg4[%convert_element_type3A_2140, %dma_start3A_2149, %dma_start3A_2150] : memref<2x4x8448xi32, #tpu.memory_space<vmem>> -> memref<1x4x8448xi32, #tpu.memory_space<vmem>>
    %dma_start3A_2152 = tpu.memref_squeeze %dma_start3A_2151 : memref<1x4x8448xi32, #tpu.memory_space<vmem>> -> memref<4x8448xi32, #tpu.memory_space<vmem>>
    tpu.enqueue_dma source(%dma_start3A_2152 : memref<4x8448xi32, #tpu.memory_space<vmem>>) target(%dma_start3A_2148 : memref<4x8448xi32, #tpu.memory_space<hbm>>) target_semaphore(%arg5 : memref<!tpu.dma_semaphore, #tpu.memory_space<semaphore_mem>>)
    %add3A_2153 = arith.constant 256 : i32
    %add3A_2154 = arith.addi %mul3A_2, %add3A_2153 : i32
    %ge3A_2155 = arith.constant 2000 : i32
    %ge3A_2156 = arith.cmpi sge, %add3A_2154, %ge3A_2155 : i32
    %convert_element_type3A_2157 = arith.extui %ge3A_2156 : i1 to i32
    %add3A_2158 = arith.constant 0 : i32
    %add3A_2159 = arith.addi %add3A_2158, %convert_element_type3A_2157 : i32
    %ge3A_2160 = arith.constant 4000 : i32
    %ge3A_2161 = arith.cmpi sge, %add3A_2154, %ge3A_2160 : i32
    %convert_element_type3A_2162 = arith.extui %ge3A_2161 : i1 to i32
    %add3A_2163 = arith.addi %add3A_2159, %convert_element_type3A_2162 : i32
    %ge3A_2164 = arith.constant 6400 : i32
    %ge3A_2165 = arith.cmpi sge, %add3A_2154, %ge3A_2164 : i32
    %convert_element_type3A_2166 = arith.extui %ge3A_2165 : i1 to i32
    %add3A_2167 = arith.addi %add3A_2163, %convert_element_type3A_2166 : i32
    %ge3A_2168 = arith.constant 8400 : i32
    %ge3A_2169 = arith.cmpi sge, %add3A_2154, %ge3A_2168 : i32
    %convert_element_type3A_2170 = arith.extui %ge3A_2169 : i1 to i32
    %add3A_2171 = arith.addi %add3A_2167, %convert_element_type3A_2170 : i32
    %gt3A_2172 = arith.cmpi sgt, %add3A_2171, %add3A_17 : i32
    %convert_element_type3A_2173 = arith.extui %gt3A_2172 : i1 to i32
    %dma_start3A_2174 = arith.constant 0 : i32
    %dma_start3A_2175 = arith.constant 0 : i32
    %dma_start3A_2176 = tpu.memref_slice %arg4[%convert_element_type3A_2173, %dma_start3A_2174, %dma_start3A_2175] : memref<2x4x8448xi32, #tpu.memory_space<vmem>> -> memref<1x4x8448xi32, #tpu.memory_space<vmem>>
    %dma_start3A_2177 = tpu.memref_squeeze %dma_start3A_2176 : memref<1x4x8448xi32, #tpu.memory_space<vmem>> -> memref<4x8448xi32, #tpu.memory_space<vmem>>
    %dma_start3A_2178 = arith.constant 0 : i32
    %dma_start3A_2179 = tpu.memref_slice %arg3[%add3A_2154, %dma_start3A_2178] : memref<8448x8448xi32, #tpu.memory_space<hbm>> -> memref<4x8448xi32, #tpu.memory_space<hbm>>
    %dma_start3A_2180 = arith.constant 0 : i32
    %dma_start3A_2181 = tpu.memref_slice %arg3[%add3A_2154, %dma_start3A_2180] : memref<8448x8448xi32, #tpu.memory_space<hbm>> -> memref<4x8448xi32, #tpu.memory_space<hbm>>
    %dma_start3A_2182 = arith.constant 0 : i32
    %dma_start3A_2183 = arith.constant 0 : i32
    %dma_start3A_2184 = tpu.memref_slice %arg4[%convert_element_type3A_2173, %dma_start3A_2182, %dma_start3A_2183] : memref<2x4x8448xi32, #tpu.memory_space<vmem>> -> memref<1x4x8448xi32, #tpu.memory_space<vmem>>
    %dma_start3A_2185 = tpu.memref_squeeze %dma_start3A_2184 : memref<1x4x8448xi32, #tpu.memory_space<vmem>> -> memref<4x8448xi32, #tpu.memory_space<vmem>>
    tpu.enqueue_dma source(%dma_start3A_2185 : memref<4x8448xi32, #tpu.memory_space<vmem>>) target(%dma_start3A_2181 : memref<4x8448xi32, #tpu.memory_space<hbm>>) target_semaphore(%arg5 : memref<!tpu.dma_semaphore, #tpu.memory_space<semaphore_mem>>)
    %add3A_2186 = arith.constant 260 : i32
    %add3A_2187 = arith.addi %mul3A_2, %add3A_2186 : i32
    %ge3A_2188 = arith.constant 2000 : i32
    %ge3A_2189 = arith.cmpi sge, %add3A_2187, %ge3A_2188 : i32
    %convert_element_type3A_2190 = arith.extui %ge3A_2189 : i1 to i32
    %add3A_2191 = arith.constant 0 : i32
    %add3A_2192 = arith.addi %add3A_2191, %convert_element_type3A_2190 : i32
    %ge3A_2193 = arith.constant 4000 : i32
    %ge3A_2194 = arith.cmpi sge, %add3A_2187, %ge3A_2193 : i32
    %convert_element_type3A_2195 = arith.extui %ge3A_2194 : i1 to i32
    %add3A_2196 = arith.addi %add3A_2192, %convert_element_type3A_2195 : i32
    %ge3A_2197 = arith.constant 6400 : i32
    %ge3A_2198 = arith.cmpi sge, %add3A_2187, %ge3A_2197 : i32
    %convert_element_type3A_2199 = arith.extui %ge3A_2198 : i1 to i32
    %add3A_2200 = arith.addi %add3A_2196, %convert_element_type3A_2199 : i32
    %ge3A_2201 = arith.constant 8400 : i32
    %ge3A_2202 = arith.cmpi sge, %add3A_2187, %ge3A_2201 : i32
    %convert_element_type3A_2203 = arith.extui %ge3A_2202 : i1 to i32
    %add3A_2204 = arith.addi %add3A_2200, %convert_element_type3A_2203 : i32
    %gt3A_2205 = arith.cmpi sgt, %add3A_2204, %add3A_17 : i32
    %convert_element_type3A_2206 = arith.extui %gt3A_2205 : i1 to i32
    %dma_start3A_2207 = arith.constant 0 : i32
    %dma_start3A_2208 = arith.constant 0 : i32
    %dma_start3A_2209 = tpu.memref_slice %arg4[%convert_element_type3A_2206, %dma_start3A_2207, %dma_start3A_2208] : memref<2x4x8448xi32, #tpu.memory_space<vmem>> -> memref<1x4x8448xi32, #tpu.memory_space<vmem>>
    %dma_start3A_2210 = tpu.memref_squeeze %dma_start3A_2209 : memref<1x4x8448xi32, #tpu.memory_space<vmem>> -> memref<4x8448xi32, #tpu.memory_space<vmem>>
    %dma_start3A_2211 = arith.constant 0 : i32
    %dma_start3A_2212 = tpu.memref_slice %arg3[%add3A_2187, %dma_start3A_2211] : memref<8448x8448xi32, #tpu.memory_space<hbm>> -> memref<4x8448xi32, #tpu.memory_space<hbm>>
    %dma_start3A_2213 = arith.constant 0 : i32
    %dma_start3A_2214 = tpu.memref_slice %arg3[%add3A_2187, %dma_start3A_2213] : memref<8448x8448xi32, #tpu.memory_space<hbm>> -> memref<4x8448xi32, #tpu.memory_space<hbm>>
    %dma_start3A_2215 = arith.constant 0 : i32
    %dma_start3A_2216 = arith.constant 0 : i32
    %dma_start3A_2217 = tpu.memref_slice %arg4[%convert_element_type3A_2206, %dma_start3A_2215, %dma_start3A_2216] : memref<2x4x8448xi32, #tpu.memory_space<vmem>> -> memref<1x4x8448xi32, #tpu.memory_space<vmem>>
    %dma_start3A_2218 = tpu.memref_squeeze %dma_start3A_2217 : memref<1x4x8448xi32, #tpu.memory_space<vmem>> -> memref<4x8448xi32, #tpu.memory_space<vmem>>
    tpu.enqueue_dma source(%dma_start3A_2218 : memref<4x8448xi32, #tpu.memory_space<vmem>>) target(%dma_start3A_2214 : memref<4x8448xi32, #tpu.memory_space<hbm>>) target_semaphore(%arg5 : memref<!tpu.dma_semaphore, #tpu.memory_space<semaphore_mem>>)
    %dma_wait3A = arith.constant 0 : i32
    %dma_wait3A_2219 = arith.constant 0 : i32
    %dma_wait3A_2220 = tpu.memref_slice %arg4[%convert_element_type3A_62, %dma_wait3A, %dma_wait3A_2219] : memref<2x4x8448xi32, #tpu.memory_space<vmem>> -> memref<1x4x8448xi32, #tpu.memory_space<vmem>>
    %dma_wait3A_2221 = tpu.memref_squeeze %dma_wait3A_2220 : memref<1x4x8448xi32, #tpu.memory_space<vmem>> -> memref<4x8448xi32, #tpu.memory_space<vmem>>
    %dma_wait3A_2222 = arith.constant 0 : i32
    %dma_wait3A_2223 = tpu.memref_slice %arg3[%add3A_44, %dma_wait3A_2222] : memref<8448x8448xi32, #tpu.memory_space<hbm>> -> memref<4x8448xi32, #tpu.memory_space<hbm>>
    %dma_wait3A_2224 = arith.constant 0 : i32
    %dma_wait3A_2225 = tpu.memref_slice %arg3[%add3A_44, %dma_wait3A_2224] : memref<8448x8448xi32, #tpu.memory_space<hbm>> -> memref<4x8448xi32, #tpu.memory_space<hbm>>
    %dma_wait3A_2226 = arith.constant 0 : i32
    %dma_wait3A_2227 = arith.constant 0 : i32
    %dma_wait3A_2228 = tpu.memref_slice %arg4[%convert_element_type3A_62, %dma_wait3A_2226, %dma_wait3A_2227] : memref<2x4x8448xi32, #tpu.memory_space<vmem>> -> memref<1x4x8448xi32, #tpu.memory_space<vmem>>
    %dma_wait3A_2229 = tpu.memref_squeeze %dma_wait3A_2228 : memref<1x4x8448xi32, #tpu.memory_space<vmem>> -> memref<4x8448xi32, #tpu.memory_space<vmem>>
    tpu.wait_dma2 semaphore(%arg5 : memref<!tpu.dma_semaphore, #tpu.memory_space<semaphore_mem>>) src(%dma_wait3A_2229 : memref<4x8448xi32, #tpu.memory_space<vmem>>) dst(%dma_wait3A_2225 : memref<4x8448xi32, #tpu.memory_space<hbm>>)
    %dma_wait3A_2230 = arith.constant 0 : i32
    %dma_wait3A_2231 = arith.constant 0 : i32
    %dma_wait3A_2232 = tpu.memref_slice %arg4[%convert_element_type3A_94, %dma_wait3A_2230, %dma_wait3A_2231] : memref<2x4x8448xi32, #tpu.memory_space<vmem>> -> memref<1x4x8448xi32, #tpu.memory_space<vmem>>
    %dma_wait3A_2233 = tpu.memref_squeeze %dma_wait3A_2232 : memref<1x4x8448xi32, #tpu.memory_space<vmem>> -> memref<4x8448xi32, #tpu.memory_space<vmem>>
    %dma_wait3A_2234 = arith.constant 0 : i32
    %dma_wait3A_2235 = tpu.memref_slice %arg3[%add3A_75, %dma_wait3A_2234] : memref<8448x8448xi32, #tpu.memory_space<hbm>> -> memref<4x8448xi32, #tpu.memory_space<hbm>>
    %dma_wait3A_2236 = arith.constant 0 : i32
    %dma_wait3A_2237 = tpu.memref_slice %arg3[%add3A_75, %dma_wait3A_2236] : memref<8448x8448xi32, #tpu.memory_space<hbm>> -> memref<4x8448xi32, #tpu.memory_space<hbm>>
    %dma_wait3A_2238 = arith.constant 0 : i32
    %dma_wait3A_2239 = arith.constant 0 : i32
    %dma_wait3A_2240 = tpu.memref_slice %arg4[%convert_element_type3A_94, %dma_wait3A_2238, %dma_wait3A_2239] : memref<2x4x8448xi32, #tpu.memory_space<vmem>> -> memref<1x4x8448xi32, #tpu.memory_space<vmem>>
    %dma_wait3A_2241 = tpu.memref_squeeze %dma_wait3A_2240 : memref<1x4x8448xi32, #tpu.memory_space<vmem>> -> memref<4x8448xi32, #tpu.memory_space<vmem>>
    tpu.wait_dma2 semaphore(%arg5 : memref<!tpu.dma_semaphore, #tpu.memory_space<semaphore_mem>>) src(%dma_wait3A_2241 : memref<4x8448xi32, #tpu.memory_space<vmem>>) dst(%dma_wait3A_2237 : memref<4x8448xi32, #tpu.memory_space<hbm>>)
    %dma_wait3A_2242 = arith.constant 0 : i32
    %dma_wait3A_2243 = arith.constant 0 : i32
    %dma_wait3A_2244 = tpu.memref_slice %arg4[%convert_element_type3A_127, %dma_wait3A_2242, %dma_wait3A_2243] : memref<2x4x8448xi32, #tpu.memory_space<vmem>> -> memref<1x4x8448xi32, #tpu.memory_space<vmem>>
    %dma_wait3A_2245 = tpu.memref_squeeze %dma_wait3A_2244 : memref<1x4x8448xi32, #tpu.memory_space<vmem>> -> memref<4x8448xi32, #tpu.memory_space<vmem>>
    %dma_wait3A_2246 = arith.constant 0 : i32
    %dma_wait3A_2247 = tpu.memref_slice %arg3[%add3A_108, %dma_wait3A_2246] : memref<8448x8448xi32, #tpu.memory_space<hbm>> -> memref<4x8448xi32, #tpu.memory_space<hbm>>
    %dma_wait3A_2248 = arith.constant 0 : i32
    %dma_wait3A_2249 = tpu.memref_slice %arg3[%add3A_108, %dma_wait3A_2248] : memref<8448x8448xi32, #tpu.memory_space<hbm>> -> memref<4x8448xi32, #tpu.memory_space<hbm>>
    %dma_wait3A_2250 = arith.constant 0 : i32
    %dma_wait3A_2251 = arith.constant 0 : i32
    %dma_wait3A_2252 = tpu.memref_slice %arg4[%convert_element_type3A_127, %dma_wait3A_2250, %dma_wait3A_2251] : memref<2x4x8448xi32, #tpu.memory_space<vmem>> -> memref<1x4x8448xi32, #tpu.memory_space<vmem>>
    %dma_wait3A_2253 = tpu.memref_squeeze %dma_wait3A_2252 : memref<1x4x8448xi32, #tpu.memory_space<vmem>> -> memref<4x8448xi32, #tpu.memory_space<vmem>>
    tpu.wait_dma2 semaphore(%arg5 : memref<!tpu.dma_semaphore, #tpu.memory_space<semaphore_mem>>) src(%dma_wait3A_2253 : memref<4x8448xi32, #tpu.memory_space<vmem>>) dst(%dma_wait3A_2249 : memref<4x8448xi32, #tpu.memory_space<hbm>>)
    %dma_wait3A_2254 = arith.constant 0 : i32
    %dma_wait3A_2255 = arith.constant 0 : i32
    %dma_wait3A_2256 = tpu.memref_slice %arg4[%convert_element_type3A_160, %dma_wait3A_2254, %dma_wait3A_2255] : memref<2x4x8448xi32, #tpu.memory_space<vmem>> -> memref<1x4x8448xi32, #tpu.memory_space<vmem>>
    %dma_wait3A_2257 = tpu.memref_squeeze %dma_wait3A_2256 : memref<1x4x8448xi32, #tpu.memory_space<vmem>> -> memref<4x8448xi32, #tpu.memory_space<vmem>>
    %dma_wait3A_2258 = arith.constant 0 : i32
    %dma_wait3A_2259 = tpu.memref_slice %arg3[%add3A_141, %dma_wait3A_2258] : memref<8448x8448xi32, #tpu.memory_space<hbm>> -> memref<4x8448xi32, #tpu.memory_space<hbm>>
    %dma_wait3A_2260 = arith.constant 0 : i32
    %dma_wait3A_2261 = tpu.memref_slice %arg3[%add3A_141, %dma_wait3A_2260] : memref<8448x8448xi32, #tpu.memory_space<hbm>> -> memref<4x8448xi32, #tpu.memory_space<hbm>>
    %dma_wait3A_2262 = arith.constant 0 : i32
    %dma_wait3A_2263 = arith.constant 0 : i32
    %dma_wait3A_2264 = tpu.memref_slice %arg4[%convert_element_type3A_160, %dma_wait3A_2262, %dma_wait3A_2263] : memref<2x4x8448xi32, #tpu.memory_space<vmem>> -> memref<1x4x8448xi32, #tpu.memory_space<vmem>>
    %dma_wait3A_2265 = tpu.memref_squeeze %dma_wait3A_2264 : memref<1x4x8448xi32, #tpu.memory_space<vmem>> -> memref<4x8448xi32, #tpu.memory_space<vmem>>
    tpu.wait_dma2 semaphore(%arg5 : memref<!tpu.dma_semaphore, #tpu.memory_space<semaphore_mem>>) src(%dma_wait3A_2265 : memref<4x8448xi32, #tpu.memory_space<vmem>>) dst(%dma_wait3A_2261 : memref<4x8448xi32, #tpu.memory_space<hbm>>)
    %dma_wait3A_2266 = arith.constant 0 : i32
    %dma_wait3A_2267 = arith.constant 0 : i32
    %dma_wait3A_2268 = tpu.memref_slice %arg4[%convert_element_type3A_193, %dma_wait3A_2266, %dma_wait3A_2267] : memref<2x4x8448xi32, #tpu.memory_space<vmem>> -> memref<1x4x8448xi32, #tpu.memory_space<vmem>>
    %dma_wait3A_2269 = tpu.memref_squeeze %dma_wait3A_2268 : memref<1x4x8448xi32, #tpu.memory_space<vmem>> -> memref<4x8448xi32, #tpu.memory_space<vmem>>
    %dma_wait3A_2270 = arith.constant 0 : i32
    %dma_wait3A_2271 = tpu.memref_slice %arg3[%add3A_174, %dma_wait3A_2270] : memref<8448x8448xi32, #tpu.memory_space<hbm>> -> memref<4x8448xi32, #tpu.memory_space<hbm>>
    %dma_wait3A_2272 = arith.constant 0 : i32
    %dma_wait3A_2273 = tpu.memref_slice %arg3[%add3A_174, %dma_wait3A_2272] : memref<8448x8448xi32, #tpu.memory_space<hbm>> -> memref<4x8448xi32, #tpu.memory_space<hbm>>
    %dma_wait3A_2274 = arith.constant 0 : i32
    %dma_wait3A_2275 = arith.constant 0 : i32
    %dma_wait3A_2276 = tpu.memref_slice %arg4[%convert_element_type3A_193, %dma_wait3A_2274, %dma_wait3A_2275] : memref<2x4x8448xi32, #tpu.memory_space<vmem>> -> memref<1x4x8448xi32, #tpu.memory_space<vmem>>
    %dma_wait3A_2277 = tpu.memref_squeeze %dma_wait3A_2276 : memref<1x4x8448xi32, #tpu.memory_space<vmem>> -> memref<4x8448xi32, #tpu.memory_space<vmem>>
    tpu.wait_dma2 semaphore(%arg5 : memref<!tpu.dma_semaphore, #tpu.memory_space<semaphore_mem>>) src(%dma_wait3A_2277 : memref<4x8448xi32, #tpu.memory_space<vmem>>) dst(%dma_wait3A_2273 : memref<4x8448xi32, #tpu.memory_space<hbm>>)
    %dma_wait3A_2278 = arith.constant 0 : i32
    %dma_wait3A_2279 = arith.constant 0 : i32
    %dma_wait3A_2280 = tpu.memref_slice %arg4[%convert_element_type3A_226, %dma_wait3A_2278, %dma_wait3A_2279] : memref<2x4x8448xi32, #tpu.memory_space<vmem>> -> memref<1x4x8448xi32, #tpu.memory_space<vmem>>
    %dma_wait3A_2281 = tpu.memref_squeeze %dma_wait3A_2280 : memref<1x4x8448xi32, #tpu.memory_space<vmem>> -> memref<4x8448xi32, #tpu.memory_space<vmem>>
    %dma_wait3A_2282 = arith.constant 0 : i32
    %dma_wait3A_2283 = tpu.memref_slice %arg3[%add3A_207, %dma_wait3A_2282] : memref<8448x8448xi32, #tpu.memory_space<hbm>> -> memref<4x8448xi32, #tpu.memory_space<hbm>>
    %dma_wait3A_2284 = arith.constant 0 : i32
    %dma_wait3A_2285 = tpu.memref_slice %arg3[%add3A_207, %dma_wait3A_2284] : memref<8448x8448xi32, #tpu.memory_space<hbm>> -> memref<4x8448xi32, #tpu.memory_space<hbm>>
    %dma_wait3A_2286 = arith.constant 0 : i32
    %dma_wait3A_2287 = arith.constant 0 : i32
    %dma_wait3A_2288 = tpu.memref_slice %arg4[%convert_element_type3A_226, %dma_wait3A_2286, %dma_wait3A_2287] : memref<2x4x8448xi32, #tpu.memory_space<vmem>> -> memref<1x4x8448xi32, #tpu.memory_space<vmem>>
    %dma_wait3A_2289 = tpu.memref_squeeze %dma_wait3A_2288 : memref<1x4x8448xi32, #tpu.memory_space<vmem>> -> memref<4x8448xi32, #tpu.memory_space<vmem>>
    tpu.wait_dma2 semaphore(%arg5 : memref<!tpu.dma_semaphore, #tpu.memory_space<semaphore_mem>>) src(%dma_wait3A_2289 : memref<4x8448xi32, #tpu.memory_space<vmem>>) dst(%dma_wait3A_2285 : memref<4x8448xi32, #tpu.memory_space<hbm>>)
    %dma_wait3A_2290 = arith.constant 0 : i32
    %dma_wait3A_2291 = arith.constant 0 : i32
    %dma_wait3A_2292 = tpu.memref_slice %arg4[%convert_element_type3A_259, %dma_wait3A_2290, %dma_wait3A_2291] : memref<2x4x8448xi32, #tpu.memory_space<vmem>> -> memref<1x4x8448xi32, #tpu.memory_space<vmem>>
    %dma_wait3A_2293 = tpu.memref_squeeze %dma_wait3A_2292 : memref<1x4x8448xi32, #tpu.memory_space<vmem>> -> memref<4x8448xi32, #tpu.memory_space<vmem>>
    %dma_wait3A_2294 = arith.constant 0 : i32
    %dma_wait3A_2295 = tpu.memref_slice %arg3[%add3A_240, %dma_wait3A_2294] : memref<8448x8448xi32, #tpu.memory_space<hbm>> -> memref<4x8448xi32, #tpu.memory_space<hbm>>
    %dma_wait3A_2296 = arith.constant 0 : i32
    %dma_wait3A_2297 = tpu.memref_slice %arg3[%add3A_240, %dma_wait3A_2296] : memref<8448x8448xi32, #tpu.memory_space<hbm>> -> memref<4x8448xi32, #tpu.memory_space<hbm>>
    %dma_wait3A_2298 = arith.constant 0 : i32
    %dma_wait3A_2299 = arith.constant 0 : i32
    %dma_wait3A_2300 = tpu.memref_slice %arg4[%convert_element_type3A_259, %dma_wait3A_2298, %dma_wait3A_2299] : memref<2x4x8448xi32, #tpu.memory_space<vmem>> -> memref<1x4x8448xi32, #tpu.memory_space<vmem>>
    %dma_wait3A_2301 = tpu.memref_squeeze %dma_wait3A_2300 : memref<1x4x8448xi32, #tpu.memory_space<vmem>> -> memref<4x8448xi32, #tpu.memory_space<vmem>>
    tpu.wait_dma2 semaphore(%arg5 : memref<!tpu.dma_semaphore, #tpu.memory_space<semaphore_mem>>) src(%dma_wait3A_2301 : memref<4x8448xi32, #tpu.memory_space<vmem>>) dst(%dma_wait3A_2297 : memref<4x8448xi32, #tpu.memory_space<hbm>>)
    %dma_wait3A_2302 = arith.constant 0 : i32
    %dma_wait3A_2303 = arith.constant 0 : i32
    %dma_wait3A_2304 = tpu.memref_slice %arg4[%convert_element_type3A_292, %dma_wait3A_2302, %dma_wait3A_2303] : memref<2x4x8448xi32, #tpu.memory_space<vmem>> -> memref<1x4x8448xi32, #tpu.memory_space<vmem>>
    %dma_wait3A_2305 = tpu.memref_squeeze %dma_wait3A_2304 : memref<1x4x8448xi32, #tpu.memory_space<vmem>> -> memref<4x8448xi32, #tpu.memory_space<vmem>>
    %dma_wait3A_2306 = arith.constant 0 : i32
    %dma_wait3A_2307 = tpu.memref_slice %arg3[%add3A_273, %dma_wait3A_2306] : memref<8448x8448xi32, #tpu.memory_space<hbm>> -> memref<4x8448xi32, #tpu.memory_space<hbm>>
    %dma_wait3A_2308 = arith.constant 0 : i32
    %dma_wait3A_2309 = tpu.memref_slice %arg3[%add3A_273, %dma_wait3A_2308] : memref<8448x8448xi32, #tpu.memory_space<hbm>> -> memref<4x8448xi32, #tpu.memory_space<hbm>>
    %dma_wait3A_2310 = arith.constant 0 : i32
    %dma_wait3A_2311 = arith.constant 0 : i32
    %dma_wait3A_2312 = tpu.memref_slice %arg4[%convert_element_type3A_292, %dma_wait3A_2310, %dma_wait3A_2311] : memref<2x4x8448xi32, #tpu.memory_space<vmem>> -> memref<1x4x8448xi32, #tpu.memory_space<vmem>>
    %dma_wait3A_2313 = tpu.memref_squeeze %dma_wait3A_2312 : memref<1x4x8448xi32, #tpu.memory_space<vmem>> -> memref<4x8448xi32, #tpu.memory_space<vmem>>
    tpu.wait_dma2 semaphore(%arg5 : memref<!tpu.dma_semaphore, #tpu.memory_space<semaphore_mem>>) src(%dma_wait3A_2313 : memref<4x8448xi32, #tpu.memory_space<vmem>>) dst(%dma_wait3A_2309 : memref<4x8448xi32, #tpu.memory_space<hbm>>)
    %dma_wait3A_2314 = arith.constant 0 : i32
    %dma_wait3A_2315 = arith.constant 0 : i32
    %dma_wait3A_2316 = tpu.memref_slice %arg4[%convert_element_type3A_325, %dma_wait3A_2314, %dma_wait3A_2315] : memref<2x4x8448xi32, #tpu.memory_space<vmem>> -> memref<1x4x8448xi32, #tpu.memory_space<vmem>>
    %dma_wait3A_2317 = tpu.memref_squeeze %dma_wait3A_2316 : memref<1x4x8448xi32, #tpu.memory_space<vmem>> -> memref<4x8448xi32, #tpu.memory_space<vmem>>
    %dma_wait3A_2318 = arith.constant 0 : i32
    %dma_wait3A_2319 = tpu.memref_slice %arg3[%add3A_306, %dma_wait3A_2318] : memref<8448x8448xi32, #tpu.memory_space<hbm>> -> memref<4x8448xi32, #tpu.memory_space<hbm>>
    %dma_wait3A_2320 = arith.constant 0 : i32
    %dma_wait3A_2321 = tpu.memref_slice %arg3[%add3A_306, %dma_wait3A_2320] : memref<8448x8448xi32, #tpu.memory_space<hbm>> -> memref<4x8448xi32, #tpu.memory_space<hbm>>
    %dma_wait3A_2322 = arith.constant 0 : i32
    %dma_wait3A_2323 = arith.constant 0 : i32
    %dma_wait3A_2324 = tpu.memref_slice %arg4[%convert_element_type3A_325, %dma_wait3A_2322, %dma_wait3A_2323] : memref<2x4x8448xi32, #tpu.memory_space<vmem>> -> memref<1x4x8448xi32, #tpu.memory_space<vmem>>
    %dma_wait3A_2325 = tpu.memref_squeeze %dma_wait3A_2324 : memref<1x4x8448xi32, #tpu.memory_space<vmem>> -> memref<4x8448xi32, #tpu.memory_space<vmem>>
    tpu.wait_dma2 semaphore(%arg5 : memref<!tpu.dma_semaphore, #tpu.memory_space<semaphore_mem>>) src(%dma_wait3A_2325 : memref<4x8448xi32, #tpu.memory_space<vmem>>) dst(%dma_wait3A_2321 : memref<4x8448xi32, #tpu.memory_space<hbm>>)
    %dma_wait3A_2326 = arith.constant 0 : i32
    %dma_wait3A_2327 = arith.constant 0 : i32
    %dma_wait3A_2328 = tpu.memref_slice %arg4[%convert_element_type3A_358, %dma_wait3A_2326, %dma_wait3A_2327] : memref<2x4x8448xi32, #tpu.memory_space<vmem>> -> memref<1x4x8448xi32, #tpu.memory_space<vmem>>
    %dma_wait3A_2329 = tpu.memref_squeeze %dma_wait3A_2328 : memref<1x4x8448xi32, #tpu.memory_space<vmem>> -> memref<4x8448xi32, #tpu.memory_space<vmem>>
    %dma_wait3A_2330 = arith.constant 0 : i32
    %dma_wait3A_2331 = tpu.memref_slice %arg3[%add3A_339, %dma_wait3A_2330] : memref<8448x8448xi32, #tpu.memory_space<hbm>> -> memref<4x8448xi32, #tpu.memory_space<hbm>>
    %dma_wait3A_2332 = arith.constant 0 : i32
    %dma_wait3A_2333 = tpu.memref_slice %arg3[%add3A_339, %dma_wait3A_2332] : memref<8448x8448xi32, #tpu.memory_space<hbm>> -> memref<4x8448xi32, #tpu.memory_space<hbm>>
    %dma_wait3A_2334 = arith.constant 0 : i32
    %dma_wait3A_2335 = arith.constant 0 : i32
    %dma_wait3A_2336 = tpu.memref_slice %arg4[%convert_element_type3A_358, %dma_wait3A_2334, %dma_wait3A_2335] : memref<2x4x8448xi32, #tpu.memory_space<vmem>> -> memref<1x4x8448xi32, #tpu.memory_space<vmem>>
    %dma_wait3A_2337 = tpu.memref_squeeze %dma_wait3A_2336 : memref<1x4x8448xi32, #tpu.memory_space<vmem>> -> memref<4x8448xi32, #tpu.memory_space<vmem>>
    tpu.wait_dma2 semaphore(%arg5 : memref<!tpu.dma_semaphore, #tpu.memory_space<semaphore_mem>>) src(%dma_wait3A_2337 : memref<4x8448xi32, #tpu.memory_space<vmem>>) dst(%dma_wait3A_2333 : memref<4x8448xi32, #tpu.memory_space<hbm>>)
    %dma_wait3A_2338 = arith.constant 0 : i32
    %dma_wait3A_2339 = arith.constant 0 : i32
    %dma_wait3A_2340 = tpu.memref_slice %arg4[%convert_element_type3A_391, %dma_wait3A_2338, %dma_wait3A_2339] : memref<2x4x8448xi32, #tpu.memory_space<vmem>> -> memref<1x4x8448xi32, #tpu.memory_space<vmem>>
    %dma_wait3A_2341 = tpu.memref_squeeze %dma_wait3A_2340 : memref<1x4x8448xi32, #tpu.memory_space<vmem>> -> memref<4x8448xi32, #tpu.memory_space<vmem>>
    %dma_wait3A_2342 = arith.constant 0 : i32
    %dma_wait3A_2343 = tpu.memref_slice %arg3[%add3A_372, %dma_wait3A_2342] : memref<8448x8448xi32, #tpu.memory_space<hbm>> -> memref<4x8448xi32, #tpu.memory_space<hbm>>
    %dma_wait3A_2344 = arith.constant 0 : i32
    %dma_wait3A_2345 = tpu.memref_slice %arg3[%add3A_372, %dma_wait3A_2344] : memref<8448x8448xi32, #tpu.memory_space<hbm>> -> memref<4x8448xi32, #tpu.memory_space<hbm>>
    %dma_wait3A_2346 = arith.constant 0 : i32
    %dma_wait3A_2347 = arith.constant 0 : i32
    %dma_wait3A_2348 = tpu.memref_slice %arg4[%convert_element_type3A_391, %dma_wait3A_2346, %dma_wait3A_2347] : memref<2x4x8448xi32, #tpu.memory_space<vmem>> -> memref<1x4x8448xi32, #tpu.memory_space<vmem>>
    %dma_wait3A_2349 = tpu.memref_squeeze %dma_wait3A_2348 : memref<1x4x8448xi32, #tpu.memory_space<vmem>> -> memref<4x8448xi32, #tpu.memory_space<vmem>>
    tpu.wait_dma2 semaphore(%arg5 : memref<!tpu.dma_semaphore, #tpu.memory_space<semaphore_mem>>) src(%dma_wait3A_2349 : memref<4x8448xi32, #tpu.memory_space<vmem>>) dst(%dma_wait3A_2345 : memref<4x8448xi32, #tpu.memory_space<hbm>>)
    %dma_wait3A_2350 = arith.constant 0 : i32
    %dma_wait3A_2351 = arith.constant 0 : i32
    %dma_wait3A_2352 = tpu.memref_slice %arg4[%convert_element_type3A_424, %dma_wait3A_2350, %dma_wait3A_2351] : memref<2x4x8448xi32, #tpu.memory_space<vmem>> -> memref<1x4x8448xi32, #tpu.memory_space<vmem>>
    %dma_wait3A_2353 = tpu.memref_squeeze %dma_wait3A_2352 : memref<1x4x8448xi32, #tpu.memory_space<vmem>> -> memref<4x8448xi32, #tpu.memory_space<vmem>>
    %dma_wait3A_2354 = arith.constant 0 : i32
    %dma_wait3A_2355 = tpu.memref_slice %arg3[%add3A_405, %dma_wait3A_2354] : memref<8448x8448xi32, #tpu.memory_space<hbm>> -> memref<4x8448xi32, #tpu.memory_space<hbm>>
    %dma_wait3A_2356 = arith.constant 0 : i32
    %dma_wait3A_2357 = tpu.memref_slice %arg3[%add3A_405, %dma_wait3A_2356] : memref<8448x8448xi32, #tpu.memory_space<hbm>> -> memref<4x8448xi32, #tpu.memory_space<hbm>>
    %dma_wait3A_2358 = arith.constant 0 : i32
    %dma_wait3A_2359 = arith.constant 0 : i32
    %dma_wait3A_2360 = tpu.memref_slice %arg4[%convert_element_type3A_424, %dma_wait3A_2358, %dma_wait3A_2359] : memref<2x4x8448xi32, #tpu.memory_space<vmem>> -> memref<1x4x8448xi32, #tpu.memory_space<vmem>>
    %dma_wait3A_2361 = tpu.memref_squeeze %dma_wait3A_2360 : memref<1x4x8448xi32, #tpu.memory_space<vmem>> -> memref<4x8448xi32, #tpu.memory_space<vmem>>
    tpu.wait_dma2 semaphore(%arg5 : memref<!tpu.dma_semaphore, #tpu.memory_space<semaphore_mem>>) src(%dma_wait3A_2361 : memref<4x8448xi32, #tpu.memory_space<vmem>>) dst(%dma_wait3A_2357 : memref<4x8448xi32, #tpu.memory_space<hbm>>)
    %dma_wait3A_2362 = arith.constant 0 : i32
    %dma_wait3A_2363 = arith.constant 0 : i32
    %dma_wait3A_2364 = tpu.memref_slice %arg4[%convert_element_type3A_457, %dma_wait3A_2362, %dma_wait3A_2363] : memref<2x4x8448xi32, #tpu.memory_space<vmem>> -> memref<1x4x8448xi32, #tpu.memory_space<vmem>>
    %dma_wait3A_2365 = tpu.memref_squeeze %dma_wait3A_2364 : memref<1x4x8448xi32, #tpu.memory_space<vmem>> -> memref<4x8448xi32, #tpu.memory_space<vmem>>
    %dma_wait3A_2366 = arith.constant 0 : i32
    %dma_wait3A_2367 = tpu.memref_slice %arg3[%add3A_438, %dma_wait3A_2366] : memref<8448x8448xi32, #tpu.memory_space<hbm>> -> memref<4x8448xi32, #tpu.memory_space<hbm>>
    %dma_wait3A_2368 = arith.constant 0 : i32
    %dma_wait3A_2369 = tpu.memref_slice %arg3[%add3A_438, %dma_wait3A_2368] : memref<8448x8448xi32, #tpu.memory_space<hbm>> -> memref<4x8448xi32, #tpu.memory_space<hbm>>
    %dma_wait3A_2370 = arith.constant 0 : i32
    %dma_wait3A_2371 = arith.constant 0 : i32
    %dma_wait3A_2372 = tpu.memref_slice %arg4[%convert_element_type3A_457, %dma_wait3A_2370, %dma_wait3A_2371] : memref<2x4x8448xi32, #tpu.memory_space<vmem>> -> memref<1x4x8448xi32, #tpu.memory_space<vmem>>
    %dma_wait3A_2373 = tpu.memref_squeeze %dma_wait3A_2372 : memref<1x4x8448xi32, #tpu.memory_space<vmem>> -> memref<4x8448xi32, #tpu.memory_space<vmem>>
    tpu.wait_dma2 semaphore(%arg5 : memref<!tpu.dma_semaphore, #tpu.memory_space<semaphore_mem>>) src(%dma_wait3A_2373 : memref<4x8448xi32, #tpu.memory_space<vmem>>) dst(%dma_wait3A_2369 : memref<4x8448xi32, #tpu.memory_space<hbm>>)
    %dma_wait3A_2374 = arith.constant 0 : i32
    %dma_wait3A_2375 = arith.constant 0 : i32
    %dma_wait3A_2376 = tpu.memref_slice %arg4[%convert_element_type3A_490, %dma_wait3A_2374, %dma_wait3A_2375] : memref<2x4x8448xi32, #tpu.memory_space<vmem>> -> memref<1x4x8448xi32, #tpu.memory_space<vmem>>
    %dma_wait3A_2377 = tpu.memref_squeeze %dma_wait3A_2376 : memref<1x4x8448xi32, #tpu.memory_space<vmem>> -> memref<4x8448xi32, #tpu.memory_space<vmem>>
    %dma_wait3A_2378 = arith.constant 0 : i32
    %dma_wait3A_2379 = tpu.memref_slice %arg3[%add3A_471, %dma_wait3A_2378] : memref<8448x8448xi32, #tpu.memory_space<hbm>> -> memref<4x8448xi32, #tpu.memory_space<hbm>>
    %dma_wait3A_2380 = arith.constant 0 : i32
    %dma_wait3A_2381 = tpu.memref_slice %arg3[%add3A_471, %dma_wait3A_2380] : memref<8448x8448xi32, #tpu.memory_space<hbm>> -> memref<4x8448xi32, #tpu.memory_space<hbm>>
    %dma_wait3A_2382 = arith.constant 0 : i32
    %dma_wait3A_2383 = arith.constant 0 : i32
    %dma_wait3A_2384 = tpu.memref_slice %arg4[%convert_element_type3A_490, %dma_wait3A_2382, %dma_wait3A_2383] : memref<2x4x8448xi32, #tpu.memory_space<vmem>> -> memref<1x4x8448xi32, #tpu.memory_space<vmem>>
    %dma_wait3A_2385 = tpu.memref_squeeze %dma_wait3A_2384 : memref<1x4x8448xi32, #tpu.memory_space<vmem>> -> memref<4x8448xi32, #tpu.memory_space<vmem>>
    tpu.wait_dma2 semaphore(%arg5 : memref<!tpu.dma_semaphore, #tpu.memory_space<semaphore_mem>>) src(%dma_wait3A_2385 : memref<4x8448xi32, #tpu.memory_space<vmem>>) dst(%dma_wait3A_2381 : memref<4x8448xi32, #tpu.memory_space<hbm>>)
    %dma_wait3A_2386 = arith.constant 0 : i32
    %dma_wait3A_2387 = arith.constant 0 : i32
    %dma_wait3A_2388 = tpu.memref_slice %arg4[%convert_element_type3A_523, %dma_wait3A_2386, %dma_wait3A_2387] : memref<2x4x8448xi32, #tpu.memory_space<vmem>> -> memref<1x4x8448xi32, #tpu.memory_space<vmem>>
    %dma_wait3A_2389 = tpu.memref_squeeze %dma_wait3A_2388 : memref<1x4x8448xi32, #tpu.memory_space<vmem>> -> memref<4x8448xi32, #tpu.memory_space<vmem>>
    %dma_wait3A_2390 = arith.constant 0 : i32
    %dma_wait3A_2391 = tpu.memref_slice %arg3[%add3A_504, %dma_wait3A_2390] : memref<8448x8448xi32, #tpu.memory_space<hbm>> -> memref<4x8448xi32, #tpu.memory_space<hbm>>
    %dma_wait3A_2392 = arith.constant 0 : i32
    %dma_wait3A_2393 = tpu.memref_slice %arg3[%add3A_504, %dma_wait3A_2392] : memref<8448x8448xi32, #tpu.memory_space<hbm>> -> memref<4x8448xi32, #tpu.memory_space<hbm>>
    %dma_wait3A_2394 = arith.constant 0 : i32
    %dma_wait3A_2395 = arith.constant 0 : i32
    %dma_wait3A_2396 = tpu.memref_slice %arg4[%convert_element_type3A_523, %dma_wait3A_2394, %dma_wait3A_2395] : memref<2x4x8448xi32, #tpu.memory_space<vmem>> -> memref<1x4x8448xi32, #tpu.memory_space<vmem>>
    %dma_wait3A_2397 = tpu.memref_squeeze %dma_wait3A_2396 : memref<1x4x8448xi32, #tpu.memory_space<vmem>> -> memref<4x8448xi32, #tpu.memory_space<vmem>>
    tpu.wait_dma2 semaphore(%arg5 : memref<!tpu.dma_semaphore, #tpu.memory_space<semaphore_mem>>) src(%dma_wait3A_2397 : memref<4x8448xi32, #tpu.memory_space<vmem>>) dst(%dma_wait3A_2393 : memref<4x8448xi32, #tpu.memory_space<hbm>>)
    %dma_wait3A_2398 = arith.constant 0 : i32
    %dma_wait3A_2399 = arith.constant 0 : i32
    %dma_wait3A_2400 = tpu.memref_slice %arg4[%convert_element_type3A_556, %dma_wait3A_2398, %dma_wait3A_2399] : memref<2x4x8448xi32, #tpu.memory_space<vmem>> -> memref<1x4x8448xi32, #tpu.memory_space<vmem>>
    %dma_wait3A_2401 = tpu.memref_squeeze %dma_wait3A_2400 : memref<1x4x8448xi32, #tpu.memory_space<vmem>> -> memref<4x8448xi32, #tpu.memory_space<vmem>>
    %dma_wait3A_2402 = arith.constant 0 : i32
    %dma_wait3A_2403 = tpu.memref_slice %arg3[%add3A_537, %dma_wait3A_2402] : memref<8448x8448xi32, #tpu.memory_space<hbm>> -> memref<4x8448xi32, #tpu.memory_space<hbm>>
    %dma_wait3A_2404 = arith.constant 0 : i32
    %dma_wait3A_2405 = tpu.memref_slice %arg3[%add3A_537, %dma_wait3A_2404] : memref<8448x8448xi32, #tpu.memory_space<hbm>> -> memref<4x8448xi32, #tpu.memory_space<hbm>>
    %dma_wait3A_2406 = arith.constant 0 : i32
    %dma_wait3A_2407 = arith.constant 0 : i32
    %dma_wait3A_2408 = tpu.memref_slice %arg4[%convert_element_type3A_556, %dma_wait3A_2406, %dma_wait3A_2407] : memref<2x4x8448xi32, #tpu.memory_space<vmem>> -> memref<1x4x8448xi32, #tpu.memory_space<vmem>>
    %dma_wait3A_2409 = tpu.memref_squeeze %dma_wait3A_2408 : memref<1x4x8448xi32, #tpu.memory_space<vmem>> -> memref<4x8448xi32, #tpu.memory_space<vmem>>
    tpu.wait_dma2 semaphore(%arg5 : memref<!tpu.dma_semaphore, #tpu.memory_space<semaphore_mem>>) src(%dma_wait3A_2409 : memref<4x8448xi32, #tpu.memory_space<vmem>>) dst(%dma_wait3A_2405 : memref<4x8448xi32, #tpu.memory_space<hbm>>)
    %dma_wait3A_2410 = arith.constant 0 : i32
    %dma_wait3A_2411 = arith.constant 0 : i32
    %dma_wait3A_2412 = tpu.memref_slice %arg4[%convert_element_type3A_589, %dma_wait3A_2410, %dma_wait3A_2411] : memref<2x4x8448xi32, #tpu.memory_space<vmem>> -> memref<1x4x8448xi32, #tpu.memory_space<vmem>>
    %dma_wait3A_2413 = tpu.memref_squeeze %dma_wait3A_2412 : memref<1x4x8448xi32, #tpu.memory_space<vmem>> -> memref<4x8448xi32, #tpu.memory_space<vmem>>
    %dma_wait3A_2414 = arith.constant 0 : i32
    %dma_wait3A_2415 = tpu.memref_slice %arg3[%add3A_570, %dma_wait3A_2414] : memref<8448x8448xi32, #tpu.memory_space<hbm>> -> memref<4x8448xi32, #tpu.memory_space<hbm>>
    %dma_wait3A_2416 = arith.constant 0 : i32
    %dma_wait3A_2417 = tpu.memref_slice %arg3[%add3A_570, %dma_wait3A_2416] : memref<8448x8448xi32, #tpu.memory_space<hbm>> -> memref<4x8448xi32, #tpu.memory_space<hbm>>
    %dma_wait3A_2418 = arith.constant 0 : i32
    %dma_wait3A_2419 = arith.constant 0 : i32
    %dma_wait3A_2420 = tpu.memref_slice %arg4[%convert_element_type3A_589, %dma_wait3A_2418, %dma_wait3A_2419] : memref<2x4x8448xi32, #tpu.memory_space<vmem>> -> memref<1x4x8448xi32, #tpu.memory_space<vmem>>
    %dma_wait3A_2421 = tpu.memref_squeeze %dma_wait3A_2420 : memref<1x4x8448xi32, #tpu.memory_space<vmem>> -> memref<4x8448xi32, #tpu.memory_space<vmem>>
    tpu.wait_dma2 semaphore(%arg5 : memref<!tpu.dma_semaphore, #tpu.memory_space<semaphore_mem>>) src(%dma_wait3A_2421 : memref<4x8448xi32, #tpu.memory_space<vmem>>) dst(%dma_wait3A_2417 : memref<4x8448xi32, #tpu.memory_space<hbm>>)
    %dma_wait3A_2422 = arith.constant 0 : i32
    %dma_wait3A_2423 = arith.constant 0 : i32
    %dma_wait3A_2424 = tpu.memref_slice %arg4[%convert_element_type3A_622, %dma_wait3A_2422, %dma_wait3A_2423] : memref<2x4x8448xi32, #tpu.memory_space<vmem>> -> memref<1x4x8448xi32, #tpu.memory_space<vmem>>
    %dma_wait3A_2425 = tpu.memref_squeeze %dma_wait3A_2424 : memref<1x4x8448xi32, #tpu.memory_space<vmem>> -> memref<4x8448xi32, #tpu.memory_space<vmem>>
    %dma_wait3A_2426 = arith.constant 0 : i32
    %dma_wait3A_2427 = tpu.memref_slice %arg3[%add3A_603, %dma_wait3A_2426] : memref<8448x8448xi32, #tpu.memory_space<hbm>> -> memref<4x8448xi32, #tpu.memory_space<hbm>>
    %dma_wait3A_2428 = arith.constant 0 : i32
    %dma_wait3A_2429 = tpu.memref_slice %arg3[%add3A_603, %dma_wait3A_2428] : memref<8448x8448xi32, #tpu.memory_space<hbm>> -> memref<4x8448xi32, #tpu.memory_space<hbm>>
    %dma_wait3A_2430 = arith.constant 0 : i32
    %dma_wait3A_2431 = arith.constant 0 : i32
    %dma_wait3A_2432 = tpu.memref_slice %arg4[%convert_element_type3A_622, %dma_wait3A_2430, %dma_wait3A_2431] : memref<2x4x8448xi32, #tpu.memory_space<vmem>> -> memref<1x4x8448xi32, #tpu.memory_space<vmem>>
    %dma_wait3A_2433 = tpu.memref_squeeze %dma_wait3A_2432 : memref<1x4x8448xi32, #tpu.memory_space<vmem>> -> memref<4x8448xi32, #tpu.memory_space<vmem>>
    tpu.wait_dma2 semaphore(%arg5 : memref<!tpu.dma_semaphore, #tpu.memory_space<semaphore_mem>>) src(%dma_wait3A_2433 : memref<4x8448xi32, #tpu.memory_space<vmem>>) dst(%dma_wait3A_2429 : memref<4x8448xi32, #tpu.memory_space<hbm>>)
    %dma_wait3A_2434 = arith.constant 0 : i32
    %dma_wait3A_2435 = arith.constant 0 : i32
    %dma_wait3A_2436 = tpu.memref_slice %arg4[%convert_element_type3A_655, %dma_wait3A_2434, %dma_wait3A_2435] : memref<2x4x8448xi32, #tpu.memory_space<vmem>> -> memref<1x4x8448xi32, #tpu.memory_space<vmem>>
    %dma_wait3A_2437 = tpu.memref_squeeze %dma_wait3A_2436 : memref<1x4x8448xi32, #tpu.memory_space<vmem>> -> memref<4x8448xi32, #tpu.memory_space<vmem>>
    %dma_wait3A_2438 = arith.constant 0 : i32
    %dma_wait3A_2439 = tpu.memref_slice %arg3[%add3A_636, %dma_wait3A_2438] : memref<8448x8448xi32, #tpu.memory_space<hbm>> -> memref<4x8448xi32, #tpu.memory_space<hbm>>
    %dma_wait3A_2440 = arith.constant 0 : i32
    %dma_wait3A_2441 = tpu.memref_slice %arg3[%add3A_636, %dma_wait3A_2440] : memref<8448x8448xi32, #tpu.memory_space<hbm>> -> memref<4x8448xi32, #tpu.memory_space<hbm>>
    %dma_wait3A_2442 = arith.constant 0 : i32
    %dma_wait3A_2443 = arith.constant 0 : i32
    %dma_wait3A_2444 = tpu.memref_slice %arg4[%convert_element_type3A_655, %dma_wait3A_2442, %dma_wait3A_2443] : memref<2x4x8448xi32, #tpu.memory_space<vmem>> -> memref<1x4x8448xi32, #tpu.memory_space<vmem>>
    %dma_wait3A_2445 = tpu.memref_squeeze %dma_wait3A_2444 : memref<1x4x8448xi32, #tpu.memory_space<vmem>> -> memref<4x8448xi32, #tpu.memory_space<vmem>>
    tpu.wait_dma2 semaphore(%arg5 : memref<!tpu.dma_semaphore, #tpu.memory_space<semaphore_mem>>) src(%dma_wait3A_2445 : memref<4x8448xi32, #tpu.memory_space<vmem>>) dst(%dma_wait3A_2441 : memref<4x8448xi32, #tpu.memory_space<hbm>>)
    %dma_wait3A_2446 = arith.constant 0 : i32
    %dma_wait3A_2447 = arith.constant 0 : i32
    %dma_wait3A_2448 = tpu.memref_slice %arg4[%convert_element_type3A_688, %dma_wait3A_2446, %dma_wait3A_2447] : memref<2x4x8448xi32, #tpu.memory_space<vmem>> -> memref<1x4x8448xi32, #tpu.memory_space<vmem>>
    %dma_wait3A_2449 = tpu.memref_squeeze %dma_wait3A_2448 : memref<1x4x8448xi32, #tpu.memory_space<vmem>> -> memref<4x8448xi32, #tpu.memory_space<vmem>>
    %dma_wait3A_2450 = arith.constant 0 : i32
    %dma_wait3A_2451 = tpu.memref_slice %arg3[%add3A_669, %dma_wait3A_2450] : memref<8448x8448xi32, #tpu.memory_space<hbm>> -> memref<4x8448xi32, #tpu.memory_space<hbm>>
    %dma_wait3A_2452 = arith.constant 0 : i32
    %dma_wait3A_2453 = tpu.memref_slice %arg3[%add3A_669, %dma_wait3A_2452] : memref<8448x8448xi32, #tpu.memory_space<hbm>> -> memref<4x8448xi32, #tpu.memory_space<hbm>>
    %dma_wait3A_2454 = arith.constant 0 : i32
    %dma_wait3A_2455 = arith.constant 0 : i32
    %dma_wait3A_2456 = tpu.memref_slice %arg4[%convert_element_type3A_688, %dma_wait3A_2454, %dma_wait3A_2455] : memref<2x4x8448xi32, #tpu.memory_space<vmem>> -> memref<1x4x8448xi32, #tpu.memory_space<vmem>>
    %dma_wait3A_2457 = tpu.memref_squeeze %dma_wait3A_2456 : memref<1x4x8448xi32, #tpu.memory_space<vmem>> -> memref<4x8448xi32, #tpu.memory_space<vmem>>
    tpu.wait_dma2 semaphore(%arg5 : memref<!tpu.dma_semaphore, #tpu.memory_space<semaphore_mem>>) src(%dma_wait3A_2457 : memref<4x8448xi32, #tpu.memory_space<vmem>>) dst(%dma_wait3A_2453 : memref<4x8448xi32, #tpu.memory_space<hbm>>)
    %dma_wait3A_2458 = arith.constant 0 : i32
    %dma_wait3A_2459 = arith.constant 0 : i32
    %dma_wait3A_2460 = tpu.memref_slice %arg4[%convert_element_type3A_721, %dma_wait3A_2458, %dma_wait3A_2459] : memref<2x4x8448xi32, #tpu.memory_space<vmem>> -> memref<1x4x8448xi32, #tpu.memory_space<vmem>>
    %dma_wait3A_2461 = tpu.memref_squeeze %dma_wait3A_2460 : memref<1x4x8448xi32, #tpu.memory_space<vmem>> -> memref<4x8448xi32, #tpu.memory_space<vmem>>
    %dma_wait3A_2462 = arith.constant 0 : i32
    %dma_wait3A_2463 = tpu.memref_slice %arg3[%add3A_702, %dma_wait3A_2462] : memref<8448x8448xi32, #tpu.memory_space<hbm>> -> memref<4x8448xi32, #tpu.memory_space<hbm>>
    %dma_wait3A_2464 = arith.constant 0 : i32
    %dma_wait3A_2465 = tpu.memref_slice %arg3[%add3A_702, %dma_wait3A_2464] : memref<8448x8448xi32, #tpu.memory_space<hbm>> -> memref<4x8448xi32, #tpu.memory_space<hbm>>
    %dma_wait3A_2466 = arith.constant 0 : i32
    %dma_wait3A_2467 = arith.constant 0 : i32
    %dma_wait3A_2468 = tpu.memref_slice %arg4[%convert_element_type3A_721, %dma_wait3A_2466, %dma_wait3A_2467] : memref<2x4x8448xi32, #tpu.memory_space<vmem>> -> memref<1x4x8448xi32, #tpu.memory_space<vmem>>
    %dma_wait3A_2469 = tpu.memref_squeeze %dma_wait3A_2468 : memref<1x4x8448xi32, #tpu.memory_space<vmem>> -> memref<4x8448xi32, #tpu.memory_space<vmem>>
    tpu.wait_dma2 semaphore(%arg5 : memref<!tpu.dma_semaphore, #tpu.memory_space<semaphore_mem>>) src(%dma_wait3A_2469 : memref<4x8448xi32, #tpu.memory_space<vmem>>) dst(%dma_wait3A_2465 : memref<4x8448xi32, #tpu.memory_space<hbm>>)
    %dma_wait3A_2470 = arith.constant 0 : i32
    %dma_wait3A_2471 = arith.constant 0 : i32
    %dma_wait3A_2472 = tpu.memref_slice %arg4[%convert_element_type3A_754, %dma_wait3A_2470, %dma_wait3A_2471] : memref<2x4x8448xi32, #tpu.memory_space<vmem>> -> memref<1x4x8448xi32, #tpu.memory_space<vmem>>
    %dma_wait3A_2473 = tpu.memref_squeeze %dma_wait3A_2472 : memref<1x4x8448xi32, #tpu.memory_space<vmem>> -> memref<4x8448xi32, #tpu.memory_space<vmem>>
    %dma_wait3A_2474 = arith.constant 0 : i32
    %dma_wait3A_2475 = tpu.memref_slice %arg3[%add3A_735, %dma_wait3A_2474] : memref<8448x8448xi32, #tpu.memory_space<hbm>> -> memref<4x8448xi32, #tpu.memory_space<hbm>>
    %dma_wait3A_2476 = arith.constant 0 : i32
    %dma_wait3A_2477 = tpu.memref_slice %arg3[%add3A_735, %dma_wait3A_2476] : memref<8448x8448xi32, #tpu.memory_space<hbm>> -> memref<4x8448xi32, #tpu.memory_space<hbm>>
    %dma_wait3A_2478 = arith.constant 0 : i32
    %dma_wait3A_2479 = arith.constant 0 : i32
    %dma_wait3A_2480 = tpu.memref_slice %arg4[%convert_element_type3A_754, %dma_wait3A_2478, %dma_wait3A_2479] : memref<2x4x8448xi32, #tpu.memory_space<vmem>> -> memref<1x4x8448xi32, #tpu.memory_space<vmem>>
    %dma_wait3A_2481 = tpu.memref_squeeze %dma_wait3A_2480 : memref<1x4x8448xi32, #tpu.memory_space<vmem>> -> memref<4x8448xi32, #tpu.memory_space<vmem>>
    tpu.wait_dma2 semaphore(%arg5 : memref<!tpu.dma_semaphore, #tpu.memory_space<semaphore_mem>>) src(%dma_wait3A_2481 : memref<4x8448xi32, #tpu.memory_space<vmem>>) dst(%dma_wait3A_2477 : memref<4x8448xi32, #tpu.memory_space<hbm>>)
    %dma_wait3A_2482 = arith.constant 0 : i32
    %dma_wait3A_2483 = arith.constant 0 : i32
    %dma_wait3A_2484 = tpu.memref_slice %arg4[%convert_element_type3A_787, %dma_wait3A_2482, %dma_wait3A_2483] : memref<2x4x8448xi32, #tpu.memory_space<vmem>> -> memref<1x4x8448xi32, #tpu.memory_space<vmem>>
    %dma_wait3A_2485 = tpu.memref_squeeze %dma_wait3A_2484 : memref<1x4x8448xi32, #tpu.memory_space<vmem>> -> memref<4x8448xi32, #tpu.memory_space<vmem>>
    %dma_wait3A_2486 = arith.constant 0 : i32
    %dma_wait3A_2487 = tpu.memref_slice %arg3[%add3A_768, %dma_wait3A_2486] : memref<8448x8448xi32, #tpu.memory_space<hbm>> -> memref<4x8448xi32, #tpu.memory_space<hbm>>
    %dma_wait3A_2488 = arith.constant 0 : i32
    %dma_wait3A_2489 = tpu.memref_slice %arg3[%add3A_768, %dma_wait3A_2488] : memref<8448x8448xi32, #tpu.memory_space<hbm>> -> memref<4x8448xi32, #tpu.memory_space<hbm>>
    %dma_wait3A_2490 = arith.constant 0 : i32
    %dma_wait3A_2491 = arith.constant 0 : i32
    %dma_wait3A_2492 = tpu.memref_slice %arg4[%convert_element_type3A_787, %dma_wait3A_2490, %dma_wait3A_2491] : memref<2x4x8448xi32, #tpu.memory_space<vmem>> -> memref<1x4x8448xi32, #tpu.memory_space<vmem>>
    %dma_wait3A_2493 = tpu.memref_squeeze %dma_wait3A_2492 : memref<1x4x8448xi32, #tpu.memory_space<vmem>> -> memref<4x8448xi32, #tpu.memory_space<vmem>>
    tpu.wait_dma2 semaphore(%arg5 : memref<!tpu.dma_semaphore, #tpu.memory_space<semaphore_mem>>) src(%dma_wait3A_2493 : memref<4x8448xi32, #tpu.memory_space<vmem>>) dst(%dma_wait3A_2489 : memref<4x8448xi32, #tpu.memory_space<hbm>>)
    %dma_wait3A_2494 = arith.constant 0 : i32
    %dma_wait3A_2495 = arith.constant 0 : i32
    %dma_wait3A_2496 = tpu.memref_slice %arg4[%convert_element_type3A_820, %dma_wait3A_2494, %dma_wait3A_2495] : memref<2x4x8448xi32, #tpu.memory_space<vmem>> -> memref<1x4x8448xi32, #tpu.memory_space<vmem>>
    %dma_wait3A_2497 = tpu.memref_squeeze %dma_wait3A_2496 : memref<1x4x8448xi32, #tpu.memory_space<vmem>> -> memref<4x8448xi32, #tpu.memory_space<vmem>>
    %dma_wait3A_2498 = arith.constant 0 : i32
    %dma_wait3A_2499 = tpu.memref_slice %arg3[%add3A_801, %dma_wait3A_2498] : memref<8448x8448xi32, #tpu.memory_space<hbm>> -> memref<4x8448xi32, #tpu.memory_space<hbm>>
    %dma_wait3A_2500 = arith.constant 0 : i32
    %dma_wait3A_2501 = tpu.memref_slice %arg3[%add3A_801, %dma_wait3A_2500] : memref<8448x8448xi32, #tpu.memory_space<hbm>> -> memref<4x8448xi32, #tpu.memory_space<hbm>>
    %dma_wait3A_2502 = arith.constant 0 : i32
    %dma_wait3A_2503 = arith.constant 0 : i32
    %dma_wait3A_2504 = tpu.memref_slice %arg4[%convert_element_type3A_820, %dma_wait3A_2502, %dma_wait3A_2503] : memref<2x4x8448xi32, #tpu.memory_space<vmem>> -> memref<1x4x8448xi32, #tpu.memory_space<vmem>>
    %dma_wait3A_2505 = tpu.memref_squeeze %dma_wait3A_2504 : memref<1x4x8448xi32, #tpu.memory_space<vmem>> -> memref<4x8448xi32, #tpu.memory_space<vmem>>
    tpu.wait_dma2 semaphore(%arg5 : memref<!tpu.dma_semaphore, #tpu.memory_space<semaphore_mem>>) src(%dma_wait3A_2505 : memref<4x8448xi32, #tpu.memory_space<vmem>>) dst(%dma_wait3A_2501 : memref<4x8448xi32, #tpu.memory_space<hbm>>)
    %dma_wait3A_2506 = arith.constant 0 : i32
    %dma_wait3A_2507 = arith.constant 0 : i32
    %dma_wait3A_2508 = tpu.memref_slice %arg4[%convert_element_type3A_853, %dma_wait3A_2506, %dma_wait3A_2507] : memref<2x4x8448xi32, #tpu.memory_space<vmem>> -> memref<1x4x8448xi32, #tpu.memory_space<vmem>>
    %dma_wait3A_2509 = tpu.memref_squeeze %dma_wait3A_2508 : memref<1x4x8448xi32, #tpu.memory_space<vmem>> -> memref<4x8448xi32, #tpu.memory_space<vmem>>
    %dma_wait3A_2510 = arith.constant 0 : i32
    %dma_wait3A_2511 = tpu.memref_slice %arg3[%add3A_834, %dma_wait3A_2510] : memref<8448x8448xi32, #tpu.memory_space<hbm>> -> memref<4x8448xi32, #tpu.memory_space<hbm>>
    %dma_wait3A_2512 = arith.constant 0 : i32
    %dma_wait3A_2513 = tpu.memref_slice %arg3[%add3A_834, %dma_wait3A_2512] : memref<8448x8448xi32, #tpu.memory_space<hbm>> -> memref<4x8448xi32, #tpu.memory_space<hbm>>
    %dma_wait3A_2514 = arith.constant 0 : i32
    %dma_wait3A_2515 = arith.constant 0 : i32
    %dma_wait3A_2516 = tpu.memref_slice %arg4[%convert_element_type3A_853, %dma_wait3A_2514, %dma_wait3A_2515] : memref<2x4x8448xi32, #tpu.memory_space<vmem>> -> memref<1x4x8448xi32, #tpu.memory_space<vmem>>
    %dma_wait3A_2517 = tpu.memref_squeeze %dma_wait3A_2516 : memref<1x4x8448xi32, #tpu.memory_space<vmem>> -> memref<4x8448xi32, #tpu.memory_space<vmem>>
    tpu.wait_dma2 semaphore(%arg5 : memref<!tpu.dma_semaphore, #tpu.memory_space<semaphore_mem>>) src(%dma_wait3A_2517 : memref<4x8448xi32, #tpu.memory_space<vmem>>) dst(%dma_wait3A_2513 : memref<4x8448xi32, #tpu.memory_space<hbm>>)
    %dma_wait3A_2518 = arith.constant 0 : i32
    %dma_wait3A_2519 = arith.constant 0 : i32
    %dma_wait3A_2520 = tpu.memref_slice %arg4[%convert_element_type3A_886, %dma_wait3A_2518, %dma_wait3A_2519] : memref<2x4x8448xi32, #tpu.memory_space<vmem>> -> memref<1x4x8448xi32, #tpu.memory_space<vmem>>
    %dma_wait3A_2521 = tpu.memref_squeeze %dma_wait3A_2520 : memref<1x4x8448xi32, #tpu.memory_space<vmem>> -> memref<4x8448xi32, #tpu.memory_space<vmem>>
    %dma_wait3A_2522 = arith.constant 0 : i32
    %dma_wait3A_2523 = tpu.memref_slice %arg3[%add3A_867, %dma_wait3A_2522] : memref<8448x8448xi32, #tpu.memory_space<hbm>> -> memref<4x8448xi32, #tpu.memory_space<hbm>>
    %dma_wait3A_2524 = arith.constant 0 : i32
    %dma_wait3A_2525 = tpu.memref_slice %arg3[%add3A_867, %dma_wait3A_2524] : memref<8448x8448xi32, #tpu.memory_space<hbm>> -> memref<4x8448xi32, #tpu.memory_space<hbm>>
    %dma_wait3A_2526 = arith.constant 0 : i32
    %dma_wait3A_2527 = arith.constant 0 : i32
    %dma_wait3A_2528 = tpu.memref_slice %arg4[%convert_element_type3A_886, %dma_wait3A_2526, %dma_wait3A_2527] : memref<2x4x8448xi32, #tpu.memory_space<vmem>> -> memref<1x4x8448xi32, #tpu.memory_space<vmem>>
    %dma_wait3A_2529 = tpu.memref_squeeze %dma_wait3A_2528 : memref<1x4x8448xi32, #tpu.memory_space<vmem>> -> memref<4x8448xi32, #tpu.memory_space<vmem>>
    tpu.wait_dma2 semaphore(%arg5 : memref<!tpu.dma_semaphore, #tpu.memory_space<semaphore_mem>>) src(%dma_wait3A_2529 : memref<4x8448xi32, #tpu.memory_space<vmem>>) dst(%dma_wait3A_2525 : memref<4x8448xi32, #tpu.memory_space<hbm>>)
    %dma_wait3A_2530 = arith.constant 0 : i32
    %dma_wait3A_2531 = arith.constant 0 : i32
    %dma_wait3A_2532 = tpu.memref_slice %arg4[%convert_element_type3A_919, %dma_wait3A_2530, %dma_wait3A_2531] : memref<2x4x8448xi32, #tpu.memory_space<vmem>> -> memref<1x4x8448xi32, #tpu.memory_space<vmem>>
    %dma_wait3A_2533 = tpu.memref_squeeze %dma_wait3A_2532 : memref<1x4x8448xi32, #tpu.memory_space<vmem>> -> memref<4x8448xi32, #tpu.memory_space<vmem>>
    %dma_wait3A_2534 = arith.constant 0 : i32
    %dma_wait3A_2535 = tpu.memref_slice %arg3[%add3A_900, %dma_wait3A_2534] : memref<8448x8448xi32, #tpu.memory_space<hbm>> -> memref<4x8448xi32, #tpu.memory_space<hbm>>
    %dma_wait3A_2536 = arith.constant 0 : i32
    %dma_wait3A_2537 = tpu.memref_slice %arg3[%add3A_900, %dma_wait3A_2536] : memref<8448x8448xi32, #tpu.memory_space<hbm>> -> memref<4x8448xi32, #tpu.memory_space<hbm>>
    %dma_wait3A_2538 = arith.constant 0 : i32
    %dma_wait3A_2539 = arith.constant 0 : i32
    %dma_wait3A_2540 = tpu.memref_slice %arg4[%convert_element_type3A_919, %dma_wait3A_2538, %dma_wait3A_2539] : memref<2x4x8448xi32, #tpu.memory_space<vmem>> -> memref<1x4x8448xi32, #tpu.memory_space<vmem>>
    %dma_wait3A_2541 = tpu.memref_squeeze %dma_wait3A_2540 : memref<1x4x8448xi32, #tpu.memory_space<vmem>> -> memref<4x8448xi32, #tpu.memory_space<vmem>>
    tpu.wait_dma2 semaphore(%arg5 : memref<!tpu.dma_semaphore, #tpu.memory_space<semaphore_mem>>) src(%dma_wait3A_2541 : memref<4x8448xi32, #tpu.memory_space<vmem>>) dst(%dma_wait3A_2537 : memref<4x8448xi32, #tpu.memory_space<hbm>>)
    %dma_wait3A_2542 = arith.constant 0 : i32
    %dma_wait3A_2543 = arith.constant 0 : i32
    %dma_wait3A_2544 = tpu.memref_slice %arg4[%convert_element_type3A_952, %dma_wait3A_2542, %dma_wait3A_2543] : memref<2x4x8448xi32, #tpu.memory_space<vmem>> -> memref<1x4x8448xi32, #tpu.memory_space<vmem>>
    %dma_wait3A_2545 = tpu.memref_squeeze %dma_wait3A_2544 : memref<1x4x8448xi32, #tpu.memory_space<vmem>> -> memref<4x8448xi32, #tpu.memory_space<vmem>>
    %dma_wait3A_2546 = arith.constant 0 : i32
    %dma_wait3A_2547 = tpu.memref_slice %arg3[%add3A_933, %dma_wait3A_2546] : memref<8448x8448xi32, #tpu.memory_space<hbm>> -> memref<4x8448xi32, #tpu.memory_space<hbm>>
    %dma_wait3A_2548 = arith.constant 0 : i32
    %dma_wait3A_2549 = tpu.memref_slice %arg3[%add3A_933, %dma_wait3A_2548] : memref<8448x8448xi32, #tpu.memory_space<hbm>> -> memref<4x8448xi32, #tpu.memory_space<hbm>>
    %dma_wait3A_2550 = arith.constant 0 : i32
    %dma_wait3A_2551 = arith.constant 0 : i32
    %dma_wait3A_2552 = tpu.memref_slice %arg4[%convert_element_type3A_952, %dma_wait3A_2550, %dma_wait3A_2551] : memref<2x4x8448xi32, #tpu.memory_space<vmem>> -> memref<1x4x8448xi32, #tpu.memory_space<vmem>>
    %dma_wait3A_2553 = tpu.memref_squeeze %dma_wait3A_2552 : memref<1x4x8448xi32, #tpu.memory_space<vmem>> -> memref<4x8448xi32, #tpu.memory_space<vmem>>
    tpu.wait_dma2 semaphore(%arg5 : memref<!tpu.dma_semaphore, #tpu.memory_space<semaphore_mem>>) src(%dma_wait3A_2553 : memref<4x8448xi32, #tpu.memory_space<vmem>>) dst(%dma_wait3A_2549 : memref<4x8448xi32, #tpu.memory_space<hbm>>)
    %dma_wait3A_2554 = arith.constant 0 : i32
    %dma_wait3A_2555 = arith.constant 0 : i32
    %dma_wait3A_2556 = tpu.memref_slice %arg4[%convert_element_type3A_985, %dma_wait3A_2554, %dma_wait3A_2555] : memref<2x4x8448xi32, #tpu.memory_space<vmem>> -> memref<1x4x8448xi32, #tpu.memory_space<vmem>>
    %dma_wait3A_2557 = tpu.memref_squeeze %dma_wait3A_2556 : memref<1x4x8448xi32, #tpu.memory_space<vmem>> -> memref<4x8448xi32, #tpu.memory_space<vmem>>
    %dma_wait3A_2558 = arith.constant 0 : i32
    %dma_wait3A_2559 = tpu.memref_slice %arg3[%add3A_966, %dma_wait3A_2558] : memref<8448x8448xi32, #tpu.memory_space<hbm>> -> memref<4x8448xi32, #tpu.memory_space<hbm>>
    %dma_wait3A_2560 = arith.constant 0 : i32
    %dma_wait3A_2561 = tpu.memref_slice %arg3[%add3A_966, %dma_wait3A_2560] : memref<8448x8448xi32, #tpu.memory_space<hbm>> -> memref<4x8448xi32, #tpu.memory_space<hbm>>
    %dma_wait3A_2562 = arith.constant 0 : i32
    %dma_wait3A_2563 = arith.constant 0 : i32
    %dma_wait3A_2564 = tpu.memref_slice %arg4[%convert_element_type3A_985, %dma_wait3A_2562, %dma_wait3A_2563] : memref<2x4x8448xi32, #tpu.memory_space<vmem>> -> memref<1x4x8448xi32, #tpu.memory_space<vmem>>
    %dma_wait3A_2565 = tpu.memref_squeeze %dma_wait3A_2564 : memref<1x4x8448xi32, #tpu.memory_space<vmem>> -> memref<4x8448xi32, #tpu.memory_space<vmem>>
    tpu.wait_dma2 semaphore(%arg5 : memref<!tpu.dma_semaphore, #tpu.memory_space<semaphore_mem>>) src(%dma_wait3A_2565 : memref<4x8448xi32, #tpu.memory_space<vmem>>) dst(%dma_wait3A_2561 : memref<4x8448xi32, #tpu.memory_space<hbm>>)
    %dma_wait3A_2566 = arith.constant 0 : i32
    %dma_wait3A_2567 = arith.constant 0 : i32
    %dma_wait3A_2568 = tpu.memref_slice %arg4[%convert_element_type3A_1018, %dma_wait3A_2566, %dma_wait3A_2567] : memref<2x4x8448xi32, #tpu.memory_space<vmem>> -> memref<1x4x8448xi32, #tpu.memory_space<vmem>>
    %dma_wait3A_2569 = tpu.memref_squeeze %dma_wait3A_2568 : memref<1x4x8448xi32, #tpu.memory_space<vmem>> -> memref<4x8448xi32, #tpu.memory_space<vmem>>
    %dma_wait3A_2570 = arith.constant 0 : i32
    %dma_wait3A_2571 = tpu.memref_slice %arg3[%add3A_999, %dma_wait3A_2570] : memref<8448x8448xi32, #tpu.memory_space<hbm>> -> memref<4x8448xi32, #tpu.memory_space<hbm>>
    %dma_wait3A_2572 = arith.constant 0 : i32
    %dma_wait3A_2573 = tpu.memref_slice %arg3[%add3A_999, %dma_wait3A_2572] : memref<8448x8448xi32, #tpu.memory_space<hbm>> -> memref<4x8448xi32, #tpu.memory_space<hbm>>
    %dma_wait3A_2574 = arith.constant 0 : i32
    %dma_wait3A_2575 = arith.constant 0 : i32
    %dma_wait3A_2576 = tpu.memref_slice %arg4[%convert_element_type3A_1018, %dma_wait3A_2574, %dma_wait3A_2575] : memref<2x4x8448xi32, #tpu.memory_space<vmem>> -> memref<1x4x8448xi32, #tpu.memory_space<vmem>>
    %dma_wait3A_2577 = tpu.memref_squeeze %dma_wait3A_2576 : memref<1x4x8448xi32, #tpu.memory_space<vmem>> -> memref<4x8448xi32, #tpu.memory_space<vmem>>
    tpu.wait_dma2 semaphore(%arg5 : memref<!tpu.dma_semaphore, #tpu.memory_space<semaphore_mem>>) src(%dma_wait3A_2577 : memref<4x8448xi32, #tpu.memory_space<vmem>>) dst(%dma_wait3A_2573 : memref<4x8448xi32, #tpu.memory_space<hbm>>)
    %dma_wait3A_2578 = arith.constant 0 : i32
    %dma_wait3A_2579 = arith.constant 0 : i32
    %dma_wait3A_2580 = tpu.memref_slice %arg4[%convert_element_type3A_1051, %dma_wait3A_2578, %dma_wait3A_2579] : memref<2x4x8448xi32, #tpu.memory_space<vmem>> -> memref<1x4x8448xi32, #tpu.memory_space<vmem>>
    %dma_wait3A_2581 = tpu.memref_squeeze %dma_wait3A_2580 : memref<1x4x8448xi32, #tpu.memory_space<vmem>> -> memref<4x8448xi32, #tpu.memory_space<vmem>>
    %dma_wait3A_2582 = arith.constant 0 : i32
    %dma_wait3A_2583 = tpu.memref_slice %arg3[%add3A_1032, %dma_wait3A_2582] : memref<8448x8448xi32, #tpu.memory_space<hbm>> -> memref<4x8448xi32, #tpu.memory_space<hbm>>
    %dma_wait3A_2584 = arith.constant 0 : i32
    %dma_wait3A_2585 = tpu.memref_slice %arg3[%add3A_1032, %dma_wait3A_2584] : memref<8448x8448xi32, #tpu.memory_space<hbm>> -> memref<4x8448xi32, #tpu.memory_space<hbm>>
    %dma_wait3A_2586 = arith.constant 0 : i32
    %dma_wait3A_2587 = arith.constant 0 : i32
    %dma_wait3A_2588 = tpu.memref_slice %arg4[%convert_element_type3A_1051, %dma_wait3A_2586, %dma_wait3A_2587] : memref<2x4x8448xi32, #tpu.memory_space<vmem>> -> memref<1x4x8448xi32, #tpu.memory_space<vmem>>
    %dma_wait3A_2589 = tpu.memref_squeeze %dma_wait3A_2588 : memref<1x4x8448xi32, #tpu.memory_space<vmem>> -> memref<4x8448xi32, #tpu.memory_space<vmem>>
    tpu.wait_dma2 semaphore(%arg5 : memref<!tpu.dma_semaphore, #tpu.memory_space<semaphore_mem>>) src(%dma_wait3A_2589 : memref<4x8448xi32, #tpu.memory_space<vmem>>) dst(%dma_wait3A_2585 : memref<4x8448xi32, #tpu.memory_space<hbm>>)
    %dma_wait3A_2590 = arith.constant 0 : i32
    %dma_wait3A_2591 = arith.constant 0 : i32
    %dma_wait3A_2592 = tpu.memref_slice %arg4[%convert_element_type3A_1084, %dma_wait3A_2590, %dma_wait3A_2591] : memref<2x4x8448xi32, #tpu.memory_space<vmem>> -> memref<1x4x8448xi32, #tpu.memory_space<vmem>>
    %dma_wait3A_2593 = tpu.memref_squeeze %dma_wait3A_2592 : memref<1x4x8448xi32, #tpu.memory_space<vmem>> -> memref<4x8448xi32, #tpu.memory_space<vmem>>
    %dma_wait3A_2594 = arith.constant 0 : i32
    %dma_wait3A_2595 = tpu.memref_slice %arg3[%add3A_1065, %dma_wait3A_2594] : memref<8448x8448xi32, #tpu.memory_space<hbm>> -> memref<4x8448xi32, #tpu.memory_space<hbm>>
    %dma_wait3A_2596 = arith.constant 0 : i32
    %dma_wait3A_2597 = tpu.memref_slice %arg3[%add3A_1065, %dma_wait3A_2596] : memref<8448x8448xi32, #tpu.memory_space<hbm>> -> memref<4x8448xi32, #tpu.memory_space<hbm>>
    %dma_wait3A_2598 = arith.constant 0 : i32
    %dma_wait3A_2599 = arith.constant 0 : i32
    %dma_wait3A_2600 = tpu.memref_slice %arg4[%convert_element_type3A_1084, %dma_wait3A_2598, %dma_wait3A_2599] : memref<2x4x8448xi32, #tpu.memory_space<vmem>> -> memref<1x4x8448xi32, #tpu.memory_space<vmem>>
    %dma_wait3A_2601 = tpu.memref_squeeze %dma_wait3A_2600 : memref<1x4x8448xi32, #tpu.memory_space<vmem>> -> memref<4x8448xi32, #tpu.memory_space<vmem>>
    tpu.wait_dma2 semaphore(%arg5 : memref<!tpu.dma_semaphore, #tpu.memory_space<semaphore_mem>>) src(%dma_wait3A_2601 : memref<4x8448xi32, #tpu.memory_space<vmem>>) dst(%dma_wait3A_2597 : memref<4x8448xi32, #tpu.memory_space<hbm>>)
    %dma_wait3A_2602 = arith.constant 0 : i32
    %dma_wait3A_2603 = arith.constant 0 : i32
    %dma_wait3A_2604 = tpu.memref_slice %arg4[%convert_element_type3A_1117, %dma_wait3A_2602, %dma_wait3A_2603] : memref<2x4x8448xi32, #tpu.memory_space<vmem>> -> memref<1x4x8448xi32, #tpu.memory_space<vmem>>
    %dma_wait3A_2605 = tpu.memref_squeeze %dma_wait3A_2604 : memref<1x4x8448xi32, #tpu.memory_space<vmem>> -> memref<4x8448xi32, #tpu.memory_space<vmem>>
    %dma_wait3A_2606 = arith.constant 0 : i32
    %dma_wait3A_2607 = tpu.memref_slice %arg3[%add3A_1098, %dma_wait3A_2606] : memref<8448x8448xi32, #tpu.memory_space<hbm>> -> memref<4x8448xi32, #tpu.memory_space<hbm>>
    %dma_wait3A_2608 = arith.constant 0 : i32
    %dma_wait3A_2609 = tpu.memref_slice %arg3[%add3A_1098, %dma_wait3A_2608] : memref<8448x8448xi32, #tpu.memory_space<hbm>> -> memref<4x8448xi32, #tpu.memory_space<hbm>>
    %dma_wait3A_2610 = arith.constant 0 : i32
    %dma_wait3A_2611 = arith.constant 0 : i32
    %dma_wait3A_2612 = tpu.memref_slice %arg4[%convert_element_type3A_1117, %dma_wait3A_2610, %dma_wait3A_2611] : memref<2x4x8448xi32, #tpu.memory_space<vmem>> -> memref<1x4x8448xi32, #tpu.memory_space<vmem>>
    %dma_wait3A_2613 = tpu.memref_squeeze %dma_wait3A_2612 : memref<1x4x8448xi32, #tpu.memory_space<vmem>> -> memref<4x8448xi32, #tpu.memory_space<vmem>>
    tpu.wait_dma2 semaphore(%arg5 : memref<!tpu.dma_semaphore, #tpu.memory_space<semaphore_mem>>) src(%dma_wait3A_2613 : memref<4x8448xi32, #tpu.memory_space<vmem>>) dst(%dma_wait3A_2609 : memref<4x8448xi32, #tpu.memory_space<hbm>>)
    %dma_wait3A_2614 = arith.constant 0 : i32
    %dma_wait3A_2615 = arith.constant 0 : i32
    %dma_wait3A_2616 = tpu.memref_slice %arg4[%convert_element_type3A_1150, %dma_wait3A_2614, %dma_wait3A_2615] : memref<2x4x8448xi32, #tpu.memory_space<vmem>> -> memref<1x4x8448xi32, #tpu.memory_space<vmem>>
    %dma_wait3A_2617 = tpu.memref_squeeze %dma_wait3A_2616 : memref<1x4x8448xi32, #tpu.memory_space<vmem>> -> memref<4x8448xi32, #tpu.memory_space<vmem>>
    %dma_wait3A_2618 = arith.constant 0 : i32
    %dma_wait3A_2619 = tpu.memref_slice %arg3[%add3A_1131, %dma_wait3A_2618] : memref<8448x8448xi32, #tpu.memory_space<hbm>> -> memref<4x8448xi32, #tpu.memory_space<hbm>>
    %dma_wait3A_2620 = arith.constant 0 : i32
    %dma_wait3A_2621 = tpu.memref_slice %arg3[%add3A_1131, %dma_wait3A_2620] : memref<8448x8448xi32, #tpu.memory_space<hbm>> -> memref<4x8448xi32, #tpu.memory_space<hbm>>
    %dma_wait3A_2622 = arith.constant 0 : i32
    %dma_wait3A_2623 = arith.constant 0 : i32
    %dma_wait3A_2624 = tpu.memref_slice %arg4[%convert_element_type3A_1150, %dma_wait3A_2622, %dma_wait3A_2623] : memref<2x4x8448xi32, #tpu.memory_space<vmem>> -> memref<1x4x8448xi32, #tpu.memory_space<vmem>>
    %dma_wait3A_2625 = tpu.memref_squeeze %dma_wait3A_2624 : memref<1x4x8448xi32, #tpu.memory_space<vmem>> -> memref<4x8448xi32, #tpu.memory_space<vmem>>
    tpu.wait_dma2 semaphore(%arg5 : memref<!tpu.dma_semaphore, #tpu.memory_space<semaphore_mem>>) src(%dma_wait3A_2625 : memref<4x8448xi32, #tpu.memory_space<vmem>>) dst(%dma_wait3A_2621 : memref<4x8448xi32, #tpu.memory_space<hbm>>)
    %dma_wait3A_2626 = arith.constant 0 : i32
    %dma_wait3A_2627 = arith.constant 0 : i32
    %dma_wait3A_2628 = tpu.memref_slice %arg4[%convert_element_type3A_1183, %dma_wait3A_2626, %dma_wait3A_2627] : memref<2x4x8448xi32, #tpu.memory_space<vmem>> -> memref<1x4x8448xi32, #tpu.memory_space<vmem>>
    %dma_wait3A_2629 = tpu.memref_squeeze %dma_wait3A_2628 : memref<1x4x8448xi32, #tpu.memory_space<vmem>> -> memref<4x8448xi32, #tpu.memory_space<vmem>>
    %dma_wait3A_2630 = arith.constant 0 : i32
    %dma_wait3A_2631 = tpu.memref_slice %arg3[%add3A_1164, %dma_wait3A_2630] : memref<8448x8448xi32, #tpu.memory_space<hbm>> -> memref<4x8448xi32, #tpu.memory_space<hbm>>
    %dma_wait3A_2632 = arith.constant 0 : i32
    %dma_wait3A_2633 = tpu.memref_slice %arg3[%add3A_1164, %dma_wait3A_2632] : memref<8448x8448xi32, #tpu.memory_space<hbm>> -> memref<4x8448xi32, #tpu.memory_space<hbm>>
    %dma_wait3A_2634 = arith.constant 0 : i32
    %dma_wait3A_2635 = arith.constant 0 : i32
    %dma_wait3A_2636 = tpu.memref_slice %arg4[%convert_element_type3A_1183, %dma_wait3A_2634, %dma_wait3A_2635] : memref<2x4x8448xi32, #tpu.memory_space<vmem>> -> memref<1x4x8448xi32, #tpu.memory_space<vmem>>
    %dma_wait3A_2637 = tpu.memref_squeeze %dma_wait3A_2636 : memref<1x4x8448xi32, #tpu.memory_space<vmem>> -> memref<4x8448xi32, #tpu.memory_space<vmem>>
    tpu.wait_dma2 semaphore(%arg5 : memref<!tpu.dma_semaphore, #tpu.memory_space<semaphore_mem>>) src(%dma_wait3A_2637 : memref<4x8448xi32, #tpu.memory_space<vmem>>) dst(%dma_wait3A_2633 : memref<4x8448xi32, #tpu.memory_space<hbm>>)
    %dma_wait3A_2638 = arith.constant 0 : i32
    %dma_wait3A_2639 = arith.constant 0 : i32
    %dma_wait3A_2640 = tpu.memref_slice %arg4[%convert_element_type3A_1216, %dma_wait3A_2638, %dma_wait3A_2639] : memref<2x4x8448xi32, #tpu.memory_space<vmem>> -> memref<1x4x8448xi32, #tpu.memory_space<vmem>>
    %dma_wait3A_2641 = tpu.memref_squeeze %dma_wait3A_2640 : memref<1x4x8448xi32, #tpu.memory_space<vmem>> -> memref<4x8448xi32, #tpu.memory_space<vmem>>
    %dma_wait3A_2642 = arith.constant 0 : i32
    %dma_wait3A_2643 = tpu.memref_slice %arg3[%add3A_1197, %dma_wait3A_2642] : memref<8448x8448xi32, #tpu.memory_space<hbm>> -> memref<4x8448xi32, #tpu.memory_space<hbm>>
    %dma_wait3A_2644 = arith.constant 0 : i32
    %dma_wait3A_2645 = tpu.memref_slice %arg3[%add3A_1197, %dma_wait3A_2644] : memref<8448x8448xi32, #tpu.memory_space<hbm>> -> memref<4x8448xi32, #tpu.memory_space<hbm>>
    %dma_wait3A_2646 = arith.constant 0 : i32
    %dma_wait3A_2647 = arith.constant 0 : i32
    %dma_wait3A_2648 = tpu.memref_slice %arg4[%convert_element_type3A_1216, %dma_wait3A_2646, %dma_wait3A_2647] : memref<2x4x8448xi32, #tpu.memory_space<vmem>> -> memref<1x4x8448xi32, #tpu.memory_space<vmem>>
    %dma_wait3A_2649 = tpu.memref_squeeze %dma_wait3A_2648 : memref<1x4x8448xi32, #tpu.memory_space<vmem>> -> memref<4x8448xi32, #tpu.memory_space<vmem>>
    tpu.wait_dma2 semaphore(%arg5 : memref<!tpu.dma_semaphore, #tpu.memory_space<semaphore_mem>>) src(%dma_wait3A_2649 : memref<4x8448xi32, #tpu.memory_space<vmem>>) dst(%dma_wait3A_2645 : memref<4x8448xi32, #tpu.memory_space<hbm>>)
    %dma_wait3A_2650 = arith.constant 0 : i32
    %dma_wait3A_2651 = arith.constant 0 : i32
    %dma_wait3A_2652 = tpu.memref_slice %arg4[%convert_element_type3A_1249, %dma_wait3A_2650, %dma_wait3A_2651] : memref<2x4x8448xi32, #tpu.memory_space<vmem>> -> memref<1x4x8448xi32, #tpu.memory_space<vmem>>
    %dma_wait3A_2653 = tpu.memref_squeeze %dma_wait3A_2652 : memref<1x4x8448xi32, #tpu.memory_space<vmem>> -> memref<4x8448xi32, #tpu.memory_space<vmem>>
    %dma_wait3A_2654 = arith.constant 0 : i32
    %dma_wait3A_2655 = tpu.memref_slice %arg3[%add3A_1230, %dma_wait3A_2654] : memref<8448x8448xi32, #tpu.memory_space<hbm>> -> memref<4x8448xi32, #tpu.memory_space<hbm>>
    %dma_wait3A_2656 = arith.constant 0 : i32
    %dma_wait3A_2657 = tpu.memref_slice %arg3[%add3A_1230, %dma_wait3A_2656] : memref<8448x8448xi32, #tpu.memory_space<hbm>> -> memref<4x8448xi32, #tpu.memory_space<hbm>>
    %dma_wait3A_2658 = arith.constant 0 : i32
    %dma_wait3A_2659 = arith.constant 0 : i32
    %dma_wait3A_2660 = tpu.memref_slice %arg4[%convert_element_type3A_1249, %dma_wait3A_2658, %dma_wait3A_2659] : memref<2x4x8448xi32, #tpu.memory_space<vmem>> -> memref<1x4x8448xi32, #tpu.memory_space<vmem>>
    %dma_wait3A_2661 = tpu.memref_squeeze %dma_wait3A_2660 : memref<1x4x8448xi32, #tpu.memory_space<vmem>> -> memref<4x8448xi32, #tpu.memory_space<vmem>>
    tpu.wait_dma2 semaphore(%arg5 : memref<!tpu.dma_semaphore, #tpu.memory_space<semaphore_mem>>) src(%dma_wait3A_2661 : memref<4x8448xi32, #tpu.memory_space<vmem>>) dst(%dma_wait3A_2657 : memref<4x8448xi32, #tpu.memory_space<hbm>>)
    %dma_wait3A_2662 = arith.constant 0 : i32
    %dma_wait3A_2663 = arith.constant 0 : i32
    %dma_wait3A_2664 = tpu.memref_slice %arg4[%convert_element_type3A_1282, %dma_wait3A_2662, %dma_wait3A_2663] : memref<2x4x8448xi32, #tpu.memory_space<vmem>> -> memref<1x4x8448xi32, #tpu.memory_space<vmem>>
    %dma_wait3A_2665 = tpu.memref_squeeze %dma_wait3A_2664 : memref<1x4x8448xi32, #tpu.memory_space<vmem>> -> memref<4x8448xi32, #tpu.memory_space<vmem>>
    %dma_wait3A_2666 = arith.constant 0 : i32
    %dma_wait3A_2667 = tpu.memref_slice %arg3[%add3A_1263, %dma_wait3A_2666] : memref<8448x8448xi32, #tpu.memory_space<hbm>> -> memref<4x8448xi32, #tpu.memory_space<hbm>>
    %dma_wait3A_2668 = arith.constant 0 : i32
    %dma_wait3A_2669 = tpu.memref_slice %arg3[%add3A_1263, %dma_wait3A_2668] : memref<8448x8448xi32, #tpu.memory_space<hbm>> -> memref<4x8448xi32, #tpu.memory_space<hbm>>
    %dma_wait3A_2670 = arith.constant 0 : i32
    %dma_wait3A_2671 = arith.constant 0 : i32
    %dma_wait3A_2672 = tpu.memref_slice %arg4[%convert_element_type3A_1282, %dma_wait3A_2670, %dma_wait3A_2671] : memref<2x4x8448xi32, #tpu.memory_space<vmem>> -> memref<1x4x8448xi32, #tpu.memory_space<vmem>>
    %dma_wait3A_2673 = tpu.memref_squeeze %dma_wait3A_2672 : memref<1x4x8448xi32, #tpu.memory_space<vmem>> -> memref<4x8448xi32, #tpu.memory_space<vmem>>
    tpu.wait_dma2 semaphore(%arg5 : memref<!tpu.dma_semaphore, #tpu.memory_space<semaphore_mem>>) src(%dma_wait3A_2673 : memref<4x8448xi32, #tpu.memory_space<vmem>>) dst(%dma_wait3A_2669 : memref<4x8448xi32, #tpu.memory_space<hbm>>)
    %dma_wait3A_2674 = arith.constant 0 : i32
    %dma_wait3A_2675 = arith.constant 0 : i32
    %dma_wait3A_2676 = tpu.memref_slice %arg4[%convert_element_type3A_1315, %dma_wait3A_2674, %dma_wait3A_2675] : memref<2x4x8448xi32, #tpu.memory_space<vmem>> -> memref<1x4x8448xi32, #tpu.memory_space<vmem>>
    %dma_wait3A_2677 = tpu.memref_squeeze %dma_wait3A_2676 : memref<1x4x8448xi32, #tpu.memory_space<vmem>> -> memref<4x8448xi32, #tpu.memory_space<vmem>>
    %dma_wait3A_2678 = arith.constant 0 : i32
    %dma_wait3A_2679 = tpu.memref_slice %arg3[%add3A_1296, %dma_wait3A_2678] : memref<8448x8448xi32, #tpu.memory_space<hbm>> -> memref<4x8448xi32, #tpu.memory_space<hbm>>
    %dma_wait3A_2680 = arith.constant 0 : i32
    %dma_wait3A_2681 = tpu.memref_slice %arg3[%add3A_1296, %dma_wait3A_2680] : memref<8448x8448xi32, #tpu.memory_space<hbm>> -> memref<4x8448xi32, #tpu.memory_space<hbm>>
    %dma_wait3A_2682 = arith.constant 0 : i32
    %dma_wait3A_2683 = arith.constant 0 : i32
    %dma_wait3A_2684 = tpu.memref_slice %arg4[%convert_element_type3A_1315, %dma_wait3A_2682, %dma_wait3A_2683] : memref<2x4x8448xi32, #tpu.memory_space<vmem>> -> memref<1x4x8448xi32, #tpu.memory_space<vmem>>
    %dma_wait3A_2685 = tpu.memref_squeeze %dma_wait3A_2684 : memref<1x4x8448xi32, #tpu.memory_space<vmem>> -> memref<4x8448xi32, #tpu.memory_space<vmem>>
    tpu.wait_dma2 semaphore(%arg5 : memref<!tpu.dma_semaphore, #tpu.memory_space<semaphore_mem>>) src(%dma_wait3A_2685 : memref<4x8448xi32, #tpu.memory_space<vmem>>) dst(%dma_wait3A_2681 : memref<4x8448xi32, #tpu.memory_space<hbm>>)
    %dma_wait3A_2686 = arith.constant 0 : i32
    %dma_wait3A_2687 = arith.constant 0 : i32
    %dma_wait3A_2688 = tpu.memref_slice %arg4[%convert_element_type3A_1348, %dma_wait3A_2686, %dma_wait3A_2687] : memref<2x4x8448xi32, #tpu.memory_space<vmem>> -> memref<1x4x8448xi32, #tpu.memory_space<vmem>>
    %dma_wait3A_2689 = tpu.memref_squeeze %dma_wait3A_2688 : memref<1x4x8448xi32, #tpu.memory_space<vmem>> -> memref<4x8448xi32, #tpu.memory_space<vmem>>
    %dma_wait3A_2690 = arith.constant 0 : i32
    %dma_wait3A_2691 = tpu.memref_slice %arg3[%add3A_1329, %dma_wait3A_2690] : memref<8448x8448xi32, #tpu.memory_space<hbm>> -> memref<4x8448xi32, #tpu.memory_space<hbm>>
    %dma_wait3A_2692 = arith.constant 0 : i32
    %dma_wait3A_2693 = tpu.memref_slice %arg3[%add3A_1329, %dma_wait3A_2692] : memref<8448x8448xi32, #tpu.memory_space<hbm>> -> memref<4x8448xi32, #tpu.memory_space<hbm>>
    %dma_wait3A_2694 = arith.constant 0 : i32
    %dma_wait3A_2695 = arith.constant 0 : i32
    %dma_wait3A_2696 = tpu.memref_slice %arg4[%convert_element_type3A_1348, %dma_wait3A_2694, %dma_wait3A_2695] : memref<2x4x8448xi32, #tpu.memory_space<vmem>> -> memref<1x4x8448xi32, #tpu.memory_space<vmem>>
    %dma_wait3A_2697 = tpu.memref_squeeze %dma_wait3A_2696 : memref<1x4x8448xi32, #tpu.memory_space<vmem>> -> memref<4x8448xi32, #tpu.memory_space<vmem>>
    tpu.wait_dma2 semaphore(%arg5 : memref<!tpu.dma_semaphore, #tpu.memory_space<semaphore_mem>>) src(%dma_wait3A_2697 : memref<4x8448xi32, #tpu.memory_space<vmem>>) dst(%dma_wait3A_2693 : memref<4x8448xi32, #tpu.memory_space<hbm>>)
    %dma_wait3A_2698 = arith.constant 0 : i32
    %dma_wait3A_2699 = arith.constant 0 : i32
    %dma_wait3A_2700 = tpu.memref_slice %arg4[%convert_element_type3A_1381, %dma_wait3A_2698, %dma_wait3A_2699] : memref<2x4x8448xi32, #tpu.memory_space<vmem>> -> memref<1x4x8448xi32, #tpu.memory_space<vmem>>
    %dma_wait3A_2701 = tpu.memref_squeeze %dma_wait3A_2700 : memref<1x4x8448xi32, #tpu.memory_space<vmem>> -> memref<4x8448xi32, #tpu.memory_space<vmem>>
    %dma_wait3A_2702 = arith.constant 0 : i32
    %dma_wait3A_2703 = tpu.memref_slice %arg3[%add3A_1362, %dma_wait3A_2702] : memref<8448x8448xi32, #tpu.memory_space<hbm>> -> memref<4x8448xi32, #tpu.memory_space<hbm>>
    %dma_wait3A_2704 = arith.constant 0 : i32
    %dma_wait3A_2705 = tpu.memref_slice %arg3[%add3A_1362, %dma_wait3A_2704] : memref<8448x8448xi32, #tpu.memory_space<hbm>> -> memref<4x8448xi32, #tpu.memory_space<hbm>>
    %dma_wait3A_2706 = arith.constant 0 : i32
    %dma_wait3A_2707 = arith.constant 0 : i32
    %dma_wait3A_2708 = tpu.memref_slice %arg4[%convert_element_type3A_1381, %dma_wait3A_2706, %dma_wait3A_2707] : memref<2x4x8448xi32, #tpu.memory_space<vmem>> -> memref<1x4x8448xi32, #tpu.memory_space<vmem>>
    %dma_wait3A_2709 = tpu.memref_squeeze %dma_wait3A_2708 : memref<1x4x8448xi32, #tpu.memory_space<vmem>> -> memref<4x8448xi32, #tpu.memory_space<vmem>>
    tpu.wait_dma2 semaphore(%arg5 : memref<!tpu.dma_semaphore, #tpu.memory_space<semaphore_mem>>) src(%dma_wait3A_2709 : memref<4x8448xi32, #tpu.memory_space<vmem>>) dst(%dma_wait3A_2705 : memref<4x8448xi32, #tpu.memory_space<hbm>>)
    %dma_wait3A_2710 = arith.constant 0 : i32
    %dma_wait3A_2711 = arith.constant 0 : i32
    %dma_wait3A_2712 = tpu.memref_slice %arg4[%convert_element_type3A_1414, %dma_wait3A_2710, %dma_wait3A_2711] : memref<2x4x8448xi32, #tpu.memory_space<vmem>> -> memref<1x4x8448xi32, #tpu.memory_space<vmem>>
    %dma_wait3A_2713 = tpu.memref_squeeze %dma_wait3A_2712 : memref<1x4x8448xi32, #tpu.memory_space<vmem>> -> memref<4x8448xi32, #tpu.memory_space<vmem>>
    %dma_wait3A_2714 = arith.constant 0 : i32
    %dma_wait3A_2715 = tpu.memref_slice %arg3[%add3A_1395, %dma_wait3A_2714] : memref<8448x8448xi32, #tpu.memory_space<hbm>> -> memref<4x8448xi32, #tpu.memory_space<hbm>>
    %dma_wait3A_2716 = arith.constant 0 : i32
    %dma_wait3A_2717 = tpu.memref_slice %arg3[%add3A_1395, %dma_wait3A_2716] : memref<8448x8448xi32, #tpu.memory_space<hbm>> -> memref<4x8448xi32, #tpu.memory_space<hbm>>
    %dma_wait3A_2718 = arith.constant 0 : i32
    %dma_wait3A_2719 = arith.constant 0 : i32
    %dma_wait3A_2720 = tpu.memref_slice %arg4[%convert_element_type3A_1414, %dma_wait3A_2718, %dma_wait3A_2719] : memref<2x4x8448xi32, #tpu.memory_space<vmem>> -> memref<1x4x8448xi32, #tpu.memory_space<vmem>>
    %dma_wait3A_2721 = tpu.memref_squeeze %dma_wait3A_2720 : memref<1x4x8448xi32, #tpu.memory_space<vmem>> -> memref<4x8448xi32, #tpu.memory_space<vmem>>
    tpu.wait_dma2 semaphore(%arg5 : memref<!tpu.dma_semaphore, #tpu.memory_space<semaphore_mem>>) src(%dma_wait3A_2721 : memref<4x8448xi32, #tpu.memory_space<vmem>>) dst(%dma_wait3A_2717 : memref<4x8448xi32, #tpu.memory_space<hbm>>)
    %dma_wait3A_2722 = arith.constant 0 : i32
    %dma_wait3A_2723 = arith.constant 0 : i32
    %dma_wait3A_2724 = tpu.memref_slice %arg4[%convert_element_type3A_1447, %dma_wait3A_2722, %dma_wait3A_2723] : memref<2x4x8448xi32, #tpu.memory_space<vmem>> -> memref<1x4x8448xi32, #tpu.memory_space<vmem>>
    %dma_wait3A_2725 = tpu.memref_squeeze %dma_wait3A_2724 : memref<1x4x8448xi32, #tpu.memory_space<vmem>> -> memref<4x8448xi32, #tpu.memory_space<vmem>>
    %dma_wait3A_2726 = arith.constant 0 : i32
    %dma_wait3A_2727 = tpu.memref_slice %arg3[%add3A_1428, %dma_wait3A_2726] : memref<8448x8448xi32, #tpu.memory_space<hbm>> -> memref<4x8448xi32, #tpu.memory_space<hbm>>
    %dma_wait3A_2728 = arith.constant 0 : i32
    %dma_wait3A_2729 = tpu.memref_slice %arg3[%add3A_1428, %dma_wait3A_2728] : memref<8448x8448xi32, #tpu.memory_space<hbm>> -> memref<4x8448xi32, #tpu.memory_space<hbm>>
    %dma_wait3A_2730 = arith.constant 0 : i32
    %dma_wait3A_2731 = arith.constant 0 : i32
    %dma_wait3A_2732 = tpu.memref_slice %arg4[%convert_element_type3A_1447, %dma_wait3A_2730, %dma_wait3A_2731] : memref<2x4x8448xi32, #tpu.memory_space<vmem>> -> memref<1x4x8448xi32, #tpu.memory_space<vmem>>
    %dma_wait3A_2733 = tpu.memref_squeeze %dma_wait3A_2732 : memref<1x4x8448xi32, #tpu.memory_space<vmem>> -> memref<4x8448xi32, #tpu.memory_space<vmem>>
    tpu.wait_dma2 semaphore(%arg5 : memref<!tpu.dma_semaphore, #tpu.memory_space<semaphore_mem>>) src(%dma_wait3A_2733 : memref<4x8448xi32, #tpu.memory_space<vmem>>) dst(%dma_wait3A_2729 : memref<4x8448xi32, #tpu.memory_space<hbm>>)
    %dma_wait3A_2734 = arith.constant 0 : i32
    %dma_wait3A_2735 = arith.constant 0 : i32
    %dma_wait3A_2736 = tpu.memref_slice %arg4[%convert_element_type3A_1480, %dma_wait3A_2734, %dma_wait3A_2735] : memref<2x4x8448xi32, #tpu.memory_space<vmem>> -> memref<1x4x8448xi32, #tpu.memory_space<vmem>>
    %dma_wait3A_2737 = tpu.memref_squeeze %dma_wait3A_2736 : memref<1x4x8448xi32, #tpu.memory_space<vmem>> -> memref<4x8448xi32, #tpu.memory_space<vmem>>
    %dma_wait3A_2738 = arith.constant 0 : i32
    %dma_wait3A_2739 = tpu.memref_slice %arg3[%add3A_1461, %dma_wait3A_2738] : memref<8448x8448xi32, #tpu.memory_space<hbm>> -> memref<4x8448xi32, #tpu.memory_space<hbm>>
    %dma_wait3A_2740 = arith.constant 0 : i32
    %dma_wait3A_2741 = tpu.memref_slice %arg3[%add3A_1461, %dma_wait3A_2740] : memref<8448x8448xi32, #tpu.memory_space<hbm>> -> memref<4x8448xi32, #tpu.memory_space<hbm>>
    %dma_wait3A_2742 = arith.constant 0 : i32
    %dma_wait3A_2743 = arith.constant 0 : i32
    %dma_wait3A_2744 = tpu.memref_slice %arg4[%convert_element_type3A_1480, %dma_wait3A_2742, %dma_wait3A_2743] : memref<2x4x8448xi32, #tpu.memory_space<vmem>> -> memref<1x4x8448xi32, #tpu.memory_space<vmem>>
    %dma_wait3A_2745 = tpu.memref_squeeze %dma_wait3A_2744 : memref<1x4x8448xi32, #tpu.memory_space<vmem>> -> memref<4x8448xi32, #tpu.memory_space<vmem>>
    tpu.wait_dma2 semaphore(%arg5 : memref<!tpu.dma_semaphore, #tpu.memory_space<semaphore_mem>>) src(%dma_wait3A_2745 : memref<4x8448xi32, #tpu.memory_space<vmem>>) dst(%dma_wait3A_2741 : memref<4x8448xi32, #tpu.memory_space<hbm>>)
    %dma_wait3A_2746 = arith.constant 0 : i32
    %dma_wait3A_2747 = arith.constant 0 : i32
    %dma_wait3A_2748 = tpu.memref_slice %arg4[%convert_element_type3A_1513, %dma_wait3A_2746, %dma_wait3A_2747] : memref<2x4x8448xi32, #tpu.memory_space<vmem>> -> memref<1x4x8448xi32, #tpu.memory_space<vmem>>
    %dma_wait3A_2749 = tpu.memref_squeeze %dma_wait3A_2748 : memref<1x4x8448xi32, #tpu.memory_space<vmem>> -> memref<4x8448xi32, #tpu.memory_space<vmem>>
    %dma_wait3A_2750 = arith.constant 0 : i32
    %dma_wait3A_2751 = tpu.memref_slice %arg3[%add3A_1494, %dma_wait3A_2750] : memref<8448x8448xi32, #tpu.memory_space<hbm>> -> memref<4x8448xi32, #tpu.memory_space<hbm>>
    %dma_wait3A_2752 = arith.constant 0 : i32
    %dma_wait3A_2753 = tpu.memref_slice %arg3[%add3A_1494, %dma_wait3A_2752] : memref<8448x8448xi32, #tpu.memory_space<hbm>> -> memref<4x8448xi32, #tpu.memory_space<hbm>>
    %dma_wait3A_2754 = arith.constant 0 : i32
    %dma_wait3A_2755 = arith.constant 0 : i32
    %dma_wait3A_2756 = tpu.memref_slice %arg4[%convert_element_type3A_1513, %dma_wait3A_2754, %dma_wait3A_2755] : memref<2x4x8448xi32, #tpu.memory_space<vmem>> -> memref<1x4x8448xi32, #tpu.memory_space<vmem>>
    %dma_wait3A_2757 = tpu.memref_squeeze %dma_wait3A_2756 : memref<1x4x8448xi32, #tpu.memory_space<vmem>> -> memref<4x8448xi32, #tpu.memory_space<vmem>>
    tpu.wait_dma2 semaphore(%arg5 : memref<!tpu.dma_semaphore, #tpu.memory_space<semaphore_mem>>) src(%dma_wait3A_2757 : memref<4x8448xi32, #tpu.memory_space<vmem>>) dst(%dma_wait3A_2753 : memref<4x8448xi32, #tpu.memory_space<hbm>>)
    %dma_wait3A_2758 = arith.constant 0 : i32
    %dma_wait3A_2759 = arith.constant 0 : i32
    %dma_wait3A_2760 = tpu.memref_slice %arg4[%convert_element_type3A_1546, %dma_wait3A_2758, %dma_wait3A_2759] : memref<2x4x8448xi32, #tpu.memory_space<vmem>> -> memref<1x4x8448xi32, #tpu.memory_space<vmem>>
    %dma_wait3A_2761 = tpu.memref_squeeze %dma_wait3A_2760 : memref<1x4x8448xi32, #tpu.memory_space<vmem>> -> memref<4x8448xi32, #tpu.memory_space<vmem>>
    %dma_wait3A_2762 = arith.constant 0 : i32
    %dma_wait3A_2763 = tpu.memref_slice %arg3[%add3A_1527, %dma_wait3A_2762] : memref<8448x8448xi32, #tpu.memory_space<hbm>> -> memref<4x8448xi32, #tpu.memory_space<hbm>>
    %dma_wait3A_2764 = arith.constant 0 : i32
    %dma_wait3A_2765 = tpu.memref_slice %arg3[%add3A_1527, %dma_wait3A_2764] : memref<8448x8448xi32, #tpu.memory_space<hbm>> -> memref<4x8448xi32, #tpu.memory_space<hbm>>
    %dma_wait3A_2766 = arith.constant 0 : i32
    %dma_wait3A_2767 = arith.constant 0 : i32
    %dma_wait3A_2768 = tpu.memref_slice %arg4[%convert_element_type3A_1546, %dma_wait3A_2766, %dma_wait3A_2767] : memref<2x4x8448xi32, #tpu.memory_space<vmem>> -> memref<1x4x8448xi32, #tpu.memory_space<vmem>>
    %dma_wait3A_2769 = tpu.memref_squeeze %dma_wait3A_2768 : memref<1x4x8448xi32, #tpu.memory_space<vmem>> -> memref<4x8448xi32, #tpu.memory_space<vmem>>
    tpu.wait_dma2 semaphore(%arg5 : memref<!tpu.dma_semaphore, #tpu.memory_space<semaphore_mem>>) src(%dma_wait3A_2769 : memref<4x8448xi32, #tpu.memory_space<vmem>>) dst(%dma_wait3A_2765 : memref<4x8448xi32, #tpu.memory_space<hbm>>)
    %dma_wait3A_2770 = arith.constant 0 : i32
    %dma_wait3A_2771 = arith.constant 0 : i32
    %dma_wait3A_2772 = tpu.memref_slice %arg4[%convert_element_type3A_1579, %dma_wait3A_2770, %dma_wait3A_2771] : memref<2x4x8448xi32, #tpu.memory_space<vmem>> -> memref<1x4x8448xi32, #tpu.memory_space<vmem>>
    %dma_wait3A_2773 = tpu.memref_squeeze %dma_wait3A_2772 : memref<1x4x8448xi32, #tpu.memory_space<vmem>> -> memref<4x8448xi32, #tpu.memory_space<vmem>>
    %dma_wait3A_2774 = arith.constant 0 : i32
    %dma_wait3A_2775 = tpu.memref_slice %arg3[%add3A_1560, %dma_wait3A_2774] : memref<8448x8448xi32, #tpu.memory_space<hbm>> -> memref<4x8448xi32, #tpu.memory_space<hbm>>
    %dma_wait3A_2776 = arith.constant 0 : i32
    %dma_wait3A_2777 = tpu.memref_slice %arg3[%add3A_1560, %dma_wait3A_2776] : memref<8448x8448xi32, #tpu.memory_space<hbm>> -> memref<4x8448xi32, #tpu.memory_space<hbm>>
    %dma_wait3A_2778 = arith.constant 0 : i32
    %dma_wait3A_2779 = arith.constant 0 : i32
    %dma_wait3A_2780 = tpu.memref_slice %arg4[%convert_element_type3A_1579, %dma_wait3A_2778, %dma_wait3A_2779] : memref<2x4x8448xi32, #tpu.memory_space<vmem>> -> memref<1x4x8448xi32, #tpu.memory_space<vmem>>
    %dma_wait3A_2781 = tpu.memref_squeeze %dma_wait3A_2780 : memref<1x4x8448xi32, #tpu.memory_space<vmem>> -> memref<4x8448xi32, #tpu.memory_space<vmem>>
    tpu.wait_dma2 semaphore(%arg5 : memref<!tpu.dma_semaphore, #tpu.memory_space<semaphore_mem>>) src(%dma_wait3A_2781 : memref<4x8448xi32, #tpu.memory_space<vmem>>) dst(%dma_wait3A_2777 : memref<4x8448xi32, #tpu.memory_space<hbm>>)
    %dma_wait3A_2782 = arith.constant 0 : i32
    %dma_wait3A_2783 = arith.constant 0 : i32
    %dma_wait3A_2784 = tpu.memref_slice %arg4[%convert_element_type3A_1612, %dma_wait3A_2782, %dma_wait3A_2783] : memref<2x4x8448xi32, #tpu.memory_space<vmem>> -> memref<1x4x8448xi32, #tpu.memory_space<vmem>>
    %dma_wait3A_2785 = tpu.memref_squeeze %dma_wait3A_2784 : memref<1x4x8448xi32, #tpu.memory_space<vmem>> -> memref<4x8448xi32, #tpu.memory_space<vmem>>
    %dma_wait3A_2786 = arith.constant 0 : i32
    %dma_wait3A_2787 = tpu.memref_slice %arg3[%add3A_1593, %dma_wait3A_2786] : memref<8448x8448xi32, #tpu.memory_space<hbm>> -> memref<4x8448xi32, #tpu.memory_space<hbm>>
    %dma_wait3A_2788 = arith.constant 0 : i32
    %dma_wait3A_2789 = tpu.memref_slice %arg3[%add3A_1593, %dma_wait3A_2788] : memref<8448x8448xi32, #tpu.memory_space<hbm>> -> memref<4x8448xi32, #tpu.memory_space<hbm>>
    %dma_wait3A_2790 = arith.constant 0 : i32
    %dma_wait3A_2791 = arith.constant 0 : i32
    %dma_wait3A_2792 = tpu.memref_slice %arg4[%convert_element_type3A_1612, %dma_wait3A_2790, %dma_wait3A_2791] : memref<2x4x8448xi32, #tpu.memory_space<vmem>> -> memref<1x4x8448xi32, #tpu.memory_space<vmem>>
    %dma_wait3A_2793 = tpu.memref_squeeze %dma_wait3A_2792 : memref<1x4x8448xi32, #tpu.memory_space<vmem>> -> memref<4x8448xi32, #tpu.memory_space<vmem>>
    tpu.wait_dma2 semaphore(%arg5 : memref<!tpu.dma_semaphore, #tpu.memory_space<semaphore_mem>>) src(%dma_wait3A_2793 : memref<4x8448xi32, #tpu.memory_space<vmem>>) dst(%dma_wait3A_2789 : memref<4x8448xi32, #tpu.memory_space<hbm>>)
    %dma_wait3A_2794 = arith.constant 0 : i32
    %dma_wait3A_2795 = arith.constant 0 : i32
    %dma_wait3A_2796 = tpu.memref_slice %arg4[%convert_element_type3A_1645, %dma_wait3A_2794, %dma_wait3A_2795] : memref<2x4x8448xi32, #tpu.memory_space<vmem>> -> memref<1x4x8448xi32, #tpu.memory_space<vmem>>
    %dma_wait3A_2797 = tpu.memref_squeeze %dma_wait3A_2796 : memref<1x4x8448xi32, #tpu.memory_space<vmem>> -> memref<4x8448xi32, #tpu.memory_space<vmem>>
    %dma_wait3A_2798 = arith.constant 0 : i32
    %dma_wait3A_2799 = tpu.memref_slice %arg3[%add3A_1626, %dma_wait3A_2798] : memref<8448x8448xi32, #tpu.memory_space<hbm>> -> memref<4x8448xi32, #tpu.memory_space<hbm>>
    %dma_wait3A_2800 = arith.constant 0 : i32
    %dma_wait3A_2801 = tpu.memref_slice %arg3[%add3A_1626, %dma_wait3A_2800] : memref<8448x8448xi32, #tpu.memory_space<hbm>> -> memref<4x8448xi32, #tpu.memory_space<hbm>>
    %dma_wait3A_2802 = arith.constant 0 : i32
    %dma_wait3A_2803 = arith.constant 0 : i32
    %dma_wait3A_2804 = tpu.memref_slice %arg4[%convert_element_type3A_1645, %dma_wait3A_2802, %dma_wait3A_2803] : memref<2x4x8448xi32, #tpu.memory_space<vmem>> -> memref<1x4x8448xi32, #tpu.memory_space<vmem>>
    %dma_wait3A_2805 = tpu.memref_squeeze %dma_wait3A_2804 : memref<1x4x8448xi32, #tpu.memory_space<vmem>> -> memref<4x8448xi32, #tpu.memory_space<vmem>>
    tpu.wait_dma2 semaphore(%arg5 : memref<!tpu.dma_semaphore, #tpu.memory_space<semaphore_mem>>) src(%dma_wait3A_2805 : memref<4x8448xi32, #tpu.memory_space<vmem>>) dst(%dma_wait3A_2801 : memref<4x8448xi32, #tpu.memory_space<hbm>>)
    %dma_wait3A_2806 = arith.constant 0 : i32
    %dma_wait3A_2807 = arith.constant 0 : i32
    %dma_wait3A_2808 = tpu.memref_slice %arg4[%convert_element_type3A_1678, %dma_wait3A_2806, %dma_wait3A_2807] : memref<2x4x8448xi32, #tpu.memory_space<vmem>> -> memref<1x4x8448xi32, #tpu.memory_space<vmem>>
    %dma_wait3A_2809 = tpu.memref_squeeze %dma_wait3A_2808 : memref<1x4x8448xi32, #tpu.memory_space<vmem>> -> memref<4x8448xi32, #tpu.memory_space<vmem>>
    %dma_wait3A_2810 = arith.constant 0 : i32
    %dma_wait3A_2811 = tpu.memref_slice %arg3[%add3A_1659, %dma_wait3A_2810] : memref<8448x8448xi32, #tpu.memory_space<hbm>> -> memref<4x8448xi32, #tpu.memory_space<hbm>>
    %dma_wait3A_2812 = arith.constant 0 : i32
    %dma_wait3A_2813 = tpu.memref_slice %arg3[%add3A_1659, %dma_wait3A_2812] : memref<8448x8448xi32, #tpu.memory_space<hbm>> -> memref<4x8448xi32, #tpu.memory_space<hbm>>
    %dma_wait3A_2814 = arith.constant 0 : i32
    %dma_wait3A_2815 = arith.constant 0 : i32
    %dma_wait3A_2816 = tpu.memref_slice %arg4[%convert_element_type3A_1678, %dma_wait3A_2814, %dma_wait3A_2815] : memref<2x4x8448xi32, #tpu.memory_space<vmem>> -> memref<1x4x8448xi32, #tpu.memory_space<vmem>>
    %dma_wait3A_2817 = tpu.memref_squeeze %dma_wait3A_2816 : memref<1x4x8448xi32, #tpu.memory_space<vmem>> -> memref<4x8448xi32, #tpu.memory_space<vmem>>
    tpu.wait_dma2 semaphore(%arg5 : memref<!tpu.dma_semaphore, #tpu.memory_space<semaphore_mem>>) src(%dma_wait3A_2817 : memref<4x8448xi32, #tpu.memory_space<vmem>>) dst(%dma_wait3A_2813 : memref<4x8448xi32, #tpu.memory_space<hbm>>)
    %dma_wait3A_2818 = arith.constant 0 : i32
    %dma_wait3A_2819 = arith.constant 0 : i32
    %dma_wait3A_2820 = tpu.memref_slice %arg4[%convert_element_type3A_1711, %dma_wait3A_2818, %dma_wait3A_2819] : memref<2x4x8448xi32, #tpu.memory_space<vmem>> -> memref<1x4x8448xi32, #tpu.memory_space<vmem>>
    %dma_wait3A_2821 = tpu.memref_squeeze %dma_wait3A_2820 : memref<1x4x8448xi32, #tpu.memory_space<vmem>> -> memref<4x8448xi32, #tpu.memory_space<vmem>>
    %dma_wait3A_2822 = arith.constant 0 : i32
    %dma_wait3A_2823 = tpu.memref_slice %arg3[%add3A_1692, %dma_wait3A_2822] : memref<8448x8448xi32, #tpu.memory_space<hbm>> -> memref<4x8448xi32, #tpu.memory_space<hbm>>
    %dma_wait3A_2824 = arith.constant 0 : i32
    %dma_wait3A_2825 = tpu.memref_slice %arg3[%add3A_1692, %dma_wait3A_2824] : memref<8448x8448xi32, #tpu.memory_space<hbm>> -> memref<4x8448xi32, #tpu.memory_space<hbm>>
    %dma_wait3A_2826 = arith.constant 0 : i32
    %dma_wait3A_2827 = arith.constant 0 : i32
    %dma_wait3A_2828 = tpu.memref_slice %arg4[%convert_element_type3A_1711, %dma_wait3A_2826, %dma_wait3A_2827] : memref<2x4x8448xi32, #tpu.memory_space<vmem>> -> memref<1x4x8448xi32, #tpu.memory_space<vmem>>
    %dma_wait3A_2829 = tpu.memref_squeeze %dma_wait3A_2828 : memref<1x4x8448xi32, #tpu.memory_space<vmem>> -> memref<4x8448xi32, #tpu.memory_space<vmem>>
    tpu.wait_dma2 semaphore(%arg5 : memref<!tpu.dma_semaphore, #tpu.memory_space<semaphore_mem>>) src(%dma_wait3A_2829 : memref<4x8448xi32, #tpu.memory_space<vmem>>) dst(%dma_wait3A_2825 : memref<4x8448xi32, #tpu.memory_space<hbm>>)
    %dma_wait3A_2830 = arith.constant 0 : i32
    %dma_wait3A_2831 = arith.constant 0 : i32
    %dma_wait3A_2832 = tpu.memref_slice %arg4[%convert_element_type3A_1744, %dma_wait3A_2830, %dma_wait3A_2831] : memref<2x4x8448xi32, #tpu.memory_space<vmem>> -> memref<1x4x8448xi32, #tpu.memory_space<vmem>>
    %dma_wait3A_2833 = tpu.memref_squeeze %dma_wait3A_2832 : memref<1x4x8448xi32, #tpu.memory_space<vmem>> -> memref<4x8448xi32, #tpu.memory_space<vmem>>
    %dma_wait3A_2834 = arith.constant 0 : i32
    %dma_wait3A_2835 = tpu.memref_slice %arg3[%add3A_1725, %dma_wait3A_2834] : memref<8448x8448xi32, #tpu.memory_space<hbm>> -> memref<4x8448xi32, #tpu.memory_space<hbm>>
    %dma_wait3A_2836 = arith.constant 0 : i32
    %dma_wait3A_2837 = tpu.memref_slice %arg3[%add3A_1725, %dma_wait3A_2836] : memref<8448x8448xi32, #tpu.memory_space<hbm>> -> memref<4x8448xi32, #tpu.memory_space<hbm>>
    %dma_wait3A_2838 = arith.constant 0 : i32
    %dma_wait3A_2839 = arith.constant 0 : i32
    %dma_wait3A_2840 = tpu.memref_slice %arg4[%convert_element_type3A_1744, %dma_wait3A_2838, %dma_wait3A_2839] : memref<2x4x8448xi32, #tpu.memory_space<vmem>> -> memref<1x4x8448xi32, #tpu.memory_space<vmem>>
    %dma_wait3A_2841 = tpu.memref_squeeze %dma_wait3A_2840 : memref<1x4x8448xi32, #tpu.memory_space<vmem>> -> memref<4x8448xi32, #tpu.memory_space<vmem>>
    tpu.wait_dma2 semaphore(%arg5 : memref<!tpu.dma_semaphore, #tpu.memory_space<semaphore_mem>>) src(%dma_wait3A_2841 : memref<4x8448xi32, #tpu.memory_space<vmem>>) dst(%dma_wait3A_2837 : memref<4x8448xi32, #tpu.memory_space<hbm>>)
    %dma_wait3A_2842 = arith.constant 0 : i32
    %dma_wait3A_2843 = arith.constant 0 : i32
    %dma_wait3A_2844 = tpu.memref_slice %arg4[%convert_element_type3A_1777, %dma_wait3A_2842, %dma_wait3A_2843] : memref<2x4x8448xi32, #tpu.memory_space<vmem>> -> memref<1x4x8448xi32, #tpu.memory_space<vmem>>
    %dma_wait3A_2845 = tpu.memref_squeeze %dma_wait3A_2844 : memref<1x4x8448xi32, #tpu.memory_space<vmem>> -> memref<4x8448xi32, #tpu.memory_space<vmem>>
    %dma_wait3A_2846 = arith.constant 0 : i32
    %dma_wait3A_2847 = tpu.memref_slice %arg3[%add3A_1758, %dma_wait3A_2846] : memref<8448x8448xi32, #tpu.memory_space<hbm>> -> memref<4x8448xi32, #tpu.memory_space<hbm>>
    %dma_wait3A_2848 = arith.constant 0 : i32
    %dma_wait3A_2849 = tpu.memref_slice %arg3[%add3A_1758, %dma_wait3A_2848] : memref<8448x8448xi32, #tpu.memory_space<hbm>> -> memref<4x8448xi32, #tpu.memory_space<hbm>>
    %dma_wait3A_2850 = arith.constant 0 : i32
    %dma_wait3A_2851 = arith.constant 0 : i32
    %dma_wait3A_2852 = tpu.memref_slice %arg4[%convert_element_type3A_1777, %dma_wait3A_2850, %dma_wait3A_2851] : memref<2x4x8448xi32, #tpu.memory_space<vmem>> -> memref<1x4x8448xi32, #tpu.memory_space<vmem>>
    %dma_wait3A_2853 = tpu.memref_squeeze %dma_wait3A_2852 : memref<1x4x8448xi32, #tpu.memory_space<vmem>> -> memref<4x8448xi32, #tpu.memory_space<vmem>>
    tpu.wait_dma2 semaphore(%arg5 : memref<!tpu.dma_semaphore, #tpu.memory_space<semaphore_mem>>) src(%dma_wait3A_2853 : memref<4x8448xi32, #tpu.memory_space<vmem>>) dst(%dma_wait3A_2849 : memref<4x8448xi32, #tpu.memory_space<hbm>>)
    %dma_wait3A_2854 = arith.constant 0 : i32
    %dma_wait3A_2855 = arith.constant 0 : i32
    %dma_wait3A_2856 = tpu.memref_slice %arg4[%convert_element_type3A_1810, %dma_wait3A_2854, %dma_wait3A_2855] : memref<2x4x8448xi32, #tpu.memory_space<vmem>> -> memref<1x4x8448xi32, #tpu.memory_space<vmem>>
    %dma_wait3A_2857 = tpu.memref_squeeze %dma_wait3A_2856 : memref<1x4x8448xi32, #tpu.memory_space<vmem>> -> memref<4x8448xi32, #tpu.memory_space<vmem>>
    %dma_wait3A_2858 = arith.constant 0 : i32
    %dma_wait3A_2859 = tpu.memref_slice %arg3[%add3A_1791, %dma_wait3A_2858] : memref<8448x8448xi32, #tpu.memory_space<hbm>> -> memref<4x8448xi32, #tpu.memory_space<hbm>>
    %dma_wait3A_2860 = arith.constant 0 : i32
    %dma_wait3A_2861 = tpu.memref_slice %arg3[%add3A_1791, %dma_wait3A_2860] : memref<8448x8448xi32, #tpu.memory_space<hbm>> -> memref<4x8448xi32, #tpu.memory_space<hbm>>
    %dma_wait3A_2862 = arith.constant 0 : i32
    %dma_wait3A_2863 = arith.constant 0 : i32
    %dma_wait3A_2864 = tpu.memref_slice %arg4[%convert_element_type3A_1810, %dma_wait3A_2862, %dma_wait3A_2863] : memref<2x4x8448xi32, #tpu.memory_space<vmem>> -> memref<1x4x8448xi32, #tpu.memory_space<vmem>>
    %dma_wait3A_2865 = tpu.memref_squeeze %dma_wait3A_2864 : memref<1x4x8448xi32, #tpu.memory_space<vmem>> -> memref<4x8448xi32, #tpu.memory_space<vmem>>
    tpu.wait_dma2 semaphore(%arg5 : memref<!tpu.dma_semaphore, #tpu.memory_space<semaphore_mem>>) src(%dma_wait3A_2865 : memref<4x8448xi32, #tpu.memory_space<vmem>>) dst(%dma_wait3A_2861 : memref<4x8448xi32, #tpu.memory_space<hbm>>)
    %dma_wait3A_2866 = arith.constant 0 : i32
    %dma_wait3A_2867 = arith.constant 0 : i32
    %dma_wait3A_2868 = tpu.memref_slice %arg4[%convert_element_type3A_1843, %dma_wait3A_2866, %dma_wait3A_2867] : memref<2x4x8448xi32, #tpu.memory_space<vmem>> -> memref<1x4x8448xi32, #tpu.memory_space<vmem>>
    %dma_wait3A_2869 = tpu.memref_squeeze %dma_wait3A_2868 : memref<1x4x8448xi32, #tpu.memory_space<vmem>> -> memref<4x8448xi32, #tpu.memory_space<vmem>>
    %dma_wait3A_2870 = arith.constant 0 : i32
    %dma_wait3A_2871 = tpu.memref_slice %arg3[%add3A_1824, %dma_wait3A_2870] : memref<8448x8448xi32, #tpu.memory_space<hbm>> -> memref<4x8448xi32, #tpu.memory_space<hbm>>
    %dma_wait3A_2872 = arith.constant 0 : i32
    %dma_wait3A_2873 = tpu.memref_slice %arg3[%add3A_1824, %dma_wait3A_2872] : memref<8448x8448xi32, #tpu.memory_space<hbm>> -> memref<4x8448xi32, #tpu.memory_space<hbm>>
    %dma_wait3A_2874 = arith.constant 0 : i32
    %dma_wait3A_2875 = arith.constant 0 : i32
    %dma_wait3A_2876 = tpu.memref_slice %arg4[%convert_element_type3A_1843, %dma_wait3A_2874, %dma_wait3A_2875] : memref<2x4x8448xi32, #tpu.memory_space<vmem>> -> memref<1x4x8448xi32, #tpu.memory_space<vmem>>
    %dma_wait3A_2877 = tpu.memref_squeeze %dma_wait3A_2876 : memref<1x4x8448xi32, #tpu.memory_space<vmem>> -> memref<4x8448xi32, #tpu.memory_space<vmem>>
    tpu.wait_dma2 semaphore(%arg5 : memref<!tpu.dma_semaphore, #tpu.memory_space<semaphore_mem>>) src(%dma_wait3A_2877 : memref<4x8448xi32, #tpu.memory_space<vmem>>) dst(%dma_wait3A_2873 : memref<4x8448xi32, #tpu.memory_space<hbm>>)
    %dma_wait3A_2878 = arith.constant 0 : i32
    %dma_wait3A_2879 = arith.constant 0 : i32
    %dma_wait3A_2880 = tpu.memref_slice %arg4[%convert_element_type3A_1876, %dma_wait3A_2878, %dma_wait3A_2879] : memref<2x4x8448xi32, #tpu.memory_space<vmem>> -> memref<1x4x8448xi32, #tpu.memory_space<vmem>>
    %dma_wait3A_2881 = tpu.memref_squeeze %dma_wait3A_2880 : memref<1x4x8448xi32, #tpu.memory_space<vmem>> -> memref<4x8448xi32, #tpu.memory_space<vmem>>
    %dma_wait3A_2882 = arith.constant 0 : i32
    %dma_wait3A_2883 = tpu.memref_slice %arg3[%add3A_1857, %dma_wait3A_2882] : memref<8448x8448xi32, #tpu.memory_space<hbm>> -> memref<4x8448xi32, #tpu.memory_space<hbm>>
    %dma_wait3A_2884 = arith.constant 0 : i32
    %dma_wait3A_2885 = tpu.memref_slice %arg3[%add3A_1857, %dma_wait3A_2884] : memref<8448x8448xi32, #tpu.memory_space<hbm>> -> memref<4x8448xi32, #tpu.memory_space<hbm>>
    %dma_wait3A_2886 = arith.constant 0 : i32
    %dma_wait3A_2887 = arith.constant 0 : i32
    %dma_wait3A_2888 = tpu.memref_slice %arg4[%convert_element_type3A_1876, %dma_wait3A_2886, %dma_wait3A_2887] : memref<2x4x8448xi32, #tpu.memory_space<vmem>> -> memref<1x4x8448xi32, #tpu.memory_space<vmem>>
    %dma_wait3A_2889 = tpu.memref_squeeze %dma_wait3A_2888 : memref<1x4x8448xi32, #tpu.memory_space<vmem>> -> memref<4x8448xi32, #tpu.memory_space<vmem>>
    tpu.wait_dma2 semaphore(%arg5 : memref<!tpu.dma_semaphore, #tpu.memory_space<semaphore_mem>>) src(%dma_wait3A_2889 : memref<4x8448xi32, #tpu.memory_space<vmem>>) dst(%dma_wait3A_2885 : memref<4x8448xi32, #tpu.memory_space<hbm>>)
    %dma_wait3A_2890 = arith.constant 0 : i32
    %dma_wait3A_2891 = arith.constant 0 : i32
    %dma_wait3A_2892 = tpu.memref_slice %arg4[%convert_element_type3A_1909, %dma_wait3A_2890, %dma_wait3A_2891] : memref<2x4x8448xi32, #tpu.memory_space<vmem>> -> memref<1x4x8448xi32, #tpu.memory_space<vmem>>
    %dma_wait3A_2893 = tpu.memref_squeeze %dma_wait3A_2892 : memref<1x4x8448xi32, #tpu.memory_space<vmem>> -> memref<4x8448xi32, #tpu.memory_space<vmem>>
    %dma_wait3A_2894 = arith.constant 0 : i32
    %dma_wait3A_2895 = tpu.memref_slice %arg3[%add3A_1890, %dma_wait3A_2894] : memref<8448x8448xi32, #tpu.memory_space<hbm>> -> memref<4x8448xi32, #tpu.memory_space<hbm>>
    %dma_wait3A_2896 = arith.constant 0 : i32
    %dma_wait3A_2897 = tpu.memref_slice %arg3[%add3A_1890, %dma_wait3A_2896] : memref<8448x8448xi32, #tpu.memory_space<hbm>> -> memref<4x8448xi32, #tpu.memory_space<hbm>>
    %dma_wait3A_2898 = arith.constant 0 : i32
    %dma_wait3A_2899 = arith.constant 0 : i32
    %dma_wait3A_2900 = tpu.memref_slice %arg4[%convert_element_type3A_1909, %dma_wait3A_2898, %dma_wait3A_2899] : memref<2x4x8448xi32, #tpu.memory_space<vmem>> -> memref<1x4x8448xi32, #tpu.memory_space<vmem>>
    %dma_wait3A_2901 = tpu.memref_squeeze %dma_wait3A_2900 : memref<1x4x8448xi32, #tpu.memory_space<vmem>> -> memref<4x8448xi32, #tpu.memory_space<vmem>>
    tpu.wait_dma2 semaphore(%arg5 : memref<!tpu.dma_semaphore, #tpu.memory_space<semaphore_mem>>) src(%dma_wait3A_2901 : memref<4x8448xi32, #tpu.memory_space<vmem>>) dst(%dma_wait3A_2897 : memref<4x8448xi32, #tpu.memory_space<hbm>>)
    %dma_wait3A_2902 = arith.constant 0 : i32
    %dma_wait3A_2903 = arith.constant 0 : i32
    %dma_wait3A_2904 = tpu.memref_slice %arg4[%convert_element_type3A_1942, %dma_wait3A_2902, %dma_wait3A_2903] : memref<2x4x8448xi32, #tpu.memory_space<vmem>> -> memref<1x4x8448xi32, #tpu.memory_space<vmem>>
    %dma_wait3A_2905 = tpu.memref_squeeze %dma_wait3A_2904 : memref<1x4x8448xi32, #tpu.memory_space<vmem>> -> memref<4x8448xi32, #tpu.memory_space<vmem>>
    %dma_wait3A_2906 = arith.constant 0 : i32
    %dma_wait3A_2907 = tpu.memref_slice %arg3[%add3A_1923, %dma_wait3A_2906] : memref<8448x8448xi32, #tpu.memory_space<hbm>> -> memref<4x8448xi32, #tpu.memory_space<hbm>>
    %dma_wait3A_2908 = arith.constant 0 : i32
    %dma_wait3A_2909 = tpu.memref_slice %arg3[%add3A_1923, %dma_wait3A_2908] : memref<8448x8448xi32, #tpu.memory_space<hbm>> -> memref<4x8448xi32, #tpu.memory_space<hbm>>
    %dma_wait3A_2910 = arith.constant 0 : i32
    %dma_wait3A_2911 = arith.constant 0 : i32
    %dma_wait3A_2912 = tpu.memref_slice %arg4[%convert_element_type3A_1942, %dma_wait3A_2910, %dma_wait3A_2911] : memref<2x4x8448xi32, #tpu.memory_space<vmem>> -> memref<1x4x8448xi32, #tpu.memory_space<vmem>>
    %dma_wait3A_2913 = tpu.memref_squeeze %dma_wait3A_2912 : memref<1x4x8448xi32, #tpu.memory_space<vmem>> -> memref<4x8448xi32, #tpu.memory_space<vmem>>
    tpu.wait_dma2 semaphore(%arg5 : memref<!tpu.dma_semaphore, #tpu.memory_space<semaphore_mem>>) src(%dma_wait3A_2913 : memref<4x8448xi32, #tpu.memory_space<vmem>>) dst(%dma_wait3A_2909 : memref<4x8448xi32, #tpu.memory_space<hbm>>)
    %dma_wait3A_2914 = arith.constant 0 : i32
    %dma_wait3A_2915 = arith.constant 0 : i32
    %dma_wait3A_2916 = tpu.memref_slice %arg4[%convert_element_type3A_1975, %dma_wait3A_2914, %dma_wait3A_2915] : memref<2x4x8448xi32, #tpu.memory_space<vmem>> -> memref<1x4x8448xi32, #tpu.memory_space<vmem>>
    %dma_wait3A_2917 = tpu.memref_squeeze %dma_wait3A_2916 : memref<1x4x8448xi32, #tpu.memory_space<vmem>> -> memref<4x8448xi32, #tpu.memory_space<vmem>>
    %dma_wait3A_2918 = arith.constant 0 : i32
    %dma_wait3A_2919 = tpu.memref_slice %arg3[%add3A_1956, %dma_wait3A_2918] : memref<8448x8448xi32, #tpu.memory_space<hbm>> -> memref<4x8448xi32, #tpu.memory_space<hbm>>
    %dma_wait3A_2920 = arith.constant 0 : i32
    %dma_wait3A_2921 = tpu.memref_slice %arg3[%add3A_1956, %dma_wait3A_2920] : memref<8448x8448xi32, #tpu.memory_space<hbm>> -> memref<4x8448xi32, #tpu.memory_space<hbm>>
    %dma_wait3A_2922 = arith.constant 0 : i32
    %dma_wait3A_2923 = arith.constant 0 : i32
    %dma_wait3A_2924 = tpu.memref_slice %arg4[%convert_element_type3A_1975, %dma_wait3A_2922, %dma_wait3A_2923] : memref<2x4x8448xi32, #tpu.memory_space<vmem>> -> memref<1x4x8448xi32, #tpu.memory_space<vmem>>
    %dma_wait3A_2925 = tpu.memref_squeeze %dma_wait3A_2924 : memref<1x4x8448xi32, #tpu.memory_space<vmem>> -> memref<4x8448xi32, #tpu.memory_space<vmem>>
    tpu.wait_dma2 semaphore(%arg5 : memref<!tpu.dma_semaphore, #tpu.memory_space<semaphore_mem>>) src(%dma_wait3A_2925 : memref<4x8448xi32, #tpu.memory_space<vmem>>) dst(%dma_wait3A_2921 : memref<4x8448xi32, #tpu.memory_space<hbm>>)
    %dma_wait3A_2926 = arith.constant 0 : i32
    %dma_wait3A_2927 = arith.constant 0 : i32
    %dma_wait3A_2928 = tpu.memref_slice %arg4[%convert_element_type3A_2008, %dma_wait3A_2926, %dma_wait3A_2927] : memref<2x4x8448xi32, #tpu.memory_space<vmem>> -> memref<1x4x8448xi32, #tpu.memory_space<vmem>>
    %dma_wait3A_2929 = tpu.memref_squeeze %dma_wait3A_2928 : memref<1x4x8448xi32, #tpu.memory_space<vmem>> -> memref<4x8448xi32, #tpu.memory_space<vmem>>
    %dma_wait3A_2930 = arith.constant 0 : i32
    %dma_wait3A_2931 = tpu.memref_slice %arg3[%add3A_1989, %dma_wait3A_2930] : memref<8448x8448xi32, #tpu.memory_space<hbm>> -> memref<4x8448xi32, #tpu.memory_space<hbm>>
    %dma_wait3A_2932 = arith.constant 0 : i32
    %dma_wait3A_2933 = tpu.memref_slice %arg3[%add3A_1989, %dma_wait3A_2932] : memref<8448x8448xi32, #tpu.memory_space<hbm>> -> memref<4x8448xi32, #tpu.memory_space<hbm>>
    %dma_wait3A_2934 = arith.constant 0 : i32
    %dma_wait3A_2935 = arith.constant 0 : i32
    %dma_wait3A_2936 = tpu.memref_slice %arg4[%convert_element_type3A_2008, %dma_wait3A_2934, %dma_wait3A_2935] : memref<2x4x8448xi32, #tpu.memory_space<vmem>> -> memref<1x4x8448xi32, #tpu.memory_space<vmem>>
    %dma_wait3A_2937 = tpu.memref_squeeze %dma_wait3A_2936 : memref<1x4x8448xi32, #tpu.memory_space<vmem>> -> memref<4x8448xi32, #tpu.memory_space<vmem>>
    tpu.wait_dma2 semaphore(%arg5 : memref<!tpu.dma_semaphore, #tpu.memory_space<semaphore_mem>>) src(%dma_wait3A_2937 : memref<4x8448xi32, #tpu.memory_space<vmem>>) dst(%dma_wait3A_2933 : memref<4x8448xi32, #tpu.memory_space<hbm>>)
    %dma_wait3A_2938 = arith.constant 0 : i32
    %dma_wait3A_2939 = arith.constant 0 : i32
    %dma_wait3A_2940 = tpu.memref_slice %arg4[%convert_element_type3A_2041, %dma_wait3A_2938, %dma_wait3A_2939] : memref<2x4x8448xi32, #tpu.memory_space<vmem>> -> memref<1x4x8448xi32, #tpu.memory_space<vmem>>
    %dma_wait3A_2941 = tpu.memref_squeeze %dma_wait3A_2940 : memref<1x4x8448xi32, #tpu.memory_space<vmem>> -> memref<4x8448xi32, #tpu.memory_space<vmem>>
    %dma_wait3A_2942 = arith.constant 0 : i32
    %dma_wait3A_2943 = tpu.memref_slice %arg3[%add3A_2022, %dma_wait3A_2942] : memref<8448x8448xi32, #tpu.memory_space<hbm>> -> memref<4x8448xi32, #tpu.memory_space<hbm>>
    %dma_wait3A_2944 = arith.constant 0 : i32
    %dma_wait3A_2945 = tpu.memref_slice %arg3[%add3A_2022, %dma_wait3A_2944] : memref<8448x8448xi32, #tpu.memory_space<hbm>> -> memref<4x8448xi32, #tpu.memory_space<hbm>>
    %dma_wait3A_2946 = arith.constant 0 : i32
    %dma_wait3A_2947 = arith.constant 0 : i32
    %dma_wait3A_2948 = tpu.memref_slice %arg4[%convert_element_type3A_2041, %dma_wait3A_2946, %dma_wait3A_2947] : memref<2x4x8448xi32, #tpu.memory_space<vmem>> -> memref<1x4x8448xi32, #tpu.memory_space<vmem>>
    %dma_wait3A_2949 = tpu.memref_squeeze %dma_wait3A_2948 : memref<1x4x8448xi32, #tpu.memory_space<vmem>> -> memref<4x8448xi32, #tpu.memory_space<vmem>>
    tpu.wait_dma2 semaphore(%arg5 : memref<!tpu.dma_semaphore, #tpu.memory_space<semaphore_mem>>) src(%dma_wait3A_2949 : memref<4x8448xi32, #tpu.memory_space<vmem>>) dst(%dma_wait3A_2945 : memref<4x8448xi32, #tpu.memory_space<hbm>>)
    %dma_wait3A_2950 = arith.constant 0 : i32
    %dma_wait3A_2951 = arith.constant 0 : i32
    %dma_wait3A_2952 = tpu.memref_slice %arg4[%convert_element_type3A_2074, %dma_wait3A_2950, %dma_wait3A_2951] : memref<2x4x8448xi32, #tpu.memory_space<vmem>> -> memref<1x4x8448xi32, #tpu.memory_space<vmem>>
    %dma_wait3A_2953 = tpu.memref_squeeze %dma_wait3A_2952 : memref<1x4x8448xi32, #tpu.memory_space<vmem>> -> memref<4x8448xi32, #tpu.memory_space<vmem>>
    %dma_wait3A_2954 = arith.constant 0 : i32
    %dma_wait3A_2955 = tpu.memref_slice %arg3[%add3A_2055, %dma_wait3A_2954] : memref<8448x8448xi32, #tpu.memory_space<hbm>> -> memref<4x8448xi32, #tpu.memory_space<hbm>>
    %dma_wait3A_2956 = arith.constant 0 : i32
    %dma_wait3A_2957 = tpu.memref_slice %arg3[%add3A_2055, %dma_wait3A_2956] : memref<8448x8448xi32, #tpu.memory_space<hbm>> -> memref<4x8448xi32, #tpu.memory_space<hbm>>
    %dma_wait3A_2958 = arith.constant 0 : i32
    %dma_wait3A_2959 = arith.constant 0 : i32
    %dma_wait3A_2960 = tpu.memref_slice %arg4[%convert_element_type3A_2074, %dma_wait3A_2958, %dma_wait3A_2959] : memref<2x4x8448xi32, #tpu.memory_space<vmem>> -> memref<1x4x8448xi32, #tpu.memory_space<vmem>>
    %dma_wait3A_2961 = tpu.memref_squeeze %dma_wait3A_2960 : memref<1x4x8448xi32, #tpu.memory_space<vmem>> -> memref<4x8448xi32, #tpu.memory_space<vmem>>
    tpu.wait_dma2 semaphore(%arg5 : memref<!tpu.dma_semaphore, #tpu.memory_space<semaphore_mem>>) src(%dma_wait3A_2961 : memref<4x8448xi32, #tpu.memory_space<vmem>>) dst(%dma_wait3A_2957 : memref<4x8448xi32, #tpu.memory_space<hbm>>)
    %dma_wait3A_2962 = arith.constant 0 : i32
    %dma_wait3A_2963 = arith.constant 0 : i32
    %dma_wait3A_2964 = tpu.memref_slice %arg4[%convert_element_type3A_2107, %dma_wait3A_2962, %dma_wait3A_2963] : memref<2x4x8448xi32, #tpu.memory_space<vmem>> -> memref<1x4x8448xi32, #tpu.memory_space<vmem>>
    %dma_wait3A_2965 = tpu.memref_squeeze %dma_wait3A_2964 : memref<1x4x8448xi32, #tpu.memory_space<vmem>> -> memref<4x8448xi32, #tpu.memory_space<vmem>>
    %dma_wait3A_2966 = arith.constant 0 : i32
    %dma_wait3A_2967 = tpu.memref_slice %arg3[%add3A_2088, %dma_wait3A_2966] : memref<8448x8448xi32, #tpu.memory_space<hbm>> -> memref<4x8448xi32, #tpu.memory_space<hbm>>
    %dma_wait3A_2968 = arith.constant 0 : i32
    %dma_wait3A_2969 = tpu.memref_slice %arg3[%add3A_2088, %dma_wait3A_2968] : memref<8448x8448xi32, #tpu.memory_space<hbm>> -> memref<4x8448xi32, #tpu.memory_space<hbm>>
    %dma_wait3A_2970 = arith.constant 0 : i32
    %dma_wait3A_2971 = arith.constant 0 : i32
    %dma_wait3A_2972 = tpu.memref_slice %arg4[%convert_element_type3A_2107, %dma_wait3A_2970, %dma_wait3A_2971] : memref<2x4x8448xi32, #tpu.memory_space<vmem>> -> memref<1x4x8448xi32, #tpu.memory_space<vmem>>
    %dma_wait3A_2973 = tpu.memref_squeeze %dma_wait3A_2972 : memref<1x4x8448xi32, #tpu.memory_space<vmem>> -> memref<4x8448xi32, #tpu.memory_space<vmem>>
    tpu.wait_dma2 semaphore(%arg5 : memref<!tpu.dma_semaphore, #tpu.memory_space<semaphore_mem>>) src(%dma_wait3A_2973 : memref<4x8448xi32, #tpu.memory_space<vmem>>) dst(%dma_wait3A_2969 : memref<4x8448xi32, #tpu.memory_space<hbm>>)
    %dma_wait3A_2974 = arith.constant 0 : i32
    %dma_wait3A_2975 = arith.constant 0 : i32
    %dma_wait3A_2976 = tpu.memref_slice %arg4[%convert_element_type3A_2140, %dma_wait3A_2974, %dma_wait3A_2975] : memref<2x4x8448xi32, #tpu.memory_space<vmem>> -> memref<1x4x8448xi32, #tpu.memory_space<vmem>>
    %dma_wait3A_2977 = tpu.memref_squeeze %dma_wait3A_2976 : memref<1x4x8448xi32, #tpu.memory_space<vmem>> -> memref<4x8448xi32, #tpu.memory_space<vmem>>
    %dma_wait3A_2978 = arith.constant 0 : i32
    %dma_wait3A_2979 = tpu.memref_slice %arg3[%add3A_2121, %dma_wait3A_2978] : memref<8448x8448xi32, #tpu.memory_space<hbm>> -> memref<4x8448xi32, #tpu.memory_space<hbm>>
    %dma_wait3A_2980 = arith.constant 0 : i32
    %dma_wait3A_2981 = tpu.memref_slice %arg3[%add3A_2121, %dma_wait3A_2980] : memref<8448x8448xi32, #tpu.memory_space<hbm>> -> memref<4x8448xi32, #tpu.memory_space<hbm>>
    %dma_wait3A_2982 = arith.constant 0 : i32
    %dma_wait3A_2983 = arith.constant 0 : i32
    %dma_wait3A_2984 = tpu.memref_slice %arg4[%convert_element_type3A_2140, %dma_wait3A_2982, %dma_wait3A_2983] : memref<2x4x8448xi32, #tpu.memory_space<vmem>> -> memref<1x4x8448xi32, #tpu.memory_space<vmem>>
    %dma_wait3A_2985 = tpu.memref_squeeze %dma_wait3A_2984 : memref<1x4x8448xi32, #tpu.memory_space<vmem>> -> memref<4x8448xi32, #tpu.memory_space<vmem>>
    tpu.wait_dma2 semaphore(%arg5 : memref<!tpu.dma_semaphore, #tpu.memory_space<semaphore_mem>>) src(%dma_wait3A_2985 : memref<4x8448xi32, #tpu.memory_space<vmem>>) dst(%dma_wait3A_2981 : memref<4x8448xi32, #tpu.memory_space<hbm>>)
    %dma_wait3A_2986 = arith.constant 0 : i32
    %dma_wait3A_2987 = arith.constant 0 : i32
    %dma_wait3A_2988 = tpu.memref_slice %arg4[%convert_element_type3A_2173, %dma_wait3A_2986, %dma_wait3A_2987] : memref<2x4x8448xi32, #tpu.memory_space<vmem>> -> memref<1x4x8448xi32, #tpu.memory_space<vmem>>
    %dma_wait3A_2989 = tpu.memref_squeeze %dma_wait3A_2988 : memref<1x4x8448xi32, #tpu.memory_space<vmem>> -> memref<4x8448xi32, #tpu.memory_space<vmem>>
    %dma_wait3A_2990 = arith.constant 0 : i32
    %dma_wait3A_2991 = tpu.memref_slice %arg3[%add3A_2154, %dma_wait3A_2990] : memref<8448x8448xi32, #tpu.memory_space<hbm>> -> memref<4x8448xi32, #tpu.memory_space<hbm>>
    %dma_wait3A_2992 = arith.constant 0 : i32
    %dma_wait3A_2993 = tpu.memref_slice %arg3[%add3A_2154, %dma_wait3A_2992] : memref<8448x8448xi32, #tpu.memory_space<hbm>> -> memref<4x8448xi32, #tpu.memory_space<hbm>>
    %dma_wait3A_2994 = arith.constant 0 : i32
    %dma_wait3A_2995 = arith.constant 0 : i32
    %dma_wait3A_2996 = tpu.memref_slice %arg4[%convert_element_type3A_2173, %dma_wait3A_2994, %dma_wait3A_2995] : memref<2x4x8448xi32, #tpu.memory_space<vmem>> -> memref<1x4x8448xi32, #tpu.memory_space<vmem>>
    %dma_wait3A_2997 = tpu.memref_squeeze %dma_wait3A_2996 : memref<1x4x8448xi32, #tpu.memory_space<vmem>> -> memref<4x8448xi32, #tpu.memory_space<vmem>>
    tpu.wait_dma2 semaphore(%arg5 : memref<!tpu.dma_semaphore, #tpu.memory_space<semaphore_mem>>) src(%dma_wait3A_2997 : memref<4x8448xi32, #tpu.memory_space<vmem>>) dst(%dma_wait3A_2993 : memref<4x8448xi32, #tpu.memory_space<hbm>>)
    %dma_wait3A_2998 = arith.constant 0 : i32
    %dma_wait3A_2999 = arith.constant 0 : i32
    %dma_wait3A_3000 = tpu.memref_slice %arg4[%convert_element_type3A_2206, %dma_wait3A_2998, %dma_wait3A_2999] : memref<2x4x8448xi32, #tpu.memory_space<vmem>> -> memref<1x4x8448xi32, #tpu.memory_space<vmem>>
    %dma_wait3A_3001 = tpu.memref_squeeze %dma_wait3A_3000 : memref<1x4x8448xi32, #tpu.memory_space<vmem>> -> memref<4x8448xi32, #tpu.memory_space<vmem>>
    %dma_wait3A_3002 = arith.constant 0 : i32
    %dma_wait3A_3003 = tpu.memref_slice %arg3[%add3A_2187, %dma_wait3A_3002] : memref<8448x8448xi32, #tpu.memory_space<hbm>> -> memref<4x8448xi32, #tpu.memory_space<hbm>>
    %dma_wait3A_3004 = arith.constant 0 : i32
    %dma_wait3A_3005 = tpu.memref_slice %arg3[%add3A_2187, %dma_wait3A_3004] : memref<8448x8448xi32, #tpu.memory_space<hbm>> -> memref<4x8448xi32, #tpu.memory_space<hbm>>
    %dma_wait3A_3006 = arith.constant 0 : i32
    %dma_wait3A_3007 = arith.constant 0 : i32
    %dma_wait3A_3008 = tpu.memref_slice %arg4[%convert_element_type3A_2206, %dma_wait3A_3006, %dma_wait3A_3007] : memref<2x4x8448xi32, #tpu.memory_space<vmem>> -> memref<1x4x8448xi32, #tpu.memory_space<vmem>>
    %dma_wait3A_3009 = tpu.memref_squeeze %dma_wait3A_3008 : memref<1x4x8448xi32, #tpu.memory_space<vmem>> -> memref<4x8448xi32, #tpu.memory_space<vmem>>
    tpu.wait_dma2 semaphore(%arg5 : memref<!tpu.dma_semaphore, #tpu.memory_space<semaphore_mem>>) src(%dma_wait3A_3009 : memref<4x8448xi32, #tpu.memory_space<vmem>>) dst(%dma_wait3A_3005 : memref<4x8448xi32, #tpu.memory_space<hbm>>)
    return
  }
}

module attributes {stable_mosaic.version = 14 : i64} {
  func.func @_seed_kernel(%arg0: memref<20x8448xi32, #tpu.memory_space<vmem>>) attributes {dimension_semantics = [], scalar_prefetch = 0 : i64, scratch_operands = 0 : i64, tpu.core_type = #tpu.core_type<tc>} {
    %iota3A = tpu.iota {dimensions = array<i32: 0>} : vector<20x1xi32>
    %jit3A = arith.constant 4 : i32
    %div3A = vector.broadcast %jit3A : i32 to vector<20x1xi32>
    %div3A_0 = arith.divsi %iota3A, %div3A : vector<20x1xi32>
    %sign3A = arith.constant 0 : i32
    %sign3A_1 = vector.broadcast %sign3A : i32 to vector<20x1xi32>
    %sign3A_2 = arith.cmpi sgt, %iota3A, %sign3A_1 : vector<20x1xi32>
    %sign3A_3 = arith.extui %sign3A_2 : vector<20x1xi1> to vector<20x1xi32>
    %sign3A_4 = arith.constant 0 : i32
    %sign3A_5 = vector.broadcast %sign3A_4 : i32 to vector<20x1xi32>
    %sign3A_6 = arith.cmpi slt, %iota3A, %sign3A_5 : vector<20x1xi32>
    %sign3A_7 = arith.extui %sign3A_6 : vector<20x1xi1> to vector<20x1xi32>
    %sign3A_8 = arith.subi %sign3A_3, %sign3A_7 : vector<20x1xi32>
    %sign3A_9 = arith.constant 0 : i32
    %sign3A_10 = arith.cmpi sgt, %jit3A, %sign3A_9 : i32
    %sign3A_11 = arith.extui %sign3A_10 : i1 to i32
    %sign3A_12 = arith.constant 0 : i32
    %sign3A_13 = arith.cmpi slt, %jit3A, %sign3A_12 : i32
    %sign3A_14 = arith.extui %sign3A_13 : i1 to i32
    %sign3A_15 = arith.subi %sign3A_11, %sign3A_14 : i32
    %ne3A = vector.broadcast %sign3A_15 : i32 to vector<20x1xi32>
    %ne3A_16 = arith.cmpi ne, %sign3A_8, %ne3A : vector<20x1xi32>
    %rem3A = vector.broadcast %jit3A : i32 to vector<20x1xi32>
    %rem3A_17 = arith.remsi %iota3A, %rem3A : vector<20x1xi32>
    %ne3A_18 = arith.constant 0 : i32
    %ne3A_19 = vector.broadcast %ne3A_18 : i32 to vector<20x1xi32>
    %ne3A_20 = arith.cmpi ne, %rem3A_17, %ne3A_19 : vector<20x1xi32>
    %and3A = arith.andi %ne3A_16, %ne3A_20 : vector<20x1xi1>
    %sub3A = arith.constant 1 : i32
    %sub3A_21 = vector.broadcast %sub3A : i32 to vector<20x1xi32>
    %sub3A_22 = arith.subi %div3A_0, %sub3A_21 : vector<20x1xi32>
    %select_n3A = arith.select %and3A, %sub3A_22, %div3A_0 : vector<20x1xi1>, vector<20x1xi32>
    %iota3A_23 = tpu.iota {dimensions = array<i32: 1>} : vector<1x8448xi32>
    %broadcast_in_dim3A = arith.constant 0 : i32
    %broadcast_in_dim3A_24 = vector.broadcast %broadcast_in_dim3A : i32 to vector<1x8448xi32>
    %ge3A = arith.constant 2000 : i32
    %ge3A_25 = vector.broadcast %ge3A : i32 to vector<1x8448xi32>
    %ge3A_26 = arith.cmpi sge, %iota3A_23, %ge3A_25 : vector<1x8448xi32>
    %convert_element_type3A = arith.extui %ge3A_26 : vector<1x8448xi1> to vector<1x8448xi32>
    %add3A = arith.addi %broadcast_in_dim3A_24, %convert_element_type3A : vector<1x8448xi32>
    %ge3A_27 = arith.constant 4000 : i32
    %ge3A_28 = vector.broadcast %ge3A_27 : i32 to vector<1x8448xi32>
    %ge3A_29 = arith.cmpi sge, %iota3A_23, %ge3A_28 : vector<1x8448xi32>
    %convert_element_type3A_30 = arith.extui %ge3A_29 : vector<1x8448xi1> to vector<1x8448xi32>
    %add3A_31 = arith.addi %add3A, %convert_element_type3A_30 : vector<1x8448xi32>
    %ge3A_32 = arith.constant 6400 : i32
    %ge3A_33 = vector.broadcast %ge3A_32 : i32 to vector<1x8448xi32>
    %ge3A_34 = arith.cmpi sge, %iota3A_23, %ge3A_33 : vector<1x8448xi32>
    %convert_element_type3A_35 = arith.extui %ge3A_34 : vector<1x8448xi1> to vector<1x8448xi32>
    %add3A_36 = arith.addi %add3A_31, %convert_element_type3A_35 : vector<1x8448xi32>
    %eq3A = vector.broadcast %select_n3A : vector<20x1xi32> to vector<20x8448xi32>
    %eq3A_37 = vector.broadcast %add3A_36 : vector<1x8448xi32> to vector<20x8448xi32>
    %eq3A_38 = arith.cmpi eq, %eq3A, %eq3A_37 : vector<20x8448xi32>
    %lt3A = arith.constant 4 : i32
    %lt3A_39 = vector.broadcast %lt3A : i32 to vector<20x1xi32>
    %lt3A_40 = arith.cmpi slt, %select_n3A, %lt3A_39 : vector<20x1xi32>
    %and3A_41 = vector.broadcast %lt3A_40 : vector<20x1xi1> to vector<20x8448xi1>
    %and3A_42 = arith.andi %eq3A_38, %and3A_41 : vector<20x8448xi1>
    %lt3A_43 = arith.constant 8400 : i32
    %lt3A_44 = vector.broadcast %lt3A_43 : i32 to vector<1x8448xi32>
    %lt3A_45 = arith.cmpi slt, %iota3A_23, %lt3A_44 : vector<1x8448xi32>
    %and3A_46 = vector.broadcast %lt3A_45 : vector<1x8448xi1> to vector<20x8448xi1>
    %and3A_47 = arith.andi %and3A_42, %and3A_46 : vector<20x8448xi1>
    %swap3A = arith.constant 0 : index
    %swap3A_48 = arith.constant 0 : index
    %swap3A_49 = vector.load %arg0[%swap3A, %swap3A_48] : memref<20x8448xi32, #tpu.memory_space<vmem>>, vector<20x8448xi32>
    %swap3A_50 = arith.extui %and3A_47 : vector<20x8448xi1> to vector<20x8448xi32>
    %swap3A_51 = arith.constant dense<0> : vector<20x8448xi32>
    %swap3A_52 = arith.cmpi ne, %swap3A_49, %swap3A_51 : vector<20x8448xi32>
    tpu.vector_store %arg0[%swap3A, %swap3A_48], %swap3A_50 {strides = array<i32>} : memref<20x8448xi32, #tpu.memory_space<vmem>>, vector<20x8448xi32>,
    return
  }
}

module attributes {stable_mosaic.version = 14 : i64} {
  func.func @_pack_kernel(%arg0: memref<1x1500x256xf32, #tpu.memory_space<vmem>>, %arg1: memref<1x900x256xf32, #tpu.memory_space<vmem>>, %arg2: memref<1x2100x256xf32, #tpu.memory_space<vmem>>, %arg3: memref<1x1100x256xf32, #tpu.memory_space<vmem>>, %arg4: memref<1x500x256xf32, #tpu.memory_space<vmem>>, %arg5: memref<1x1100x256xf32, #tpu.memory_space<vmem>>, %arg6: memref<1x300x256xf32, #tpu.memory_space<vmem>>, %arg7: memref<1x900x256xf32, #tpu.memory_space<vmem>>, %arg8: memref<1x8448x256xf32, #tpu.memory_space<vmem>>) attributes {dimension_semantics = [], scalar_prefetch = 0 : i64, scratch_operands = 0 : i64, tpu.core_type = #tpu.core_type<tc>} {
    %get3A = arith.constant 0 : index
    %get3A_0 = arith.constant 0 : index
    %get3A_1 = arith.constant 0 : index
    %get3A_2 = vector.load %arg0[%get3A, %get3A_0, %get3A_1] : memref<1x1500x256xf32, #tpu.memory_space<vmem>>, vector<1x1500x256xf32>
    %get3A_3 = vector.shape_cast %get3A_2 : vector<1x1500x256xf32> to vector<1500x256xf32>
    %swap3A = arith.constant 0 : index
    %swap3A_4 = arith.constant 0 : index
    %swap3A_5 = arith.constant 0 : index
    %swap3A_6 = vector.load %arg8[%swap3A, %swap3A_4, %swap3A_5] : memref<1x8448x256xf32, #tpu.memory_space<vmem>>, vector<1x1500x256xf32>
    %swap3A_7 = vector.shape_cast %swap3A_6 : vector<1x1500x256xf32> to vector<1500x256xf32>
    %swap3A_8 = vector.shape_cast %get3A_3 : vector<1500x256xf32> to vector<1x1500x256xf32>
    tpu.vector_store %arg8[%swap3A, %swap3A_4, %swap3A_5], %swap3A_8 {strides = array<i32>} : memref<1x8448x256xf32, #tpu.memory_space<vmem>>, vector<1x1500x256xf32>,
    %get3A_9 = arith.constant 0 : index
    %get3A_10 = arith.constant 0 : index
    %get3A_11 = arith.constant 0 : index
    %get3A_12 = vector.load %arg4[%get3A_9, %get3A_10, %get3A_11] : memref<1x500x256xf32, #tpu.memory_space<vmem>>, vector<1x500x256xf32>
    %get3A_13 = vector.shape_cast %get3A_12 : vector<1x500x256xf32> to vector<500x256xf32>
    %swap3A_14 = arith.constant 0 : index
    %swap3A_15 = arith.constant 1500 : index
    %swap3A_16 = arith.constant 0 : index
    %swap3A_17 = vector.load %arg8[%swap3A_14, %swap3A_15, %swap3A_16] : memref<1x8448x256xf32, #tpu.memory_space<vmem>>, vector<1x500x256xf32>
    %swap3A_18 = vector.shape_cast %swap3A_17 : vector<1x500x256xf32> to vector<500x256xf32>
    %swap3A_19 = vector.shape_cast %get3A_13 : vector<500x256xf32> to vector<1x500x256xf32>
    tpu.vector_store %arg8[%swap3A_14, %swap3A_15, %swap3A_16], %swap3A_19 {strides = array<i32>} : memref<1x8448x256xf32, #tpu.memory_space<vmem>>, vector<1x500x256xf32>,
    %get3A_20 = arith.constant 0 : index
    %get3A_21 = arith.constant 0 : index
    %get3A_22 = arith.constant 0 : index
    %get3A_23 = vector.load %arg1[%get3A_20, %get3A_21, %get3A_22] : memref<1x900x256xf32, #tpu.memory_space<vmem>>, vector<1x900x256xf32>
    %get3A_24 = vector.shape_cast %get3A_23 : vector<1x900x256xf32> to vector<900x256xf32>
    %swap3A_25 = arith.constant 0 : index
    %swap3A_26 = arith.constant 2000 : index
    %swap3A_27 = arith.constant 0 : index
    %swap3A_28 = vector.load %arg8[%swap3A_25, %swap3A_26, %swap3A_27] : memref<1x8448x256xf32, #tpu.memory_space<vmem>>, vector<1x900x256xf32>
    %swap3A_29 = vector.shape_cast %swap3A_28 : vector<1x900x256xf32> to vector<900x256xf32>
    %swap3A_30 = vector.shape_cast %get3A_24 : vector<900x256xf32> to vector<1x900x256xf32>
    tpu.vector_store %arg8[%swap3A_25, %swap3A_26, %swap3A_27], %swap3A_30 {strides = array<i32>} : memref<1x8448x256xf32, #tpu.memory_space<vmem>>, vector<1x900x256xf32>,
    %get3A_31 = arith.constant 0 : index
    %get3A_32 = arith.constant 0 : index
    %get3A_33 = arith.constant 0 : index
    %get3A_34 = vector.load %arg5[%get3A_31, %get3A_32, %get3A_33] : memref<1x1100x256xf32, #tpu.memory_space<vmem>>, vector<1x1100x256xf32>
    %get3A_35 = vector.shape_cast %get3A_34 : vector<1x1100x256xf32> to vector<1100x256xf32>
    %swap3A_36 = arith.constant 0 : index
    %swap3A_37 = arith.constant 2900 : index
    %swap3A_38 = arith.constant 0 : index
    %swap3A_39 = vector.load %arg8[%swap3A_36, %swap3A_37, %swap3A_38] : memref<1x8448x256xf32, #tpu.memory_space<vmem>>, vector<1x1100x256xf32>
    %swap3A_40 = vector.shape_cast %swap3A_39 : vector<1x1100x256xf32> to vector<1100x256xf32>
    %swap3A_41 = vector.shape_cast %get3A_35 : vector<1100x256xf32> to vector<1x1100x256xf32>
    tpu.vector_store %arg8[%swap3A_36, %swap3A_37, %swap3A_38], %swap3A_41 {strides = array<i32>} : memref<1x8448x256xf32, #tpu.memory_space<vmem>>, vector<1x1100x256xf32>,
    %get3A_42 = arith.constant 0 : index
    %get3A_43 = arith.constant 0 : index
    %get3A_44 = arith.constant 0 : index
    %get3A_45 = vector.load %arg2[%get3A_42, %get3A_43, %get3A_44] : memref<1x2100x256xf32, #tpu.memory_space<vmem>>, vector<1x2100x256xf32>
    %get3A_46 = vector.shape_cast %get3A_45 : vector<1x2100x256xf32> to vector<2100x256xf32>
    %swap3A_47 = arith.constant 0 : index
    %swap3A_48 = arith.constant 4000 : index
    %swap3A_49 = arith.constant 0 : index
    %swap3A_50 = vector.load %arg8[%swap3A_47, %swap3A_48, %swap3A_49] : memref<1x8448x256xf32, #tpu.memory_space<vmem>>, vector<1x2100x256xf32>
    %swap3A_51 = vector.shape_cast %swap3A_50 : vector<1x2100x256xf32> to vector<2100x256xf32>
    %swap3A_52 = vector.shape_cast %get3A_46 : vector<2100x256xf32> to vector<1x2100x256xf32>
    tpu.vector_store %arg8[%swap3A_47, %swap3A_48, %swap3A_49], %swap3A_52 {strides = array<i32>} : memref<1x8448x256xf32, #tpu.memory_space<vmem>>, vector<1x2100x256xf32>,
    %get3A_53 = arith.constant 0 : index
    %get3A_54 = arith.constant 0 : index
    %get3A_55 = arith.constant 0 : index
    %get3A_56 = vector.load %arg6[%get3A_53, %get3A_54, %get3A_55] : memref<1x300x256xf32, #tpu.memory_space<vmem>>, vector<1x300x256xf32>
    %get3A_57 = vector.shape_cast %get3A_56 : vector<1x300x256xf32> to vector<300x256xf32>
    %swap3A_58 = arith.constant 0 : index
    %swap3A_59 = arith.constant 6100 : index
    %swap3A_60 = arith.constant 0 : index
    %swap3A_61 = vector.load %arg8[%swap3A_58, %swap3A_59, %swap3A_60] : memref<1x8448x256xf32, #tpu.memory_space<vmem>>, vector<1x300x256xf32>
    %swap3A_62 = vector.shape_cast %swap3A_61 : vector<1x300x256xf32> to vector<300x256xf32>
    %swap3A_63 = vector.shape_cast %get3A_57 : vector<300x256xf32> to vector<1x300x256xf32>
    tpu.vector_store %arg8[%swap3A_58, %swap3A_59, %swap3A_60], %swap3A_63 {strides = array<i32>} : memref<1x8448x256xf32, #tpu.memory_space<vmem>>, vector<1x300x256xf32>,
    %get3A_64 = arith.constant 0 : index
    %get3A_65 = arith.constant 0 : index
    %get3A_66 = arith.constant 0 : index
    %get3A_67 = vector.load %arg3[%get3A_64, %get3A_65, %get3A_66] : memref<1x1100x256xf32, #tpu.memory_space<vmem>>, vector<1x1100x256xf32>
    %get3A_68 = vector.shape_cast %get3A_67 : vector<1x1100x256xf32> to vector<1100x256xf32>
    %swap3A_69 = arith.constant 0 : index
    %swap3A_70 = arith.constant 6400 : index
    %swap3A_71 = arith.constant 0 : index
    %swap3A_72 = vector.load %arg8[%swap3A_69, %swap3A_70, %swap3A_71] : memref<1x8448x256xf32, #tpu.memory_space<vmem>>, vector<1x1100x256xf32>
    %swap3A_73 = vector.shape_cast %swap3A_72 : vector<1x1100x256xf32> to vector<1100x256xf32>
    %swap3A_74 = vector.shape_cast %get3A_68 : vector<1100x256xf32> to vector<1x1100x256xf32>
    tpu.vector_store %arg8[%swap3A_69, %swap3A_70, %swap3A_71], %swap3A_74 {strides = array<i32>} : memref<1x8448x256xf32, #tpu.memory_space<vmem>>, vector<1x1100x256xf32>,
    %get3A_75 = arith.constant 0 : index
    %get3A_76 = arith.constant 0 : index
    %get3A_77 = arith.constant 0 : index
    %get3A_78 = vector.load %arg7[%get3A_75, %get3A_76, %get3A_77] : memref<1x900x256xf32, #tpu.memory_space<vmem>>, vector<1x900x256xf32>
    %get3A_79 = vector.shape_cast %get3A_78 : vector<1x900x256xf32> to vector<900x256xf32>
    %swap3A_80 = arith.constant 0 : index
    %swap3A_81 = arith.constant 7500 : index
    %swap3A_82 = arith.constant 0 : index
    %swap3A_83 = vector.load %arg8[%swap3A_80, %swap3A_81, %swap3A_82] : memref<1x8448x256xf32, #tpu.memory_space<vmem>>, vector<1x900x256xf32>
    %swap3A_84 = vector.shape_cast %swap3A_83 : vector<1x900x256xf32> to vector<900x256xf32>
    %swap3A_85 = vector.shape_cast %get3A_79 : vector<900x256xf32> to vector<1x900x256xf32>
    tpu.vector_store %arg8[%swap3A_80, %swap3A_81, %swap3A_82], %swap3A_85 {strides = array<i32>} : memref<1x8448x256xf32, #tpu.memory_space<vmem>>, vector<1x900x256xf32>,
    %broadcast_in_dim3A = arith.constant 0.000000e+00 : f32
    %broadcast_in_dim3A_86 = vector.broadcast %broadcast_in_dim3A : f32 to vector<48x256xf32>
    %swap3A_87 = arith.constant 0 : index
    %swap3A_88 = arith.constant 8400 : index
    %swap3A_89 = arith.constant 0 : index
    %swap3A_90 = vector.load %arg8[%swap3A_87, %swap3A_88, %swap3A_89] : memref<1x8448x256xf32, #tpu.memory_space<vmem>>, vector<1x48x256xf32>
    %swap3A_91 = vector.shape_cast %swap3A_90 : vector<1x48x256xf32> to vector<48x256xf32>
    %swap3A_92 = vector.shape_cast %broadcast_in_dim3A_86 : vector<48x256xf32> to vector<1x48x256xf32>
    tpu.vector_store %arg8[%swap3A_87, %swap3A_88, %swap3A_89], %swap3A_92 {strides = array<i32>} : memref<1x8448x256xf32, #tpu.memory_space<vmem>>, vector<1x48x256xf32>,
    return
  }
}

</mosaic_0001>

<sc_bundles>
// kernel: kernel.5.cloned.1.call-start
scs
__scs_entry_jumppad:
0x0: {  	(pc) =	sbr.rel $0x88, $3  }
0x1: {  	(tag) =	ssettag $0x0;
	lr =	simm.s32 $0x1  }
0x2: {  	[smem:$0x3F99] =	sst lr;
	_ =	strace $0xD0000000  }
0x3: {  	_ = 	snop  }
0x4: {  	_ = 	snop  }
0x5: {  	_ = 	snop  }
0x6: {  	_ = 	snop  }
0x7: {  	_ = 	snop  }
__scs_overlays_trampoline_lowered:
0x8: {  	[smem:$0x3FA8] =	sst s0  }
0x9: {  	[smem:$0x3FA9] =	sst s1  }
0xa: {  	[smem:$0x3FAA] =	sst s2  }
0xb: {  	[smem:$0x3FAB] =	sst s3  }
0xc: {  	[smem:$0x3FAC] =	sst s4  }
0xd: {  	[smem:$0x3FAD] =	sst s5  }
0xe: {  	[smem:$0x3FAE] =	sst s6  }
0xf: {  	[smem:$0x3FAF] =	sst s7  }
0x10: {  	[smem:$0x3FB0] =	sst s8  }
0x11: {  	[smem:$0x3FB1] =	sst s9;
	s0 =	simm.s32 @!p0 $0x0  }
0x12: {  	s1 =	sld [smem:$0x3F97];
	s0 =	simm.s32 @p0 $0x1  }
0x13: {  	[smem:$0x3FB2] =	sst s0;
	s0 =	simm.s32 @!p1 $0x0  }
0x14: {  	s2 =	sld [smem:$0x3F96];
	s0 =	simm.s32 @p1 $0x1  }
0x15: {  	[smem:$0x3FB3] =	sst s0;
	s0 =	simm.s32 @!p2 $0x0  }
0x16: {  	s3 =	sld [smem:$0x3FDB];
	s0 =	simm.s32 @p2 $0x1  }
0x17: {  	s4 =	simm.s32 $0x1BF5;
	[smem:$0x3FB5] =	sst s0  }
0x18: {  	s0 =	sld [smem:$0x3F98];
	_ =	swait.ge [sflag:s4], $0x0  }
0x19: {  	s7 =	sld [smem:$0x3F99]  }
0x1a: {  	s8 =	sadd.s32 $0xFFFFE003, lr  }
0x1b: {  	s9 =	sadd.s32 $0xFFFFFEF7, lr;
	s5 =	simm.s32 $0xFFFFFFFF;
	p2 =	slt.u32 s8, $0xFFFFF086  }
0x1c: {  	p1 =	slt.u32 s9, $0xF7A;
	s5 =	simm.s32 @!p2 $0x0  }
0x1d: {  	s5 =	simm.s32 @p1 $0x1;
	p0 =	seq.s32 s7, s2  }
0x1e: {  	s7 =	smul.u32 @!p0 $0xF7A, s2;
	p2 =	seq.s32 @!p0 s5, $0x0  }
0x1f: {  	s9 =	smul.u32 $0xF7A, s1;
	s8 =	simm.s32 @!p0 $0x1BF5;
	p2 =	por !p2, p0  }
0x20: {  	[sflag:s8] =	ssyncset.s32 @!p0 $0xFFFFF086;
	s6 =	sadd.s32 @!p0 s3, s7;
	s7 =	simm.s32 @!p0 $0x108  }
0x21: {  	s3 =	sadd.s32 s3, s9;
	s6 =	sadd.s32 @!p0 $0x88, s6;
	s7 =	simm.s32 @p2 $0x1082  }
0x22: {  	[simem:s7], [sflag:s8] =	dma.local @!p0 [hbm:s6], $0xF7A  }
0x23: {  	s9 =	sor.u32 $0xD0000000, s2;
	s6 =	simm.s32 $0x108;
	_ =	swait.ge @!p0 [sflag:s8], $0x0  }
0x24: {  	s3 =	sadd.s32 $0x88, s3;
	s6 =	simm.s32 @!p1 $0x1082;
	[sflag:s4] =	ssyncset.s32 $0xFFFFF086  }
0x25: {  	[simem:s6], [sflag:s4] =	dma.local [hbm:s3], $0xF7A  }
0x26: {  	[smem:$0x3F99] =	sst s1;
	(tag) =	ssettag s2;
	_ =	strace s9  }
0x27: {  	s1 =	sld [smem:$0x3FA9]  }
0x28: {  	s2 =	sld [smem:$0x3FAA]  }
0x29: {  	s4 =	sld [smem:$0x3FAC]  }
0x2a: {  	p0 =	seq.s32 s5, $0x0;
	s5 =	sld [smem:$0x3FAD]  }
0x2b: {  	s6 =	sld [smem:$0x3FAE]  }
0x2c: {  	s7 =	sld [smem:$0x3FAF]  }
0x2d: {  	s3 =	simm.s32 $0x108;
	s8 =	sld [smem:$0x3FB0]  }
0x2e: {  	s3 =	simm.s32 @!p0 $0x1082;
	s9 =	sld [smem:$0x3FB1]  }
0x2f: {  	lr =	sadd.s32 s0, s3;
	s0 =	sld [smem:$0x3FA8]  }
0x30: {  	s3 =	sld [smem:$0x3FAB]  }
0x31: {  	[smem:$0x3FB4] =	sst s10  }
0x32: {  	s10 =	sld [smem:$0x3FB2];
	_ =	sdelay $0x3  }
0x33: {  	p0 =	seq.s32 s10, $0x1;
	s10 =	sld [smem:$0x3FB4];
	_ =	sdelay $0x3  }
0x34: {  	[smem:$0x3FB4] =	sst s10  }
0x35: {  	s10 =	sld [smem:$0x3FB3];
	_ =	sdelay $0x3  }
0x36: {  	p1 =	seq.s32 s10, $0x1;
	s10 =	sld [smem:$0x3FB4];
	_ =	sdelay $0x3  }
0x37: {  	[smem:$0x3FB4] =	sst s10  }
0x38: {  	s10 =	sld [smem:$0x3FB5]  }
0x39: {  	_ = 	snop;
	(pc) =	sbr.ind lr, $3  }
0x3a: {  	_ = 	snop  }
0x3b: {  	_ = 	snop  }
0x3c: {  	p2 =	seq.s32 s10, $0x1;
	s10 =	sld [smem:$0x3FB4]  }
0x3d: {  	_ =	shalt  }
0x3e: {  	_ =	shalt  }
0x3f: {  	_ =	shalt  }
0x40: {  	_ =	shalt  }
0x41: {  	_ =	shalt  }
0x42: {  	_ =	shalt  }
0x43: {  	_ =	shalt  }
0x44: {  	_ =	shalt  }
0x45: {  	_ =	shalt  }
0x46: {  	_ =	shalt  }
0x47: {  	_ =	shalt  }
0x48: {  	_ =	shalt  }
0x49: {  	_ =	shalt  }
0x4a: {  	_ =	shalt  }
0x4b: {  	_ =	shalt  }
0x4c: {  	_ =	shalt  }
0x4d: {  	_ =	shalt  }
0x4e: {  	_ =	shalt  }
0x4f: {  	_ =	shalt  }
0x50: {  	_ =	shalt  }
0x51: {  	_ =	shalt  }
0x52: {  	_ =	shalt  }
0x53: {  	_ =	shalt  }
0x54: {  	_ =	shalt  }
0x55: {  	_ =	shalt  }
0x56: {  	_ =	shalt  }
0x57: {  	_ =	shalt  }
0x58: {  	_ =	shalt  }
0x59: {  	_ =	shalt  }
0x5a: {  	_ =	shalt  }
0x5b: {  	_ =	shalt  }
0x5c: {  	_ =	shalt  }
0x5d: {  	_ =	shalt  }
0x5e: {  	_ =	shalt  }
0x5f: {  	_ =	shalt  }
0x60: {  	_ =	shalt  }
0x61: {  	_ =	shalt  }
0x62: {  	_ =	shalt  }
0x63: {  	_ =	shalt  }
0x64: {  	_ =	shalt  }
0x65: {  	_ =	shalt  }
0x66: {  	_ =	shalt  }
0x67: {  	_ =	shalt  }
0x68: {  	_ =	shalt  }
0x69: {  	_ =	shalt  }
0x6a: {  	_ =	shalt  }
0x6b: {  	_ =	shalt  }
0x6c: {  	_ =	shalt  }
0x6d: {  	_ =	shalt  }
0x6e: {  	_ =	shalt  }
0x6f: {  	_ =	shalt  }
0x70: {  	_ =	shalt  }
0x71: {  	_ =	shalt  }
0x72: {  	_ =	shalt  }
0x73: {  	_ =	shalt  }
0x74: {  	_ =	shalt  }
0x75: {  	_ =	shalt  }
0x76: {  	_ =	shalt  }
0x77: {  	_ =	shalt  }
0x78: {  	_ =	shalt  }
0x79: {  	_ =	shalt  }
0x7a: {  	_ =	shalt  }
0x7b: {  	_ =	shalt  }
0x7c: {  	_ =	shalt  }
0x7d: {  	_ =	shalt  }
0x7e: {  	_ =	shalt  }
0x7f: {  	_ =	shalt  }
0x80: {  	_ =	shalt  }
0x81: {  	_ =	shalt  }
0x82: {  	_ =	shalt  }
0x83: {  	_ =	shalt  }
0x84: {  	_ =	shalt  }
0x85: {  	_ =	shalt  }
0x86: {  	_ =	shalt  }
0x87: {  	_ =	shalt  }
.Lfunc_end0:
.L_simem_size_0:
called_computation_lowered:
.L_overlay_start_0:
0x88: {  	s2 =	sld [smem:$0x3FD9]  }
0x89: {  	s3 =	sld [smem:$0x3FFE];
	_ =	sdelay $0x1  }
0x8a: {  	s1 =	srdreg.scid  }
0x8b: {  	s0 =	sand.u32 $0x1, s1  }
0x8c: {  	s14 =	sshll.u32 s0, $0xA;
	s2 =	sadd.s32 s3, s2  }
0x8d: {  	s2 =	sadd.s32 s2, s14  }
0x8e: {  	[smem:$0x3FC0] =	sst s2  }
0x8f: {  	_ = 	snop  }
0x90: {  	s2 =	sld [smem:$0x3FD0];
	_ =	sdelay $0x2  }
0x91: {  	s15 =	simm.s32 $0xA;
	s4 =	simm.s32 $0x10  }
0x92: {  	[smem:s4], [sflag:s15] =	dma.local [hbm:s2], $0x1  }
0x93: {  	_ =	swait.eq [sflag:s15], $0x1  }
0x94: {  	[sflag:s15] =	ssyncset.done $0x0  }
0x95: {  	[sflag:s15] =	ssyncadd.s32 $0xFFFFFFFF  }
0x96: {  	s16 =	sld [smem:$0x11];
	(tm) =	ssettm $0x1  }
0x97: {  	s17 =	sld [smem:$0x3FFB];
	_ =	sdelay $0x3  }
0x98: {  	_ =	strace s17  }
0x99: {  	s3 =	sld [smem:$0x3FFC];
	_ =	sdelay $0x3  }
0x9a: {  	_ =	strace s3  }
0x9b: {  	s3 =	sld [smem:$0x3FFD];
	_ =	sdelay $0x3  }
0x9c: {  	_ =	strace s3  }
0x9d: {  	_ =	strace $0x8FFFFFFF  }
0x9e: {  	s18 =	sld [smem:$0x3FDB];
	_ =	sdelay $0x1  }
0x9f: {  	s19 =	simm.s32 $_scs_section_size  }
0xa0: {  	s5 =	simm.s32 $_size__tile_overlayer_lowered;
	s6 =	simm.s32 $_tile_overlayer_lowered  }
0xa1: {  	s22 =	simm.s32 $0x1BFF;
	s21 =	sshll.u32 s6, $0x1;
	s3 =	sadd.s32 s19, s18  }
0xa2: {  	s7 =	simm.s32 $0x0;
	s20 =	sshll.u32 s5, $0x1;
	s5 =	sadd.s32 s21, s3  }
0xa3: {  	[timem:s7], [sflag:s22] =	dma.local [hbm:s5], s20  }
0xa4: {  	_ =	swait.ge [sflag:s22], s20  }
0xa5: {  	s4 =	ssub.s32 $0x0, s20;
	[sflag:s22] =	ssyncset.done $0x0  }
0xa6: {  	[sflag:s22] =	ssyncadd.s32 s4;
	_ =	sdelay $0x1  }
0xa7: {  	s23 =	simm.s32 $0x1B8B  }
0xa8: {  	_ =	swait.ge [sflag:s23], $0x1  }
0xa9: {  	[sflag:s23] =	ssyncset.done $0x0  }
0xaa: {  	s25 =	simm.s32 $0x1B8E;
	s24 =	sld [smem:$0x3FFE];
	[sflag:s23] =	ssyncadd.s32 $0xFFFFFFFF  }
0xab: {  	s26 =	simm.s32 $execute0_lowered;
	[smem:$0x3FD2] =	sst s25  }
0xac: {  	s5 =	sshll.u32 s26, $0x1;
	_ =	strace $0x80000046;
	[dreg:$0x1] =	wrdreg $0xFFFFFFFF  }
0xad: {  	s28 =	simm.s32 $_size_execute0_lowered;
	s3 =	sadd.s32 s3, s5;
	[dreg:$0x0] =	wrdreg $0x0  }
0xae: {  	s5 =	sshll.u32 s28, $0x1;
	[dreg:$0x2] =	wrdreg s3  }
0xaf: {  	[dreg:$0x3] =	wrdreg s5  }
0xb0: {  	[dreg:$0x4] =	wrdreg $0xC0  }
0xb1: {  	_ =	task [dreg:s7], $0x5FFFF  }
0xb2: {  	[dreg:$0x1] =	wrdreg $0xFFFFFFFF  }
0xb3: {  	[dreg:$0x0] =	wrdreg $0x60  }
0xb4: {  	[dreg:$0x2] =	wrdreg s16  }
0xb5: {  	[dreg:$0x3] =	wrdreg s24  }
0xb6: {  	[dreg:$0x4] =	wrdreg $0x9  }
0xb7: {  	_ =	task.clear_ibuf [dreg:s7], $0x5FFFF;
	_ =	strace $0x90000046  }
0xb8: {  	s29 =	simm.s32 $0x9;
	_ =	strace $0x80000048  }
0xb9: {  	_ =	swait.ge [sflag:s29], $0x1  }
0xba: {  	[sflag:s29] =	ssyncadd.s32 $0xFFFFFFFF  }
0xbb: {  	_ =	strace $0x90000048  }
0xbc: {  	_ =	sfence  }
0xbd: {  	s30 =	sld [smem:$0x0];
	_ =	sdelay $0x2  }
0xbe: {  	s31 =	sshll.u32 s1, $0xD;
	s1 =	sshrl.u32 s1, $0x2  }
0xbf: {  	s3 =	sand.u32 $0x4000, s31;
	s1 =	sadd.s32 s1, s30  }
0xc0: {  	s0 =	sor.u32 s3, s0;
	s1 =	sshll.u32 s1, $0x11  }
0xc1: {  	s0 =	sor.u32 s1, s0  }
0xc2: {  	s0 =	sadd.s32 $0x8F2B, s0  }
0xc3: {  	[sflag:s0] =	ssyncadd.remote.s32 $0x1  }
0xc4: {  	_ =	sfence.sel $0xFFFF  }
0xc5: {  	[dreg:$0x0] =	wrdreg $0xFFFFFFFF;
	(pc) =	sbr.abs _section_cstart, $3  }
0xc6: {  	[dreg:$0x1] =	wrdreg $0xFFFFFFFF  }
0xc7: {  	_ =	task.clear_ibuf [dreg:s7], $0x2FFFF;
	_ =	strace $0x9FFFFFFF  }
0xc8: {  	(tm) =	ssettm $0x7FFFFFFF  }
0xc9: {  	_ =	shalt  }
tec
execute0_lowered:
.L_overlay_start_1:
0x0: {  	(tag) =	ssettag $0x1  }
0x1: {  	s1 =	rddreg [dreg:$0x0]  }
0x2: {  	s8 =	rddreg [dreg:$0x1]  }
0x3: {  	s31 =	rddreg [dreg:$0x2]  }
0x4: {  	s0 =	srdreg.scid;
	s10 =	stileid.u32  }
0x5: {  	s4 =	simm.s32 $0x1;
	s2 =	simm.s32 $0x1;
	s3 =	simm.s32 $0x0  }
0x6: {  	s5 =	simm.s32 $0x1;
	s6 =	simm.s32 $0x1;
	s29 =	simm.s32 $0x8400  }
0x7: {  	s7 =	sand.u32 $0x1, s0;
	s12 =	sshll.u32 s10, $0x1;
	p1 =	sgt.u32 s10, $0x3  }
0x8: {  	p0 =	sgt.u32 s10, $0x7;
	[smem:$0x7FF] =	sst s3;
	s24 =	sadd.s32 $0x1440, s8  }
0x9: {  	s9 =	sor.u32 s7, s12;
	s4 =	simm.s32 @!p1 $0x0;
	s2 =	simm.s32 @!p0 $0x0  }
0xa: {  	s13 =	sadd.s32 s2, s4;
	p1 =	sgt.u32 s9, $0x18;
	s2 =	simm.s32 $0x1  }
0xb: {  	_ =	strace $0x80000047;
	p2 =	sgt.u32 s9, $0x6;
	s2 =	simm.s32 @!p1 $0x0  }
0xc: {  	s5 =	simm.s32 @!p2 $0x0;
	p1 =	sgt.u32 s9, $0xE;
	p2 =	sgt.u32 s10, $0xB  }
0xd: {  	s10 =	simm.s32 $0x1;
	s0 =	sadd.s32 s2, s13;
	s6 =	simm.s32 @!p1 $0x0  }
0xe: {  	s10 =	simm.s32 @!p2 $0x0;
	p2 =	seq.s32 s9, $0x1F;
	s2 =	simm.s32 $0x1  }
0xf: {  	s6 =	sadd.s32 s10, s6;
	s14 =	sshrl.u32 s0, $0x1;
	s2 =	simm.s32 @!p2 $0x0  }
0x10: {  	s11 =	sshll.u32 s0, $0x9;
	s5 =	sadd.s32 s5, s6;
	s10 =	smul.u32 $0x10800, s14  }
0x11: {  	s7 =	ssub.s32 $0x2, s7;
	s15 =	sand.u32 $0x200, s11;
	s12 =	sadd.s32 s2, s5  }
0x12: {  	s4 =	sadd.s32 s4, s6;
	s16 =	sshrl.u32 s12, $0x1;
	s2 =	sor.u32 s15, s10  }
0x13: {  	s18 =	sshll.u32 s12, $0x9;
	s15 =	smul.u32 $0x108, s9;
	s2 =	sshrl.u32 s2, $0x3  }
0x14: {  	s17 =	smul.u32 $0x10800, s16;
	s19 =	sand.u32 $0x200, s18;
	s2 =	sadd.s32 s1, s2  }
0x15: {  	s21 =	sshrl.u32 s15, $0x3;
	s22 =	sadd.s32 $0x8, s15;
	s16 =	sadd.s32 $0x28, s15  }
0x16: {  	s9 =	sor.u32 s19, s17;
	[dreg:$0x3] =	wrdreg s2;
	s21 =	smul.u32 $0x2100, s21  }
0x17: {  	s2 =	sadd.s32 $0x1400, s8;
	s23 =	sshrl.u32 s22, $0x3;
	s20 =	sshrl.u32 s9, $0x3  }
0x18: {  	s22 =	sadd.s32 $0x38, s15;
	s9 =	sadd.s32 $0x18, s15;
	s1 =	sadd.s32 s1, s20  }
0x19: {  	s25 =	sadd.s32 s2, s21;
	s8 =	sadd.s32 s21, s24;
	[dreg:$0x4] =	wrdreg s1  }
0x1a: {  	s10 =	sadd.s32 $0x4200, s21;
	s17 =	sadd.s32 $0x8400, s21;
	[dreg:$0x5] =	wrdreg s25  }
0x1b: {  	s1 =	smul.u32 $0x2100, s23;
	[dreg:$0x6] =	wrdreg s8;
	s11 =	sadd.s32 s2, s10  }
0x1c: {  	s8 =	sshrl.u32 s9, $0x3;
	s13 =	sadd.s32 s10, s24;
	[dreg:$0x9] =	wrdreg s11  }
0x1d: {  	s18 =	sadd.s32 s2, s17;
	s19 =	sadd.s32 s17, s24;
	[dreg:$0xa] =	wrdreg s13  }
0x1e: {  	s23 =	sadd.s32 $0xC600, s21;
	s10 =	sadd.s32 $0x48, s15;
	[dreg:$0xd] =	wrdreg s18  }
0x1f: {  	s17 =	sadd.s32 $0x58, s15;
	[dreg:$0xe] =	wrdreg s19;
	s25 =	sadd.s32 s2, s23  }
0x20: {  	s8 =	smul.u32 $0x2100, s8;
	s26 =	sadd.s32 s2, s1;
	[dreg:$0x11] =	wrdreg s25  }
0x21: {  	s11 =	sadd.s32 $0x10800, s21;
	s1 =	sadd.s32 s1, s24;
	[dreg:$0x7] =	wrdreg s26  }
0x22: {  	s18 =	sadd.s32 $0x14A00, s21;
	s13 =	sadd.s32 s2, s11;
	[dreg:$0x8] =	wrdreg s1  }
0x23: {  	s19 =	sadd.s32 s2, s18;
	s25 =	sadd.s32 $0x18C00, s21;
	[dreg:$0x15] =	wrdreg s13  }
0x24: {  	s14 =	sadd.s32 s2, s8;
	s8 =	sadd.s32 s8, s24;
	[dreg:$0x19] =	wrdreg s19  }
0x25: {  	s1 =	sshrl.u32 s16, $0x3;
	s26 =	sadd.s32 s23, s24;
	[dreg:$0xb] =	wrdreg s14  }
0x26: {  	s23 =	sadd.s32 $0x68, s15;
	s13 =	sadd.s32 $0x78, s15;
	[dreg:$0xc] =	wrdreg s8  }
0x27: {  	s1 =	smul.u32 $0x2100, s1;
	[dreg:$0x12] =	wrdreg s26;
	s14 =	sadd.s32 s11, s24  }
0x28: {  	s8 =	sshrl.u32 s22, $0x3;
	s26 =	sadd.s32 s2, s25;
	[dreg:$0x16] =	wrdreg s14  }
0x29: {  	s8 =	smul.u32 $0x2100, s8;
	[dreg:$0x1d] =	wrdreg s26;
	s20 =	sadd.s32 s2, s1  }
0x2a: {  	s19 =	sadd.s32 $0x88, s15;
	s1 =	sadd.s32 s1, s24;
	[dreg:$0xf] =	wrdreg s20  }
0x2b: {  	s14 =	sadd.s32 $0x1CE00, s21;
	[dreg:$0x10] =	wrdreg s1;
	s9 =	sadd.s32 s2, s8  }
0x2c: {  	s8 =	sadd.s32 s8, s24;
	s1 =	sshrl.u32 s10, $0x3;
	[dreg:$0x13] =	wrdreg s9  }
0x2d: {  	s20 =	sadd.s32 s18, s24;
	s10 =	sadd.s32 s25, s24;
	[dreg:$0x14] =	wrdreg s8  }
0x2e: {  	s1 =	smul.u32 $0x2100, s1;
	s8 =	sshrl.u32 s17, $0x3;
	[dreg:$0x1a] =	wrdreg s20  }
0x2f: {  	[dreg:$0x1e] =	wrdreg s10;
	s17 =	sadd.s32 s14, s24;
	s20 =	sadd.s32 $0x21000, s21  }
0x30: {  	s9 =	sadd.s32 $0x98, s15;
	[smem:$0x7EB] =	sst s17;
	s25 =	sadd.s32 s20, s24  }
0x31: {  	s8 =	smul.u32 $0x2100, s8;
	s16 =	sadd.s32 s2, s1;
	[smem:$0x7EF] =	sst s25  }
0x32: {  	s10 =	sadd.s32 $0x25200, s21;
	s1 =	sadd.s32 s1, s24;
	[dreg:$0x17] =	wrdreg s16  }
0x33: {  	s25 =	sadd.s32 $0x2D600, s21;
	[dreg:$0x18] =	wrdreg s1;
	s22 =	sadd.s32 s2, s8  }
0x34: {  	s8 =	sadd.s32 s8, s24;
	s1 =	sshrl.u32 s23, $0x3;
	s16 =	sadd.s32 s2, s14  }
0x35: {  	s23 =	sshrl.u32 s7, $0x1;
	s6 =	sadd.s32 s25, s24;
	[dreg:$0x1b] =	wrdreg s22  }
0x36: {  	[dreg:$0x1c] =	wrdreg s8;
	s1 =	smul.u32 $0x2100, s1;
	s8 =	sshrl.u32 s13, $0x3  }
0x37: {  	[smem:$0x7EA] =	sst s16;
	s22 =	sadd.s32 s2, s20;
	s26 =	ssub.s32 s7, s23  }
0x38: {  	s7 =	sshrl.u32 s9, $0x3;
	s13 =	sadd.s32 s10, s24;
	[smem:$0x7EE] =	sst s22  }
0x39: {  	s16 =	sadd.s32 $0xA8, s15;
	[smem:$0x7F3] =	sst s13;
	s11 =	sadd.s32 s2, s1  }
0x3a: {  	s8 =	smul.u32 $0x2100, s8;
	s1 =	sadd.s32 s1, s24;
	[dreg:$0x1f] =	wrdreg s11  }
0x3b: {  	s7 =	smul.u32 $0x2100, s7;
	s26 =	smax.u32 s26, $0x1;
	[smem:$0x7E9] =	sst s1  }
0x3c: {  	s18 =	sadd.s32 s2, s8;
	s8 =	sadd.s32 s8, s24;
	s1 =	sshrl.u32 s19, $0x3  }
0x3d: {  	s11 =	sadd.s32 s2, s10;
	s14 =	sadd.s32 s2, s7;
	[smem:$0x7EC] =	sst s18  }
0x3e: {  	s17 =	sadd.s32 s7, s24;
	s19 =	sadd.s32 $0x29400, s21;
	[smem:$0x7ED] =	sst s8  }
0x3f: {  	s7 =	sadd.s32 s2, s25;
	s10 =	sadd.s32 $0xC8, s15;
	[smem:$0x7F2] =	sst s11  }
0x40: {  	s25 =	sadd.s32 $0x42000, s21;
	s1 =	smul.u32 $0x2100, s1;
	[smem:$0x7F4] =	sst s14  }
0x41: {  	s18 =	simm.s32 $0x0;
	[smem:$0x7F5] =	sst s17;
	s20 =	sadd.s32 s2, s19  }
0x42: {  	s22 =	sadd.s32 s19, s24;
	[smem:$0x7FA] =	sst s7;
	s11 =	sshrl.u32 s10, $0x3  }
0x43: {  	s14 =	sadd.s32 $0x31800, s21;
	s17 =	sadd.s32 $0xD8, s15;
	s19 =	sadd.s32 $0x35A00, s21  }
0x44: {  	s18 =	simm.s32 @!p0 $0x8400;
	p0 =	sgt.u32 s4, s0;
	[smem:$0x7F6] =	sst s20  }
0x45: {  	s4 =	simm.s32 $0x8400;
	[smem:$0x7F7] =	sst s22;
	s7 =	sadd.s32 s14, s24  }
0x46: {  	s10 =	sadd.s32 s2, s19;
	s8 =	sadd.s32 s2, s1;
	s1 =	sadd.s32 s1, s24  }
0x47: {  	s22 =	sadd.s32 $0xF8, s15;
	[smem:$0x7F1] =	sst s1;
	s1 =	sshrl.u32 s16, $0x3  }
0x48: {  	s18 =	simm.s32 @!p1 $0x0;
	s4 =	simm.s32 @!p0 $0x0;
	s1 =	smul.u32 $0x2100, s1  }
0x49: {  	[smem:$0x7F0] =	sst s8;
	s8 =	sadd.s32 $0xB8, s15;
	s16 =	smul.u32 $0x2100, s11  }
0x4a: {  	s9 =	sshrl.u32 s8, $0x3;
	s23 =	sadd.s32 s2, s1;
	s1 =	sadd.s32 s1, s24  }
0x4b: {  	p0 =	sgt.u32 s5, s0;
	[smem:$0x7F9] =	sst s1;
	s1 =	smul.u32 $0x2100, s9  }
0x4c: {  	p1 =	sgt.u32 s12, s0;
	s11 =	sadd.s32 s19, s24;
	s8 =	sadd.s32 s2, s16  }
0x4d: {  	s13 =	sadd.s32 s2, s1;
	s5 =	sadd.s32 s1, s24;
	s1 =	sshrl.u32 s17, $0x3  }
0x4e: {  	[smem:$0x7F8] =	sst s23;
	s9 =	sadd.s32 s16, s24;
	s1 =	smul.u32 $0x2100, s1  }
0x4f: {  	s16 =	sadd.s32 $0x39C00, s21;
	[smem:$0x7FC] =	sst s13;
	s13 =	sadd.s32 $0xE8, s15  }
0x50: {  	s23 =	sadd.s32 $0x3DE00, s21;
	s20 =	sshrl.u32 s13, $0x3;
	s12 =	sadd.s32 s2, s1  }
0x51: {  	s0 =	smul.u32 $0x2100, s20;
	s13 =	sadd.s32 s1, s24;
	s1 =	sshrl.u32 s22, $0x3  }
0x52: {  	s19 =	sadd.s32 s2, s23;
	s15 =	sadd.s32 s16, s24;
	s1 =	smul.u32 $0x2100, s1  }
0x53: {  	s20 =	sadd.s32 s23, s24;
	s23 =	sadd.s32 s2, s25;
	s17 =	sadd.s32 s0, s24  }
0x54: {  	s22 =	sadd.s32 s1, s24;
	s24 =	sadd.s32 s25, s24;
	s25 =	simm.s32 $0x8400  }
0x55: {  	s28 =	simm.s32 $0x400;
	s25 =	simm.s32 @!p1 $0x0;
	p1 =	sne.s32 s26, $0x1  }
.Ltmp0:
0x56: {  	s30 =	simm.s32 $0x2;
	[smem:$0x7FB] =	sst s6;
	(pc) =	sbr.rel @!p1 .LBB2_5-.Ltmp0, $4  }
0x57: {  	s6 =	sadd.s32 s2, s14;
	s29 =	simm.s32 @!p0 $0x0;
	p0 =	por $0x0, $0x0  }
0x58: {  	s14 =	sadd.s32 s2, s16;
	s16 =	sadd.s32 s2, s0;
	s0 =	sadd.s32 $0xFFFFFFFF, s26  }
0x59: {  	s21 =	sadd.s32 s2, s1;
	[smem:$0x7FD] =	sst s0;
	s2 =	simm.s32 $0x1  }
0x5a: {  	s0 =	simm.s32 $0x8400;
	s1 =	rddreg [dreg:$0x3];
	s26 =	simm.s32 $0x200  }
0x5b: {  	[tilespmem:s3], [sflag:$0x2] =	stream.strided.gather [hbm4b:s1+s26], $0x8400, s28, s26, $0x38;
	[tilespmem:$0x10800] =	vst v63  }
0x5c: {  	_ =	swait.ge [sflag:s30], $0x8400  }
0x5d: {  	[sflag:s30] =	ssyncset.done $0x0  }
0x5e: {  	s31 =	rddreg [dreg:$0x4];
	[sflag:s30] =	ssyncadd.s32 $0xFFFF7C00  }
0x5f: {  	[tilespmem:s0], [sflag:$0x2] =	stream.strided.gather [hbm4b:s31+s26], $0x8400, s28, s26, $0x38;
	[tilespmem:$0x10800] =	vst v63  }
0x60: {  	_ =	swait.ge [sflag:s30], $0x8400  }
0x61: {  	s31 =	rddreg [dreg:$0x5];
	[sflag:s30] =	ssyncset.done $0x0  }
0x62: {  	s0 =	rddreg [dreg:$0x6];
	[sflag:s30] =	ssyncadd.s32 $0xFFFF7C00  }
0x63: {  	[hbm4b:s31+s26] =	stream.strided.scatter [tilespmem:s3], [sflag:$0x1], $0x8400, s28, s26, $0x38;
	[tilespmem:$0x10800] =	vst v63  }
0x64: {  	s31 =	rddreg [dreg:$0x7]  }
0x65: {  	[hbm4b:s0+s26] =	stream.strided.scatter [tilespmem:s3], [sflag:$0x1], $0x8400, s28, s26, $0x38;
	[tilespmem:$0x10800] =	vst v63  }
0x66: {  	s0 =	rddreg [dreg:$0x8]  }
0x67: {  	[hbm4b:s31+s26] =	stream.strided.scatter [tilespmem:s3], [sflag:$0x1], $0x8400, s28, s26, $0x38;
	[tilespmem:$0x10800] =	vst v63  }
0x68: {  	s31 =	rddreg [dreg:$0x9]  }
0x69: {  	[hbm4b:s0+s26] =	stream.strided.scatter [tilespmem:s3], [sflag:$0x1], $0x8400, s28, s26, $0x38;
	[tilespmem:$0x10800] =	vst v63  }
0x6a: {  	s0 =	rddreg [dreg:$0xa]  }
0x6b: {  	[hbm4b:s31+s26] =	stream.strided.scatter [tilespmem:s3], [sflag:$0x1], $0x8400, s28, s26, $0x38;
	[tilespmem:$0x10800] =	vst v63  }
0x6c: {  	s31 =	rddreg [dreg:$0xb]  }
0x6d: {  	[hbm4b:s0+s26] =	stream.strided.scatter [tilespmem:s3], [sflag:$0x1], $0x8400, s28, s26, $0x38;
	[tilespmem:$0x10800] =	vst v63  }
0x6e: {  	s0 =	rddreg [dreg:$0xc]  }
0x6f: {  	[hbm4b:s31+s26] =	stream.strided.scatter [tilespmem:s3], [sflag:$0x1], $0x8400, s28, s26, $0x38;
	[tilespmem:$0x10800] =	vst v63  }
0x70: {  	s31 =	rddreg [dreg:$0xd]  }
0x71: {  	[hbm4b:s0+s26] =	stream.strided.scatter [tilespmem:s3], [sflag:$0x1], $0x8400, s28, s26, $0x38;
	[tilespmem:$0x10800] =	vst v63  }
0x72: {  	s0 =	rddreg [dreg:$0xe]  }
0x73: {  	[hbm4b:s31+s26] =	stream.strided.scatter [tilespmem:s3], [sflag:$0x1], $0x8400, s28, s26, $0x38;
	[tilespmem:$0x10800] =	vst v63  }
0x74: {  	s31 =	rddreg [dreg:$0xf]  }
0x75: {  	[hbm4b:s0+s26] =	stream.strided.scatter [tilespmem:s3], [sflag:$0x1], $0x8400, s28, s26, $0x38;
	[tilespmem:$0x10800] =	vst v63  }
0x76: {  	s0 =	rddreg [dreg:$0x10]  }
0x77: {  	[hbm4b:s31+s26] =	stream.strided.scatter [tilespmem:s18], [sflag:$0x1], $0x8400, s28, s26, $0x38;
	[tilespmem:$0x10800] =	vst v63  }
0x78: {  	s31 =	rddreg [dreg:$0x11]  }
0x79: {  	[hbm4b:s0+s26] =	stream.strided.scatter [tilespmem:s18], [sflag:$0x1], $0x8400, s28, s26, $0x38;
	[tilespmem:$0x10800] =	vst v63  }
0x7a: {  	s0 =	rddreg [dreg:$0x12]  }
0x7b: {  	[hbm4b:s31+s26] =	stream.strided.scatter [tilespmem:s18], [sflag:$0x1], $0x8400, s28, s26, $0x38;
	[tilespmem:$0x10800] =	vst v63  }
0x7c: {  	s31 =	rddreg [dreg:$0x13]  }
0x7d: {  	[hbm4b:s0+s26] =	stream.strided.scatter [tilespmem:s18], [sflag:$0x1], $0x8400, s28, s26, $0x38;
	[tilespmem:$0x10800] =	vst v63  }
0x7e: {  	s0 =	rddreg [dreg:$0x14]  }
0x7f: {  	[hbm4b:s31+s26] =	stream.strided.scatter [tilespmem:s18], [sflag:$0x1], $0x8400, s28, s26, $0x38;
	[tilespmem:$0x10800] =	vst v63  }
0x80: {  	s31 =	rddreg [dreg:$0x15]  }
0x81: {  	[hbm4b:s0+s26] =	stream.strided.scatter [tilespmem:s18], [sflag:$0x1], $0x8400, s28, s26, $0x38;
	[tilespmem:$0x10800] =	vst v63  }
0x82: {  	s0 =	rddreg [dreg:$0x16]  }
0x83: {  	[hbm4b:s31+s26] =	stream.strided.scatter [tilespmem:s4], [sflag:$0x1], $0x8400, s28, s26, $0x38;
	[tilespmem:$0x10800] =	vst v63  }
0x84: {  	s31 =	rddreg [dreg:$0x17]  }
0x85: {  	[hbm4b:s0+s26] =	stream.strided.scatter [tilespmem:s4], [sflag:$0x1], $0x8400, s28, s26, $0x38;
	[tilespmem:$0x10800] =	vst v63  }
0x86: {  	s0 =	rddreg [dreg:$0x18]  }
0x87: {  	[hbm4b:s31+s26] =	stream.strided.scatter [tilespmem:s4], [sflag:$0x1], $0x8400, s28, s26, $0x38;
	[tilespmem:$0x10800] =	vst v63  }
0x88: {  	s31 =	rddreg [dreg:$0x19]  }
0x89: {  	[hbm4b:s0+s26] =	stream.strided.scatter [tilespmem:s4], [sflag:$0x1], $0x8400, s28, s26, $0x38;
	[tilespmem:$0x10800] =	vst v63  }
0x8a: {  	s0 =	rddreg [dreg:$0x1a]  }
0x8b: {  	[hbm4b:s31+s26] =	stream.strided.scatter [tilespmem:s4], [sflag:$0x1], $0x8400, s28, s26, $0x38;
	[tilespmem:$0x10800] =	vst v63  }
0x8c: {  	s31 =	rddreg [dreg:$0x1b]  }
0x8d: {  	[hbm4b:s0+s26] =	stream.strided.scatter [tilespmem:s4], [sflag:$0x1], $0x8400, s28, s26, $0x38;
	[tilespmem:$0x10800] =	vst v63  }
0x8e: {  	s0 =	rddreg [dreg:$0x1c]  }
0x8f: {  	[hbm4b:s31+s26] =	stream.strided.scatter [tilespmem:s4], [sflag:$0x1], $0x8400, s28, s26, $0x38;
	[tilespmem:$0x10800] =	vst v63  }
0x90: {  	s31 =	rddreg [dreg:$0x1d]  }
0x91: {  	[hbm4b:s0+s26] =	stream.strided.scatter [tilespmem:s4], [sflag:$0x1], $0x8400, s28, s26, $0x38;
	[tilespmem:$0x10800] =	vst v63  }
0x92: {  	s0 =	rddreg [dreg:$0x1e]  }
0x93: {  	[hbm4b:s31+s26] =	stream.strided.scatter [tilespmem:s4], [sflag:$0x1], $0x8400, s28, s26, $0x38;
	[tilespmem:$0x10800] =	vst v63  }
0x94: {  	s31 =	rddreg [dreg:$0x1f]  }
0x95: {  	[hbm4b:s0+s26] =	stream.strided.scatter [tilespmem:s4], [sflag:$0x1], $0x8400, s28, s26, $0x38;
	[tilespmem:$0x10800] =	vst v63  }
0x96: {  	s0 =	sld [smem:$0x7E9]  }
0x97: {  	[hbm4b:s31+s26] =	stream.strided.scatter [tilespmem:s4], [sflag:$0x1], $0x8400, s28, s26, $0x38;
	[tilespmem:$0x10800] =	vst v63  }
0x98: {  	s31 =	sld [smem:$0x7EA]  }
0x99: {  	[hbm4b:s0+s26] =	stream.strided.scatter [tilespmem:s4], [sflag:$0x1], $0x8400, s28, s26, $0x38;
	[tilespmem:$0x10800] =	vst v63  }
0x9a: {  	s0 =	sld [smem:$0x7EB]  }
0x9b: {  	[hbm4b:s31+s26] =	stream.strided.scatter [tilespmem:s4], [sflag:$0x1], $0x8400, s28, s26, $0x38;
	[tilespmem:$0x10800] =	vst v63  }
0x9c: {  	s31 =	sld [smem:$0x7EC]  }
0x9d: {  	[hbm4b:s0+s26] =	stream.strided.scatter [tilespmem:s4], [sflag:$0x1], $0x8400, s28, s26, $0x38;
	[tilespmem:$0x10800] =	vst v63  }
0x9e: {  	s0 =	sld [smem:$0x7ED]  }
0x9f: {  	[hbm4b:s31+s26] =	stream.strided.scatter [tilespmem:s4], [sflag:$0x1], $0x8400, s28, s26, $0x38;
	[tilespmem:$0x10800] =	vst v63  }
0xa0: {  	s31 =	sld [smem:$0x7EE]  }
0xa1: {  	[hbm4b:s0+s26] =	stream.strided.scatter [tilespmem:s4], [sflag:$0x1], $0x8400, s28, s26, $0x38;
	[tilespmem:$0x10800] =	vst v63  }
0xa2: {  	s0 =	sld [smem:$0x7EF]  }
0xa3: {  	[hbm4b:s31+s26] =	stream.strided.scatter [tilespmem:s4], [sflag:$0x1], $0x8400, s28, s26, $0x38;
	[tilespmem:$0x10800] =	vst v63  }
0xa4: {  	s31 =	sld [smem:$0x7F0]  }
0xa5: {  	[hbm4b:s0+s26] =	stream.strided.scatter [tilespmem:s4], [sflag:$0x1], $0x8400, s28, s26, $0x38;
	[tilespmem:$0x10800] =	vst v63  }
0xa6: {  	s0 =	sld [smem:$0x7F1]  }
0xa7: {  	[hbm4b:s31+s26] =	stream.strided.scatter [tilespmem:s4], [sflag:$0x1], $0x8400, s28, s26, $0x38;
	[tilespmem:$0x10800] =	vst v63  }
0xa8: {  	s31 =	sld [smem:$0x7F2]  }
0xa9: {  	[hbm4b:s0+s26] =	stream.strided.scatter [tilespmem:s4], [sflag:$0x1], $0x8400, s28, s26, $0x38;
	[tilespmem:$0x10800] =	vst v63  }
0xaa: {  	s0 =	sld [smem:$0x7F3]  }
0xab: {  	[hbm4b:s31+s26] =	stream.strided.scatter [tilespmem:s4], [sflag:$0x1], $0x8400, s28, s26, $0x38;
	[tilespmem:$0x10800] =	vst v63  }
0xac: {  	s31 =	sld [smem:$0x7F4]  }
0xad: {  	[hbm4b:s0+s26] =	stream.strided.scatter [tilespmem:s4], [sflag:$0x1], $0x8400, s28, s26, $0x38;
	[tilespmem:$0x10800] =	vst v63  }
0xae: {  	s0 =	sld [smem:$0x7F5]  }
0xaf: {  	[hbm4b:s31+s26] =	stream.strided.scatter [tilespmem:s29], [sflag:$0x1], $0x8400, s28, s26, $0x38;
	[tilespmem:$0x10800] =	vst v63  }
0xb0: {  	s31 =	sld [smem:$0x7F6]  }
0xb1: {  	[hbm4b:s0+s26] =	stream.strided.scatter [tilespmem:s29], [sflag:$0x1], $0x8400, s28, s26, $0x38;
	[tilespmem:$0x10800] =	vst v63  }
0xb2: {  	s0 =	sld [smem:$0x7F7]  }
0xb3: {  	[hbm4b:s31+s26] =	stream.strided.scatter [tilespmem:s29], [sflag:$0x1], $0x8400, s28, s26, $0x38;
	[tilespmem:$0x10800] =	vst v63  }
0xb4: {  	s31 =	sld [smem:$0x7F8]  }
0xb5: {  	[hbm4b:s0+s26] =	stream.strided.scatter [tilespmem:s29], [sflag:$0x1], $0x8400, s28, s26, $0x38;
	[tilespmem:$0x10800] =	vst v63  }
0xb6: {  	s0 =	sld [smem:$0x7F9]  }
0xb7: {  	[hbm4b:s31+s26] =	stream.strided.scatter [tilespmem:s29], [sflag:$0x1], $0x8400, s28, s26, $0x38;
	[tilespmem:$0x10800] =	vst v63  }
0xb8: {  	s31 =	sld [smem:$0x7FA]  }
0xb9: {  	[hbm4b:s0+s26] =	stream.strided.scatter [tilespmem:s29], [sflag:$0x1], $0x8400, s28, s26, $0x38;
	[tilespmem:$0x10800] =	vst v63  }
0xba: {  	s0 =	sld [smem:$0x7FB]  }
0xbb: {  	[hbm4b:s31+s26] =	stream.strided.scatter [tilespmem:s29], [sflag:$0x1], $0x8400, s28, s26, $0x38;
	[tilespmem:$0x10800] =	vst v63  }
0xbc: {  	s31 =	sld [smem:$0x7FC]  }
0xbd: {  	[hbm4b:s0+s26] =	stream.strided.scatter [tilespmem:s29], [sflag:$0x1], $0x8400, s28, s26, $0x38;
	[tilespmem:$0x10800] =	vst v63  }
0xbe: {  	_ = 	snop  }
0xbf: {  	[hbm4b:s31+s26] =	stream.strided.scatter [tilespmem:s29], [sflag:$0x1], $0x8400, s28, s26, $0x38;
	[tilespmem:$0x10800] =	vst v63  }
0xc0: {  	_ = 	snop  }
0xc1: {  	[hbm4b:s5+s26] =	stream.strided.scatter [tilespmem:s29], [sflag:$0x1], $0x8400, s28, s26, $0x38;
	[tilespmem:$0x10800] =	vst v63  }
0xc2: {  	_ = 	snop  }
0xc3: {  	[hbm4b:s6+s26] =	stream.strided.scatter [tilespmem:s29], [sflag:$0x1], $0x8400, s28, s26, $0x38;
	[tilespmem:$0x10800] =	vst v63  }
0xc4: {  	_ = 	snop  }
0xc5: {  	[hbm4b:s7+s26] =	stream.strided.scatter [tilespmem:s29], [sflag:$0x1], $0x8400, s28, s26, $0x38;
	[tilespmem:$0x10800] =	vst v63  }
0xc6: {  	_ = 	snop  }
0xc7: {  	[hbm4b:s8+s26] =	stream.strided.scatter [tilespmem:s29], [sflag:$0x1], $0x8400, s28, s26, $0x38;
	[tilespmem:$0x10800] =	vst v63  }
0xc8: {  	_ = 	snop  }
0xc9: {  	[hbm4b:s9+s26] =	stream.strided.scatter [tilespmem:s29], [sflag:$0x1], $0x8400, s28, s26, $0x38;
	[tilespmem:$0x10800] =	vst v63  }
0xca: {  	_ = 	snop  }
0xcb: {  	[hbm4b:s10+s26] =	stream.strided.scatter [tilespmem:s29], [sflag:$0x1], $0x8400, s28, s26, $0x38;
	[tilespmem:$0x10800] =	vst v63  }
0xcc: {  	_ = 	snop  }
0xcd: {  	[hbm4b:s11+s26] =	stream.strided.scatter [tilespmem:s29], [sflag:$0x1], $0x8400, s28, s26, $0x38;
	[tilespmem:$0x10800] =	vst v63  }
0xce: {  	_ = 	snop  }
0xcf: {  	[hbm4b:s12+s26] =	stream.strided.scatter [tilespmem:s25], [sflag:$0x1], $0x8400, s28, s26, $0x38;
	[tilespmem:$0x10800] =	vst v63  }
0xd0: {  	_ = 	snop  }
0xd1: {  	[hbm4b:s13+s26] =	stream.strided.scatter [tilespmem:s25], [sflag:$0x1], $0x8400, s28, s26, $0x38;
	[tilespmem:$0x10800] =	vst v63  }
0xd2: {  	_ = 	snop  }
0xd3: {  	[hbm4b:s14+s26] =	stream.strided.scatter [tilespmem:s25], [sflag:$0x1], $0x8400, s28, s26, $0x38;
	[tilespmem:$0x10800] =	vst v63  }
0xd4: {  	_ = 	snop  }
0xd5: {  	[hbm4b:s15+s26] =	stream.strided.scatter [tilespmem:s25], [sflag:$0x1], $0x8400, s28, s26, $0x38;
	[tilespmem:$0x10800] =	vst v63  }
0xd6: {  	_ = 	snop  }
0xd7: {  	[hbm4b:s16+s26] =	stream.strided.scatter [tilespmem:s25], [sflag:$0x1], $0x8400, s28, s26, $0x38;
	[tilespmem:$0x10800] =	vst v63  }
0xd8: {  	_ = 	snop  }
0xd9: {  	[hbm4b:s17+s26] =	stream.strided.scatter [tilespmem:s25], [sflag:$0x1], $0x8400, s28, s26, $0x38;
	[tilespmem:$0x10800] =	vst v63  }
0xda: {  	_ = 	snop  }
0xdb: {  	[hbm4b:s19+s26] =	stream.strided.scatter [tilespmem:s25], [sflag:$0x1], $0x8400, s28, s26, $0x38;
	[tilespmem:$0x10800] =	vst v63  }
0xdc: {  	_ = 	snop  }
0xdd: {  	[hbm4b:s20+s26] =	stream.strided.scatter [tilespmem:s25], [sflag:$0x1], $0x8400, s28, s26, $0x38;
	[tilespmem:$0x10800] =	vst v63  }
0xde: {  	_ = 	snop  }
0xdf: {  	[hbm4b:s21+s26] =	stream.strided.scatter [tilespmem:s25], [sflag:$0x1], $0x8400, s28, s26, $0x38;
	[tilespmem:$0x10800] =	vst v63  }
0xe0: {  	_ = 	snop  }
0xe1: {  	[hbm4b:s22+s26] =	stream.strided.scatter [tilespmem:s25], [sflag:$0x1], $0x8400, s28, s26, $0x38;
	[tilespmem:$0x10800] =	vst v63  }
0xe2: {  	_ = 	snop  }
0xe3: {  	[hbm4b:s23+s26] =	stream.strided.scatter [tilespmem:s25], [sflag:$0x1], $0x8400, s28, s26, $0x38;
	[tilespmem:$0x10800] =	vst v63  }
0xe4: {  	_ = 	snop  }
0xe5: {  	[hbm4b:s24+s26] =	stream.strided.scatter [tilespmem:s25], [sflag:$0x1], $0x8400, s28, s26, $0x38;
	[tilespmem:$0x10800] =	vst v63  }
0xe6: {  	_ =	swait.ge [sflag:s2], $0x8400  }
0xe7: {  	[sflag:s2] =	ssyncset.done $0x0  }
0xe8: {  	[sflag:s2] =	ssyncadd.s32 $0xFFFF7C00  }
0xe9: {  	_ =	swait.ge [sflag:s2], $0x8400  }
0xea: {  	[sflag:s2] =	ssyncset.done $0x0  }
0xeb: {  	[sflag:s2] =	ssyncadd.s32 $0xFFFF7C00  }
0xec: {  	_ =	swait.ge [sflag:s2], $0x8400  }
0xed: {  	[sflag:s2] =	ssyncset.done $0x0  }
0xee: {  	[sflag:s2] =	ssyncadd.s32 $0xFFFF7C00  }
0xef: {  	_ =	swait.ge [sflag:s2], $0x8400  }
0xf0: {  	[sflag:s2] =	ssyncset.done $0x0  }
0xf1: {  	[sflag:s2] =	ssyncadd.s32 $0xFFFF7C00  }
0xf2: {  	_ =	swait.ge [sflag:s2], $0x8400  }
0xf3: {  	[sflag:s2] =	ssyncset.done $0x0  }
0xf4: {  	[sflag:s2] =	ssyncadd.s32 $0xFFFF7C00  }
0xf5: {  	_ =	swait.ge [sflag:s2], $0x8400  }
0xf6: {  	[sflag:s2] =	ssyncset.done $0x0  }
0xf7: {  	[sflag:s2] =	ssyncadd.s32 $0xFFFF7C00  }
0xf8: {  	_ =	swait.ge [sflag:s2], $0x8400  }
0xf9: {  	[sflag:s2] =	ssyncset.done $0x0  }
0xfa: {  	[sflag:s2] =	ssyncadd.s32 $0xFFFF7C00  }
0xfb: {  	_ =	swait.ge [sflag:s2], $0x8400  }
0xfc: {  	[sflag:s2] =	ssyncset.done $0x0  }
0xfd: {  	[sflag:s2] =	ssyncadd.s32 $0xFFFF7C00  }
0xfe: {  	_ =	swait.ge [sflag:s2], $0x8400  }
0xff: {  	[sflag:s2] =	ssyncset.done $0x0  }
0x100: {  	[sflag:s2] =	ssyncadd.s32 $0xFFFF7C00  }
0x101: {  	_ =	swait.ge [sflag:s2], $0x8400  }
0x102: {  	[sflag:s2] =	ssyncset.done $0x0  }
0x103: {  	[sflag:s2] =	ssyncadd.s32 $0xFFFF7C00  }
0x104: {  	_ =	swait.ge [sflag:s2], $0x8400  }
0x105: {  	[sflag:s2] =	ssyncset.done $0x0  }
0x106: {  	[sflag:s2] =	ssyncadd.s32 $0xFFFF7C00  }
0x107: {  	_ =	swait.ge [sflag:s2], $0x8400  }
0x108: {  	[sflag:s2] =	ssyncset.done $0x0  }
0x109: {  	[sflag:s2] =	ssyncadd.s32 $0xFFFF7C00  }
0x10a: {  	_ =	swait.ge [sflag:s2], $0x8400  }
0x10b: {  	[sflag:s2] =	ssyncset.done $0x0  }
0x10c: {  	[sflag:s2] =	ssyncadd.s32 $0xFFFF7C00  }
0x10d: {  	_ =	swait.ge [sflag:s2], $0x8400  }
0x10e: {  	[sflag:s2] =	ssyncset.done $0x0  }
0x10f: {  	[sflag:s2] =	ssyncadd.s32 $0xFFFF7C00  }
0x110: {  	_ =	swait.ge [sflag:s2], $0x8400  }
0x111: {  	[sflag:s2] =	ssyncset.done $0x0  }
0x112: {  	[sflag:s2] =	ssyncadd.s32 $0xFFFF7C00  }
0x113: {  	_ =	swait.ge [sflag:s2], $0x8400  }
0x114: {  	[sflag:s2] =	ssyncset.done $0x0  }
0x115: {  	[sflag:s2] =	ssyncadd.s32 $0xFFFF7C00  }
0x116: {  	_ =	swait.ge [sflag:s2], $0x8400  }
0x117: {  	[sflag:s2] =	ssyncset.done $0x0  }
0x118: {  	[sflag:s2] =	ssyncadd.s32 $0xFFFF7C00  }
0x119: {  	_ =	swait.ge [sflag:s2], $0x8400  }
0x11a: {  	[sflag:s2] =	ssyncset.done $0x0  }
0x11b: {  	[sflag:s2] =	ssyncadd.s32 $0xFFFF7C00  }
0x11c: {  	_ =	swait.ge [sflag:s2], $0x8400  }
0x11d: {  	[sflag:s2] =	ssyncset.done $0x0  }
0x11e: {  	[sflag:s2] =	ssyncadd.s32 $0xFFFF7C00  }
0x11f: {  	_ =	swait.ge [sflag:s2], $0x8400  }
0x120: {  	[sflag:s2] =	ssyncset.done $0x0  }
0x121: {  	[sflag:s2] =	ssyncadd.s32 $0xFFFF7C00  }
0x122: {  	_ =	swait.ge [sflag:s2], $0x8400  }
0x123: {  	[sflag:s2] =	ssyncset.done $0x0  }
0x124: {  	[sflag:s2] =	ssyncadd.s32 $0xFFFF7C00  }
0x125: {  	_ =	swait.ge [sflag:s2], $0x8400  }
0x126: {  	[sflag:s2] =	ssyncset.done $0x0  }
0x127: {  	[sflag:s2] =	ssyncadd.s32 $0xFFFF7C00  }
0x128: {  	_ =	swait.ge [sflag:s2], $0x8400  }
0x129: {  	[sflag:s2] =	ssyncset.done $0x0  }
0x12a: {  	[sflag:s2] =	ssyncadd.s32 $0xFFFF7C00  }
0x12b: {  	_ =	swait.ge [sflag:s2], $0x8400  }
0x12c: {  	[sflag:s2] =	ssyncset.done $0x0  }
0x12d: {  	[sflag:s2] =	ssyncadd.s32 $0xFFFF7C00  }
0x12e: {  	_ =	swait.ge [sflag:s2], $0x8400  }
0x12f: {  	[sflag:s2] =	ssyncset.done $0x0  }
0x130: {  	[sflag:s2] =	ssyncadd.s32 $0xFFFF7C00  }
0x131: {  	_ =	swait.ge [sflag:s2], $0x8400  }
0x132: {  	[sflag:s2] =	ssyncset.done $0x0  }
0x133: {  	[sflag:s2] =	ssyncadd.s32 $0xFFFF7C00  }
0x134: {  	_ =	swait.ge [sflag:s2], $0x8400  }
0x135: {  	[sflag:s2] =	ssyncset.done $0x0  }
0x136: {  	[sflag:s2] =	ssyncadd.s32 $0xFFFF7C00  }
0x137: {  	_ =	swait.ge [sflag:s2], $0x8400  }
0x138: {  	[sflag:s2] =	ssyncset.done $0x0  }
0x139: {  	[sflag:s2] =	ssyncadd.s32 $0xFFFF7C00  }
0x13a: {  	_ =	swait.ge [sflag:s2], $0x8400  }
0x13b: {  	[sflag:s2] =	ssyncset.done $0x0  }
0x13c: {  	[sflag:s2] =	ssyncadd.s32 $0xFFFF7C00  }
0x13d: {  	_ =	swait.ge [sflag:s2], $0x8400  }
0x13e: {  	[sflag:s2] =	ssyncset.done $0x0  }
0x13f: {  	[sflag:s2] =	ssyncadd.s32 $0xFFFF7C00  }
0x140: {  	_ =	swait.ge [sflag:s2], $0x8400  }
0x141: {  	[sflag:s2] =	ssyncset.done $0x0  }
0x142: {  	[sflag:s2] =	ssyncadd.s32 $0xFFFF7C00  }
0x143: {  	_ =	swait.ge [sflag:s2], $0x8400  }
0x144: {  	[sflag:s2] =	ssyncset.done $0x0  }
0x145: {  	[sflag:s2] =	ssyncadd.s32 $0xFFFF7C00  }
0x146: {  	_ =	swait.ge [sflag:s2], $0x8400  }
0x147: {  	[sflag:s2] =	ssyncset.done $0x0  }
0x148: {  	[sflag:s2] =	ssyncadd.s32 $0xFFFF7C00  }
0x149: {  	_ =	swait.ge [sflag:s2], $0x8400  }
0x14a: {  	[sflag:s2] =	ssyncset.done $0x0  }
0x14b: {  	[sflag:s2] =	ssyncadd.s32 $0xFFFF7C00  }
0x14c: {  	_ =	swait.ge [sflag:s2], $0x8400  }
0x14d: {  	[sflag:s2] =	ssyncset.done $0x0  }
0x14e: {  	[sflag:s2] =	ssyncadd.s32 $0xFFFF7C00  }
0x14f: {  	_ =	swait.ge [sflag:s2], $0x8400  }
0x150: {  	[sflag:s2] =	ssyncset.done $0x0  }
0x151: {  	[sflag:s2] =	ssyncadd.s32 $0xFFFF7C00  }
0x152: {  	_ =	swait.ge [sflag:s2], $0x8400  }
0x153: {  	[sflag:s2] =	ssyncset.done $0x0  }
0x154: {  	[sflag:s2] =	ssyncadd.s32 $0xFFFF7C00  }
0x155: {  	_ =	swait.ge [sflag:s2], $0x8400  }
0x156: {  	[sflag:s2] =	ssyncset.done $0x0  }
0x157: {  	[sflag:s2] =	ssyncadd.s32 $0xFFFF7C00  }
0x158: {  	_ =	swait.ge [sflag:s2], $0x8400  }
0x159: {  	[sflag:s2] =	ssyncset.done $0x0  }
0x15a: {  	[sflag:s2] =	ssyncadd.s32 $0xFFFF7C00  }
0x15b: {  	_ =	swait.ge [sflag:s2], $0x8400  }
0x15c: {  	[sflag:s2] =	ssyncset.done $0x0  }
0x15d: {  	[sflag:s2] =	ssyncadd.s32 $0xFFFF7C00  }
0x15e: {  	_ =	swait.ge [sflag:s2], $0x8400  }
0x15f: {  	[sflag:s2] =	ssyncset.done $0x0  }
0x160: {  	[sflag:s2] =	ssyncadd.s32 $0xFFFF7C00  }
0x161: {  	_ =	swait.ge [sflag:s2], $0x8400  }
0x162: {  	[sflag:s2] =	ssyncset.done $0x0  }
0x163: {  	[sflag:s2] =	ssyncadd.s32 $0xFFFF7C00  }
0x164: {  	_ =	swait.ge [sflag:s2], $0x8400  }
0x165: {  	[sflag:s2] =	ssyncset.done $0x0  }
0x166: {  	[sflag:s2] =	ssyncadd.s32 $0xFFFF7C00  }
0x167: {  	_ =	swait.ge [sflag:s2], $0x8400  }
0x168: {  	[sflag:s2] =	ssyncset.done $0x0  }
0x169: {  	[sflag:s2] =	ssyncadd.s32 $0xFFFF7C00  }
0x16a: {  	_ =	swait.ge [sflag:s2], $0x8400  }
0x16b: {  	[sflag:s2] =	ssyncset.done $0x0  }
0x16c: {  	[sflag:s2] =	ssyncadd.s32 $0xFFFF7C00  }
0x16d: {  	_ =	swait.ge [sflag:s2], $0x8400  }
0x16e: {  	[sflag:s2] =	ssyncset.done $0x0  }
0x16f: {  	[sflag:s2] =	ssyncadd.s32 $0xFFFF7C00  }
0x170: {  	_ =	swait.ge [sflag:s2], $0x8400  }
0x171: {  	[sflag:s2] =	ssyncset.done $0x0  }
0x172: {  	[sflag:s2] =	ssyncadd.s32 $0xFFFF7C00  }
0x173: {  	_ =	swait.ge [sflag:s2], $0x8400  }
0x174: {  	[sflag:s2] =	ssyncset.done $0x0  }
0x175: {  	[sflag:s2] =	ssyncadd.s32 $0xFFFF7C00  }
0x176: {  	_ =	swait.ge [sflag:s2], $0x8400  }
0x177: {  	[sflag:s2] =	ssyncset.done $0x0  }
0x178: {  	[sflag:s2] =	ssyncadd.s32 $0xFFFF7C00  }
0x179: {  	_ =	swait.ge [sflag:s2], $0x8400  }
0x17a: {  	[sflag:s2] =	ssyncset.done $0x0  }
0x17b: {  	[sflag:s2] =	ssyncadd.s32 $0xFFFF7C00  }
0x17c: {  	_ =	swait.ge [sflag:s2], $0x8400  }
0x17d: {  	[sflag:s2] =	ssyncset.done $0x0  }
0x17e: {  	[sflag:s2] =	ssyncadd.s32 $0xFFFF7C00  }
0x17f: {  	_ =	swait.ge [sflag:s2], $0x8400  }
0x180: {  	[sflag:s2] =	ssyncset.done $0x0  }
0x181: {  	[sflag:s2] =	ssyncadd.s32 $0xFFFF7C00  }
0x182: {  	_ =	swait.ge [sflag:s2], $0x8400  }
0x183: {  	[sflag:s2] =	ssyncset.done $0x0  }
0x184: {  	[sflag:s2] =	ssyncadd.s32 $0xFFFF7C00  }
0x185: {  	_ =	swait.ge [sflag:s2], $0x8400  }
0x186: {  	[sflag:s2] =	ssyncset.done $0x0  }
0x187: {  	[sflag:s2] =	ssyncadd.s32 $0xFFFF7C00  }
0x188: {  	_ =	swait.ge [sflag:s2], $0x8400  }
0x189: {  	[sflag:s2] =	ssyncset.done $0x0  }
0x18a: {  	[sflag:s2] =	ssyncadd.s32 $0xFFFF7C00  }
0x18b: {  	_ =	swait.ge [sflag:s2], $0x8400  }
0x18c: {  	[sflag:s2] =	ssyncset.done $0x0  }
0x18d: {  	[sflag:s2] =	ssyncadd.s32 $0xFFFF7C00  }
0x18e: {  	_ =	swait.ge [sflag:s2], $0x8400  }
0x18f: {  	[sflag:s2] =	ssyncset.done $0x0  }
0x190: {  	[sflag:s2] =	ssyncadd.s32 $0xFFFF7C00  }
0x191: {  	_ =	swait.ge [sflag:s2], $0x8400  }
0x192: {  	[sflag:s2] =	ssyncset.done $0x0  }
0x193: {  	[sflag:s2] =	ssyncadd.s32 $0xFFFF7C00  }
0x194: {  	_ =	swait.ge [sflag:s2], $0x8400  }
0x195: {  	[sflag:s2] =	ssyncset.done $0x0  }
0x196: {  	[sflag:s2] =	ssyncadd.s32 $0xFFFF7C00  }
0x197: {  	_ =	swait.ge [sflag:s2], $0x8400  }
0x198: {  	[sflag:s2] =	ssyncset.done $0x0  }
0x199: {  	[sflag:s2] =	ssyncadd.s32 $0xFFFF7C00  }
0x19a: {  	_ =	swait.ge [sflag:s2], $0x8400  }
0x19b: {  	[sflag:s2] =	ssyncset.done $0x0  }
0x19c: {  	[sflag:s2] =	ssyncadd.s32 $0xFFFF7C00  }
0x19d: {  	_ =	swait.ge [sflag:s2], $0x8400  }
0x19e: {  	[sflag:s2] =	ssyncset.done $0x0  }
0x19f: {  	[sflag:s2] =	ssyncadd.s32 $0xFFFF7C00  }
0x1a0: {  	_ =	swait.ge [sflag:s2], $0x8400  }
0x1a1: {  	[sflag:s2] =	ssyncset.done $0x0  }
0x1a2: {  	[sflag:s2] =	ssyncadd.s32 $0xFFFF7C00  }
0x1a3: {  	_ =	swait.ge [sflag:s2], $0x8400  }
0x1a4: {  	[sflag:s2] =	ssyncset.done $0x0  }
0x1a5: {  	[sflag:s2] =	ssyncadd.s32 $0xFFFF7C00  }
0x1a6: {  	_ =	swait.ge [sflag:s2], $0x8400  }
0x1a7: {  	s31 =	sld [smem:$0x7FD];
	_ =	sdelay $0x2  }
0x1a8: {  	p1 =	sne.s32 s31, $0x1  }
.Ltmp1:
0x1a9: {  	_ = 	snop;
	(pc) =	sbr.rel @!p1 .LBB2_2-.Ltmp1, $4  }
0x1aa: {  	[sflag:s2] =	ssyncset.done $0x0  }
0x1ab: {  	[sflag:s2] =	ssyncadd.s32 $0xFFFF7C00  }
0x1ac: {  	p0 =	por $0x1, $0x1;
	_ =	swait.ge [sflag:s2], $0x8400  }
0x1ad: {  	s0 =	sadd.s32 $0xFFFFFFFF, s31;
	s1 =	rddreg [dreg:$0x3];
	[sflag:s2] =	ssyncset.done $0x0  }
.LBB2_3:
0x1ae: {  	[sflag:s2] =	ssyncadd.s32 $0xFFFF7C00  }
0x1af: {  	[tilespmem:s3], [sflag:$0x2] =	stream.strided.gather [hbm4b:s1+s26], $0x8400, s28, s26, $0x38;
	[tilespmem:$0x10800] =	vst v63  }
0x1b0: {  	_ =	swait.ge [sflag:s30], $0x8400  }
0x1b1: {  	[sflag:s30] =	ssyncset.done $0x0  }
0x1b2: {  	s31 =	simm.s32 $0x8400;
	s1 =	rddreg [dreg:$0x4];
	[sflag:s30] =	ssyncadd.s32 $0xFFFF7C00  }
0x1b3: {  	[tilespmem:s31], [sflag:$0x2] =	stream.strided.gather [hbm4b:s1+s26], $0x8400, s28, s26, $0x38;
	[tilespmem:$0x10800] =	vst v63  }
0x1b4: {  	_ =	swait.ge [sflag:s30], $0x8400  }
0x1b5: {  	s1 =	rddreg [dreg:$0x5];
	[sflag:s30] =	ssyncset.done $0x0  }
0x1b6: {  	s31 =	rddreg [dreg:$0x6];
	[sflag:s30] =	ssyncadd.s32 $0xFFFF7C00  }
0x1b7: {  	[hbm4b:s1+s26] =	stream.strided.scatter [tilespmem:s3], [sflag:$0x1], $0x8400, s28, s26, $0x38;
	[tilespmem:$0x10800] =	vst v63  }
0x1b8: {  	s1 =	rddreg [dreg:$0x7]  }
0x1b9: {  	[hbm4b:s31+s26] =	stream.strided.scatter [tilespmem:s3], [sflag:$0x1], $0x8400, s28, s26, $0x38;
	[tilespmem:$0x10800] =	vst v63  }
0x1ba: {  	s31 =	rddreg [dreg:$0x8]  }
0x1bb: {  	[hbm4b:s1+s26] =	stream.strided.scatter [tilespmem:s3], [sflag:$0x1], $0x8400, s28, s26, $0x38;
	[tilespmem:$0x10800] =	vst v63  }
0x1bc: {  	s1 =	rddreg [dreg:$0x9]  }
0x1bd: {  	[hbm4b:s31+s26] =	stream.strided.scatter [tilespmem:s3], [sflag:$0x1], $0x8400, s28, s26, $0x38;
	[tilespmem:$0x10800] =	vst v63  }
0x1be: {  	s31 =	rddreg [dreg:$0xa]  }
0x1bf: {  	[hbm4b:s1+s26] =	stream.strided.scatter [tilespmem:s3], [sflag:$0x1], $0x8400, s28, s26, $0x38;
	[tilespmem:$0x10800] =	vst v63  }
0x1c0: {  	s1 =	rddreg [dreg:$0xb]  }
0x1c1: {  	[hbm4b:s31+s26] =	stream.strided.scatter [tilespmem:s3], [sflag:$0x1], $0x8400, s28, s26, $0x38;
	[tilespmem:$0x10800] =	vst v63  }
0x1c2: {  	s31 =	rddreg [dreg:$0xc]  }
0x1c3: {  	[hbm4b:s1+s26] =	stream.strided.scatter [tilespmem:s3], [sflag:$0x1], $0x8400, s28, s26, $0x38;
	[tilespmem:$0x10800] =	vst v63  }
0x1c4: {  	s1 =	rddreg [dreg:$0xd]  }
0x1c5: {  	[hbm4b:s31+s26] =	stream.strided.scatter [tilespmem:s3], [sflag:$0x1], $0x8400, s28, s26, $0x38;
	[tilespmem:$0x10800] =	vst v63  }
0x1c6: {  	s31 =	rddreg [dreg:$0xe]  }
0x1c7: {  	[hbm4b:s1+s26] =	stream.strided.scatter [tilespmem:s3], [sflag:$0x1], $0x8400, s28, s26, $0x38;
	[tilespmem:$0x10800] =	vst v63  }
0x1c8: {  	s1 =	rddreg [dreg:$0xf]  }
0x1c9: {  	[hbm4b:s31+s26] =	stream.strided.scatter [tilespmem:s3], [sflag:$0x1], $0x8400, s28, s26, $0x38;
	[tilespmem:$0x10800] =	vst v63  }
0x1ca: {  	s31 =	rddreg [dreg:$0x10]  }
0x1cb: {  	[hbm4b:s1+s26] =	stream.strided.scatter [tilespmem:s18], [sflag:$0x1], $0x8400, s28, s26, $0x38;
	[tilespmem:$0x10800] =	vst v63  }
0x1cc: {  	s1 =	rddreg [dreg:$0x11]  }
0x1cd: {  	[hbm4b:s31+s26] =	stream.strided.scatter [tilespmem:s18], [sflag:$0x1], $0x8400, s28, s26, $0x38;
	[tilespmem:$0x10800] =	vst v63  }
0x1ce: {  	s31 =	rddreg [dreg:$0x12]  }
0x1cf: {  	[hbm4b:s1+s26] =	stream.strided.scatter [tilespmem:s18], [sflag:$0x1], $0x8400, s28, s26, $0x38;
	[tilespmem:$0x10800] =	vst v63  }
0x1d0: {  	s1 =	rddreg [dreg:$0x13]  }
0x1d1: {  	[hbm4b:s31+s26] =	stream.strided.scatter [tilespmem:s18], [sflag:$0x1], $0x8400, s28, s26, $0x38;
	[tilespmem:$0x10800] =	vst v63  }
0x1d2: {  	s31 =	rddreg [dreg:$0x14]  }
0x1d3: {  	[hbm4b:s1+s26] =	stream.strided.scatter [tilespmem:s18], [sflag:$0x1], $0x8400, s28, s26, $0x38;
	[tilespmem:$0x10800] =	vst v63  }
0x1d4: {  	s1 =	rddreg [dreg:$0x15]  }
0x1d5: {  	[hbm4b:s31+s26] =	stream.strided.scatter [tilespmem:s18], [sflag:$0x1], $0x8400, s28, s26, $0x38;
	[tilespmem:$0x10800] =	vst v63  }
0x1d6: {  	s31 =	rddreg [dreg:$0x16]  }
0x1d7: {  	[hbm4b:s1+s26] =	stream.strided.scatter [tilespmem:s4], [sflag:$0x1], $0x8400, s28, s26, $0x38;
	[tilespmem:$0x10800] =	vst v63  }
0x1d8: {  	s1 =	rddreg [dreg:$0x17]  }
0x1d9: {  	[hbm4b:s31+s26] =	stream.strided.scatter [tilespmem:s4], [sflag:$0x1], $0x8400, s28, s26, $0x38;
	[tilespmem:$0x10800] =	vst v63  }
0x1da: {  	s31 =	rddreg [dreg:$0x18]  }
0x1db: {  	[hbm4b:s1+s26] =	stream.strided.scatter [tilespmem:s4], [sflag:$0x1], $0x8400, s28, s26, $0x38;
	[tilespmem:$0x10800] =	vst v63  }
0x1dc: {  	s1 =	rddreg [dreg:$0x19]  }
0x1dd: {  	[hbm4b:s31+s26] =	stream.strided.scatter [tilespmem:s4], [sflag:$0x1], $0x8400, s28, s26, $0x38;
	[tilespmem:$0x10800] =	vst v63  }
0x1de: {  	s31 =	rddreg [dreg:$0x1a]  }
0x1df: {  	[hbm4b:s1+s26] =	stream.strided.scatter [tilespmem:s4], [sflag:$0x1], $0x8400, s28, s26, $0x38;
	[tilespmem:$0x10800] =	vst v63  }
0x1e0: {  	s1 =	rddreg [dreg:$0x1b]  }
0x1e1: {  	[hbm4b:s31+s26] =	stream.strided.scatter [tilespmem:s4], [sflag:$0x1], $0x8400, s28, s26, $0x38;
	[tilespmem:$0x10800] =	vst v63  }
0x1e2: {  	s31 =	rddreg [dreg:$0x1c]  }
0x1e3: {  	[hbm4b:s1+s26] =	stream.strided.scatter [tilespmem:s4], [sflag:$0x1], $0x8400, s28, s26, $0x38;
	[tilespmem:$0x10800] =	vst v63  }
0x1e4: {  	s1 =	rddreg [dreg:$0x1d]  }
0x1e5: {  	[hbm4b:s31+s26] =	stream.strided.scatter [tilespmem:s4], [sflag:$0x1], $0x8400, s28, s26, $0x38;
	[tilespmem:$0x10800] =	vst v63  }
0x1e6: {  	s31 =	rddreg [dreg:$0x1e]  }
0x1e7: {  	[hbm4b:s1+s26] =	stream.strided.scatter [tilespmem:s4], [sflag:$0x1], $0x8400, s28, s26, $0x38;
	[tilespmem:$0x10800] =	vst v63  }
0x1e8: {  	s1 =	rddreg [dreg:$0x1f]  }
0x1e9: {  	[hbm4b:s31+s26] =	stream.strided.scatter [tilespmem:s4], [sflag:$0x1], $0x8400, s28, s26, $0x38;
	[tilespmem:$0x10800] =	vst v63  }
0x1ea: {  	s31 =	sld [smem:$0x7E9]  }
0x1eb: {  	[hbm4b:s1+s26] =	stream.strided.scatter [tilespmem:s4], [sflag:$0x1], $0x8400, s28, s26, $0x38;
	[tilespmem:$0x10800] =	vst v63  }
0x1ec: {  	s1 =	sld [smem:$0x7EA]  }
0x1ed: {  	[hbm4b:s31+s26] =	stream.strided.scatter [tilespmem:s4], [sflag:$0x1], $0x8400, s28, s26, $0x38;
	[tilespmem:$0x10800] =	vst v63  }
0x1ee: {  	s31 =	sld [smem:$0x7EB]  }
0x1ef: {  	[hbm4b:s1+s26] =	stream.strided.scatter [tilespmem:s4], [sflag:$0x1], $0x8400, s28, s26, $0x38;
	[tilespmem:$0x10800] =	vst v63  }
0x1f0: {  	s1 =	sld [smem:$0x7EC]  }
0x1f1: {  	[hbm4b:s31+s26] =	stream.strided.scatter [tilespmem:s4], [sflag:$0x1], $0x8400, s28, s26, $0x38;
	[tilespmem:$0x10800] =	vst v63  }
0x1f2: {  	s31 =	sld [smem:$0x7ED]  }
0x1f3: {  	[hbm4b:s1+s26] =	stream.strided.scatter [tilespmem:s4], [sflag:$0x1], $0x8400, s28, s26, $0x38;
	[tilespmem:$0x10800] =	vst v63  }
0x1f4: {  	s1 =	sld [smem:$0x7EE]  }
0x1f5: {  	[hbm4b:s31+s26] =	stream.strided.scatter [tilespmem:s4], [sflag:$0x1], $0x8400, s28, s26, $0x38;
	[tilespmem:$0x10800] =	vst v63  }
0x1f6: {  	s31 =	sld [smem:$0x7EF]  }
0x1f7: {  	[hbm4b:s1+s26] =	stream.strided.scatter [tilespmem:s4], [sflag:$0x1], $0x8400, s28, s26, $0x38;
	[tilespmem:$0x10800] =	vst v63  }
0x1f8: {  	s1 =	sld [smem:$0x7F0]  }
0x1f9: {  	[hbm4b:s31+s26] =	stream.strided.scatter [tilespmem:s4], [sflag:$0x1], $0x8400, s28, s26, $0x38;
	[tilespmem:$0x10800] =	vst v63  }
0x1fa: {  	s31 =	sld [smem:$0x7F1]  }
0x1fb: {  	[hbm4b:s1+s26] =	stream.strided.scatter [tilespmem:s4], [sflag:$0x1], $0x8400, s28, s26, $0x38;
	[tilespmem:$0x10800] =	vst v63  }
0x1fc: {  	s1 =	sld [smem:$0x7F2]  }
0x1fd: {  	[hbm4b:s31+s26] =	stream.strided.scatter [tilespmem:s4], [sflag:$0x1], $0x8400, s28, s26, $0x38;
	[tilespmem:$0x10800] =	vst v63  }
0x1fe: {  	s31 =	sld [smem:$0x7F3]  }
0x1ff: {  	[hbm4b:s1+s26] =	stream.strided.scatter [tilespmem:s4], [sflag:$0x1], $0x8400, s28, s26, $0x38;
	[tilespmem:$0x10800] =	vst v63  }
0x200: {  	s1 =	sld [smem:$0x7F4]  }
0x201: {  	[hbm4b:s31+s26] =	stream.strided.scatter [tilespmem:s4], [sflag:$0x1], $0x8400, s28, s26, $0x38;
	[tilespmem:$0x10800] =	vst v63  }
0x202: {  	s31 =	sld [smem:$0x7F5]  }
0x203: {  	[hbm4b:s1+s26] =	stream.strided.scatter [tilespmem:s29], [sflag:$0x1], $0x8400, s28, s26, $0x38;
	[tilespmem:$0x10800] =	vst v63  }
0x204: {  	s1 =	sld [smem:$0x7F6]  }
0x205: {  	[hbm4b:s31+s26] =	stream.strided.scatter [tilespmem:s29], [sflag:$0x1], $0x8400, s28, s26, $0x38;
	[tilespmem:$0x10800] =	vst v63  }
0x206: {  	s31 =	sld [smem:$0x7F7]  }
0x207: {  	[hbm4b:s1+s26] =	stream.strided.scatter [tilespmem:s29], [sflag:$0x1], $0x8400, s28, s26, $0x38;
	[tilespmem:$0x10800] =	vst v63  }
0x208: {  	s1 =	sld [smem:$0x7F8]  }
0x209: {  	[hbm4b:s31+s26] =	stream.strided.scatter [tilespmem:s29], [sflag:$0x1], $0x8400, s28, s26, $0x38;
	[tilespmem:$0x10800] =	vst v63  }
0x20a: {  	s31 =	sld [smem:$0x7F9]  }
0x20b: {  	[hbm4b:s1+s26] =	stream.strided.scatter [tilespmem:s29], [sflag:$0x1], $0x8400, s28, s26, $0x38;
	[tilespmem:$0x10800] =	vst v63  }
0x20c: {  	s1 =	sld [smem:$0x7FA]  }
0x20d: {  	[hbm4b:s31+s26] =	stream.strided.scatter [tilespmem:s29], [sflag:$0x1], $0x8400, s28, s26, $0x38;
	[tilespmem:$0x10800] =	vst v63  }
0x20e: {  	s31 =	sld [smem:$0x7FB]  }
0x20f: {  	[hbm4b:s1+s26] =	stream.strided.scatter [tilespmem:s29], [sflag:$0x1], $0x8400, s28, s26, $0x38;
	[tilespmem:$0x10800] =	vst v63  }
0x210: {  	s1 =	sld [smem:$0x7FC]  }
0x211: {  	[hbm4b:s31+s26] =	stream.strided.scatter [tilespmem:s29], [sflag:$0x1], $0x8400, s28, s26, $0x38;
	[tilespmem:$0x10800] =	vst v63  }
0x212: {  	_ = 	snop  }
0x213: {  	[hbm4b:s1+s26] =	stream.strided.scatter [tilespmem:s29], [sflag:$0x1], $0x8400, s28, s26, $0x38;
	[tilespmem:$0x10800] =	vst v63  }
0x214: {  	_ = 	snop  }
0x215: {  	[hbm4b:s5+s26] =	stream.strided.scatter [tilespmem:s29], [sflag:$0x1], $0x8400, s28, s26, $0x38;
	[tilespmem:$0x10800] =	vst v63  }
0x216: {  	_ = 	snop  }
0x217: {  	[hbm4b:s6+s26] =	stream.strided.scatter [tilespmem:s29], [sflag:$0x1], $0x8400, s28, s26, $0x38;
	[tilespmem:$0x10800] =	vst v63  }
0x218: {  	_ = 	snop  }
0x219: {  	[hbm4b:s7+s26] =	stream.strided.scatter [tilespmem:s29], [sflag:$0x1], $0x8400, s28, s26, $0x38;
	[tilespmem:$0x10800] =	vst v63  }
0x21a: {  	_ = 	snop  }
0x21b: {  	[hbm4b:s8+s26] =	stream.strided.scatter [tilespmem:s29], [sflag:$0x1], $0x8400, s28, s26, $0x38;
	[tilespmem:$0x10800] =	vst v63  }
0x21c: {  	_ = 	snop  }
0x21d: {  	[hbm4b:s9+s26] =	stream.strided.scatter [tilespmem:s29], [sflag:$0x1], $0x8400, s28, s26, $0x38;
	[tilespmem:$0x10800] =	vst v63  }
0x21e: {  	_ = 	snop  }
0x21f: {  	[hbm4b:s10+s26] =	stream.strided.scatter [tilespmem:s29], [sflag:$0x1], $0x8400, s28, s26, $0x38;
	[tilespmem:$0x10800] =	vst v63  }
0x220: {  	_ = 	snop  }
0x221: {  	[hbm4b:s11+s26] =	stream.strided.scatter [tilespmem:s29], [sflag:$0x1], $0x8400, s28, s26, $0x38;
	[tilespmem:$0x10800] =	vst v63  }
0x222: {  	_ = 	snop  }
0x223: {  	[hbm4b:s12+s26] =	stream.strided.scatter [tilespmem:s25], [sflag:$0x1], $0x8400, s28, s26, $0x38;
	[tilespmem:$0x10800] =	vst v63  }
0x224: {  	_ = 	snop  }
0x225: {  	[hbm4b:s13+s26] =	stream.strided.scatter [tilespmem:s25], [sflag:$0x1], $0x8400, s28, s26, $0x38;
	[tilespmem:$0x10800] =	vst v63  }
0x226: {  	_ = 	snop  }
0x227: {  	[hbm4b:s14+s26] =	stream.strided.scatter [tilespmem:s25], [sflag:$0x1], $0x8400, s28, s26, $0x38;
	[tilespmem:$0x10800] =	vst v63  }
0x228: {  	_ = 	snop  }
0x229: {  	[hbm4b:s15+s26] =	stream.strided.scatter [tilespmem:s25], [sflag:$0x1], $0x8400, s28, s26, $0x38;
	[tilespmem:$0x10800] =	vst v63  }
0x22a: {  	_ = 	snop  }
0x22b: {  	[hbm4b:s16+s26] =	stream.strided.scatter [tilespmem:s25], [sflag:$0x1], $0x8400, s28, s26, $0x38;
	[tilespmem:$0x10800] =	vst v63  }
0x22c: {  	_ = 	snop  }
0x22d: {  	[hbm4b:s17+s26] =	stream.strided.scatter [tilespmem:s25], [sflag:$0x1], $0x8400, s28, s26, $0x38;
	[tilespmem:$0x10800] =	vst v63  }
0x22e: {  	_ = 	snop  }
0x22f: {  	[hbm4b:s19+s26] =	stream.strided.scatter [tilespmem:s25], [sflag:$0x1], $0x8400, s28, s26, $0x38;
	[tilespmem:$0x10800] =	vst v63  }
0x230: {  	_ = 	snop  }
0x231: {  	[hbm4b:s20+s26] =	stream.strided.scatter [tilespmem:s25], [sflag:$0x1], $0x8400, s28, s26, $0x38;
	[tilespmem:$0x10800] =	vst v63  }
0x232: {  	_ = 	snop  }
0x233: {  	[hbm4b:s21+s26] =	stream.strided.scatter [tilespmem:s25], [sflag:$0x1], $0x8400, s28, s26, $0x38;
	[tilespmem:$0x10800] =	vst v63  }
0x234: {  	_ = 	snop  }
0x235: {  	[hbm4b:s22+s26] =	stream.strided.scatter [tilespmem:s25], [sflag:$0x1], $0x8400, s28, s26, $0x38;
	[tilespmem:$0x10800] =	vst v63  }
0x236: {  	_ = 	snop  }
0x237: {  	[hbm4b:s23+s26] =	stream.strided.scatter [tilespmem:s25], [sflag:$0x1], $0x8400, s28, s26, $0x38;
	[tilespmem:$0x10800] =	vst v63  }
0x238: {  	_ = 	snop  }
0x239: {  	[hbm4b:s24+s26] =	stream.strided.scatter [tilespmem:s25], [sflag:$0x1], $0x8400, s28, s26, $0x38;
	[tilespmem:$0x10800] =	vst v63  }
0x23a: {  	_ =	swait.ge [sflag:s2], $0x8400  }
0x23b: {  	[sflag:s2] =	ssyncset.done $0x0  }
0x23c: {  	[sflag:s2] =	ssyncadd.s32 $0xFFFF7C00  }
0x23d: {  	_ =	swait.ge [sflag:s2], $0x8400  }
0x23e: {  	[sflag:s2] =	ssyncset.done $0x0  }
0x23f: {  	[sflag:s2] =	ssyncadd.s32 $0xFFFF7C00  }
0x240: {  	_ =	swait.ge [sflag:s2], $0x8400  }
0x241: {  	[sflag:s2] =	ssyncset.done $0x0  }
0x242: {  	[sflag:s2] =	ssyncadd.s32 $0xFFFF7C00  }
0x243: {  	_ =	swait.ge [sflag:s2], $0x8400  }
0x244: {  	[sflag:s2] =	ssyncset.done $0x0  }
0x245: {  	[sflag:s2] =	ssyncadd.s32 $0xFFFF7C00  }
0x246: {  	_ =	swait.ge [sflag:s2], $0x8400  }
0x247: {  	[sflag:s2] =	ssyncset.done $0x0  }
0x248: {  	[sflag:s2] =	ssyncadd.s32 $0xFFFF7C00  }
0x249: {  	_ =	swait.ge [sflag:s2], $0x8400  }
0x24a: {  	[sflag:s2] =	ssyncset.done $0x0  }
0x24b: {  	[sflag:s2] =	ssyncadd.s32 $0xFFFF7C00  }
0x24c: {  	_ =	swait.ge [sflag:s2], $0x8400  }
0x24d: {  	[sflag:s2] =	ssyncset.done $0x0  }
0x24e: {  	[sflag:s2] =	ssyncadd.s32 $0xFFFF7C00  }
0x24f: {  	_ =	swait.ge [sflag:s2], $0x8400  }
0x250: {  	[sflag:s2] =	ssyncset.done $0x0  }
0x251: {  	[sflag:s2] =	ssyncadd.s32 $0xFFFF7C00  }
0x252: {  	_ =	swait.ge [sflag:s2], $0x8400  }
0x253: {  	[sflag:s2] =	ssyncset.done $0x0  }
0x254: {  	[sflag:s2] =	ssyncadd.s32 $0xFFFF7C00  }
0x255: {  	_ =	swait.ge [sflag:s2], $0x8400  }
0x256: {  	[sflag:s2] =	ssyncset.done $0x0  }
0x257: {  	[sflag:s2] =	ssyncadd.s32 $0xFFFF7C00  }
0x258: {  	_ =	swait.ge [sflag:s2], $0x8400  }
0x259: {  	[sflag:s2] =	ssyncset.done $0x0  }
0x25a: {  	[sflag:s2] =	ssyncadd.s32 $0xFFFF7C00  }
0x25b: {  	_ =	swait.ge [sflag:s2], $0x8400  }
0x25c: {  	[sflag:s2] =	ssyncset.done $0x0  }
0x25d: {  	[sflag:s2] =	ssyncadd.s32 $0xFFFF7C00  }
0x25e: {  	_ =	swait.ge [sflag:s2], $0x8400  }
0x25f: {  	[sflag:s2] =	ssyncset.done $0x0  }
0x260: {  	[sflag:s2] =	ssyncadd.s32 $0xFFFF7C00  }
0x261: {  	_ =	swait.ge [sflag:s2], $0x8400  }
0x262: {  	[sflag:s2] =	ssyncset.done $0x0  }
0x263: {  	[sflag:s2] =	ssyncadd.s32 $0xFFFF7C00  }
0x264: {  	_ =	swait.ge [sflag:s2], $0x8400  }
0x265: {  	[sflag:s2] =	ssyncset.done $0x0  }
0x266: {  	[sflag:s2] =	ssyncadd.s32 $0xFFFF7C00  }
0x267: {  	_ =	swait.ge [sflag:s2], $0x8400  }
0x268: {  	[sflag:s2] =	ssyncset.done $0x0  }
0x269: {  	[sflag:s2] =	ssyncadd.s32 $0xFFFF7C00  }
0x26a: {  	_ =	swait.ge [sflag:s2], $0x8400  }
0x26b: {  	[sflag:s2] =	ssyncset.done $0x0  }
0x26c: {  	[sflag:s2] =	ssyncadd.s32 $0xFFFF7C00  }
0x26d: {  	_ =	swait.ge [sflag:s2], $0x8400  }
0x26e: {  	[sflag:s2] =	ssyncset.done $0x0  }
0x26f: {  	[sflag:s2] =	ssyncadd.s32 $0xFFFF7C00  }
0x270: {  	_ =	swait.ge [sflag:s2], $0x8400  }
0x271: {  	[sflag:s2] =	ssyncset.done $0x0  }
0x272: {  	[sflag:s2] =	ssyncadd.s32 $0xFFFF7C00  }
0x273: {  	_ =	swait.ge [sflag:s2], $0x8400  }
0x274: {  	[sflag:s2] =	ssyncset.done $0x0  }
0x275: {  	[sflag:s2] =	ssyncadd.s32 $0xFFFF7C00  }
0x276: {  	_ =	swait.ge [sflag:s2], $0x8400  }
0x277: {  	[sflag:s2] =	ssyncset.done $0x0  }
0x278: {  	[sflag:s2] =	ssyncadd.s32 $0xFFFF7C00  }
0x279: {  	_ =	swait.ge [sflag:s2], $0x8400  }
0x27a: {  	[sflag:s2] =	ssyncset.done $0x0  }
0x27b: {  	[sflag:s2] =	ssyncadd.s32 $0xFFFF7C00  }
0x27c: {  	_ =	swait.ge [sflag:s2], $0x8400  }
0x27d: {  	[sflag:s2] =	ssyncset.done $0x0  }
0x27e: {  	[sflag:s2] =	ssyncadd.s32 $0xFFFF7C00  }
0x27f: {  	_ =	swait.ge [sflag:s2], $0x8400  }
0x280: {  	[sflag:s2] =	ssyncset.done $0x0  }
0x281: {  	[sflag:s2] =	ssyncadd.s32 $0xFFFF7C00  }
0x282: {  	_ =	swait.ge [sflag:s2], $0x8400  }
0x283: {  	[sflag:s2] =	ssyncset.done $0x0  }
0x284: {  	[sflag:s2] =	ssyncadd.s32 $0xFFFF7C00  }
0x285: {  	_ =	swait.ge [sflag:s2], $0x8400  }
0x286: {  	[sflag:s2] =	ssyncset.done $0x0  }
0x287: {  	[sflag:s2] =	ssyncadd.s32 $0xFFFF7C00  }
0x288: {  	_ =	swait.ge [sflag:s2], $0x8400  }
0x289: {  	[sflag:s2] =	ssyncset.done $0x0  }
0x28a: {  	[sflag:s2] =	ssyncadd.s32 $0xFFFF7C00  }
0x28b: {  	_ =	swait.ge [sflag:s2], $0x8400  }
0x28c: {  	[sflag:s2] =	ssyncset.done $0x0  }
0x28d: {  	[sflag:s2] =	ssyncadd.s32 $0xFFFF7C00  }
0x28e: {  	_ =	swait.ge [sflag:s2], $0x8400  }
0x28f: {  	[sflag:s2] =	ssyncset.done $0x0  }
0x290: {  	[sflag:s2] =	ssyncadd.s32 $0xFFFF7C00  }
0x291: {  	_ =	swait.ge [sflag:s2], $0x8400  }
0x292: {  	[sflag:s2] =	ssyncset.done $0x0  }
0x293: {  	[sflag:s2] =	ssyncadd.s32 $0xFFFF7C00  }
0x294: {  	_ =	swait.ge [sflag:s2], $0x8400  }
0x295: {  	[sflag:s2] =	ssyncset.done $0x0  }
0x296: {  	[sflag:s2] =	ssyncadd.s32 $0xFFFF7C00  }
0x297: {  	_ =	swait.ge [sflag:s2], $0x8400  }
0x298: {  	[sflag:s2] =	ssyncset.done $0x0  }
0x299: {  	[sflag:s2] =	ssyncadd.s32 $0xFFFF7C00  }
0x29a: {  	_ =	swait.ge [sflag:s2], $0x8400  }
0x29b: {  	[sflag:s2] =	ssyncset.done $0x0  }
0x29c: {  	[sflag:s2] =	ssyncadd.s32 $0xFFFF7C00  }
0x29d: {  	_ =	swait.ge [sflag:s2], $0x8400  }
0x29e: {  	[sflag:s2] =	ssyncset.done $0x0  }
0x29f: {  	[sflag:s2] =	ssyncadd.s32 $0xFFFF7C00  }
0x2a0: {  	_ =	swait.ge [sflag:s2], $0x8400  }
0x2a1: {  	[sflag:s2] =	ssyncset.done $0x0  }
0x2a2: {  	[sflag:s2] =	ssyncadd.s32 $0xFFFF7C00  }
0x2a3: {  	_ =	swait.ge [sflag:s2], $0x8400  }
0x2a4: {  	[sflag:s2] =	ssyncset.done $0x0  }
0x2a5: {  	[sflag:s2] =	ssyncadd.s32 $0xFFFF7C00  }
0x2a6: {  	_ =	swait.ge [sflag:s2], $0x8400  }
0x2a7: {  	[sflag:s2] =	ssyncset.done $0x0  }
0x2a8: {  	[sflag:s2] =	ssyncadd.s32 $0xFFFF7C00  }
0x2a9: {  	_ =	swait.ge [sflag:s2], $0x8400  }
0x2aa: {  	[sflag:s2] =	ssyncset.done $0x0  }
0x2ab: {  	[sflag:s2] =	ssyncadd.s32 $0xFFFF7C00  }
0x2ac: {  	_ =	swait.ge [sflag:s2], $0x8400  }
0x2ad: {  	[sflag:s2] =	ssyncset.done $0x0  }
0x2ae: {  	[sflag:s2] =	ssyncadd.s32 $0xFFFF7C00  }
0x2af: {  	_ =	swait.ge [sflag:s2], $0x8400  }
0x2b0: {  	[sflag:s2] =	ssyncset.done $0x0  }
0x2b1: {  	[sflag:s2] =	ssyncadd.s32 $0xFFFF7C00  }
0x2b2: {  	_ =	swait.ge [sflag:s2], $0x8400  }
0x2b3: {  	[sflag:s2] =	ssyncset.done $0x0  }
0x2b4: {  	[sflag:s2] =	ssyncadd.s32 $0xFFFF7C00  }
0x2b5: {  	_ =	swait.ge [sflag:s2], $0x8400  }
0x2b6: {  	[sflag:s2] =	ssyncset.done $0x0  }
0x2b7: {  	[sflag:s2] =	ssyncadd.s32 $0xFFFF7C00  }
0x2b8: {  	_ =	swait.ge [sflag:s2], $0x8400  }
0x2b9: {  	[sflag:s2] =	ssyncset.done $0x0  }
0x2ba: {  	[sflag:s2] =	ssyncadd.s32 $0xFFFF7C00  }
0x2bb: {  	_ =	swait.ge [sflag:s2], $0x8400  }
0x2bc: {  	[sflag:s2] =	ssyncset.done $0x0  }
0x2bd: {  	[sflag:s2] =	ssyncadd.s32 $0xFFFF7C00  }
0x2be: {  	_ =	swait.ge [sflag:s2], $0x8400  }
0x2bf: {  	[sflag:s2] =	ssyncset.done $0x0  }
0x2c0: {  	[sflag:s2] =	ssyncadd.s32 $0xFFFF7C00  }
0x2c1: {  	_ =	swait.ge [sflag:s2], $0x8400  }
0x2c2: {  	[sflag:s2] =	ssyncset.done $0x0  }
0x2c3: {  	[sflag:s2] =	ssyncadd.s32 $0xFFFF7C00  }
0x2c4: {  	_ =	swait.ge [sflag:s2], $0x8400  }
0x2c5: {  	[sflag:s2] =	ssyncset.done $0x0  }
0x2c6: {  	[sflag:s2] =	ssyncadd.s32 $0xFFFF7C00  }
0x2c7: {  	_ =	swait.ge [sflag:s2], $0x8400  }
0x2c8: {  	[sflag:s2] =	ssyncset.done $0x0  }
0x2c9: {  	[sflag:s2] =	ssyncadd.s32 $0xFFFF7C00  }
0x2ca: {  	_ =	swait.ge [sflag:s2], $0x8400  }
0x2cb: {  	[sflag:s2] =	ssyncset.done $0x0  }
0x2cc: {  	[sflag:s2] =	ssyncadd.s32 $0xFFFF7C00  }
0x2cd: {  	_ =	swait.ge [sflag:s2], $0x8400  }
0x2ce: {  	[sflag:s2] =	ssyncset.done $0x0  }
0x2cf: {  	[sflag:s2] =	ssyncadd.s32 $0xFFFF7C00  }
0x2d0: {  	_ =	swait.ge [sflag:s2], $0x8400  }
0x2d1: {  	[sflag:s2] =	ssyncset.done $0x0  }
0x2d2: {  	[sflag:s2] =	ssyncadd.s32 $0xFFFF7C00  }
0x2d3: {  	_ =	swait.ge [sflag:s2], $0x8400  }
0x2d4: {  	[sflag:s2] =	ssyncset.done $0x0  }
0x2d5: {  	[sflag:s2] =	ssyncadd.s32 $0xFFFF7C00  }
0x2d6: {  	_ =	swait.ge [sflag:s2], $0x8400  }
0x2d7: {  	[sflag:s2] =	ssyncset.done $0x0  }
0x2d8: {  	[sflag:s2] =	ssyncadd.s32 $0xFFFF7C00  }
0x2d9: {  	_ =	swait.ge [sflag:s2], $0x8400  }
0x2da: {  	[sflag:s2] =	ssyncset.done $0x0  }
0x2db: {  	[sflag:s2] =	ssyncadd.s32 $0xFFFF7C00  }
0x2dc: {  	_ =	swait.ge [sflag:s2], $0x8400  }
0x2dd: {  	[sflag:s2] =	ssyncset.done $0x0  }
0x2de: {  	[sflag:s2] =	ssyncadd.s32 $0xFFFF7C00  }
0x2df: {  	_ =	swait.ge [sflag:s2], $0x8400  }
0x2e0: {  	[sflag:s2] =	ssyncset.done $0x0  }
0x2e1: {  	[sflag:s2] =	ssyncadd.s32 $0xFFFF7C00  }
0x2e2: {  	_ =	swait.ge [sflag:s2], $0x8400  }
0x2e3: {  	[sflag:s2] =	ssyncset.done $0x0  }
0x2e4: {  	[sflag:s2] =	ssyncadd.s32 $0xFFFF7C00  }
0x2e5: {  	_ =	swait.ge [sflag:s2], $0x8400  }
0x2e6: {  	[sflag:s2] =	ssyncset.done $0x0  }
0x2e7: {  	[sflag:s2] =	ssyncadd.s32 $0xFFFF7C00  }
0x2e8: {  	_ =	swait.ge [sflag:s2], $0x8400  }
0x2e9: {  	[sflag:s2] =	ssyncset.done $0x0  }
0x2ea: {  	[sflag:s2] =	ssyncadd.s32 $0xFFFF7C00  }
0x2eb: {  	_ =	swait.ge [sflag:s2], $0x8400  }
0x2ec: {  	[sflag:s2] =	ssyncset.done $0x0  }
0x2ed: {  	[sflag:s2] =	ssyncadd.s32 $0xFFFF7C00  }
0x2ee: {  	_ =	swait.ge [sflag:s2], $0x8400  }
0x2ef: {  	[sflag:s2] =	ssyncset.done $0x0  }
0x2f0: {  	[sflag:s2] =	ssyncadd.s32 $0xFFFF7C00  }
0x2f1: {  	_ =	swait.ge [sflag:s2], $0x8400  }
0x2f2: {  	[sflag:s2] =	ssyncset.done $0x0  }
0x2f3: {  	[sflag:s2] =	ssyncadd.s32 $0xFFFF7C00  }
0x2f4: {  	_ =	swait.ge [sflag:s2], $0x8400  }
0x2f5: {  	[sflag:s2] =	ssyncset.done $0x0  }
0x2f6: {  	[sflag:s2] =	ssyncadd.s32 $0xFFFF7C00  }
0x2f7: {  	_ =	swait.ge [sflag:s2], $0x8400  }
0x2f8: {  	[sflag:s2] =	ssyncset.done $0x0  }
0x2f9: {  	p1 =	sne.s32 s0, $0x1;
	[sflag:s2] =	ssyncadd.s32 $0xFFFF7C00  }
.Ltmp2:
0x2fa: {  	_ =	swait.ge [sflag:s2], $0x8400;
	(pc) =	sbr.rel @p1 .LBB2_3-.Ltmp2, $4  }
0x2fb: {  	[sflag:s2] =	ssyncset.done $0x0  }
0x2fc: {  	[sflag:s2] =	ssyncadd.s32 $0xFFFF7C00  }
0x2fd: {  	_ =	swait.ge [sflag:s2], $0x8400  }
0x2fe: {  	s0 =	sadd.s32 $0xFFFFFFFF, s0;
	s1 =	rddreg [dreg:$0x3];
	[sflag:s2] =	ssyncset.done $0x0  }
0x2ff: {  	s31 =	rddreg [dreg:$0x2]  }
.LBB2_5:
0x300: {  	[sflag:s2] =	ssyncadd.s32 @p0 $0xFFFF7C00  }
0x301: {  	[tilespmem:s3], [sflag:$0x2] =	stream.strided.gather [hbm4b:s1+s26], $0x8400, s28, s26, $0x38;
	[tilespmem:$0x10800] =	vst v63  }
0x302: {  	_ =	swait.ge [sflag:s30], $0x8400  }
0x303: {  	[sflag:s30] =	ssyncset.done $0x0  }
0x304: {  	s1 =	simm.s32 $0x8400;
	s0 =	rddreg [dreg:$0x4];
	[sflag:s30] =	ssyncadd.s32 $0xFFFF7C00  }
0x305: {  	[tilespmem:s1], [sflag:$0x2] =	stream.strided.gather [hbm4b:s0+s26], $0x8400, s28, s26, $0x38;
	[tilespmem:$0x10800] =	vst v63  }
0x306: {  	_ =	swait.ge [sflag:s30], $0x8400  }
0x307: {  	s1 =	rddreg [dreg:$0x5];
	[sflag:s30] =	ssyncset.done $0x0  }
0x308: {  	s0 =	rddreg [dreg:$0x7];
	[sflag:s30] =	ssyncadd.s32 $0xFFFF7C00  }
0x309: {  	[hbm4b:s1+s26] =	stream.strided.scatter [tilespmem:s3], [sflag:$0x1], $0x8400, s28, s26, $0x38;
	[tilespmem:$0x10800] =	vst v63  }
0x30a: {  	s30 =	rddreg [dreg:$0x6]  }
0x30b: {  	[hbm4b:s30+s26] =	stream.strided.scatter [tilespmem:s3], [sflag:$0x1], $0x8400, s28, s26, $0x38;
	[tilespmem:$0x10800] =	vst v63  }
0x30c: {  	s30 =	rddreg [dreg:$0x8]  }
0x30d: {  	[hbm4b:s0+s26] =	stream.strided.scatter [tilespmem:s3], [sflag:$0x1], $0x8400, s28, s26, $0x38;
	[tilespmem:$0x10800] =	vst v63  }
0x30e: {  	s0 =	rddreg [dreg:$0x9]  }
0x30f: {  	[hbm4b:s30+s26] =	stream.strided.scatter [tilespmem:s3], [sflag:$0x1], $0x8400, s28, s26, $0x38;
	[tilespmem:$0x10800] =	vst v63  }
0x310: {  	s30 =	rddreg [dreg:$0xa]  }
0x311: {  	[hbm4b:s0+s26] =	stream.strided.scatter [tilespmem:s3], [sflag:$0x1], $0x8400, s28, s26, $0x38;
	[tilespmem:$0x10800] =	vst v63  }
0x312: {  	s0 =	rddreg [dreg:$0xb]  }
0x313: {  	[hbm4b:s30+s26] =	stream.strided.scatter [tilespmem:s3], [sflag:$0x1], $0x8400, s28, s26, $0x38;
	[tilespmem:$0x10800] =	vst v63  }
0x314: {  	s30 =	rddreg [dreg:$0xc]  }
0x315: {  	[hbm4b:s0+s26] =	stream.strided.scatter [tilespmem:s3], [sflag:$0x1], $0x8400, s28, s26, $0x38;
	[tilespmem:$0x10800] =	vst v63  }
0x316: {  	s0 =	rddreg [dreg:$0xd]  }
0x317: {  	[hbm4b:s30+s26] =	stream.strided.scatter [tilespmem:s3], [sflag:$0x1], $0x8400, s28, s26, $0x38;
	[tilespmem:$0x10800] =	vst v63  }
0x318: {  	s30 =	rddreg [dreg:$0xe]  }
0x319: {  	[hbm4b:s0+s26] =	stream.strided.scatter [tilespmem:s3], [sflag:$0x1], $0x8400, s28, s26, $0x38;
	[tilespmem:$0x10800] =	vst v63  }
0x31a: {  	s0 =	rddreg [dreg:$0xf]  }
0x31b: {  	[hbm4b:s30+s26] =	stream.strided.scatter [tilespmem:s3], [sflag:$0x1], $0x8400, s28, s26, $0x38;
	[tilespmem:$0x10800] =	vst v63  }
0x31c: {  	s30 =	rddreg [dreg:$0x10]  }
0x31d: {  	[hbm4b:s0+s26] =	stream.strided.scatter [tilespmem:s18], [sflag:$0x1], $0x8400, s28, s26, $0x38;
	[tilespmem:$0x10800] =	vst v63  }
0x31e: {  	s3 =	rddreg [dreg:$0x11]  }
0x31f: {  	[hbm4b:s30+s26] =	stream.strided.scatter [tilespmem:s18], [sflag:$0x1], $0x8400, s28, s26, $0x38;
	[tilespmem:$0x10800] =	vst v63  }
0x320: {  	s30 =	rddreg [dreg:$0x12]  }
0x321: {  	[hbm4b:s3+s26] =	stream.strided.scatter [tilespmem:s18], [sflag:$0x1], $0x8400, s28, s26, $0x38;
	[tilespmem:$0x10800] =	vst v63  }
0x322: {  	s3 =	rddreg [dreg:$0x13]  }
0x323: {  	[hbm4b:s30+s26] =	stream.strided.scatter [tilespmem:s18], [sflag:$0x1], $0x8400, s28, s26, $0x38;
	[tilespmem:$0x10800] =	vst v63  }
0x324: {  	s30 =	rddreg [dreg:$0x14]  }
0x325: {  	[hbm4b:s3+s26] =	stream.strided.scatter [tilespmem:s18], [sflag:$0x1], $0x8400, s28, s26, $0x38;
	[tilespmem:$0x10800] =	vst v63  }
0x326: {  	s3 =	rddreg [dreg:$0x15]  }
0x327: {  	[hbm4b:s30+s26] =	stream.strided.scatter [tilespmem:s18], [sflag:$0x1], $0x8400, s28, s26, $0x38;
	[tilespmem:$0x10800] =	vst v63  }
0x328: {  	s18 =	rddreg [dreg:$0x16]  }
0x329: {  	[hbm4b:s3+s26] =	stream.strided.scatter [tilespmem:s4], [sflag:$0x1], $0x8400, s28, s26, $0x38;
	[tilespmem:$0x10800] =	vst v63  }
0x32a: {  	s30 =	rddreg [dreg:$0x17]  }
0x32b: {  	[hbm4b:s18+s26] =	stream.strided.scatter [tilespmem:s4], [sflag:$0x1], $0x8400, s28, s26, $0x38;
	[tilespmem:$0x10800] =	vst v63  }
0x32c: {  	s3 =	rddreg [dreg:$0x18]  }
0x32d: {  	[hbm4b:s30+s26] =	stream.strided.scatter [tilespmem:s4], [sflag:$0x1], $0x8400, s28, s26, $0x38;
	[tilespmem:$0x10800] =	vst v63  }
0x32e: {  	s18 =	rddreg [dreg:$0x19]  }
0x32f: {  	[hbm4b:s3+s26] =	stream.strided.scatter [tilespmem:s4], [sflag:$0x1], $0x8400, s28, s26, $0x38;
	[tilespmem:$0x10800] =	vst v63  }
0x330: {  	s30 =	rddreg [dreg:$0x1a]  }
0x331: {  	[hbm4b:s18+s26] =	stream.strided.scatter [tilespmem:s4], [sflag:$0x1], $0x8400, s28, s26, $0x38;
	[tilespmem:$0x10800] =	vst v63  }
0x332: {  	s3 =	rddreg [dreg:$0x1b]  }
0x333: {  	[hbm4b:s30+s26] =	stream.strided.scatter [tilespmem:s4], [sflag:$0x1], $0x8400, s28, s26, $0x38;
	[tilespmem:$0x10800] =	vst v63  }
0x334: {  	s18 =	rddreg [dreg:$0x1c]  }
0x335: {  	[hbm4b:s3+s26] =	stream.strided.scatter [tilespmem:s4], [sflag:$0x1], $0x8400, s28, s26, $0x38;
	[tilespmem:$0x10800] =	vst v63  }
0x336: {  	s30 =	rddreg [dreg:$0x1d]  }
0x337: {  	[hbm4b:s18+s26] =	stream.strided.scatter [tilespmem:s4], [sflag:$0x1], $0x8400, s28, s26, $0x38;
	[tilespmem:$0x10800] =	vst v63  }
0x338: {  	s3 =	rddreg [dreg:$0x1e]  }
0x339: {  	[hbm4b:s30+s26] =	stream.strided.scatter [tilespmem:s4], [sflag:$0x1], $0x8400, s28, s26, $0x38;
	[tilespmem:$0x10800] =	vst v63  }
0x33a: {  	s18 =	rddreg [dreg:$0x1f]  }
0x33b: {  	[hbm4b:s3+s26] =	stream.strided.scatter [tilespmem:s4], [sflag:$0x1], $0x8400, s28, s26, $0x38;
	[tilespmem:$0x10800] =	vst v63  }
0x33c: {  	s30 =	sld [smem:$0x7E9]  }
0x33d: {  	[hbm4b:s18+s26] =	stream.strided.scatter [tilespmem:s4], [sflag:$0x1], $0x8400, s28, s26, $0x38;
	[tilespmem:$0x10800] =	vst v63  }
0x33e: {  	s3 =	sld [smem:$0x7EA]  }
0x33f: {  	[hbm4b:s30+s26] =	stream.strided.scatter [tilespmem:s4], [sflag:$0x1], $0x8400, s28, s26, $0x38;
	[tilespmem:$0x10800] =	vst v63  }
0x340: {  	s18 =	sld [smem:$0x7EB]  }
0x341: {  	[hbm4b:s3+s26] =	stream.strided.scatter [tilespmem:s4], [sflag:$0x1], $0x8400, s28, s26, $0x38;
	[tilespmem:$0x10800] =	vst v63  }
0x342: {  	s30 =	sld [smem:$0x7EC]  }
0x343: {  	[hbm4b:s18+s26] =	stream.strided.scatter [tilespmem:s4], [sflag:$0x1], $0x8400, s28, s26, $0x38;
	[tilespmem:$0x10800] =	vst v63  }
0x344: {  	s3 =	sld [smem:$0x7ED]  }
0x345: {  	[hbm4b:s30+s26] =	stream.strided.scatter [tilespmem:s4], [sflag:$0x1], $0x8400, s28, s26, $0x38;
	[tilespmem:$0x10800] =	vst v63  }
0x346: {  	s18 =	sld [smem:$0x7EE]  }
0x347: {  	[hbm4b:s3+s26] =	stream.strided.scatter [tilespmem:s4], [sflag:$0x1], $0x8400, s28, s26, $0x38;
	[tilespmem:$0x10800] =	vst v63  }
0x348: {  	s30 =	sld [smem:$0x7EF]  }
0x349: {  	[hbm4b:s18+s26] =	stream.strided.scatter [tilespmem:s4], [sflag:$0x1], $0x8400, s28, s26, $0x38;
	[tilespmem:$0x10800] =	vst v63  }
0x34a: {  	s3 =	sld [smem:$0x7F0]  }
0x34b: {  	[hbm4b:s30+s26] =	stream.strided.scatter [tilespmem:s4], [sflag:$0x1], $0x8400, s28, s26, $0x38;
	[tilespmem:$0x10800] =	vst v63  }
0x34c: {  	s18 =	sld [smem:$0x7F1]  }
0x34d: {  	[hbm4b:s3+s26] =	stream.strided.scatter [tilespmem:s4], [sflag:$0x1], $0x8400, s28, s26, $0x38;
	[tilespmem:$0x10800] =	vst v63  }
0x34e: {  	s30 =	sld [smem:$0x7F2]  }
0x34f: {  	[hbm4b:s18+s26] =	stream.strided.scatter [tilespmem:s4], [sflag:$0x1], $0x8400, s28, s26, $0x38;
	[tilespmem:$0x10800] =	vst v63  }
0x350: {  	s3 =	sld [smem:$0x7F3]  }
0x351: {  	[hbm4b:s30+s26] =	stream.strided.scatter [tilespmem:s4], [sflag:$0x1], $0x8400, s28, s26, $0x38;
	[tilespmem:$0x10800] =	vst v63  }
0x352: {  	s18 =	sld [smem:$0x7F4]  }
0x353: {  	[hbm4b:s3+s26] =	stream.strided.scatter [tilespmem:s4], [sflag:$0x1], $0x8400, s28, s26, $0x38;
	[tilespmem:$0x10800] =	vst v63  }
0x354: {  	s30 =	sld [smem:$0x7F5]  }
0x355: {  	[hbm4b:s18+s26] =	stream.strided.scatter [tilespmem:s29], [sflag:$0x1], $0x8400, s28, s26, $0x38;
	[tilespmem:$0x10800] =	vst v63  }
0x356: {  	s3 =	sld [smem:$0x7F6]  }
0x357: {  	[hbm4b:s30+s26] =	stream.strided.scatter [tilespmem:s29], [sflag:$0x1], $0x8400, s28, s26, $0x38;
	[tilespmem:$0x10800] =	vst v63  }
0x358: {  	s4 =	sld [smem:$0x7F7]  }
0x359: {  	[hbm4b:s3+s26] =	stream.strided.scatter [tilespmem:s29], [sflag:$0x1], $0x8400, s28, s26, $0x38;
	[tilespmem:$0x10800] =	vst v63  }
0x35a: {  	s18 =	sld [smem:$0x7F8]  }
0x35b: {  	[hbm4b:s4+s26] =	stream.strided.scatter [tilespmem:s29], [sflag:$0x1], $0x8400, s28, s26, $0x38;
	[tilespmem:$0x10800] =	vst v63  }
0x35c: {  	s30 =	sld [smem:$0x7F9]  }
0x35d: {  	[hbm4b:s18+s26] =	stream.strided.scatter [tilespmem:s29], [sflag:$0x1], $0x8400, s28, s26, $0x38;
	[tilespmem:$0x10800] =	vst v63  }
0x35e: {  	s3 =	sld [smem:$0x7FA]  }
0x35f: {  	[hbm4b:s30+s26] =	stream.strided.scatter [tilespmem:s29], [sflag:$0x1], $0x8400, s28, s26, $0x38;
	[tilespmem:$0x10800] =	vst v63  }
0x360: {  	s4 =	sld [smem:$0x7FB]  }
0x361: {  	[hbm4b:s3+s26] =	stream.strided.scatter [tilespmem:s29], [sflag:$0x1], $0x8400, s28, s26, $0x38;
	[tilespmem:$0x10800] =	vst v63  }
0x362: {  	s18 =	sld [smem:$0x7FC]  }
0x363: {  	[hbm4b:s4+s26] =	stream.strided.scatter [tilespmem:s29], [sflag:$0x1], $0x8400, s28, s26, $0x38;
	[tilespmem:$0x10800] =	vst v63  }
0x364: {  	_ = 	snop  }
0x365: {  	[hbm4b:s18+s26] =	stream.strided.scatter [tilespmem:s29], [sflag:$0x1], $0x8400, s28, s26, $0x38;
	[tilespmem:$0x10800] =	vst v63  }
0x366: {  	_ = 	snop  }
0x367: {  	[hbm4b:s5+s26] =	stream.strided.scatter [tilespmem:s29], [sflag:$0x1], $0x8400, s28, s26, $0x38;
	[tilespmem:$0x10800] =	vst v63  }
0x368: {  	_ = 	snop  }
0x369: {  	[hbm4b:s6+s26] =	stream.strided.scatter [tilespmem:s29], [sflag:$0x1], $0x8400, s28, s26, $0x38;
	[tilespmem:$0x10800] =	vst v63  }
0x36a: {  	_ = 	snop  }
0x36b: {  	[hbm4b:s7+s26] =	stream.strided.scatter [tilespmem:s29], [sflag:$0x1], $0x8400, s28, s26, $0x38;
	[tilespmem:$0x10800] =	vst v63  }
0x36c: {  	_ = 	snop  }
0x36d: {  	[hbm4b:s8+s26] =	stream.strided.scatter [tilespmem:s29], [sflag:$0x1], $0x8400, s28, s26, $0x38;
	[tilespmem:$0x10800] =	vst v63  }
0x36e: {  	_ = 	snop  }
0x36f: {  	[hbm4b:s9+s26] =	stream.strided.scatter [tilespmem:s29], [sflag:$0x1], $0x8400, s28, s26, $0x38;
	[tilespmem:$0x10800] =	vst v63  }
0x370: {  	_ = 	snop  }
0x371: {  	[hbm4b:s10+s26] =	stream.strided.scatter [tilespmem:s29], [sflag:$0x1], $0x8400, s28, s26, $0x38;
	[tilespmem:$0x10800] =	vst v63  }
0x372: {  	_ = 	snop  }
0x373: {  	[hbm4b:s11+s26] =	stream.strided.scatter [tilespmem:s29], [sflag:$0x1], $0x8400, s28, s26, $0x38;
	[tilespmem:$0x10800] =	vst v63  }
0x374: {  	_ = 	snop  }
0x375: {  	[hbm4b:s12+s26] =	stream.strided.scatter [tilespmem:s25], [sflag:$0x1], $0x8400, s28, s26, $0x38;
	[tilespmem:$0x10800] =	vst v63  }
0x376: {  	_ = 	snop  }
0x377: {  	[hbm4b:s13+s26] =	stream.strided.scatter [tilespmem:s25], [sflag:$0x1], $0x8400, s28, s26, $0x38;
	[tilespmem:$0x10800] =	vst v63  }
0x378: {  	_ = 	snop  }
0x379: {  	[hbm4b:s14+s26] =	stream.strided.scatter [tilespmem:s25], [sflag:$0x1], $0x8400, s28, s26, $0x38;
	[tilespmem:$0x10800] =	vst v63  }
0x37a: {  	_ = 	snop  }
0x37b: {  	[hbm4b:s15+s26] =	stream.strided.scatter [tilespmem:s25], [sflag:$0x1], $0x8400, s28, s26, $0x38;
	[tilespmem:$0x10800] =	vst v63  }
0x37c: {  	_ = 	snop  }
0x37d: {  	[hbm4b:s16+s26] =	stream.strided.scatter [tilespmem:s25], [sflag:$0x1], $0x8400, s28, s26, $0x38;
	[tilespmem:$0x10800] =	vst v63  }
0x37e: {  	_ = 	snop  }
0x37f: {  	[hbm4b:s17+s26] =	stream.strided.scatter [tilespmem:s25], [sflag:$0x1], $0x8400, s28, s26, $0x38;
	[tilespmem:$0x10800] =	vst v63  }
0x380: {  	_ = 	snop  }
0x381: {  	[hbm4b:s19+s26] =	stream.strided.scatter [tilespmem:s25], [sflag:$0x1], $0x8400, s28, s26, $0x38;
	[tilespmem:$0x10800] =	vst v63  }
0x382: {  	_ = 	snop  }
0x383: {  	[hbm4b:s20+s26] =	stream.strided.scatter [tilespmem:s25], [sflag:$0x1], $0x8400, s28, s26, $0x38;
	[tilespmem:$0x10800] =	vst v63  }
0x384: {  	_ = 	snop  }
0x385: {  	[hbm4b:s21+s26] =	stream.strided.scatter [tilespmem:s25], [sflag:$0x1], $0x8400, s28, s26, $0x38;
	[tilespmem:$0x10800] =	vst v63  }
0x386: {  	_ = 	snop  }
0x387: {  	[hbm4b:s22+s26] =	stream.strided.scatter [tilespmem:s25], [sflag:$0x1], $0x8400, s28, s26, $0x38;
	[tilespmem:$0x10800] =	vst v63  }
0x388: {  	_ = 	snop  }
0x389: {  	[hbm4b:s23+s26] =	stream.strided.scatter [tilespmem:s25], [sflag:$0x1], $0x8400, s28, s26, $0x38;
	[tilespmem:$0x10800] =	vst v63  }
0x38a: {  	_ = 	snop  }
0x38b: {  	[hbm4b:s24+s26] =	stream.strided.scatter [tilespmem:s25], [sflag:$0x1], $0x8400, s28, s26, $0x38;
	[tilespmem:$0x10800] =	vst v63  }
0x38c: {  	_ =	swait.ge [sflag:s2], $0x8400  }
0x38d: {  	[sflag:s2] =	ssyncset.done $0x0  }
0x38e: {  	[sflag:s2] =	ssyncadd.s32 $0xFFFF7C00  }
0x38f: {  	_ =	swait.ge [sflag:s2], $0x8400  }
0x390: {  	[sflag:s2] =	ssyncset.done $0x0  }
0x391: {  	[sflag:s2] =	ssyncadd.s32 $0xFFFF7C00  }
0x392: {  	_ =	swait.ge [sflag:s2], $0x8400  }
0x393: {  	[sflag:s2] =	ssyncset.done $0x0  }
0x394: {  	[sflag:s2] =	ssyncadd.s32 $0xFFFF7C00  }
0x395: {  	_ =	swait.ge [sflag:s2], $0x8400  }
0x396: {  	[sflag:s2] =	ssyncset.done $0x0  }
0x397: {  	[sflag:s2] =	ssyncadd.s32 $0xFFFF7C00  }
0x398: {  	_ =	swait.ge [sflag:s2], $0x8400  }
0x399: {  	[sflag:s2] =	ssyncset.done $0x0  }
0x39a: {  	[sflag:s2] =	ssyncadd.s32 $0xFFFF7C00  }
0x39b: {  	_ =	swait.ge [sflag:s2], $0x8400  }
0x39c: {  	[sflag:s2] =	ssyncset.done $0x0  }
0x39d: {  	[sflag:s2] =	ssyncadd.s32 $0xFFFF7C00  }
0x39e: {  	_ =	swait.ge [sflag:s2], $0x8400  }
0x39f: {  	[sflag:s2] =	ssyncset.done $0x0  }
0x3a0: {  	[sflag:s2] =	ssyncadd.s32 $0xFFFF7C00  }
0x3a1: {  	_ =	swait.ge [sflag:s2], $0x8400  }
0x3a2: {  	[sflag:s2] =	ssyncset.done $0x0  }
0x3a3: {  	[sflag:s2] =	ssyncadd.s32 $0xFFFF7C00  }
0x3a4: {  	_ =	swait.ge [sflag:s2], $0x8400  }
0x3a5: {  	[sflag:s2] =	ssyncset.done $0x0  }
0x3a6: {  	[sflag:s2] =	ssyncadd.s32 $0xFFFF7C00  }
0x3a7: {  	_ =	swait.ge [sflag:s2], $0x8400  }
0x3a8: {  	[sflag:s2] =	ssyncset.done $0x0  }
0x3a9: {  	[sflag:s2] =	ssyncadd.s32 $0xFFFF7C00  }
0x3aa: {  	_ =	swait.ge [sflag:s2], $0x8400  }
0x3ab: {  	[sflag:s2] =	ssyncset.done $0x0  }
0x3ac: {  	[sflag:s2] =	ssyncadd.s32 $0xFFFF7C00  }
0x3ad: {  	_ =	swait.ge [sflag:s2], $0x8400  }
0x3ae: {  	[sflag:s2] =	ssyncset.done $0x0  }
0x3af: {  	[sflag:s2] =	ssyncadd.s32 $0xFFFF7C00  }
0x3b0: {  	_ =	swait.ge [sflag:s2], $0x8400  }
0x3b1: {  	[sflag:s2] =	ssyncset.done $0x0  }
0x3b2: {  	[sflag:s2] =	ssyncadd.s32 $0xFFFF7C00  }
0x3b3: {  	_ =	swait.ge [sflag:s2], $0x8400  }
0x3b4: {  	[sflag:s2] =	ssyncset.done $0x0  }
0x3b5: {  	[sflag:s2] =	ssyncadd.s32 $0xFFFF7C00  }
0x3b6: {  	_ =	swait.ge [sflag:s2], $0x8400  }
0x3b7: {  	[sflag:s2] =	ssyncset.done $0x0  }
0x3b8: {  	[sflag:s2] =	ssyncadd.s32 $0xFFFF7C00  }
0x3b9: {  	_ =	swait.ge [sflag:s2], $0x8400  }
0x3ba: {  	[sflag:s2] =	ssyncset.done $0x0  }
0x3bb: {  	[sflag:s2] =	ssyncadd.s32 $0xFFFF7C00  }
0x3bc: {  	_ =	swait.ge [sflag:s2], $0x8400  }
0x3bd: {  	[sflag:s2] =	ssyncset.done $0x0  }
0x3be: {  	[sflag:s2] =	ssyncadd.s32 $0xFFFF7C00  }
0x3bf: {  	_ =	swait.ge [sflag:s2], $0x8400  }
0x3c0: {  	[sflag:s2] =	ssyncset.done $0x0  }
0x3c1: {  	[sflag:s2] =	ssyncadd.s32 $0xFFFF7C00  }
0x3c2: {  	_ =	swait.ge [sflag:s2], $0x8400  }
0x3c3: {  	[sflag:s2] =	ssyncset.done $0x0  }
0x3c4: {  	[sflag:s2] =	ssyncadd.s32 $0xFFFF7C00  }
0x3c5: {  	_ =	swait.ge [sflag:s2], $0x8400  }
0x3c6: {  	[sflag:s2] =	ssyncset.done $0x0  }
0x3c7: {  	[sflag:s2] =	ssyncadd.s32 $0xFFFF7C00  }
0x3c8: {  	_ =	swait.ge [sflag:s2], $0x8400  }
0x3c9: {  	[sflag:s2] =	ssyncset.done $0x0  }
0x3ca: {  	[sflag:s2] =	ssyncadd.s32 $0xFFFF7C00  }
0x3cb: {  	_ =	swait.ge [sflag:s2], $0x8400  }
0x3cc: {  	[sflag:s2] =	ssyncset.done $0x0  }
0x3cd: {  	[sflag:s2] =	ssyncadd.s32 $0xFFFF7C00  }
0x3ce: {  	_ =	swait.ge [sflag:s2], $0x8400  }
0x3cf: {  	[sflag:s2] =	ssyncset.done $0x0  }
0x3d0: {  	[sflag:s2] =	ssyncadd.s32 $0xFFFF7C00  }
0x3d1: {  	_ =	swait.ge [sflag:s2], $0x8400  }
0x3d2: {  	[sflag:s2] =	ssyncset.done $0x0  }
0x3d3: {  	[sflag:s2] =	ssyncadd.s32 $0xFFFF7C00  }
0x3d4: {  	_ =	swait.ge [sflag:s2], $0x8400  }
0x3d5: {  	[sflag:s2] =	ssyncset.done $0x0  }
0x3d6: {  	[sflag:s2] =	ssyncadd.s32 $0xFFFF7C00  }
0x3d7: {  	_ =	swait.ge [sflag:s2], $0x8400  }
0x3d8: {  	[sflag:s2] =	ssyncset.done $0x0  }
0x3d9: {  	[sflag:s2] =	ssyncadd.s32 $0xFFFF7C00  }
0x3da: {  	_ =	swait.ge [sflag:s2], $0x8400  }
0x3db: {  	[sflag:s2] =	ssyncset.done $0x0  }
0x3dc: {  	[sflag:s2] =	ssyncadd.s32 $0xFFFF7C00  }
0x3dd: {  	_ =	swait.ge [sflag:s2], $0x8400  }
0x3de: {  	[sflag:s2] =	ssyncset.done $0x0  }
0x3df: {  	[sflag:s2] =	ssyncadd.s32 $0xFFFF7C00  }
0x3e0: {  	_ =	swait.ge [sflag:s2], $0x8400  }
0x3e1: {  	[sflag:s2] =	ssyncset.done $0x0  }
0x3e2: {  	[sflag:s2] =	ssyncadd.s32 $0xFFFF7C00  }
0x3e3: {  	_ =	swait.ge [sflag:s2], $0x8400  }
0x3e4: {  	[sflag:s2] =	ssyncset.done $0x0  }
0x3e5: {  	[sflag:s2] =	ssyncadd.s32 $0xFFFF7C00  }
0x3e6: {  	_ =	swait.ge [sflag:s2], $0x8400  }
0x3e7: {  	[sflag:s2] =	ssyncset.done $0x0  }
0x3e8: {  	[sflag:s2] =	ssyncadd.s32 $0xFFFF7C00  }
0x3e9: {  	_ =	swait.ge [sflag:s2], $0x8400  }
0x3ea: {  	[sflag:s2] =	ssyncset.done $0x0  }
0x3eb: {  	[sflag:s2] =	ssyncadd.s32 $0xFFFF7C00  }
0x3ec: {  	_ =	swait.ge [sflag:s2], $0x8400  }
0x3ed: {  	[sflag:s2] =	ssyncset.done $0x0  }
0x3ee: {  	[sflag:s2] =	ssyncadd.s32 $0xFFFF7C00  }
0x3ef: {  	_ =	swait.ge [sflag:s2], $0x8400  }
0x3f0: {  	[sflag:s2] =	ssyncset.done $0x0  }
0x3f1: {  	[sflag:s2] =	ssyncadd.s32 $0xFFFF7C00  }
0x3f2: {  	_ =	swait.ge [sflag:s2], $0x8400  }
0x3f3: {  	[sflag:s2] =	ssyncset.done $0x0  }
0x3f4: {  	[sflag:s2] =	ssyncadd.s32 $0xFFFF7C00  }
0x3f5: {  	_ =	swait.ge [sflag:s2], $0x8400  }
0x3f6: {  	[sflag:s2] =	ssyncset.done $0x0  }
0x3f7: {  	[sflag:s2] =	ssyncadd.s32 $0xFFFF7C00  }
0x3f8: {  	_ =	swait.ge [sflag:s2], $0x8400  }
0x3f9: {  	[sflag:s2] =	ssyncset.done $0x0  }
0x3fa: {  	[sflag:s2] =	ssyncadd.s32 $0xFFFF7C00  }
0x3fb: {  	_ =	swait.ge [sflag:s2], $0x8400  }
0x3fc: {  	[sflag:s2] =	ssyncset.done $0x0  }
0x3fd: {  	[sflag:s2] =	ssyncadd.s32 $0xFFFF7C00  }
0x3fe: {  	_ =	swait.ge [sflag:s2], $0x8400  }
0x3ff: {  	[sflag:s2] =	ssyncset.done $0x0  }
0x400: {  	[sflag:s2] =	ssyncadd.s32 $0xFFFF7C00  }
0x401: {  	_ =	swait.ge [sflag:s2], $0x8400  }
0x402: {  	[sflag:s2] =	ssyncset.done $0x0  }
0x403: {  	[sflag:s2] =	ssyncadd.s32 $0xFFFF7C00  }
0x404: {  	_ =	swait.ge [sflag:s2], $0x8400  }
0x405: {  	[sflag:s2] =	ssyncset.done $0x0  }
0x406: {  	[sflag:s2] =	ssyncadd.s32 $0xFFFF7C00  }
0x407: {  	_ =	swait.ge [sflag:s2], $0x8400  }
0x408: {  	[sflag:s2] =	ssyncset.done $0x0  }
0x409: {  	[sflag:s2] =	ssyncadd.s32 $0xFFFF7C00  }
0x40a: {  	_ =	swait.ge [sflag:s2], $0x8400  }
0x40b: {  	[sflag:s2] =	ssyncset.done $0x0  }
0x40c: {  	[sflag:s2] =	ssyncadd.s32 $0xFFFF7C00  }
0x40d: {  	_ =	swait.ge [sflag:s2], $0x8400  }
0x40e: {  	[sflag:s2] =	ssyncset.done $0x0  }
0x40f: {  	[sflag:s2] =	ssyncadd.s32 $0xFFFF7C00  }
0x410: {  	_ =	swait.ge [sflag:s2], $0x8400  }
0x411: {  	[sflag:s2] =	ssyncset.done $0x0  }
0x412: {  	[sflag:s2] =	ssyncadd.s32 $0xFFFF7C00  }
0x413: {  	_ =	swait.ge [sflag:s2], $0x8400  }
0x414: {  	[sflag:s2] =	ssyncset.done $0x0  }
0x415: {  	[sflag:s2] =	ssyncadd.s32 $0xFFFF7C00  }
0x416: {  	_ =	swait.ge [sflag:s2], $0x8400  }
0x417: {  	[sflag:s2] =	ssyncset.done $0x0  }
0x418: {  	[sflag:s2] =	ssyncadd.s32 $0xFFFF7C00  }
0x419: {  	_ =	swait.ge [sflag:s2], $0x8400  }
0x41a: {  	[sflag:s2] =	ssyncset.done $0x0  }
0x41b: {  	[sflag:s2] =	ssyncadd.s32 $0xFFFF7C00  }
0x41c: {  	_ =	swait.ge [sflag:s2], $0x8400  }
0x41d: {  	[sflag:s2] =	ssyncset.done $0x0  }
0x41e: {  	[sflag:s2] =	ssyncadd.s32 $0xFFFF7C00  }
0x41f: {  	_ =	swait.ge [sflag:s2], $0x8400  }
0x420: {  	[sflag:s2] =	ssyncset.done $0x0  }
0x421: {  	[sflag:s2] =	ssyncadd.s32 $0xFFFF7C00  }
0x422: {  	_ =	swait.ge [sflag:s2], $0x8400  }
0x423: {  	[sflag:s2] =	ssyncset.done $0x0  }
0x424: {  	[sflag:s2] =	ssyncadd.s32 $0xFFFF7C00  }
0x425: {  	_ =	swait.ge [sflag:s2], $0x8400  }
0x426: {  	[sflag:s2] =	ssyncset.done $0x0  }
0x427: {  	[sflag:s2] =	ssyncadd.s32 $0xFFFF7C00  }
0x428: {  	_ =	swait.ge [sflag:s2], $0x8400  }
0x429: {  	[sflag:s2] =	ssyncset.done $0x0  }
0x42a: {  	[sflag:s2] =	ssyncadd.s32 $0xFFFF7C00  }
0x42b: {  	_ =	swait.ge [sflag:s2], $0x8400  }
0x42c: {  	[sflag:s2] =	ssyncset.done $0x0  }
0x42d: {  	[sflag:s2] =	ssyncadd.s32 $0xFFFF7C00  }
0x42e: {  	_ =	swait.ge [sflag:s2], $0x8400  }
0x42f: {  	[sflag:s2] =	ssyncset.done $0x0  }
0x430: {  	[sflag:s2] =	ssyncadd.s32 $0xFFFF7C00  }
0x431: {  	_ =	swait.ge [sflag:s2], $0x8400  }
0x432: {  	[sflag:s2] =	ssyncset.done $0x0  }
0x433: {  	[sflag:s2] =	ssyncadd.s32 $0xFFFF7C00  }
0x434: {  	_ =	swait.ge [sflag:s2], $0x8400  }
0x435: {  	[sflag:s2] =	ssyncset.done $0x0  }
0x436: {  	[sflag:s2] =	ssyncadd.s32 $0xFFFF7C00  }
0x437: {  	_ =	swait.ge [sflag:s2], $0x8400  }
0x438: {  	[sflag:s2] =	ssyncset.done $0x0  }
0x439: {  	[sflag:s2] =	ssyncadd.s32 $0xFFFF7C00  }
0x43a: {  	_ =	swait.ge [sflag:s2], $0x8400  }
0x43b: {  	[sflag:s2] =	ssyncset.done $0x0  }
0x43c: {  	[sflag:s2] =	ssyncadd.s32 $0xFFFF7C00  }
0x43d: {  	_ =	swait.ge [sflag:s2], $0x8400  }
0x43e: {  	[sflag:s2] =	ssyncset.done $0x0  }
0x43f: {  	[sflag:s2] =	ssyncadd.s32 $0xFFFF7C00  }
0x440: {  	_ =	swait.ge [sflag:s2], $0x8400  }
0x441: {  	[sflag:s2] =	ssyncset.done $0x0  }
0x442: {  	[sflag:s2] =	ssyncadd.s32 $0xFFFF7C00  }
0x443: {  	_ =	swait.ge [sflag:s2], $0x8400  }
0x444: {  	[sflag:s2] =	ssyncset.done $0x0  }
0x445: {  	[sflag:s2] =	ssyncadd.s32 $0xFFFF7C00  }
0x446: {  	_ =	swait.ge [sflag:s2], $0x8400  }
0x447: {  	[sflag:s2] =	ssyncset.done $0x0  }
0x448: {  	[sflag:s2] =	ssyncadd.s32 $0xFFFF7C00  }
0x449: {  	_ =	swait.ge [sflag:s2], $0x8400  }
0x44a: {  	[sflag:s2] =	ssyncset.done $0x0  }
0x44b: {  	[sflag:s2] =	ssyncadd.s32 $0xFFFF7C00  }
0x44c: {  	_ =	swait.ge [sflag:s2], $0x8400  }
0x44d: {  	[sflag:s2] =	ssyncset.done $0x0  }
0x44e: {  	[sflag:s2] =	ssyncadd.s32 $0xFFFF7C00  }
0x44f: {  	_ =	swait.ge [sflag:s2], $0x8400  }
0x450: {  	[sflag:s2] =	ssyncset.done $0x0  }
0x451: {  	[sflag:s2] =	ssyncadd.s32 $0xFFFF7C00  }
0x452: {  	_ =	sfence.sel $0x180000  }
0x453: {  	s30 =	stileid.u32;
	[bflag:$0x0] =	sbarrier.arrive $0xFFFF  }
0x454: {  	p0 =	sne.s32 s30, $0x0;
	_ =	strace $0x90000047  }
0x455: {  	s0 =	sadd.s32 @!p0 $0x100000, s31;
	[bflag:$0x2] =	sbarrier.arrive $0xFFFF  }
0x456: {  	[sflag:s0] =	ssyncadd.tile.s32 @!p0 $0x1;
	_ =	shalt  }
.LBB2_2:
.Ltmp3:
0x457: {  	(pc) =	sbr.rel .LBB2_5-.Ltmp3, $2  }
0x458: {  	_ =	sdelay $0x2  }
0x459: {  	s31 =	rddreg [dreg:$0x2]  }
.Lfunc_end2:
_tile_overlayer_lowered:
.L_overlay_start_2:
0x45a: {  	(tag) =	ssettag $0x2  }
0x45b: {  	s0 =	rddreg [dreg:$0x0];
	s2 =	stileid.u32  }
0x45c: {  	s1 =	rddreg [dreg:$0x1];
	p0 =	sne.s32 s2, $0x0  }
0x45d: {  	s3 =	rddreg [dreg:$0x2];
	[bflag:$0x3] =	sbarrier.arrive $0xFFFF;
	s2 =	simm.s32 @!p0 $0x1C02  }
0x45e: {  	[timem:s3], [sflag:s2] =	dma.local @!p0 [hbm:s0], s1  }
0x45f: {  	s0 =	simm.s32 @!p0 $0x2  }
0x460: {  	_ =	swait.ge @!p0 [sflag:s0], s1  }
0x461: {  	s1 =	ssub.s32 @!p0 $0x0, s1;
	[sflag:s0] =	ssyncset.done @!p0 $0x0  }
0x462: {  	[sflag:s0] =	ssyncadd.s32 @!p0 s1  }
0x463: {  	[bflag:$0x3] =	sbarrier.arrive $0xFFFF  }
0x464: {  	_ =	shalt  }

</sc_bundles>
